<compile_context>
chip_gen: v7x
topology: tpu7x:2x2x1
jax: 0.10.2.dev20260603
libtpu: 0.0.44.dev20260713+nightly
codegen_flags: <defaults>
</compile_context>

<pallas_src>
import functools

import jax
import jax.numpy as jnp
from jax import lax
from jax.experimental import pallas as pl
from jax.experimental.pallas import tpu as pltpu
from jax.experimental.pallas import tpu_sc as plsc

_NUM_CLASSES = 1000000
_EMBED = 16
_BATCH = 16384
_ALPHA = 0.5
_W = 2 * _EMBED
_NC = 2
_NS = 16
_EPT = _BATCH // _NS
_CH = 128
_NCH_A = _EPT // _CH
_EPT_C = _BATCH // (_NC * _NS)
_NCH_C = _EPT_C // _CH

_mesh = plsc.VectorSubcoreMesh(core_axis_name="c", subcore_axis_name="s")


def _rsqrt(x):
  xi = plsc.bitcast(x, jnp.int32)
  y = plsc.bitcast(jnp.int32(0x5F3759DF) - (xi >> 1), jnp.float32)
  hx = x * jnp.float32(0.5)
  for _ in range(3):
    y = y * (jnp.float32(1.5) - hx * y * y)
  return y


@functools.partial(
    pl.kernel,
    out_type=(
        jax.ShapeDtypeStruct((_BATCH, _EMBED), jnp.float32),
        jax.ShapeDtypeStruct((_NS, 16), jnp.float32),
        jax.ShapeDtypeStruct((_NC, _NUM_CLASSES, 16), jnp.int32),
    ),
    mesh=_mesh,
    compiler_params=pltpu.CompilerParams(
        needs_layout_passes=False, use_tc_tiling_on_sc=False),
    scratch_types=[
        pltpu.VMEM((_NCH_A, _CH), jnp.int32),
        pltpu.VMEM((_NCH_A, _CH), jnp.int32),
        pltpu.VMEM((_EPT, _EMBED), jnp.float32),
        pltpu.VMEM((_EPT, _W), jnp.float32),
        pltpu.VMEM((_EPT, _W), jnp.float32),
        pltpu.VMEM((64, _W), jnp.float32),
        pltpu.VMEM((_CH, 16), jnp.int32),
        pltpu.VMEM((16,), jnp.float32),
        pltpu.VMEM_SHARED((_BATCH, _W), jnp.float32),
        pltpu.SemaphoreType.DMA,
    ],
)
def _sc_prepare(tab, labd, emb, upd_out, loss_out, rep_out,
                lab_v, r_v, emb_v, crow_v, pay_v, zb_v, xb_v, lb_v,
                sums_sh, sem):
  cid = lax.axis_index("c")
  sid = lax.axis_index("s")
  e0 = sid * _EPT
  iot = lax.iota(jnp.int32, 16)
  zero16 = jnp.zeros((16,), jnp.float32)
  zi16 = jnp.zeros((16,), jnp.int32)

  pltpu.sync_copy(labd.at[pl.ds(sid * _NCH_A, _NCH_A)], lab_v)
  pltpu.sync_copy(emb.at[pl.ds(e0, _EPT)], emb_v)

  for r in range(64):
    rr = jnp.full((16,), r, jnp.int32)
    plsc.store_scatter(zb_v, [rr, iot], zero16)
    plsc.store_scatter(zb_v, [rr, iot + 16], zero16)
  for j in range(_EPT // 64):
    pltpu.sync_copy(zb_v, sums_sh.at[pl.ds(e0 + j * 64, 64)])

  for j in range(_NCH_A):
    for k in range(_CH // 16):
      plsc.store_scatter(xb_v, [iot + k * 16, zi16],
                         iot + (e0 + j * _CH + k * 16))
    pltpu.sync_copy(xb_v, rep_out.at[cid].at[lab_v.at[jnp.int32(j)]])

  cps = [pltpu.async_copy(tab.at[lab_v.at[jnp.int32(j)]],
                          crow_v.at[pl.ds(j * _CH, _CH)], sem)
         for j in range(_NCH_A)]
  for cp in cps:
    cp.wait()

  def body1(e, acc):
    ee = lax.broadcast(e, (16,))
    ev = plsc.load_gather(emb_v, [ee, iot])
    ssq = lax.broadcast(jnp.sum(ev * ev), (16,))
    rn = _rsqrt(ssq)
    nrm = ssq * rn
    cf = plsc.load_gather(crow_v, [ee, iot * 2 + 1])
    plsc.store_scatter(pay_v, [ee, iot], ev * rn)
    cnt1 = jnp.where(iot == 0, jnp.float32(1.0), jnp.float32(0.0))
    plsc.store_scatter(pay_v, [ee, iot + 16], cnt1)
    d = ev - cf * nrm
    plsc.store_scatter(emb_v, [ee, iot], cf)
    return acc + d * d

  acc = lax.fori_loop(jnp.int32(0), jnp.int32(_EPT), body1,
                      jnp.zeros((16,), jnp.float32))
  lb_v[...] = acc

  @pl.when(cid == 0)
  def _():
    pltpu.sync_copy(lb_v, loss_out.at[sid])

  plsc.subcore_barrier()

  for j in range(_NCH_A):
    jj = jnp.full((16,), j, jnp.int32)
    pltpu.sync_copy(rep_out.at[cid].at[lab_v.at[jnp.int32(j)]], xb_v)
    for k in range(_CH // 16):
      vals = plsc.load_gather(xb_v, [iot + k * 16, zi16])
      plsc.store_scatter(r_v, [jj, iot + k * 16], vals)
  for j in range(_NCH_A):
    pltpu.sync_copy(pay_v.at[pl.ds(j * _CH, _CH)],
                    sums_sh.at[r_v.at[jnp.int32(j)]], add=True)

  plsc.subcore_barrier()

  for j in range(_NCH_A):
    pltpu.sync_copy(sums_sh.at[r_v.at[jnp.int32(j)]],
                    crow_v.at[pl.ds(j * _CH, _CH)])

  def body3(e, carry):
    ee = lax.broadcast(e, (16,))
    sv = plsc.load_gather(crow_v, [ee, iot])
    cnt = plsc.load_gather(crow_v, [ee, jnp.full((16,), 16, jnp.int32)])
    cf = plsc.load_gather(emb_v, [ee, iot])
    upd = cf - jnp.float32(_ALPHA) * (cf - sv / cnt)
    ssq = lax.broadcast(jnp.sum(upd * upd), (16,))
    ru = jnp.minimum(_rsqrt(ssq), jnp.float32(1e12))
    plsc.store_scatter(emb_v, [ee, iot], upd * ru)
    return carry

  lax.fori_loop(jnp.int32(0), jnp.int32(_EPT), body3, jnp.int32(0))

  @pl.when(cid == 0)
  def _():
    pltpu.sync_copy(emb_v, upd_out.at[pl.ds(e0, _EPT)])


def _copy_body(x_ref, o_ref):
  rows = lax.broadcasted_iota(jnp.int32, (_W, _EMBED), 0)
  cols = lax.broadcasted_iota(jnp.int32, (_W, _EMBED), 1)
  sel = (rows == 2 * cols + 1).astype(jnp.float32)
  o_ref[...] = jnp.dot(x_ref[...], sel, preferred_element_type=jnp.float32)


_tc_copy = pl.pallas_call(
    _copy_body,
    out_shape=jax.ShapeDtypeStruct((_NUM_CLASSES, _EMBED), jnp.float32),
    grid=(125,),
    in_specs=[pl.BlockSpec((_NUM_CLASSES // 125, _W),
                           lambda i: (i, jnp.int32(0)))],
    out_specs=pl.BlockSpec((_NUM_CLASSES // 125, _EMBED),
                           lambda i: (i, jnp.int32(0))),
)


@functools.partial(
    pl.kernel,
    out_type=(),
    mesh=_mesh,
    compiler_params=pltpu.CompilerParams(
        needs_layout_passes=False, use_tc_tiling_on_sc=False),
    scratch_types=[
        pltpu.VMEM((_NCH_C, _CH), jnp.int32),
        pltpu.VMEM((_EPT_C, _EMBED), jnp.float32),
        pltpu.SemaphoreType.DMA,
    ],
)
def _sc_scatter(tab, urows, labd, lab_v, rows_v, sem):
  cid = lax.axis_index("c")
  sid = lax.axis_index("s")
  wid = sid * _NC + cid
  base = wid * _EPT_C
  pltpu.sync_copy(labd.at[pl.ds(wid * _NCH_C, _NCH_C)], lab_v)
  pltpu.sync_copy(urows.at[pl.ds(base, _EPT_C)], rows_v)
  cps = [pltpu.async_copy(rows_v.at[pl.ds(j * _CH, _CH)],
                          tab.at[lab_v.at[jnp.int32(j)]], sem)
         for j in range(_NCH_C)]
  for cp in cps:
    cp.wait()


def kernel(embeddings, labels, centers):
  labd = labels.astype(jnp.int32).reshape(_BATCH // _CH, _CH)
  tab = lax.bitcast_convert_type(centers, jnp.float32).reshape(
      _NUM_CLASSES, _W)
  upd, lossp, _ = _sc_prepare(tab, labd, embeddings)
  newtab = _tc_copy(tab)
  tab_ref = jax.new_ref(newtab)
  _sc_scatter(tab_ref, upd, labd)
  new_centers = tab_ref[...].astype(jnp.float64)
  loss = (jnp.sum(lossp) / (_BATCH * _EMBED)).astype(jnp.float32)
  return (loss, new_centers)

# --- scband reference (transcript-rebuilt; emitter-appended) ---
"""Pipeline reference for scband-center-loss-7232724927176 (READ-ONLY COPY).

The authoritative reference and input builder live on the scoring server;
editing this copy changes nothing except your own understanding.
"""

import jax, jax.numpy as jnp
import numpy as np
jax.config.update("jax_enable_x64", True)

NUM_CLASSES = 1000000
EMBED = 16
BATCH = 16384
ALPHA = 0.5
INIT_RANGE = 0.1


def setup_inputs(seed: int = 0) -> dict:
    key = jax.random.key(seed)
    k1, k2, k3 = jax.random.split(key, 3)
    embeddings = jax.random.normal(k1, (BATCH, EMBED), dtype=jnp.float32)
    labels = jax.random.randint(k2, (BATCH,), 0, NUM_CLASSES, dtype=jnp.int64)
    # learned (non-grad) parameter: class centers, uniform(-0.1, 0.1) then L2-normalized rows
    centers = jax.random.uniform(k3, (NUM_CLASSES, EMBED), dtype=jnp.float64, minval=-INIT_RANGE, maxval=INIT_RANGE)
    centers = centers / jnp.clip(jnp.linalg.norm(centers, axis=1, keepdims=True), 1e-12)
    return {"embeddings": embeddings, "labels": labels, "centers": centers}


def reference(embeddings, labels, centers):
    # --- forward loss (faithful to torch) ---
    emb_d = embeddings.astype(jnp.float64)
    norm_vec = jnp.linalg.norm(emb_d, ord=2, axis=1, keepdims=True)
    batch_centers = jnp.take(centers, labels, axis=0)  # embedding gather from 1M-row table
    scaled_batch_centers = batch_centers * norm_vec
    center_loss = jnp.mean((emb_d - scaled_batch_centers) ** 2).astype(jnp.float32)

    # --- in-place center update (torch mutates self._centers.data; here returned as state-out) ---
    norm_embeddings = emb_d / norm_vec
    sums = jnp.zeros((NUM_CLASSES, EMBED), dtype=jnp.float64).at[labels].add(norm_embeddings)  # coalesce sparse sum
    counts = jnp.zeros((NUM_CLASSES, 1), dtype=jnp.float64).at[labels].add(1.0)
    present = counts > 0
    mean_emb = sums / jnp.where(present, counts, 1.0)
    upd = centers - ALPHA * (centers - mean_emb)
    upd = upd / jnp.clip(jnp.linalg.norm(upd, axis=1, keepdims=True), 1e-12)  # F.normalize
    new_centers = jnp.where(present, upd, centers)  # index_copy_ on unique labels only
    return (center_loss, new_centers)

if __name__ == "__main__":
    import jax
    _d = setup_inputs()
    print(jax.jit(kernel)(*tuple(_d.values())))

</pallas_src>

<mosaic_0001>
#map = affine_map<(d0, d1) -> (0, 0)>
module attributes {stable_mosaic.version = 14 : i64} {
  func.func @new_body(%arg0: i32, %arg1: i32, %arg2: memref<1000000x16xf32, #tpu.memory_space<hbm>>, %arg3: memref<16384x16xf32, #tpu.memory_space<hbm>>, %arg4: memref<128x128xi32, #tpu.memory_space<hbm>>, %arg5: memref<1000000x16xf32, #tpu.memory_space<hbm>>, %arg6: memref<4x128xi32, #tpu.memory_space<vmem>>, %arg7: memref<512x16xf32, #tpu.memory_space<vmem>>, %arg8: memref<!tpu.dma_semaphore, #tpu.memory_space<semaphore_mem>>) attributes {dimension_semantics = [#tpu.dimension_semantics<core_parallel>, #tpu.dimension_semantics<subcore_parallel>], iteration_bounds = array<i64: 2, 16>, scalar_prefetch = 0 : i64, scratch_operands = 3 : i64, tpu.core_type = #tpu.core_type<sc_vector_subcore>, window_params = [{transform_indices = #map}, {transform_indices = #map}, {transform_indices = #map}, {transform_indices = #map}]} {
    %mul3A = arith.constant 2 : i32
    %mul3A_0 = arith.muli %arg1, %mul3A : i32
    %add3A = arith.addi %mul3A_0, %arg0 : i32
    %mul3A_1 = arith.constant 512 : i32
    %mul3A_2 = arith.muli %add3A, %mul3A_1 : i32
    %mul3A_3 = arith.constant 4 : i32
    %mul3A_4 = arith.muli %add3A, %mul3A_3 : i32
    "tpu.region"() ({
      %run_scoped3A = tpu.sem_alloc : memref<!tpu.dma_semaphore, #tpu.memory_space<semaphore_mem>>
      %dma_start3A_83 = arith.constant 0 : i32
      %dma_start3A_84 = tpu.memref_slice %arg4[%mul3A_4, %dma_start3A_83] : memref<128x128xi32, #tpu.memory_space<hbm>> -> memref<4x128xi32, #tpu.memory_space<hbm>>
      %dma_start3A_85 = arith.constant 0 : i32
      %dma_start3A_86 = tpu.memref_slice %arg4[%mul3A_4, %dma_start3A_85] : memref<128x128xi32, #tpu.memory_space<hbm>> -> memref<4x128xi32, #tpu.memory_space<hbm>>
      tpu.enqueue_dma source(%dma_start3A_86 : memref<4x128xi32, #tpu.memory_space<hbm>>) target(%arg6 : memref<4x128xi32, #tpu.memory_space<vmem>>) target_semaphore(%run_scoped3A : memref<!tpu.dma_semaphore, #tpu.memory_space<semaphore_mem>>)
      %dma_wait3A_87 = arith.constant 0 : i32
      %dma_wait3A_88 = tpu.memref_slice %arg4[%mul3A_4, %dma_wait3A_87] : memref<128x128xi32, #tpu.memory_space<hbm>> -> memref<4x128xi32, #tpu.memory_space<hbm>>
      %dma_wait3A_89 = arith.constant 0 : i32
      %dma_wait3A_90 = tpu.memref_slice %arg4[%mul3A_4, %dma_wait3A_89] : memref<128x128xi32, #tpu.memory_space<hbm>> -> memref<4x128xi32, #tpu.memory_space<hbm>>
      tpu.wait_dma2 semaphore(%run_scoped3A : memref<!tpu.dma_semaphore, #tpu.memory_space<semaphore_mem>>) src(%dma_wait3A_90 : memref<4x128xi32, #tpu.memory_space<hbm>>) dst(%arg6 : memref<4x128xi32, #tpu.memory_space<vmem>>)
      tpu.yield
    }) : () -> ()
    "tpu.region"() ({
      %run_scoped3A = tpu.sem_alloc : memref<!tpu.dma_semaphore, #tpu.memory_space<semaphore_mem>>
      %dma_start3A_83 = arith.constant 0 : i32
      %dma_start3A_84 = tpu.memref_slice %arg3[%mul3A_2, %dma_start3A_83] : memref<16384x16xf32, #tpu.memory_space<hbm>> -> memref<512x16xf32, #tpu.memory_space<hbm>>
      %dma_start3A_85 = arith.constant 0 : i32
      %dma_start3A_86 = tpu.memref_slice %arg3[%mul3A_2, %dma_start3A_85] : memref<16384x16xf32, #tpu.memory_space<hbm>> -> memref<512x16xf32, #tpu.memory_space<hbm>>
      tpu.enqueue_dma source(%dma_start3A_86 : memref<512x16xf32, #tpu.memory_space<hbm>>) target(%arg7 : memref<512x16xf32, #tpu.memory_space<vmem>>) target_semaphore(%run_scoped3A : memref<!tpu.dma_semaphore, #tpu.memory_space<semaphore_mem>>)
      %dma_wait3A_87 = arith.constant 0 : i32
      %dma_wait3A_88 = tpu.memref_slice %arg3[%mul3A_2, %dma_wait3A_87] : memref<16384x16xf32, #tpu.memory_space<hbm>> -> memref<512x16xf32, #tpu.memory_space<hbm>>
      %dma_wait3A_89 = arith.constant 0 : i32
      %dma_wait3A_90 = tpu.memref_slice %arg3[%mul3A_2, %dma_wait3A_89] : memref<16384x16xf32, #tpu.memory_space<hbm>> -> memref<512x16xf32, #tpu.memory_space<hbm>>
      tpu.wait_dma2 semaphore(%run_scoped3A : memref<!tpu.dma_semaphore, #tpu.memory_space<semaphore_mem>>) src(%dma_wait3A_90 : memref<512x16xf32, #tpu.memory_space<hbm>>) dst(%arg7 : memref<512x16xf32, #tpu.memory_space<vmem>>)
      tpu.yield
    }) : () -> ()
    %dma_start3A = arith.constant 0 : i32
    %dma_start3A_5 = arith.constant 0 : i32
    %dma_start3A_6 = arith.constant 0 : i32
    %dma_start3A_7 = tpu.memref_slice %arg7[%dma_start3A_5, %dma_start3A_6] : memref<512x16xf32, #tpu.memory_space<vmem>> -> memref<128x16xf32, #tpu.memory_space<vmem>>
    %dma_start3A_8 = arith.constant 0 : i32
    %dma_start3A_9 = tpu.memref_slice %arg6[%dma_start3A, %dma_start3A_8] : memref<4x128xi32, #tpu.memory_space<vmem>> -> memref<1x128xi32, #tpu.memory_space<vmem>>
    %dma_start3A_10 = tpu.memref_squeeze %dma_start3A_9 : memref<1x128xi32, #tpu.memory_space<vmem>> -> memref<128xi32, #tpu.memory_space<vmem>>
    %dma_start3A_11 = arith.constant 0 : i32
    %dma_start3A_12 = arith.constant 0 : i32
    %dma_start3A_13 = tpu.memref_slice %arg2[%dma_start3A_11, %dma_start3A_12] : memref<1000000x16xf32, #tpu.memory_space<hbm>> -> memref<1000000x16xf32, #tpu.memory_space<hbm>>
    tpu.enqueue_indirect_dma source(%dma_start3A_7 : memref<128x16xf32, #tpu.memory_space<vmem>>) target(%dma_start3A_13 : memref<1000000x16xf32, #tpu.memory_space<hbm>>) offsets(%dma_start3A_10 : memref<128xi32, #tpu.memory_space<vmem>>) semaphore(%arg8 : memref<!tpu.dma_semaphore, #tpu.memory_space<semaphore_mem>>)
    %dma_start3A_14 = arith.constant 1 : i32
    %dma_start3A_15 = arith.constant 128 : i32
    %dma_start3A_16 = arith.constant 0 : i32
    %dma_start3A_17 = tpu.memref_slice %arg7[%dma_start3A_15, %dma_start3A_16] : memref<512x16xf32, #tpu.memory_space<vmem>> -> memref<128x16xf32, #tpu.memory_space<vmem>>
    %dma_start3A_18 = arith.constant 0 : i32
    %dma_start3A_19 = tpu.memref_slice %arg6[%dma_start3A_14, %dma_start3A_18] : memref<4x128xi32, #tpu.memory_space<vmem>> -> memref<1x128xi32, #tpu.memory_space<vmem>>
    %dma_start3A_20 = tpu.memref_squeeze %dma_start3A_19 : memref<1x128xi32, #tpu.memory_space<vmem>> -> memref<128xi32, #tpu.memory_space<vmem>>
    %dma_start3A_21 = arith.constant 0 : i32
    %dma_start3A_22 = arith.constant 0 : i32
    %dma_start3A_23 = tpu.memref_slice %arg2[%dma_start3A_21, %dma_start3A_22] : memref<1000000x16xf32, #tpu.memory_space<hbm>> -> memref<1000000x16xf32, #tpu.memory_space<hbm>>
    tpu.enqueue_indirect_dma source(%dma_start3A_17 : memref<128x16xf32, #tpu.memory_space<vmem>>) target(%dma_start3A_23 : memref<1000000x16xf32, #tpu.memory_space<hbm>>) offsets(%dma_start3A_20 : memref<128xi32, #tpu.memory_space<vmem>>) semaphore(%arg8 : memref<!tpu.dma_semaphore, #tpu.memory_space<semaphore_mem>>)
    %dma_start3A_24 = arith.constant 2 : i32
    %dma_start3A_25 = arith.constant 256 : i32
    %dma_start3A_26 = arith.constant 0 : i32
    %dma_start3A_27 = tpu.memref_slice %arg7[%dma_start3A_25, %dma_start3A_26] : memref<512x16xf32, #tpu.memory_space<vmem>> -> memref<128x16xf32, #tpu.memory_space<vmem>>
    %dma_start3A_28 = arith.constant 0 : i32
    %dma_start3A_29 = tpu.memref_slice %arg6[%dma_start3A_24, %dma_start3A_28] : memref<4x128xi32, #tpu.memory_space<vmem>> -> memref<1x128xi32, #tpu.memory_space<vmem>>
    %dma_start3A_30 = tpu.memref_squeeze %dma_start3A_29 : memref<1x128xi32, #tpu.memory_space<vmem>> -> memref<128xi32, #tpu.memory_space<vmem>>
    %dma_start3A_31 = arith.constant 0 : i32
    %dma_start3A_32 = arith.constant 0 : i32
    %dma_start3A_33 = tpu.memref_slice %arg2[%dma_start3A_31, %dma_start3A_32] : memref<1000000x16xf32, #tpu.memory_space<hbm>> -> memref<1000000x16xf32, #tpu.memory_space<hbm>>
    tpu.enqueue_indirect_dma source(%dma_start3A_27 : memref<128x16xf32, #tpu.memory_space<vmem>>) target(%dma_start3A_33 : memref<1000000x16xf32, #tpu.memory_space<hbm>>) offsets(%dma_start3A_30 : memref<128xi32, #tpu.memory_space<vmem>>) semaphore(%arg8 : memref<!tpu.dma_semaphore, #tpu.memory_space<semaphore_mem>>)
    %dma_start3A_34 = arith.constant 3 : i32
    %dma_start3A_35 = arith.constant 384 : i32
    %dma_start3A_36 = arith.constant 0 : i32
    %dma_start3A_37 = tpu.memref_slice %arg7[%dma_start3A_35, %dma_start3A_36] : memref<512x16xf32, #tpu.memory_space<vmem>> -> memref<128x16xf32, #tpu.memory_space<vmem>>
    %dma_start3A_38 = arith.constant 0 : i32
    %dma_start3A_39 = tpu.memref_slice %arg6[%dma_start3A_34, %dma_start3A_38] : memref<4x128xi32, #tpu.memory_space<vmem>> -> memref<1x128xi32, #tpu.memory_space<vmem>>
    %dma_start3A_40 = tpu.memref_squeeze %dma_start3A_39 : memref<1x128xi32, #tpu.memory_space<vmem>> -> memref<128xi32, #tpu.memory_space<vmem>>
    %dma_start3A_41 = arith.constant 0 : i32
    %dma_start3A_42 = arith.constant 0 : i32
    %dma_start3A_43 = tpu.memref_slice %arg2[%dma_start3A_41, %dma_start3A_42] : memref<1000000x16xf32, #tpu.memory_space<hbm>> -> memref<1000000x16xf32, #tpu.memory_space<hbm>>
    tpu.enqueue_indirect_dma source(%dma_start3A_37 : memref<128x16xf32, #tpu.memory_space<vmem>>) target(%dma_start3A_43 : memref<1000000x16xf32, #tpu.memory_space<hbm>>) offsets(%dma_start3A_40 : memref<128xi32, #tpu.memory_space<vmem>>) semaphore(%arg8 : memref<!tpu.dma_semaphore, #tpu.memory_space<semaphore_mem>>)
    %dma_wait3A = arith.constant 0 : i32
    %dma_wait3A_44 = arith.constant 0 : i32
    %dma_wait3A_45 = arith.constant 0 : i32
    %dma_wait3A_46 = tpu.memref_slice %arg7[%dma_wait3A_44, %dma_wait3A_45] : memref<512x16xf32, #tpu.memory_space<vmem>> -> memref<128x16xf32, #tpu.memory_space<vmem>>
    %dma_wait3A_47 = arith.constant 0 : i32
    %dma_wait3A_48 = tpu.memref_slice %arg6[%dma_wait3A, %dma_wait3A_47] : memref<4x128xi32, #tpu.memory_space<vmem>> -> memref<1x128xi32, #tpu.memory_space<vmem>>
    %dma_wait3A_49 = tpu.memref_squeeze %dma_wait3A_48 : memref<1x128xi32, #tpu.memory_space<vmem>> -> memref<128xi32, #tpu.memory_space<vmem>>
    %dma_wait3A_50 = arith.constant 0 : i32
    %dma_wait3A_51 = arith.constant 0 : i32
    %dma_wait3A_52 = tpu.memref_slice %arg2[%dma_wait3A_50, %dma_wait3A_51] : memref<1000000x16xf32, #tpu.memory_space<hbm>> -> memref<1000000x16xf32, #tpu.memory_space<hbm>>
    tpu.wait_indirect_dma semaphore(%arg8 : memref<!tpu.dma_semaphore, #tpu.memory_space<semaphore_mem>>) src(%dma_wait3A_46 : memref<128x16xf32, #tpu.memory_space<vmem>>) dst(%dma_wait3A_52 : memref<1000000x16xf32, #tpu.memory_space<hbm>>)
    %dma_wait3A_53 = arith.constant 1 : i32
    %dma_wait3A_54 = arith.constant 128 : i32
    %dma_wait3A_55 = arith.constant 0 : i32
    %dma_wait3A_56 = tpu.memref_slice %arg7[%dma_wait3A_54, %dma_wait3A_55] : memref<512x16xf32, #tpu.memory_space<vmem>> -> memref<128x16xf32, #tpu.memory_space<vmem>>
    %dma_wait3A_57 = arith.constant 0 : i32
    %dma_wait3A_58 = tpu.memref_slice %arg6[%dma_wait3A_53, %dma_wait3A_57] : memref<4x128xi32, #tpu.memory_space<vmem>> -> memref<1x128xi32, #tpu.memory_space<vmem>>
    %dma_wait3A_59 = tpu.memref_squeeze %dma_wait3A_58 : memref<1x128xi32, #tpu.memory_space<vmem>> -> memref<128xi32, #tpu.memory_space<vmem>>
    %dma_wait3A_60 = arith.constant 0 : i32
    %dma_wait3A_61 = arith.constant 0 : i32
    %dma_wait3A_62 = tpu.memref_slice %arg2[%dma_wait3A_60, %dma_wait3A_61] : memref<1000000x16xf32, #tpu.memory_space<hbm>> -> memref<1000000x16xf32, #tpu.memory_space<hbm>>
    tpu.wait_indirect_dma semaphore(%arg8 : memref<!tpu.dma_semaphore, #tpu.memory_space<semaphore_mem>>) src(%dma_wait3A_56 : memref<128x16xf32, #tpu.memory_space<vmem>>) dst(%dma_wait3A_62 : memref<1000000x16xf32, #tpu.memory_space<hbm>>)
    %dma_wait3A_63 = arith.constant 2 : i32
    %dma_wait3A_64 = arith.constant 256 : i32
    %dma_wait3A_65 = arith.constant 0 : i32
    %dma_wait3A_66 = tpu.memref_slice %arg7[%dma_wait3A_64, %dma_wait3A_65] : memref<512x16xf32, #tpu.memory_space<vmem>> -> memref<128x16xf32, #tpu.memory_space<vmem>>
    %dma_wait3A_67 = arith.constant 0 : i32
    %dma_wait3A_68 = tpu.memref_slice %arg6[%dma_wait3A_63, %dma_wait3A_67] : memref<4x128xi32, #tpu.memory_space<vmem>> -> memref<1x128xi32, #tpu.memory_space<vmem>>
    %dma_wait3A_69 = tpu.memref_squeeze %dma_wait3A_68 : memref<1x128xi32, #tpu.memory_space<vmem>> -> memref<128xi32, #tpu.memory_space<vmem>>
    %dma_wait3A_70 = arith.constant 0 : i32
    %dma_wait3A_71 = arith.constant 0 : i32
    %dma_wait3A_72 = tpu.memref_slice %arg2[%dma_wait3A_70, %dma_wait3A_71] : memref<1000000x16xf32, #tpu.memory_space<hbm>> -> memref<1000000x16xf32, #tpu.memory_space<hbm>>
    tpu.wait_indirect_dma semaphore(%arg8 : memref<!tpu.dma_semaphore, #tpu.memory_space<semaphore_mem>>) src(%dma_wait3A_66 : memref<128x16xf32, #tpu.memory_space<vmem>>) dst(%dma_wait3A_72 : memref<1000000x16xf32, #tpu.memory_space<hbm>>)
    %dma_wait3A_73 = arith.constant 3 : i32
    %dma_wait3A_74 = arith.constant 384 : i32
    %dma_wait3A_75 = arith.constant 0 : i32
    %dma_wait3A_76 = tpu.memref_slice %arg7[%dma_wait3A_74, %dma_wait3A_75] : memref<512x16xf32, #tpu.memory_space<vmem>> -> memref<128x16xf32, #tpu.memory_space<vmem>>
    %dma_wait3A_77 = arith.constant 0 : i32
    %dma_wait3A_78 = tpu.memref_slice %arg6[%dma_wait3A_73, %dma_wait3A_77] : memref<4x128xi32, #tpu.memory_space<vmem>> -> memref<1x128xi32, #tpu.memory_space<vmem>>
    %dma_wait3A_79 = tpu.memref_squeeze %dma_wait3A_78 : memref<1x128xi32, #tpu.memory_space<vmem>> -> memref<128xi32, #tpu.memory_space<vmem>>
    %dma_wait3A_80 = arith.constant 0 : i32
    %dma_wait3A_81 = arith.constant 0 : i32
    %dma_wait3A_82 = tpu.memref_slice %arg2[%dma_wait3A_80, %dma_wait3A_81] : memref<1000000x16xf32, #tpu.memory_space<hbm>> -> memref<1000000x16xf32, #tpu.memory_space<hbm>>
    tpu.wait_indirect_dma semaphore(%arg8 : memref<!tpu.dma_semaphore, #tpu.memory_space<semaphore_mem>>) src(%dma_wait3A_76 : memref<128x16xf32, #tpu.memory_space<vmem>>) dst(%dma_wait3A_82 : memref<1000000x16xf32, #tpu.memory_space<hbm>>)
    return
  }
}

#map = affine_map<(d0, d1) -> (0, 0)>
#map1 = affine_map<(d0, d1) -> (0, 0, 0)>
module attributes {stable_mosaic.version = 14 : i64} {
  func.func @_sc_prepare(%arg0: i32, %arg1: i32, %arg2: memref<1000000x32xf32, #tpu.memory_space<hbm>>, %arg3: memref<128x128xi32, #tpu.memory_space<hbm>>, %arg4: memref<16384x16xf32, #tpu.memory_space<hbm>>, %arg5: memref<16384x16xf32, #tpu.memory_space<hbm>>, %arg6: memref<16x16xf32, #tpu.memory_space<hbm>>, %arg7: memref<2x1000000x16xi32, #tpu.memory_space<hbm>>, %arg8: memref<8x128xi32, #tpu.memory_space<vmem>>, %arg9: memref<8x128xi32, #tpu.memory_space<vmem>>, %arg10: memref<1024x16xf32, #tpu.memory_space<vmem>>, %arg11: memref<1024x32xf32, #tpu.memory_space<vmem>>, %arg12: memref<1024x32xf32, #tpu.memory_space<vmem>>, %arg13: memref<64x32xf32, #tpu.memory_space<vmem>>, %arg14: memref<128x16xi32, #tpu.memory_space<vmem>>, %arg15: memref<16xf32, #tpu.memory_space<vmem>>, %arg16: memref<16384x32xf32, #tpu.memory_space<vmem_shared>>, %arg17: memref<!tpu.dma_semaphore, #tpu.memory_space<semaphore_mem>>) attributes {dimension_semantics = [#tpu.dimension_semantics<core_parallel>, #tpu.dimension_semantics<subcore_parallel>], iteration_bounds = array<i64: 2, 16>, scalar_prefetch = 0 : i64, scratch_operands = 10 : i64, tpu.core_type = #tpu.core_type<sc_vector_subcore>, window_params = [{transform_indices = #map}, {transform_indices = #map}, {transform_indices = #map}, {transform_indices = #map}, {transform_indices = #map}, {transform_indices = #map1}]} {
    %mul3A = arith.constant 1024 : i32
    %mul3A_0 = arith.muli %arg1, %mul3A : i32
    %iota3A = tpu.iota {dimensions = array<i32: 0>} : vector<16xi32>
    %broadcast_in_dim3A = arith.constant 0.000000e+00 : f32
    %broadcast_in_dim3A_1 = vector.broadcast %broadcast_in_dim3A : f32 to vector<16xf32>
    %broadcast_in_dim3A_2 = arith.constant 0 : i32
    %broadcast_in_dim3A_3 = vector.broadcast %broadcast_in_dim3A_2 : i32 to vector<16xi32>
    %mul3A_4 = arith.constant 8 : i32
    %mul3A_5 = arith.muli %arg1, %mul3A_4 : i32
    "tpu.region"() ({
      %run_scoped3A_1618 = tpu.sem_alloc : memref<!tpu.dma_semaphore, #tpu.memory_space<semaphore_mem>>
      %dma_start3A_1619 = arith.constant 0 : i32
      %dma_start3A_1620 = tpu.memref_slice %arg3[%mul3A_5, %dma_start3A_1619] : memref<128x128xi32, #tpu.memory_space<hbm>> -> memref<8x128xi32, #tpu.memory_space<hbm>>
      %dma_start3A_1621 = arith.constant 0 : i32
      %dma_start3A_1622 = tpu.memref_slice %arg3[%mul3A_5, %dma_start3A_1621] : memref<128x128xi32, #tpu.memory_space<hbm>> -> memref<8x128xi32, #tpu.memory_space<hbm>>
      tpu.enqueue_dma source(%dma_start3A_1622 : memref<8x128xi32, #tpu.memory_space<hbm>>) target(%arg8 : memref<8x128xi32, #tpu.memory_space<vmem>>) target_semaphore(%run_scoped3A_1618 : memref<!tpu.dma_semaphore, #tpu.memory_space<semaphore_mem>>)
      %dma_wait3A_1623 = arith.constant 0 : i32
      %dma_wait3A_1624 = tpu.memref_slice %arg3[%mul3A_5, %dma_wait3A_1623] : memref<128x128xi32, #tpu.memory_space<hbm>> -> memref<8x128xi32, #tpu.memory_space<hbm>>
      %dma_wait3A_1625 = arith.constant 0 : i32
      %dma_wait3A_1626 = tpu.memref_slice %arg3[%mul3A_5, %dma_wait3A_1625] : memref<128x128xi32, #tpu.memory_space<hbm>> -> memref<8x128xi32, #tpu.memory_space<hbm>>
      tpu.wait_dma2 semaphore(%run_scoped3A_1618 : memref<!tpu.dma_semaphore, #tpu.memory_space<semaphore_mem>>) src(%dma_wait3A_1626 : memref<8x128xi32, #tpu.memory_space<hbm>>) dst(%arg8 : memref<8x128xi32, #tpu.memory_space<vmem>>)
      tpu.yield
    }) : () -> ()
    "tpu.region"() ({
      %run_scoped3A_1618 = tpu.sem_alloc : memref<!tpu.dma_semaphore, #tpu.memory_space<semaphore_mem>>
      %dma_start3A_1619 = arith.constant 0 : i32
      %dma_start3A_1620 = tpu.memref_slice %arg4[%mul3A_0, %dma_start3A_1619] : memref<16384x16xf32, #tpu.memory_space<hbm>> -> memref<1024x16xf32, #tpu.memory_space<hbm>>
      %dma_start3A_1621 = arith.constant 0 : i32
      %dma_start3A_1622 = tpu.memref_slice %arg4[%mul3A_0, %dma_start3A_1621] : memref<16384x16xf32, #tpu.memory_space<hbm>> -> memref<1024x16xf32, #tpu.memory_space<hbm>>
      tpu.enqueue_dma source(%dma_start3A_1622 : memref<1024x16xf32, #tpu.memory_space<hbm>>) target(%arg10 : memref<1024x16xf32, #tpu.memory_space<vmem>>) target_semaphore(%run_scoped3A_1618 : memref<!tpu.dma_semaphore, #tpu.memory_space<semaphore_mem>>)
      %dma_wait3A_1623 = arith.constant 0 : i32
      %dma_wait3A_1624 = tpu.memref_slice %arg4[%mul3A_0, %dma_wait3A_1623] : memref<16384x16xf32, #tpu.memory_space<hbm>> -> memref<1024x16xf32, #tpu.memory_space<hbm>>
      %dma_wait3A_1625 = arith.constant 0 : i32
      %dma_wait3A_1626 = tpu.memref_slice %arg4[%mul3A_0, %dma_wait3A_1625] : memref<16384x16xf32, #tpu.memory_space<hbm>> -> memref<1024x16xf32, #tpu.memory_space<hbm>>
      tpu.wait_dma2 semaphore(%run_scoped3A_1618 : memref<!tpu.dma_semaphore, #tpu.memory_space<semaphore_mem>>) src(%dma_wait3A_1626 : memref<1024x16xf32, #tpu.memory_space<hbm>>) dst(%arg10 : memref<1024x16xf32, #tpu.memory_space<vmem>>)
      tpu.yield
    }) : () -> ()
    %broadcast_in_dim3A_6 = arith.constant 0 : i32
    %broadcast_in_dim3A_7 = vector.broadcast %broadcast_in_dim3A_6 : i32 to vector<16xi32>
    tpu.vector_store_idx %arg13[%broadcast_in_dim3A_7, %iota3A], %broadcast_in_dim3A_1 : memref<64x32xf32, #tpu.memory_space<vmem>>[vector<16xi32>, vector<16xi32>], vector<16xf32>,
    %add3A = arith.constant 16 : i32
    %add3A_8 = vector.broadcast %add3A : i32 to vector<16xi32>
    %add3A_9 = arith.addi %iota3A, %add3A_8 : vector<16xi32>
    tpu.vector_store_idx %arg13[%broadcast_in_dim3A_7, %add3A_9], %broadcast_in_dim3A_1 : memref<64x32xf32, #tpu.memory_space<vmem>>[vector<16xi32>, vector<16xi32>], vector<16xf32>,
    %broadcast_in_dim3A_10 = arith.constant 1 : i32
    %broadcast_in_dim3A_11 = vector.broadcast %broadcast_in_dim3A_10 : i32 to vector<16xi32>
    tpu.vector_store_idx %arg13[%broadcast_in_dim3A_11, %iota3A], %broadcast_in_dim3A_1 : memref<64x32xf32, #tpu.memory_space<vmem>>[vector<16xi32>, vector<16xi32>], vector<16xf32>,
    %add3A_12 = arith.constant 16 : i32
    %add3A_13 = vector.broadcast %add3A_12 : i32 to vector<16xi32>
    %add3A_14 = arith.addi %iota3A, %add3A_13 : vector<16xi32>
    tpu.vector_store_idx %arg13[%broadcast_in_dim3A_11, %add3A_14], %broadcast_in_dim3A_1 : memref<64x32xf32, #tpu.memory_space<vmem>>[vector<16xi32>, vector<16xi32>], vector<16xf32>,
    %broadcast_in_dim3A_15 = arith.constant 2 : i32
    %broadcast_in_dim3A_16 = vector.broadcast %broadcast_in_dim3A_15 : i32 to vector<16xi32>
    tpu.vector_store_idx %arg13[%broadcast_in_dim3A_16, %iota3A], %broadcast_in_dim3A_1 : memref<64x32xf32, #tpu.memory_space<vmem>>[vector<16xi32>, vector<16xi32>], vector<16xf32>,
    %add3A_17 = arith.constant 16 : i32
    %add3A_18 = vector.broadcast %add3A_17 : i32 to vector<16xi32>
    %add3A_19 = arith.addi %iota3A, %add3A_18 : vector<16xi32>
    tpu.vector_store_idx %arg13[%broadcast_in_dim3A_16, %add3A_19], %broadcast_in_dim3A_1 : memref<64x32xf32, #tpu.memory_space<vmem>>[vector<16xi32>, vector<16xi32>], vector<16xf32>,
    %broadcast_in_dim3A_20 = arith.constant 3 : i32
    %broadcast_in_dim3A_21 = vector.broadcast %broadcast_in_dim3A_20 : i32 to vector<16xi32>
    tpu.vector_store_idx %arg13[%broadcast_in_dim3A_21, %iota3A], %broadcast_in_dim3A_1 : memref<64x32xf32, #tpu.memory_space<vmem>>[vector<16xi32>, vector<16xi32>], vector<16xf32>,
    %add3A_22 = arith.constant 16 : i32
    %add3A_23 = vector.broadcast %add3A_22 : i32 to vector<16xi32>
    %add3A_24 = arith.addi %iota3A, %add3A_23 : vector<16xi32>
    tpu.vector_store_idx %arg13[%broadcast_in_dim3A_21, %add3A_24], %broadcast_in_dim3A_1 : memref<64x32xf32, #tpu.memory_space<vmem>>[vector<16xi32>, vector<16xi32>], vector<16xf32>,
    %broadcast_in_dim3A_25 = arith.constant 4 : i32
    %broadcast_in_dim3A_26 = vector.broadcast %broadcast_in_dim3A_25 : i32 to vector<16xi32>
    tpu.vector_store_idx %arg13[%broadcast_in_dim3A_26, %iota3A], %broadcast_in_dim3A_1 : memref<64x32xf32, #tpu.memory_space<vmem>>[vector<16xi32>, vector<16xi32>], vector<16xf32>,
    %add3A_27 = arith.constant 16 : i32
    %add3A_28 = vector.broadcast %add3A_27 : i32 to vector<16xi32>
    %add3A_29 = arith.addi %iota3A, %add3A_28 : vector<16xi32>
    tpu.vector_store_idx %arg13[%broadcast_in_dim3A_26, %add3A_29], %broadcast_in_dim3A_1 : memref<64x32xf32, #tpu.memory_space<vmem>>[vector<16xi32>, vector<16xi32>], vector<16xf32>,
    %broadcast_in_dim3A_30 = arith.constant 5 : i32
    %broadcast_in_dim3A_31 = vector.broadcast %broadcast_in_dim3A_30 : i32 to vector<16xi32>
    tpu.vector_store_idx %arg13[%broadcast_in_dim3A_31, %iota3A], %broadcast_in_dim3A_1 : memref<64x32xf32, #tpu.memory_space<vmem>>[vector<16xi32>, vector<16xi32>], vector<16xf32>,
    %add3A_32 = arith.constant 16 : i32
    %add3A_33 = vector.broadcast %add3A_32 : i32 to vector<16xi32>
    %add3A_34 = arith.addi %iota3A, %add3A_33 : vector<16xi32>
    tpu.vector_store_idx %arg13[%broadcast_in_dim3A_31, %add3A_34], %broadcast_in_dim3A_1 : memref<64x32xf32, #tpu.memory_space<vmem>>[vector<16xi32>, vector<16xi32>], vector<16xf32>,
    %broadcast_in_dim3A_35 = arith.constant 6 : i32
    %broadcast_in_dim3A_36 = vector.broadcast %broadcast_in_dim3A_35 : i32 to vector<16xi32>
    tpu.vector_store_idx %arg13[%broadcast_in_dim3A_36, %iota3A], %broadcast_in_dim3A_1 : memref<64x32xf32, #tpu.memory_space<vmem>>[vector<16xi32>, vector<16xi32>], vector<16xf32>,
    %add3A_37 = arith.constant 16 : i32
    %add3A_38 = vector.broadcast %add3A_37 : i32 to vector<16xi32>
    %add3A_39 = arith.addi %iota3A, %add3A_38 : vector<16xi32>
    tpu.vector_store_idx %arg13[%broadcast_in_dim3A_36, %add3A_39], %broadcast_in_dim3A_1 : memref<64x32xf32, #tpu.memory_space<vmem>>[vector<16xi32>, vector<16xi32>], vector<16xf32>,
    %broadcast_in_dim3A_40 = arith.constant 7 : i32
    %broadcast_in_dim3A_41 = vector.broadcast %broadcast_in_dim3A_40 : i32 to vector<16xi32>
    tpu.vector_store_idx %arg13[%broadcast_in_dim3A_41, %iota3A], %broadcast_in_dim3A_1 : memref<64x32xf32, #tpu.memory_space<vmem>>[vector<16xi32>, vector<16xi32>], vector<16xf32>,
    %add3A_42 = arith.constant 16 : i32
    %add3A_43 = vector.broadcast %add3A_42 : i32 to vector<16xi32>
    %add3A_44 = arith.addi %iota3A, %add3A_43 : vector<16xi32>
    tpu.vector_store_idx %arg13[%broadcast_in_dim3A_41, %add3A_44], %broadcast_in_dim3A_1 : memref<64x32xf32, #tpu.memory_space<vmem>>[vector<16xi32>, vector<16xi32>], vector<16xf32>,
    %broadcast_in_dim3A_45 = arith.constant 8 : i32
    %broadcast_in_dim3A_46 = vector.broadcast %broadcast_in_dim3A_45 : i32 to vector<16xi32>
    tpu.vector_store_idx %arg13[%broadcast_in_dim3A_46, %iota3A], %broadcast_in_dim3A_1 : memref<64x32xf32, #tpu.memory_space<vmem>>[vector<16xi32>, vector<16xi32>], vector<16xf32>,
    %add3A_47 = arith.constant 16 : i32
    %add3A_48 = vector.broadcast %add3A_47 : i32 to vector<16xi32>
    %add3A_49 = arith.addi %iota3A, %add3A_48 : vector<16xi32>
    tpu.vector_store_idx %arg13[%broadcast_in_dim3A_46, %add3A_49], %broadcast_in_dim3A_1 : memref<64x32xf32, #tpu.memory_space<vmem>>[vector<16xi32>, vector<16xi32>], vector<16xf32>,
    %broadcast_in_dim3A_50 = arith.constant 9 : i32
    %broadcast_in_dim3A_51 = vector.broadcast %broadcast_in_dim3A_50 : i32 to vector<16xi32>
    tpu.vector_store_idx %arg13[%broadcast_in_dim3A_51, %iota3A], %broadcast_in_dim3A_1 : memref<64x32xf32, #tpu.memory_space<vmem>>[vector<16xi32>, vector<16xi32>], vector<16xf32>,
    %add3A_52 = arith.constant 16 : i32
    %add3A_53 = vector.broadcast %add3A_52 : i32 to vector<16xi32>
    %add3A_54 = arith.addi %iota3A, %add3A_53 : vector<16xi32>
    tpu.vector_store_idx %arg13[%broadcast_in_dim3A_51, %add3A_54], %broadcast_in_dim3A_1 : memref<64x32xf32, #tpu.memory_space<vmem>>[vector<16xi32>, vector<16xi32>], vector<16xf32>,
    %broadcast_in_dim3A_55 = arith.constant 10 : i32
    %broadcast_in_dim3A_56 = vector.broadcast %broadcast_in_dim3A_55 : i32 to vector<16xi32>
    tpu.vector_store_idx %arg13[%broadcast_in_dim3A_56, %iota3A], %broadcast_in_dim3A_1 : memref<64x32xf32, #tpu.memory_space<vmem>>[vector<16xi32>, vector<16xi32>], vector<16xf32>,
    %add3A_57 = arith.constant 16 : i32
    %add3A_58 = vector.broadcast %add3A_57 : i32 to vector<16xi32>
    %add3A_59 = arith.addi %iota3A, %add3A_58 : vector<16xi32>
    tpu.vector_store_idx %arg13[%broadcast_in_dim3A_56, %add3A_59], %broadcast_in_dim3A_1 : memref<64x32xf32, #tpu.memory_space<vmem>>[vector<16xi32>, vector<16xi32>], vector<16xf32>,
    %broadcast_in_dim3A_60 = arith.constant 11 : i32
    %broadcast_in_dim3A_61 = vector.broadcast %broadcast_in_dim3A_60 : i32 to vector<16xi32>
    tpu.vector_store_idx %arg13[%broadcast_in_dim3A_61, %iota3A], %broadcast_in_dim3A_1 : memref<64x32xf32, #tpu.memory_space<vmem>>[vector<16xi32>, vector<16xi32>], vector<16xf32>,
    %add3A_62 = arith.constant 16 : i32
    %add3A_63 = vector.broadcast %add3A_62 : i32 to vector<16xi32>
    %add3A_64 = arith.addi %iota3A, %add3A_63 : vector<16xi32>
    tpu.vector_store_idx %arg13[%broadcast_in_dim3A_61, %add3A_64], %broadcast_in_dim3A_1 : memref<64x32xf32, #tpu.memory_space<vmem>>[vector<16xi32>, vector<16xi32>], vector<16xf32>,
    %broadcast_in_dim3A_65 = arith.constant 12 : i32
    %broadcast_in_dim3A_66 = vector.broadcast %broadcast_in_dim3A_65 : i32 to vector<16xi32>
    tpu.vector_store_idx %arg13[%broadcast_in_dim3A_66, %iota3A], %broadcast_in_dim3A_1 : memref<64x32xf32, #tpu.memory_space<vmem>>[vector<16xi32>, vector<16xi32>], vector<16xf32>,
    %add3A_67 = arith.constant 16 : i32
    %add3A_68 = vector.broadcast %add3A_67 : i32 to vector<16xi32>
    %add3A_69 = arith.addi %iota3A, %add3A_68 : vector<16xi32>
    tpu.vector_store_idx %arg13[%broadcast_in_dim3A_66, %add3A_69], %broadcast_in_dim3A_1 : memref<64x32xf32, #tpu.memory_space<vmem>>[vector<16xi32>, vector<16xi32>], vector<16xf32>,
    %broadcast_in_dim3A_70 = arith.constant 13 : i32
    %broadcast_in_dim3A_71 = vector.broadcast %broadcast_in_dim3A_70 : i32 to vector<16xi32>
    tpu.vector_store_idx %arg13[%broadcast_in_dim3A_71, %iota3A], %broadcast_in_dim3A_1 : memref<64x32xf32, #tpu.memory_space<vmem>>[vector<16xi32>, vector<16xi32>], vector<16xf32>,
    %add3A_72 = arith.constant 16 : i32
    %add3A_73 = vector.broadcast %add3A_72 : i32 to vector<16xi32>
    %add3A_74 = arith.addi %iota3A, %add3A_73 : vector<16xi32>
    tpu.vector_store_idx %arg13[%broadcast_in_dim3A_71, %add3A_74], %broadcast_in_dim3A_1 : memref<64x32xf32, #tpu.memory_space<vmem>>[vector<16xi32>, vector<16xi32>], vector<16xf32>,
    %broadcast_in_dim3A_75 = arith.constant 14 : i32
    %broadcast_in_dim3A_76 = vector.broadcast %broadcast_in_dim3A_75 : i32 to vector<16xi32>
    tpu.vector_store_idx %arg13[%broadcast_in_dim3A_76, %iota3A], %broadcast_in_dim3A_1 : memref<64x32xf32, #tpu.memory_space<vmem>>[vector<16xi32>, vector<16xi32>], vector<16xf32>,
    %add3A_77 = arith.constant 16 : i32
    %add3A_78 = vector.broadcast %add3A_77 : i32 to vector<16xi32>
    %add3A_79 = arith.addi %iota3A, %add3A_78 : vector<16xi32>
    tpu.vector_store_idx %arg13[%broadcast_in_dim3A_76, %add3A_79], %broadcast_in_dim3A_1 : memref<64x32xf32, #tpu.memory_space<vmem>>[vector<16xi32>, vector<16xi32>], vector<16xf32>,
    %broadcast_in_dim3A_80 = arith.constant 15 : i32
    %broadcast_in_dim3A_81 = vector.broadcast %broadcast_in_dim3A_80 : i32 to vector<16xi32>
    tpu.vector_store_idx %arg13[%broadcast_in_dim3A_81, %iota3A], %broadcast_in_dim3A_1 : memref<64x32xf32, #tpu.memory_space<vmem>>[vector<16xi32>, vector<16xi32>], vector<16xf32>,
    %add3A_82 = arith.constant 16 : i32
    %add3A_83 = vector.broadcast %add3A_82 : i32 to vector<16xi32>
    %add3A_84 = arith.addi %iota3A, %add3A_83 : vector<16xi32>
    tpu.vector_store_idx %arg13[%broadcast_in_dim3A_81, %add3A_84], %broadcast_in_dim3A_1 : memref<64x32xf32, #tpu.memory_space<vmem>>[vector<16xi32>, vector<16xi32>], vector<16xf32>,
    %broadcast_in_dim3A_85 = arith.constant 16 : i32
    %broadcast_in_dim3A_86 = vector.broadcast %broadcast_in_dim3A_85 : i32 to vector<16xi32>
    tpu.vector_store_idx %arg13[%broadcast_in_dim3A_86, %iota3A], %broadcast_in_dim3A_1 : memref<64x32xf32, #tpu.memory_space<vmem>>[vector<16xi32>, vector<16xi32>], vector<16xf32>,
    %add3A_87 = arith.constant 16 : i32
    %add3A_88 = vector.broadcast %add3A_87 : i32 to vector<16xi32>
    %add3A_89 = arith.addi %iota3A, %add3A_88 : vector<16xi32>
    tpu.vector_store_idx %arg13[%broadcast_in_dim3A_86, %add3A_89], %broadcast_in_dim3A_1 : memref<64x32xf32, #tpu.memory_space<vmem>>[vector<16xi32>, vector<16xi32>], vector<16xf32>,
    %broadcast_in_dim3A_90 = arith.constant 17 : i32
    %broadcast_in_dim3A_91 = vector.broadcast %broadcast_in_dim3A_90 : i32 to vector<16xi32>
    tpu.vector_store_idx %arg13[%broadcast_in_dim3A_91, %iota3A], %broadcast_in_dim3A_1 : memref<64x32xf32, #tpu.memory_space<vmem>>[vector<16xi32>, vector<16xi32>], vector<16xf32>,
    %add3A_92 = arith.constant 16 : i32
    %add3A_93 = vector.broadcast %add3A_92 : i32 to vector<16xi32>
    %add3A_94 = arith.addi %iota3A, %add3A_93 : vector<16xi32>
    tpu.vector_store_idx %arg13[%broadcast_in_dim3A_91, %add3A_94], %broadcast_in_dim3A_1 : memref<64x32xf32, #tpu.memory_space<vmem>>[vector<16xi32>, vector<16xi32>], vector<16xf32>,
    %broadcast_in_dim3A_95 = arith.constant 18 : i32
    %broadcast_in_dim3A_96 = vector.broadcast %broadcast_in_dim3A_95 : i32 to vector<16xi32>
    tpu.vector_store_idx %arg13[%broadcast_in_dim3A_96, %iota3A], %broadcast_in_dim3A_1 : memref<64x32xf32, #tpu.memory_space<vmem>>[vector<16xi32>, vector<16xi32>], vector<16xf32>,
    %add3A_97 = arith.constant 16 : i32
    %add3A_98 = vector.broadcast %add3A_97 : i32 to vector<16xi32>
    %add3A_99 = arith.addi %iota3A, %add3A_98 : vector<16xi32>
    tpu.vector_store_idx %arg13[%broadcast_in_dim3A_96, %add3A_99], %broadcast_in_dim3A_1 : memref<64x32xf32, #tpu.memory_space<vmem>>[vector<16xi32>, vector<16xi32>], vector<16xf32>,
    %broadcast_in_dim3A_100 = arith.constant 19 : i32
    %broadcast_in_dim3A_101 = vector.broadcast %broadcast_in_dim3A_100 : i32 to vector<16xi32>
    tpu.vector_store_idx %arg13[%broadcast_in_dim3A_101, %iota3A], %broadcast_in_dim3A_1 : memref<64x32xf32, #tpu.memory_space<vmem>>[vector<16xi32>, vector<16xi32>], vector<16xf32>,
    %add3A_102 = arith.constant 16 : i32
    %add3A_103 = vector.broadcast %add3A_102 : i32 to vector<16xi32>
    %add3A_104 = arith.addi %iota3A, %add3A_103 : vector<16xi32>
    tpu.vector_store_idx %arg13[%broadcast_in_dim3A_101, %add3A_104], %broadcast_in_dim3A_1 : memref<64x32xf32, #tpu.memory_space<vmem>>[vector<16xi32>, vector<16xi32>], vector<16xf32>,
    %broadcast_in_dim3A_105 = arith.constant 20 : i32
    %broadcast_in_dim3A_106 = vector.broadcast %broadcast_in_dim3A_105 : i32 to vector<16xi32>
    tpu.vector_store_idx %arg13[%broadcast_in_dim3A_106, %iota3A], %broadcast_in_dim3A_1 : memref<64x32xf32, #tpu.memory_space<vmem>>[vector<16xi32>, vector<16xi32>], vector<16xf32>,
    %add3A_107 = arith.constant 16 : i32
    %add3A_108 = vector.broadcast %add3A_107 : i32 to vector<16xi32>
    %add3A_109 = arith.addi %iota3A, %add3A_108 : vector<16xi32>
    tpu.vector_store_idx %arg13[%broadcast_in_dim3A_106, %add3A_109], %broadcast_in_dim3A_1 : memref<64x32xf32, #tpu.memory_space<vmem>>[vector<16xi32>, vector<16xi32>], vector<16xf32>,
    %broadcast_in_dim3A_110 = arith.constant 21 : i32
    %broadcast_in_dim3A_111 = vector.broadcast %broadcast_in_dim3A_110 : i32 to vector<16xi32>
    tpu.vector_store_idx %arg13[%broadcast_in_dim3A_111, %iota3A], %broadcast_in_dim3A_1 : memref<64x32xf32, #tpu.memory_space<vmem>>[vector<16xi32>, vector<16xi32>], vector<16xf32>,
    %add3A_112 = arith.constant 16 : i32
    %add3A_113 = vector.broadcast %add3A_112 : i32 to vector<16xi32>
    %add3A_114 = arith.addi %iota3A, %add3A_113 : vector<16xi32>
    tpu.vector_store_idx %arg13[%broadcast_in_dim3A_111, %add3A_114], %broadcast_in_dim3A_1 : memref<64x32xf32, #tpu.memory_space<vmem>>[vector<16xi32>, vector<16xi32>], vector<16xf32>,
    %broadcast_in_dim3A_115 = arith.constant 22 : i32
    %broadcast_in_dim3A_116 = vector.broadcast %broadcast_in_dim3A_115 : i32 to vector<16xi32>
    tpu.vector_store_idx %arg13[%broadcast_in_dim3A_116, %iota3A], %broadcast_in_dim3A_1 : memref<64x32xf32, #tpu.memory_space<vmem>>[vector<16xi32>, vector<16xi32>], vector<16xf32>,
    %add3A_117 = arith.constant 16 : i32
    %add3A_118 = vector.broadcast %add3A_117 : i32 to vector<16xi32>
    %add3A_119 = arith.addi %iota3A, %add3A_118 : vector<16xi32>
    tpu.vector_store_idx %arg13[%broadcast_in_dim3A_116, %add3A_119], %broadcast_in_dim3A_1 : memref<64x32xf32, #tpu.memory_space<vmem>>[vector<16xi32>, vector<16xi32>], vector<16xf32>,
    %broadcast_in_dim3A_120 = arith.constant 23 : i32
    %broadcast_in_dim3A_121 = vector.broadcast %broadcast_in_dim3A_120 : i32 to vector<16xi32>
    tpu.vector_store_idx %arg13[%broadcast_in_dim3A_121, %iota3A], %broadcast_in_dim3A_1 : memref<64x32xf32, #tpu.memory_space<vmem>>[vector<16xi32>, vector<16xi32>], vector<16xf32>,
    %add3A_122 = arith.constant 16 : i32
    %add3A_123 = vector.broadcast %add3A_122 : i32 to vector<16xi32>
    %add3A_124 = arith.addi %iota3A, %add3A_123 : vector<16xi32>
    tpu.vector_store_idx %arg13[%broadcast_in_dim3A_121, %add3A_124], %broadcast_in_dim3A_1 : memref<64x32xf32, #tpu.memory_space<vmem>>[vector<16xi32>, vector<16xi32>], vector<16xf32>,
    %broadcast_in_dim3A_125 = arith.constant 24 : i32
    %broadcast_in_dim3A_126 = vector.broadcast %broadcast_in_dim3A_125 : i32 to vector<16xi32>
    tpu.vector_store_idx %arg13[%broadcast_in_dim3A_126, %iota3A], %broadcast_in_dim3A_1 : memref<64x32xf32, #tpu.memory_space<vmem>>[vector<16xi32>, vector<16xi32>], vector<16xf32>,
    %add3A_127 = arith.constant 16 : i32
    %add3A_128 = vector.broadcast %add3A_127 : i32 to vector<16xi32>
    %add3A_129 = arith.addi %iota3A, %add3A_128 : vector<16xi32>
    tpu.vector_store_idx %arg13[%broadcast_in_dim3A_126, %add3A_129], %broadcast_in_dim3A_1 : memref<64x32xf32, #tpu.memory_space<vmem>>[vector<16xi32>, vector<16xi32>], vector<16xf32>,
    %broadcast_in_dim3A_130 = arith.constant 25 : i32
    %broadcast_in_dim3A_131 = vector.broadcast %broadcast_in_dim3A_130 : i32 to vector<16xi32>
    tpu.vector_store_idx %arg13[%broadcast_in_dim3A_131, %iota3A], %broadcast_in_dim3A_1 : memref<64x32xf32, #tpu.memory_space<vmem>>[vector<16xi32>, vector<16xi32>], vector<16xf32>,
    %add3A_132 = arith.constant 16 : i32
    %add3A_133 = vector.broadcast %add3A_132 : i32 to vector<16xi32>
    %add3A_134 = arith.addi %iota3A, %add3A_133 : vector<16xi32>
    tpu.vector_store_idx %arg13[%broadcast_in_dim3A_131, %add3A_134], %broadcast_in_dim3A_1 : memref<64x32xf32, #tpu.memory_space<vmem>>[vector<16xi32>, vector<16xi32>], vector<16xf32>,
    %broadcast_in_dim3A_135 = arith.constant 26 : i32
    %broadcast_in_dim3A_136 = vector.broadcast %broadcast_in_dim3A_135 : i32 to vector<16xi32>
    tpu.vector_store_idx %arg13[%broadcast_in_dim3A_136, %iota3A], %broadcast_in_dim3A_1 : memref<64x32xf32, #tpu.memory_space<vmem>>[vector<16xi32>, vector<16xi32>], vector<16xf32>,
    %add3A_137 = arith.constant 16 : i32
    %add3A_138 = vector.broadcast %add3A_137 : i32 to vector<16xi32>
    %add3A_139 = arith.addi %iota3A, %add3A_138 : vector<16xi32>
    tpu.vector_store_idx %arg13[%broadcast_in_dim3A_136, %add3A_139], %broadcast_in_dim3A_1 : memref<64x32xf32, #tpu.memory_space<vmem>>[vector<16xi32>, vector<16xi32>], vector<16xf32>,
    %broadcast_in_dim3A_140 = arith.constant 27 : i32
    %broadcast_in_dim3A_141 = vector.broadcast %broadcast_in_dim3A_140 : i32 to vector<16xi32>
    tpu.vector_store_idx %arg13[%broadcast_in_dim3A_141, %iota3A], %broadcast_in_dim3A_1 : memref<64x32xf32, #tpu.memory_space<vmem>>[vector<16xi32>, vector<16xi32>], vector<16xf32>,
    %add3A_142 = arith.constant 16 : i32
    %add3A_143 = vector.broadcast %add3A_142 : i32 to vector<16xi32>
    %add3A_144 = arith.addi %iota3A, %add3A_143 : vector<16xi32>
    tpu.vector_store_idx %arg13[%broadcast_in_dim3A_141, %add3A_144], %broadcast_in_dim3A_1 : memref<64x32xf32, #tpu.memory_space<vmem>>[vector<16xi32>, vector<16xi32>], vector<16xf32>,
    %broadcast_in_dim3A_145 = arith.constant 28 : i32
    %broadcast_in_dim3A_146 = vector.broadcast %broadcast_in_dim3A_145 : i32 to vector<16xi32>
    tpu.vector_store_idx %arg13[%broadcast_in_dim3A_146, %iota3A], %broadcast_in_dim3A_1 : memref<64x32xf32, #tpu.memory_space<vmem>>[vector<16xi32>, vector<16xi32>], vector<16xf32>,
    %add3A_147 = arith.constant 16 : i32
    %add3A_148 = vector.broadcast %add3A_147 : i32 to vector<16xi32>
    %add3A_149 = arith.addi %iota3A, %add3A_148 : vector<16xi32>
    tpu.vector_store_idx %arg13[%broadcast_in_dim3A_146, %add3A_149], %broadcast_in_dim3A_1 : memref<64x32xf32, #tpu.memory_space<vmem>>[vector<16xi32>, vector<16xi32>], vector<16xf32>,
    %broadcast_in_dim3A_150 = arith.constant 29 : i32
    %broadcast_in_dim3A_151 = vector.broadcast %broadcast_in_dim3A_150 : i32 to vector<16xi32>
    tpu.vector_store_idx %arg13[%broadcast_in_dim3A_151, %iota3A], %broadcast_in_dim3A_1 : memref<64x32xf32, #tpu.memory_space<vmem>>[vector<16xi32>, vector<16xi32>], vector<16xf32>,
    %add3A_152 = arith.constant 16 : i32
    %add3A_153 = vector.broadcast %add3A_152 : i32 to vector<16xi32>
    %add3A_154 = arith.addi %iota3A, %add3A_153 : vector<16xi32>
    tpu.vector_store_idx %arg13[%broadcast_in_dim3A_151, %add3A_154], %broadcast_in_dim3A_1 : memref<64x32xf32, #tpu.memory_space<vmem>>[vector<16xi32>, vector<16xi32>], vector<16xf32>,
    %broadcast_in_dim3A_155 = arith.constant 30 : i32
    %broadcast_in_dim3A_156 = vector.broadcast %broadcast_in_dim3A_155 : i32 to vector<16xi32>
    tpu.vector_store_idx %arg13[%broadcast_in_dim3A_156, %iota3A], %broadcast_in_dim3A_1 : memref<64x32xf32, #tpu.memory_space<vmem>>[vector<16xi32>, vector<16xi32>], vector<16xf32>,
    %add3A_157 = arith.constant 16 : i32
    %add3A_158 = vector.broadcast %add3A_157 : i32 to vector<16xi32>
    %add3A_159 = arith.addi %iota3A, %add3A_158 : vector<16xi32>
    tpu.vector_store_idx %arg13[%broadcast_in_dim3A_156, %add3A_159], %broadcast_in_dim3A_1 : memref<64x32xf32, #tpu.memory_space<vmem>>[vector<16xi32>, vector<16xi32>], vector<16xf32>,
    %broadcast_in_dim3A_160 = arith.constant 31 : i32
    %broadcast_in_dim3A_161 = vector.broadcast %broadcast_in_dim3A_160 : i32 to vector<16xi32>
    tpu.vector_store_idx %arg13[%broadcast_in_dim3A_161, %iota3A], %broadcast_in_dim3A_1 : memref<64x32xf32, #tpu.memory_space<vmem>>[vector<16xi32>, vector<16xi32>], vector<16xf32>,
    %add3A_162 = arith.constant 16 : i32
    %add3A_163 = vector.broadcast %add3A_162 : i32 to vector<16xi32>
    %add3A_164 = arith.addi %iota3A, %add3A_163 : vector<16xi32>
    tpu.vector_store_idx %arg13[%broadcast_in_dim3A_161, %add3A_164], %broadcast_in_dim3A_1 : memref<64x32xf32, #tpu.memory_space<vmem>>[vector<16xi32>, vector<16xi32>], vector<16xf32>,
    %broadcast_in_dim3A_165 = arith.constant 32 : i32
    %broadcast_in_dim3A_166 = vector.broadcast %broadcast_in_dim3A_165 : i32 to vector<16xi32>
    tpu.vector_store_idx %arg13[%broadcast_in_dim3A_166, %iota3A], %broadcast_in_dim3A_1 : memref<64x32xf32, #tpu.memory_space<vmem>>[vector<16xi32>, vector<16xi32>], vector<16xf32>,
    %add3A_167 = arith.constant 16 : i32
    %add3A_168 = vector.broadcast %add3A_167 : i32 to vector<16xi32>
    %add3A_169 = arith.addi %iota3A, %add3A_168 : vector<16xi32>
    tpu.vector_store_idx %arg13[%broadcast_in_dim3A_166, %add3A_169], %broadcast_in_dim3A_1 : memref<64x32xf32, #tpu.memory_space<vmem>>[vector<16xi32>, vector<16xi32>], vector<16xf32>,
    %broadcast_in_dim3A_170 = arith.constant 33 : i32
    %broadcast_in_dim3A_171 = vector.broadcast %broadcast_in_dim3A_170 : i32 to vector<16xi32>
    tpu.vector_store_idx %arg13[%broadcast_in_dim3A_171, %iota3A], %broadcast_in_dim3A_1 : memref<64x32xf32, #tpu.memory_space<vmem>>[vector<16xi32>, vector<16xi32>], vector<16xf32>,
    %add3A_172 = arith.constant 16 : i32
    %add3A_173 = vector.broadcast %add3A_172 : i32 to vector<16xi32>
    %add3A_174 = arith.addi %iota3A, %add3A_173 : vector<16xi32>
    tpu.vector_store_idx %arg13[%broadcast_in_dim3A_171, %add3A_174], %broadcast_in_dim3A_1 : memref<64x32xf32, #tpu.memory_space<vmem>>[vector<16xi32>, vector<16xi32>], vector<16xf32>,
    %broadcast_in_dim3A_175 = arith.constant 34 : i32
    %broadcast_in_dim3A_176 = vector.broadcast %broadcast_in_dim3A_175 : i32 to vector<16xi32>
    tpu.vector_store_idx %arg13[%broadcast_in_dim3A_176, %iota3A], %broadcast_in_dim3A_1 : memref<64x32xf32, #tpu.memory_space<vmem>>[vector<16xi32>, vector<16xi32>], vector<16xf32>,
    %add3A_177 = arith.constant 16 : i32
    %add3A_178 = vector.broadcast %add3A_177 : i32 to vector<16xi32>
    %add3A_179 = arith.addi %iota3A, %add3A_178 : vector<16xi32>
    tpu.vector_store_idx %arg13[%broadcast_in_dim3A_176, %add3A_179], %broadcast_in_dim3A_1 : memref<64x32xf32, #tpu.memory_space<vmem>>[vector<16xi32>, vector<16xi32>], vector<16xf32>,
    %broadcast_in_dim3A_180 = arith.constant 35 : i32
    %broadcast_in_dim3A_181 = vector.broadcast %broadcast_in_dim3A_180 : i32 to vector<16xi32>
    tpu.vector_store_idx %arg13[%broadcast_in_dim3A_181, %iota3A], %broadcast_in_dim3A_1 : memref<64x32xf32, #tpu.memory_space<vmem>>[vector<16xi32>, vector<16xi32>], vector<16xf32>,
    %add3A_182 = arith.constant 16 : i32
    %add3A_183 = vector.broadcast %add3A_182 : i32 to vector<16xi32>
    %add3A_184 = arith.addi %iota3A, %add3A_183 : vector<16xi32>
    tpu.vector_store_idx %arg13[%broadcast_in_dim3A_181, %add3A_184], %broadcast_in_dim3A_1 : memref<64x32xf32, #tpu.memory_space<vmem>>[vector<16xi32>, vector<16xi32>], vector<16xf32>,
    %broadcast_in_dim3A_185 = arith.constant 36 : i32
    %broadcast_in_dim3A_186 = vector.broadcast %broadcast_in_dim3A_185 : i32 to vector<16xi32>
    tpu.vector_store_idx %arg13[%broadcast_in_dim3A_186, %iota3A], %broadcast_in_dim3A_1 : memref<64x32xf32, #tpu.memory_space<vmem>>[vector<16xi32>, vector<16xi32>], vector<16xf32>,
    %add3A_187 = arith.constant 16 : i32
    %add3A_188 = vector.broadcast %add3A_187 : i32 to vector<16xi32>
    %add3A_189 = arith.addi %iota3A, %add3A_188 : vector<16xi32>
    tpu.vector_store_idx %arg13[%broadcast_in_dim3A_186, %add3A_189], %broadcast_in_dim3A_1 : memref<64x32xf32, #tpu.memory_space<vmem>>[vector<16xi32>, vector<16xi32>], vector<16xf32>,
    %broadcast_in_dim3A_190 = arith.constant 37 : i32
    %broadcast_in_dim3A_191 = vector.broadcast %broadcast_in_dim3A_190 : i32 to vector<16xi32>
    tpu.vector_store_idx %arg13[%broadcast_in_dim3A_191, %iota3A], %broadcast_in_dim3A_1 : memref<64x32xf32, #tpu.memory_space<vmem>>[vector<16xi32>, vector<16xi32>], vector<16xf32>,
    %add3A_192 = arith.constant 16 : i32
    %add3A_193 = vector.broadcast %add3A_192 : i32 to vector<16xi32>
    %add3A_194 = arith.addi %iota3A, %add3A_193 : vector<16xi32>
    tpu.vector_store_idx %arg13[%broadcast_in_dim3A_191, %add3A_194], %broadcast_in_dim3A_1 : memref<64x32xf32, #tpu.memory_space<vmem>>[vector<16xi32>, vector<16xi32>], vector<16xf32>,
    %broadcast_in_dim3A_195 = arith.constant 38 : i32
    %broadcast_in_dim3A_196 = vector.broadcast %broadcast_in_dim3A_195 : i32 to vector<16xi32>
    tpu.vector_store_idx %arg13[%broadcast_in_dim3A_196, %iota3A], %broadcast_in_dim3A_1 : memref<64x32xf32, #tpu.memory_space<vmem>>[vector<16xi32>, vector<16xi32>], vector<16xf32>,
    %add3A_197 = arith.constant 16 : i32
    %add3A_198 = vector.broadcast %add3A_197 : i32 to vector<16xi32>
    %add3A_199 = arith.addi %iota3A, %add3A_198 : vector<16xi32>
    tpu.vector_store_idx %arg13[%broadcast_in_dim3A_196, %add3A_199], %broadcast_in_dim3A_1 : memref<64x32xf32, #tpu.memory_space<vmem>>[vector<16xi32>, vector<16xi32>], vector<16xf32>,
    %broadcast_in_dim3A_200 = arith.constant 39 : i32
    %broadcast_in_dim3A_201 = vector.broadcast %broadcast_in_dim3A_200 : i32 to vector<16xi32>
    tpu.vector_store_idx %arg13[%broadcast_in_dim3A_201, %iota3A], %broadcast_in_dim3A_1 : memref<64x32xf32, #tpu.memory_space<vmem>>[vector<16xi32>, vector<16xi32>], vector<16xf32>,
    %add3A_202 = arith.constant 16 : i32
    %add3A_203 = vector.broadcast %add3A_202 : i32 to vector<16xi32>
    %add3A_204 = arith.addi %iota3A, %add3A_203 : vector<16xi32>
    tpu.vector_store_idx %arg13[%broadcast_in_dim3A_201, %add3A_204], %broadcast_in_dim3A_1 : memref<64x32xf32, #tpu.memory_space<vmem>>[vector<16xi32>, vector<16xi32>], vector<16xf32>,
    %broadcast_in_dim3A_205 = arith.constant 40 : i32
    %broadcast_in_dim3A_206 = vector.broadcast %broadcast_in_dim3A_205 : i32 to vector<16xi32>
    tpu.vector_store_idx %arg13[%broadcast_in_dim3A_206, %iota3A], %broadcast_in_dim3A_1 : memref<64x32xf32, #tpu.memory_space<vmem>>[vector<16xi32>, vector<16xi32>], vector<16xf32>,
    %add3A_207 = arith.constant 16 : i32
    %add3A_208 = vector.broadcast %add3A_207 : i32 to vector<16xi32>
    %add3A_209 = arith.addi %iota3A, %add3A_208 : vector<16xi32>
    tpu.vector_store_idx %arg13[%broadcast_in_dim3A_206, %add3A_209], %broadcast_in_dim3A_1 : memref<64x32xf32, #tpu.memory_space<vmem>>[vector<16xi32>, vector<16xi32>], vector<16xf32>,
    %broadcast_in_dim3A_210 = arith.constant 41 : i32
    %broadcast_in_dim3A_211 = vector.broadcast %broadcast_in_dim3A_210 : i32 to vector<16xi32>
    tpu.vector_store_idx %arg13[%broadcast_in_dim3A_211, %iota3A], %broadcast_in_dim3A_1 : memref<64x32xf32, #tpu.memory_space<vmem>>[vector<16xi32>, vector<16xi32>], vector<16xf32>,
    %add3A_212 = arith.constant 16 : i32
    %add3A_213 = vector.broadcast %add3A_212 : i32 to vector<16xi32>
    %add3A_214 = arith.addi %iota3A, %add3A_213 : vector<16xi32>
    tpu.vector_store_idx %arg13[%broadcast_in_dim3A_211, %add3A_214], %broadcast_in_dim3A_1 : memref<64x32xf32, #tpu.memory_space<vmem>>[vector<16xi32>, vector<16xi32>], vector<16xf32>,
    %broadcast_in_dim3A_215 = arith.constant 42 : i32
    %broadcast_in_dim3A_216 = vector.broadcast %broadcast_in_dim3A_215 : i32 to vector<16xi32>
    tpu.vector_store_idx %arg13[%broadcast_in_dim3A_216, %iota3A], %broadcast_in_dim3A_1 : memref<64x32xf32, #tpu.memory_space<vmem>>[vector<16xi32>, vector<16xi32>], vector<16xf32>,
    %add3A_217 = arith.constant 16 : i32
    %add3A_218 = vector.broadcast %add3A_217 : i32 to vector<16xi32>
    %add3A_219 = arith.addi %iota3A, %add3A_218 : vector<16xi32>
    tpu.vector_store_idx %arg13[%broadcast_in_dim3A_216, %add3A_219], %broadcast_in_dim3A_1 : memref<64x32xf32, #tpu.memory_space<vmem>>[vector<16xi32>, vector<16xi32>], vector<16xf32>,
    %broadcast_in_dim3A_220 = arith.constant 43 : i32
    %broadcast_in_dim3A_221 = vector.broadcast %broadcast_in_dim3A_220 : i32 to vector<16xi32>
    tpu.vector_store_idx %arg13[%broadcast_in_dim3A_221, %iota3A], %broadcast_in_dim3A_1 : memref<64x32xf32, #tpu.memory_space<vmem>>[vector<16xi32>, vector<16xi32>], vector<16xf32>,
    %add3A_222 = arith.constant 16 : i32
    %add3A_223 = vector.broadcast %add3A_222 : i32 to vector<16xi32>
    %add3A_224 = arith.addi %iota3A, %add3A_223 : vector<16xi32>
    tpu.vector_store_idx %arg13[%broadcast_in_dim3A_221, %add3A_224], %broadcast_in_dim3A_1 : memref<64x32xf32, #tpu.memory_space<vmem>>[vector<16xi32>, vector<16xi32>], vector<16xf32>,
    %broadcast_in_dim3A_225 = arith.constant 44 : i32
    %broadcast_in_dim3A_226 = vector.broadcast %broadcast_in_dim3A_225 : i32 to vector<16xi32>
    tpu.vector_store_idx %arg13[%broadcast_in_dim3A_226, %iota3A], %broadcast_in_dim3A_1 : memref<64x32xf32, #tpu.memory_space<vmem>>[vector<16xi32>, vector<16xi32>], vector<16xf32>,
    %add3A_227 = arith.constant 16 : i32
    %add3A_228 = vector.broadcast %add3A_227 : i32 to vector<16xi32>
    %add3A_229 = arith.addi %iota3A, %add3A_228 : vector<16xi32>
    tpu.vector_store_idx %arg13[%broadcast_in_dim3A_226, %add3A_229], %broadcast_in_dim3A_1 : memref<64x32xf32, #tpu.memory_space<vmem>>[vector<16xi32>, vector<16xi32>], vector<16xf32>,
    %broadcast_in_dim3A_230 = arith.constant 45 : i32
    %broadcast_in_dim3A_231 = vector.broadcast %broadcast_in_dim3A_230 : i32 to vector<16xi32>
    tpu.vector_store_idx %arg13[%broadcast_in_dim3A_231, %iota3A], %broadcast_in_dim3A_1 : memref<64x32xf32, #tpu.memory_space<vmem>>[vector<16xi32>, vector<16xi32>], vector<16xf32>,
    %add3A_232 = arith.constant 16 : i32
    %add3A_233 = vector.broadcast %add3A_232 : i32 to vector<16xi32>
    %add3A_234 = arith.addi %iota3A, %add3A_233 : vector<16xi32>
    tpu.vector_store_idx %arg13[%broadcast_in_dim3A_231, %add3A_234], %broadcast_in_dim3A_1 : memref<64x32xf32, #tpu.memory_space<vmem>>[vector<16xi32>, vector<16xi32>], vector<16xf32>,
    %broadcast_in_dim3A_235 = arith.constant 46 : i32
    %broadcast_in_dim3A_236 = vector.broadcast %broadcast_in_dim3A_235 : i32 to vector<16xi32>
    tpu.vector_store_idx %arg13[%broadcast_in_dim3A_236, %iota3A], %broadcast_in_dim3A_1 : memref<64x32xf32, #tpu.memory_space<vmem>>[vector<16xi32>, vector<16xi32>], vector<16xf32>,
    %add3A_237 = arith.constant 16 : i32
    %add3A_238 = vector.broadcast %add3A_237 : i32 to vector<16xi32>
    %add3A_239 = arith.addi %iota3A, %add3A_238 : vector<16xi32>
    tpu.vector_store_idx %arg13[%broadcast_in_dim3A_236, %add3A_239], %broadcast_in_dim3A_1 : memref<64x32xf32, #tpu.memory_space<vmem>>[vector<16xi32>, vector<16xi32>], vector<16xf32>,
    %broadcast_in_dim3A_240 = arith.constant 47 : i32
    %broadcast_in_dim3A_241 = vector.broadcast %broadcast_in_dim3A_240 : i32 to vector<16xi32>
    tpu.vector_store_idx %arg13[%broadcast_in_dim3A_241, %iota3A], %broadcast_in_dim3A_1 : memref<64x32xf32, #tpu.memory_space<vmem>>[vector<16xi32>, vector<16xi32>], vector<16xf32>,
    %add3A_242 = arith.constant 16 : i32
    %add3A_243 = vector.broadcast %add3A_242 : i32 to vector<16xi32>
    %add3A_244 = arith.addi %iota3A, %add3A_243 : vector<16xi32>
    tpu.vector_store_idx %arg13[%broadcast_in_dim3A_241, %add3A_244], %broadcast_in_dim3A_1 : memref<64x32xf32, #tpu.memory_space<vmem>>[vector<16xi32>, vector<16xi32>], vector<16xf32>,
    %broadcast_in_dim3A_245 = arith.constant 48 : i32
    %broadcast_in_dim3A_246 = vector.broadcast %broadcast_in_dim3A_245 : i32 to vector<16xi32>
    tpu.vector_store_idx %arg13[%broadcast_in_dim3A_246, %iota3A], %broadcast_in_dim3A_1 : memref<64x32xf32, #tpu.memory_space<vmem>>[vector<16xi32>, vector<16xi32>], vector<16xf32>,
    %add3A_247 = arith.constant 16 : i32
    %add3A_248 = vector.broadcast %add3A_247 : i32 to vector<16xi32>
    %add3A_249 = arith.addi %iota3A, %add3A_248 : vector<16xi32>
    tpu.vector_store_idx %arg13[%broadcast_in_dim3A_246, %add3A_249], %broadcast_in_dim3A_1 : memref<64x32xf32, #tpu.memory_space<vmem>>[vector<16xi32>, vector<16xi32>], vector<16xf32>,
    %broadcast_in_dim3A_250 = arith.constant 49 : i32
    %broadcast_in_dim3A_251 = vector.broadcast %broadcast_in_dim3A_250 : i32 to vector<16xi32>
    tpu.vector_store_idx %arg13[%broadcast_in_dim3A_251, %iota3A], %broadcast_in_dim3A_1 : memref<64x32xf32, #tpu.memory_space<vmem>>[vector<16xi32>, vector<16xi32>], vector<16xf32>,
    %add3A_252 = arith.constant 16 : i32
    %add3A_253 = vector.broadcast %add3A_252 : i32 to vector<16xi32>
    %add3A_254 = arith.addi %iota3A, %add3A_253 : vector<16xi32>
    tpu.vector_store_idx %arg13[%broadcast_in_dim3A_251, %add3A_254], %broadcast_in_dim3A_1 : memref<64x32xf32, #tpu.memory_space<vmem>>[vector<16xi32>, vector<16xi32>], vector<16xf32>,
    %broadcast_in_dim3A_255 = arith.constant 50 : i32
    %broadcast_in_dim3A_256 = vector.broadcast %broadcast_in_dim3A_255 : i32 to vector<16xi32>
    tpu.vector_store_idx %arg13[%broadcast_in_dim3A_256, %iota3A], %broadcast_in_dim3A_1 : memref<64x32xf32, #tpu.memory_space<vmem>>[vector<16xi32>, vector<16xi32>], vector<16xf32>,
    %add3A_257 = arith.constant 16 : i32
    %add3A_258 = vector.broadcast %add3A_257 : i32 to vector<16xi32>
    %add3A_259 = arith.addi %iota3A, %add3A_258 : vector<16xi32>
    tpu.vector_store_idx %arg13[%broadcast_in_dim3A_256, %add3A_259], %broadcast_in_dim3A_1 : memref<64x32xf32, #tpu.memory_space<vmem>>[vector<16xi32>, vector<16xi32>], vector<16xf32>,
    %broadcast_in_dim3A_260 = arith.constant 51 : i32
    %broadcast_in_dim3A_261 = vector.broadcast %broadcast_in_dim3A_260 : i32 to vector<16xi32>
    tpu.vector_store_idx %arg13[%broadcast_in_dim3A_261, %iota3A], %broadcast_in_dim3A_1 : memref<64x32xf32, #tpu.memory_space<vmem>>[vector<16xi32>, vector<16xi32>], vector<16xf32>,
    %add3A_262 = arith.constant 16 : i32
    %add3A_263 = vector.broadcast %add3A_262 : i32 to vector<16xi32>
    %add3A_264 = arith.addi %iota3A, %add3A_263 : vector<16xi32>
    tpu.vector_store_idx %arg13[%broadcast_in_dim3A_261, %add3A_264], %broadcast_in_dim3A_1 : memref<64x32xf32, #tpu.memory_space<vmem>>[vector<16xi32>, vector<16xi32>], vector<16xf32>,
    %broadcast_in_dim3A_265 = arith.constant 52 : i32
    %broadcast_in_dim3A_266 = vector.broadcast %broadcast_in_dim3A_265 : i32 to vector<16xi32>
    tpu.vector_store_idx %arg13[%broadcast_in_dim3A_266, %iota3A], %broadcast_in_dim3A_1 : memref<64x32xf32, #tpu.memory_space<vmem>>[vector<16xi32>, vector<16xi32>], vector<16xf32>,
    %add3A_267 = arith.constant 16 : i32
    %add3A_268 = vector.broadcast %add3A_267 : i32 to vector<16xi32>
    %add3A_269 = arith.addi %iota3A, %add3A_268 : vector<16xi32>
    tpu.vector_store_idx %arg13[%broadcast_in_dim3A_266, %add3A_269], %broadcast_in_dim3A_1 : memref<64x32xf32, #tpu.memory_space<vmem>>[vector<16xi32>, vector<16xi32>], vector<16xf32>,
    %broadcast_in_dim3A_270 = arith.constant 53 : i32
    %broadcast_in_dim3A_271 = vector.broadcast %broadcast_in_dim3A_270 : i32 to vector<16xi32>
    tpu.vector_store_idx %arg13[%broadcast_in_dim3A_271, %iota3A], %broadcast_in_dim3A_1 : memref<64x32xf32, #tpu.memory_space<vmem>>[vector<16xi32>, vector<16xi32>], vector<16xf32>,
    %add3A_272 = arith.constant 16 : i32
    %add3A_273 = vector.broadcast %add3A_272 : i32 to vector<16xi32>
    %add3A_274 = arith.addi %iota3A, %add3A_273 : vector<16xi32>
    tpu.vector_store_idx %arg13[%broadcast_in_dim3A_271, %add3A_274], %broadcast_in_dim3A_1 : memref<64x32xf32, #tpu.memory_space<vmem>>[vector<16xi32>, vector<16xi32>], vector<16xf32>,
    %broadcast_in_dim3A_275 = arith.constant 54 : i32
    %broadcast_in_dim3A_276 = vector.broadcast %broadcast_in_dim3A_275 : i32 to vector<16xi32>
    tpu.vector_store_idx %arg13[%broadcast_in_dim3A_276, %iota3A], %broadcast_in_dim3A_1 : memref<64x32xf32, #tpu.memory_space<vmem>>[vector<16xi32>, vector<16xi32>], vector<16xf32>,
    %add3A_277 = arith.constant 16 : i32
    %add3A_278 = vector.broadcast %add3A_277 : i32 to vector<16xi32>
    %add3A_279 = arith.addi %iota3A, %add3A_278 : vector<16xi32>
    tpu.vector_store_idx %arg13[%broadcast_in_dim3A_276, %add3A_279], %broadcast_in_dim3A_1 : memref<64x32xf32, #tpu.memory_space<vmem>>[vector<16xi32>, vector<16xi32>], vector<16xf32>,
    %broadcast_in_dim3A_280 = arith.constant 55 : i32
    %broadcast_in_dim3A_281 = vector.broadcast %broadcast_in_dim3A_280 : i32 to vector<16xi32>
    tpu.vector_store_idx %arg13[%broadcast_in_dim3A_281, %iota3A], %broadcast_in_dim3A_1 : memref<64x32xf32, #tpu.memory_space<vmem>>[vector<16xi32>, vector<16xi32>], vector<16xf32>,
    %add3A_282 = arith.constant 16 : i32
    %add3A_283 = vector.broadcast %add3A_282 : i32 to vector<16xi32>
    %add3A_284 = arith.addi %iota3A, %add3A_283 : vector<16xi32>
    tpu.vector_store_idx %arg13[%broadcast_in_dim3A_281, %add3A_284], %broadcast_in_dim3A_1 : memref<64x32xf32, #tpu.memory_space<vmem>>[vector<16xi32>, vector<16xi32>], vector<16xf32>,
    %broadcast_in_dim3A_285 = arith.constant 56 : i32
    %broadcast_in_dim3A_286 = vector.broadcast %broadcast_in_dim3A_285 : i32 to vector<16xi32>
    tpu.vector_store_idx %arg13[%broadcast_in_dim3A_286, %iota3A], %broadcast_in_dim3A_1 : memref<64x32xf32, #tpu.memory_space<vmem>>[vector<16xi32>, vector<16xi32>], vector<16xf32>,
    %add3A_287 = arith.constant 16 : i32
    %add3A_288 = vector.broadcast %add3A_287 : i32 to vector<16xi32>
    %add3A_289 = arith.addi %iota3A, %add3A_288 : vector<16xi32>
    tpu.vector_store_idx %arg13[%broadcast_in_dim3A_286, %add3A_289], %broadcast_in_dim3A_1 : memref<64x32xf32, #tpu.memory_space<vmem>>[vector<16xi32>, vector<16xi32>], vector<16xf32>,
    %broadcast_in_dim3A_290 = arith.constant 57 : i32
    %broadcast_in_dim3A_291 = vector.broadcast %broadcast_in_dim3A_290 : i32 to vector<16xi32>
    tpu.vector_store_idx %arg13[%broadcast_in_dim3A_291, %iota3A], %broadcast_in_dim3A_1 : memref<64x32xf32, #tpu.memory_space<vmem>>[vector<16xi32>, vector<16xi32>], vector<16xf32>,
    %add3A_292 = arith.constant 16 : i32
    %add3A_293 = vector.broadcast %add3A_292 : i32 to vector<16xi32>
    %add3A_294 = arith.addi %iota3A, %add3A_293 : vector<16xi32>
    tpu.vector_store_idx %arg13[%broadcast_in_dim3A_291, %add3A_294], %broadcast_in_dim3A_1 : memref<64x32xf32, #tpu.memory_space<vmem>>[vector<16xi32>, vector<16xi32>], vector<16xf32>,
    %broadcast_in_dim3A_295 = arith.constant 58 : i32
    %broadcast_in_dim3A_296 = vector.broadcast %broadcast_in_dim3A_295 : i32 to vector<16xi32>
    tpu.vector_store_idx %arg13[%broadcast_in_dim3A_296, %iota3A], %broadcast_in_dim3A_1 : memref<64x32xf32, #tpu.memory_space<vmem>>[vector<16xi32>, vector<16xi32>], vector<16xf32>,
    %add3A_297 = arith.constant 16 : i32
    %add3A_298 = vector.broadcast %add3A_297 : i32 to vector<16xi32>
    %add3A_299 = arith.addi %iota3A, %add3A_298 : vector<16xi32>
    tpu.vector_store_idx %arg13[%broadcast_in_dim3A_296, %add3A_299], %broadcast_in_dim3A_1 : memref<64x32xf32, #tpu.memory_space<vmem>>[vector<16xi32>, vector<16xi32>], vector<16xf32>,
    %broadcast_in_dim3A_300 = arith.constant 59 : i32
    %broadcast_in_dim3A_301 = vector.broadcast %broadcast_in_dim3A_300 : i32 to vector<16xi32>
    tpu.vector_store_idx %arg13[%broadcast_in_dim3A_301, %iota3A], %broadcast_in_dim3A_1 : memref<64x32xf32, #tpu.memory_space<vmem>>[vector<16xi32>, vector<16xi32>], vector<16xf32>,
    %add3A_302 = arith.constant 16 : i32
    %add3A_303 = vector.broadcast %add3A_302 : i32 to vector<16xi32>
    %add3A_304 = arith.addi %iota3A, %add3A_303 : vector<16xi32>
    tpu.vector_store_idx %arg13[%broadcast_in_dim3A_301, %add3A_304], %broadcast_in_dim3A_1 : memref<64x32xf32, #tpu.memory_space<vmem>>[vector<16xi32>, vector<16xi32>], vector<16xf32>,
    %broadcast_in_dim3A_305 = arith.constant 60 : i32
    %broadcast_in_dim3A_306 = vector.broadcast %broadcast_in_dim3A_305 : i32 to vector<16xi32>
    tpu.vector_store_idx %arg13[%broadcast_in_dim3A_306, %iota3A], %broadcast_in_dim3A_1 : memref<64x32xf32, #tpu.memory_space<vmem>>[vector<16xi32>, vector<16xi32>], vector<16xf32>,
    %add3A_307 = arith.constant 16 : i32
    %add3A_308 = vector.broadcast %add3A_307 : i32 to vector<16xi32>
    %add3A_309 = arith.addi %iota3A, %add3A_308 : vector<16xi32>
    tpu.vector_store_idx %arg13[%broadcast_in_dim3A_306, %add3A_309], %broadcast_in_dim3A_1 : memref<64x32xf32, #tpu.memory_space<vmem>>[vector<16xi32>, vector<16xi32>], vector<16xf32>,
    %broadcast_in_dim3A_310 = arith.constant 61 : i32
    %broadcast_in_dim3A_311 = vector.broadcast %broadcast_in_dim3A_310 : i32 to vector<16xi32>
    tpu.vector_store_idx %arg13[%broadcast_in_dim3A_311, %iota3A], %broadcast_in_dim3A_1 : memref<64x32xf32, #tpu.memory_space<vmem>>[vector<16xi32>, vector<16xi32>], vector<16xf32>,
    %add3A_312 = arith.constant 16 : i32
    %add3A_313 = vector.broadcast %add3A_312 : i32 to vector<16xi32>
    %add3A_314 = arith.addi %iota3A, %add3A_313 : vector<16xi32>
    tpu.vector_store_idx %arg13[%broadcast_in_dim3A_311, %add3A_314], %broadcast_in_dim3A_1 : memref<64x32xf32, #tpu.memory_space<vmem>>[vector<16xi32>, vector<16xi32>], vector<16xf32>,
    %broadcast_in_dim3A_315 = arith.constant 62 : i32
    %broadcast_in_dim3A_316 = vector.broadcast %broadcast_in_dim3A_315 : i32 to vector<16xi32>
    tpu.vector_store_idx %arg13[%broadcast_in_dim3A_316, %iota3A], %broadcast_in_dim3A_1 : memref<64x32xf32, #tpu.memory_space<vmem>>[vector<16xi32>, vector<16xi32>], vector<16xf32>,
    %add3A_317 = arith.constant 16 : i32
    %add3A_318 = vector.broadcast %add3A_317 : i32 to vector<16xi32>
    %add3A_319 = arith.addi %iota3A, %add3A_318 : vector<16xi32>
    tpu.vector_store_idx %arg13[%broadcast_in_dim3A_316, %add3A_319], %broadcast_in_dim3A_1 : memref<64x32xf32, #tpu.memory_space<vmem>>[vector<16xi32>, vector<16xi32>], vector<16xf32>,
    %broadcast_in_dim3A_320 = arith.constant 63 : i32
    %broadcast_in_dim3A_321 = vector.broadcast %broadcast_in_dim3A_320 : i32 to vector<16xi32>
    tpu.vector_store_idx %arg13[%broadcast_in_dim3A_321, %iota3A], %broadcast_in_dim3A_1 : memref<64x32xf32, #tpu.memory_space<vmem>>[vector<16xi32>, vector<16xi32>], vector<16xf32>,
    %add3A_322 = arith.constant 16 : i32
    %add3A_323 = vector.broadcast %add3A_322 : i32 to vector<16xi32>
    %add3A_324 = arith.addi %iota3A, %add3A_323 : vector<16xi32>
    tpu.vector_store_idx %arg13[%broadcast_in_dim3A_321, %add3A_324], %broadcast_in_dim3A_1 : memref<64x32xf32, #tpu.memory_space<vmem>>[vector<16xi32>, vector<16xi32>], vector<16xf32>,
    %add3A_325 = arith.constant 0 : i32
    %add3A_326 = arith.addi %mul3A_0, %add3A_325 : i32
    "tpu.region"() ({
      %run_scoped3A_1618 = tpu.sem_alloc : memref<!tpu.dma_semaphore, #tpu.memory_space<semaphore_mem>>
      %dma_start3A_1619 = arith.constant 0 : i32
      %dma_start3A_1620 = tpu.memref_slice %arg16[%add3A_326, %dma_start3A_1619] : memref<16384x32xf32, #tpu.memory_space<vmem_shared>> -> memref<64x32xf32, #tpu.memory_space<vmem_shared>>
      %dma_start3A_1621 = arith.constant 0 : i32
      %dma_start3A_1622 = tpu.memref_slice %arg16[%add3A_326, %dma_start3A_1621] : memref<16384x32xf32, #tpu.memory_space<vmem_shared>> -> memref<64x32xf32, #tpu.memory_space<vmem_shared>>
      tpu.enqueue_dma source(%arg13 : memref<64x32xf32, #tpu.memory_space<vmem>>) target(%dma_start3A_1622 : memref<64x32xf32, #tpu.memory_space<vmem_shared>>) target_semaphore(%run_scoped3A_1618 : memref<!tpu.dma_semaphore, #tpu.memory_space<semaphore_mem>>)
      %dma_wait3A_1623 = arith.constant 0 : i32
      %dma_wait3A_1624 = tpu.memref_slice %arg16[%add3A_326, %dma_wait3A_1623] : memref<16384x32xf32, #tpu.memory_space<vmem_shared>> -> memref<64x32xf32, #tpu.memory_space<vmem_shared>>
      %dma_wait3A_1625 = arith.constant 0 : i32
      %dma_wait3A_1626 = tpu.memref_slice %arg16[%add3A_326, %dma_wait3A_1625] : memref<16384x32xf32, #tpu.memory_space<vmem_shared>> -> memref<64x32xf32, #tpu.memory_space<vmem_shared>>
      tpu.wait_dma2 semaphore(%run_scoped3A_1618 : memref<!tpu.dma_semaphore, #tpu.memory_space<semaphore_mem>>) src(%arg13 : memref<64x32xf32, #tpu.memory_space<vmem>>) dst(%dma_wait3A_1626 : memref<64x32xf32, #tpu.memory_space<vmem_shared>>)
      tpu.yield
    }) : () -> ()
    %add3A_327 = arith.constant 64 : i32
    %add3A_328 = arith.addi %mul3A_0, %add3A_327 : i32
    "tpu.region"() ({
      %run_scoped3A_1618 = tpu.sem_alloc : memref<!tpu.dma_semaphore, #tpu.memory_space<semaphore_mem>>
      %dma_start3A_1619 = arith.constant 0 : i32
      %dma_start3A_1620 = tpu.memref_slice %arg16[%add3A_328, %dma_start3A_1619] : memref<16384x32xf32, #tpu.memory_space<vmem_shared>> -> memref<64x32xf32, #tpu.memory_space<vmem_shared>>
      %dma_start3A_1621 = arith.constant 0 : i32
      %dma_start3A_1622 = tpu.memref_slice %arg16[%add3A_328, %dma_start3A_1621] : memref<16384x32xf32, #tpu.memory_space<vmem_shared>> -> memref<64x32xf32, #tpu.memory_space<vmem_shared>>
      tpu.enqueue_dma source(%arg13 : memref<64x32xf32, #tpu.memory_space<vmem>>) target(%dma_start3A_1622 : memref<64x32xf32, #tpu.memory_space<vmem_shared>>) target_semaphore(%run_scoped3A_1618 : memref<!tpu.dma_semaphore, #tpu.memory_space<semaphore_mem>>)
      %dma_wait3A_1623 = arith.constant 0 : i32
      %dma_wait3A_1624 = tpu.memref_slice %arg16[%add3A_328, %dma_wait3A_1623] : memref<16384x32xf32, #tpu.memory_space<vmem_shared>> -> memref<64x32xf32, #tpu.memory_space<vmem_shared>>
      %dma_wait3A_1625 = arith.constant 0 : i32
      %dma_wait3A_1626 = tpu.memref_slice %arg16[%add3A_328, %dma_wait3A_1625] : memref<16384x32xf32, #tpu.memory_space<vmem_shared>> -> memref<64x32xf32, #tpu.memory_space<vmem_shared>>
      tpu.wait_dma2 semaphore(%run_scoped3A_1618 : memref<!tpu.dma_semaphore, #tpu.memory_space<semaphore_mem>>) src(%arg13 : memref<64x32xf32, #tpu.memory_space<vmem>>) dst(%dma_wait3A_1626 : memref<64x32xf32, #tpu.memory_space<vmem_shared>>)
      tpu.yield
    }) : () -> ()
    %add3A_329 = arith.constant 128 : i32
    %add3A_330 = arith.addi %mul3A_0, %add3A_329 : i32
    "tpu.region"() ({
      %run_scoped3A_1618 = tpu.sem_alloc : memref<!tpu.dma_semaphore, #tpu.memory_space<semaphore_mem>>
      %dma_start3A_1619 = arith.constant 0 : i32
      %dma_start3A_1620 = tpu.memref_slice %arg16[%add3A_330, %dma_start3A_1619] : memref<16384x32xf32, #tpu.memory_space<vmem_shared>> -> memref<64x32xf32, #tpu.memory_space<vmem_shared>>
      %dma_start3A_1621 = arith.constant 0 : i32
      %dma_start3A_1622 = tpu.memref_slice %arg16[%add3A_330, %dma_start3A_1621] : memref<16384x32xf32, #tpu.memory_space<vmem_shared>> -> memref<64x32xf32, #tpu.memory_space<vmem_shared>>
      tpu.enqueue_dma source(%arg13 : memref<64x32xf32, #tpu.memory_space<vmem>>) target(%dma_start3A_1622 : memref<64x32xf32, #tpu.memory_space<vmem_shared>>) target_semaphore(%run_scoped3A_1618 : memref<!tpu.dma_semaphore, #tpu.memory_space<semaphore_mem>>)
      %dma_wait3A_1623 = arith.constant 0 : i32
      %dma_wait3A_1624 = tpu.memref_slice %arg16[%add3A_330, %dma_wait3A_1623] : memref<16384x32xf32, #tpu.memory_space<vmem_shared>> -> memref<64x32xf32, #tpu.memory_space<vmem_shared>>
      %dma_wait3A_1625 = arith.constant 0 : i32
      %dma_wait3A_1626 = tpu.memref_slice %arg16[%add3A_330, %dma_wait3A_1625] : memref<16384x32xf32, #tpu.memory_space<vmem_shared>> -> memref<64x32xf32, #tpu.memory_space<vmem_shared>>
      tpu.wait_dma2 semaphore(%run_scoped3A_1618 : memref<!tpu.dma_semaphore, #tpu.memory_space<semaphore_mem>>) src(%arg13 : memref<64x32xf32, #tpu.memory_space<vmem>>) dst(%dma_wait3A_1626 : memref<64x32xf32, #tpu.memory_space<vmem_shared>>)
      tpu.yield
    }) : () -> ()
    %add3A_331 = arith.constant 192 : i32
    %add3A_332 = arith.addi %mul3A_0, %add3A_331 : i32
    "tpu.region"() ({
      %run_scoped3A_1618 = tpu.sem_alloc : memref<!tpu.dma_semaphore, #tpu.memory_space<semaphore_mem>>
      %dma_start3A_1619 = arith.constant 0 : i32
      %dma_start3A_1620 = tpu.memref_slice %arg16[%add3A_332, %dma_start3A_1619] : memref<16384x32xf32, #tpu.memory_space<vmem_shared>> -> memref<64x32xf32, #tpu.memory_space<vmem_shared>>
      %dma_start3A_1621 = arith.constant 0 : i32
      %dma_start3A_1622 = tpu.memref_slice %arg16[%add3A_332, %dma_start3A_1621] : memref<16384x32xf32, #tpu.memory_space<vmem_shared>> -> memref<64x32xf32, #tpu.memory_space<vmem_shared>>
      tpu.enqueue_dma source(%arg13 : memref<64x32xf32, #tpu.memory_space<vmem>>) target(%dma_start3A_1622 : memref<64x32xf32, #tpu.memory_space<vmem_shared>>) target_semaphore(%run_scoped3A_1618 : memref<!tpu.dma_semaphore, #tpu.memory_space<semaphore_mem>>)
      %dma_wait3A_1623 = arith.constant 0 : i32
      %dma_wait3A_1624 = tpu.memref_slice %arg16[%add3A_332, %dma_wait3A_1623] : memref<16384x32xf32, #tpu.memory_space<vmem_shared>> -> memref<64x32xf32, #tpu.memory_space<vmem_shared>>
      %dma_wait3A_1625 = arith.constant 0 : i32
      %dma_wait3A_1626 = tpu.memref_slice %arg16[%add3A_332, %dma_wait3A_1625] : memref<16384x32xf32, #tpu.memory_space<vmem_shared>> -> memref<64x32xf32, #tpu.memory_space<vmem_shared>>
      tpu.wait_dma2 semaphore(%run_scoped3A_1618 : memref<!tpu.dma_semaphore, #tpu.memory_space<semaphore_mem>>) src(%arg13 : memref<64x32xf32, #tpu.memory_space<vmem>>) dst(%dma_wait3A_1626 : memref<64x32xf32, #tpu.memory_space<vmem_shared>>)
      tpu.yield
    }) : () -> ()
    %add3A_333 = arith.constant 256 : i32
    %add3A_334 = arith.addi %mul3A_0, %add3A_333 : i32
    "tpu.region"() ({
      %run_scoped3A_1618 = tpu.sem_alloc : memref<!tpu.dma_semaphore, #tpu.memory_space<semaphore_mem>>
      %dma_start3A_1619 = arith.constant 0 : i32
      %dma_start3A_1620 = tpu.memref_slice %arg16[%add3A_334, %dma_start3A_1619] : memref<16384x32xf32, #tpu.memory_space<vmem_shared>> -> memref<64x32xf32, #tpu.memory_space<vmem_shared>>
      %dma_start3A_1621 = arith.constant 0 : i32
      %dma_start3A_1622 = tpu.memref_slice %arg16[%add3A_334, %dma_start3A_1621] : memref<16384x32xf32, #tpu.memory_space<vmem_shared>> -> memref<64x32xf32, #tpu.memory_space<vmem_shared>>
      tpu.enqueue_dma source(%arg13 : memref<64x32xf32, #tpu.memory_space<vmem>>) target(%dma_start3A_1622 : memref<64x32xf32, #tpu.memory_space<vmem_shared>>) target_semaphore(%run_scoped3A_1618 : memref<!tpu.dma_semaphore, #tpu.memory_space<semaphore_mem>>)
      %dma_wait3A_1623 = arith.constant 0 : i32
      %dma_wait3A_1624 = tpu.memref_slice %arg16[%add3A_334, %dma_wait3A_1623] : memref<16384x32xf32, #tpu.memory_space<vmem_shared>> -> memref<64x32xf32, #tpu.memory_space<vmem_shared>>
      %dma_wait3A_1625 = arith.constant 0 : i32
      %dma_wait3A_1626 = tpu.memref_slice %arg16[%add3A_334, %dma_wait3A_1625] : memref<16384x32xf32, #tpu.memory_space<vmem_shared>> -> memref<64x32xf32, #tpu.memory_space<vmem_shared>>
      tpu.wait_dma2 semaphore(%run_scoped3A_1618 : memref<!tpu.dma_semaphore, #tpu.memory_space<semaphore_mem>>) src(%arg13 : memref<64x32xf32, #tpu.memory_space<vmem>>) dst(%dma_wait3A_1626 : memref<64x32xf32, #tpu.memory_space<vmem_shared>>)
      tpu.yield
    }) : () -> ()
    %add3A_335 = arith.constant 320 : i32
    %add3A_336 = arith.addi %mul3A_0, %add3A_335 : i32
    "tpu.region"() ({
      %run_scoped3A_1618 = tpu.sem_alloc : memref<!tpu.dma_semaphore, #tpu.memory_space<semaphore_mem>>
      %dma_start3A_1619 = arith.constant 0 : i32
      %dma_start3A_1620 = tpu.memref_slice %arg16[%add3A_336, %dma_start3A_1619] : memref<16384x32xf32, #tpu.memory_space<vmem_shared>> -> memref<64x32xf32, #tpu.memory_space<vmem_shared>>
      %dma_start3A_1621 = arith.constant 0 : i32
      %dma_start3A_1622 = tpu.memref_slice %arg16[%add3A_336, %dma_start3A_1621] : memref<16384x32xf32, #tpu.memory_space<vmem_shared>> -> memref<64x32xf32, #tpu.memory_space<vmem_shared>>
      tpu.enqueue_dma source(%arg13 : memref<64x32xf32, #tpu.memory_space<vmem>>) target(%dma_start3A_1622 : memref<64x32xf32, #tpu.memory_space<vmem_shared>>) target_semaphore(%run_scoped3A_1618 : memref<!tpu.dma_semaphore, #tpu.memory_space<semaphore_mem>>)
      %dma_wait3A_1623 = arith.constant 0 : i32
      %dma_wait3A_1624 = tpu.memref_slice %arg16[%add3A_336, %dma_wait3A_1623] : memref<16384x32xf32, #tpu.memory_space<vmem_shared>> -> memref<64x32xf32, #tpu.memory_space<vmem_shared>>
      %dma_wait3A_1625 = arith.constant 0 : i32
      %dma_wait3A_1626 = tpu.memref_slice %arg16[%add3A_336, %dma_wait3A_1625] : memref<16384x32xf32, #tpu.memory_space<vmem_shared>> -> memref<64x32xf32, #tpu.memory_space<vmem_shared>>
      tpu.wait_dma2 semaphore(%run_scoped3A_1618 : memref<!tpu.dma_semaphore, #tpu.memory_space<semaphore_mem>>) src(%arg13 : memref<64x32xf32, #tpu.memory_space<vmem>>) dst(%dma_wait3A_1626 : memref<64x32xf32, #tpu.memory_space<vmem_shared>>)
      tpu.yield
    }) : () -> ()
    %add3A_337 = arith.constant 384 : i32
    %add3A_338 = arith.addi %mul3A_0, %add3A_337 : i32
    "tpu.region"() ({
      %run_scoped3A_1618 = tpu.sem_alloc : memref<!tpu.dma_semaphore, #tpu.memory_space<semaphore_mem>>
      %dma_start3A_1619 = arith.constant 0 : i32
      %dma_start3A_1620 = tpu.memref_slice %arg16[%add3A_338, %dma_start3A_1619] : memref<16384x32xf32, #tpu.memory_space<vmem_shared>> -> memref<64x32xf32, #tpu.memory_space<vmem_shared>>
      %dma_start3A_1621 = arith.constant 0 : i32
      %dma_start3A_1622 = tpu.memref_slice %arg16[%add3A_338, %dma_start3A_1621] : memref<16384x32xf32, #tpu.memory_space<vmem_shared>> -> memref<64x32xf32, #tpu.memory_space<vmem_shared>>
      tpu.enqueue_dma source(%arg13 : memref<64x32xf32, #tpu.memory_space<vmem>>) target(%dma_start3A_1622 : memref<64x32xf32, #tpu.memory_space<vmem_shared>>) target_semaphore(%run_scoped3A_1618 : memref<!tpu.dma_semaphore, #tpu.memory_space<semaphore_mem>>)
      %dma_wait3A_1623 = arith.constant 0 : i32
      %dma_wait3A_1624 = tpu.memref_slice %arg16[%add3A_338, %dma_wait3A_1623] : memref<16384x32xf32, #tpu.memory_space<vmem_shared>> -> memref<64x32xf32, #tpu.memory_space<vmem_shared>>
      %dma_wait3A_1625 = arith.constant 0 : i32
      %dma_wait3A_1626 = tpu.memref_slice %arg16[%add3A_338, %dma_wait3A_1625] : memref<16384x32xf32, #tpu.memory_space<vmem_shared>> -> memref<64x32xf32, #tpu.memory_space<vmem_shared>>
      tpu.wait_dma2 semaphore(%run_scoped3A_1618 : memref<!tpu.dma_semaphore, #tpu.memory_space<semaphore_mem>>) src(%arg13 : memref<64x32xf32, #tpu.memory_space<vmem>>) dst(%dma_wait3A_1626 : memref<64x32xf32, #tpu.memory_space<vmem_shared>>)
      tpu.yield
    }) : () -> ()
    %add3A_339 = arith.constant 448 : i32
    %add3A_340 = arith.addi %mul3A_0, %add3A_339 : i32
    "tpu.region"() ({
      %run_scoped3A_1618 = tpu.sem_alloc : memref<!tpu.dma_semaphore, #tpu.memory_space<semaphore_mem>>
      %dma_start3A_1619 = arith.constant 0 : i32
      %dma_start3A_1620 = tpu.memref_slice %arg16[%add3A_340, %dma_start3A_1619] : memref<16384x32xf32, #tpu.memory_space<vmem_shared>> -> memref<64x32xf32, #tpu.memory_space<vmem_shared>>
      %dma_start3A_1621 = arith.constant 0 : i32
      %dma_start3A_1622 = tpu.memref_slice %arg16[%add3A_340, %dma_start3A_1621] : memref<16384x32xf32, #tpu.memory_space<vmem_shared>> -> memref<64x32xf32, #tpu.memory_space<vmem_shared>>
      tpu.enqueue_dma source(%arg13 : memref<64x32xf32, #tpu.memory_space<vmem>>) target(%dma_start3A_1622 : memref<64x32xf32, #tpu.memory_space<vmem_shared>>) target_semaphore(%run_scoped3A_1618 : memref<!tpu.dma_semaphore, #tpu.memory_space<semaphore_mem>>)
      %dma_wait3A_1623 = arith.constant 0 : i32
      %dma_wait3A_1624 = tpu.memref_slice %arg16[%add3A_340, %dma_wait3A_1623] : memref<16384x32xf32, #tpu.memory_space<vmem_shared>> -> memref<64x32xf32, #tpu.memory_space<vmem_shared>>
      %dma_wait3A_1625 = arith.constant 0 : i32
      %dma_wait3A_1626 = tpu.memref_slice %arg16[%add3A_340, %dma_wait3A_1625] : memref<16384x32xf32, #tpu.memory_space<vmem_shared>> -> memref<64x32xf32, #tpu.memory_space<vmem_shared>>
      tpu.wait_dma2 semaphore(%run_scoped3A_1618 : memref<!tpu.dma_semaphore, #tpu.memory_space<semaphore_mem>>) src(%arg13 : memref<64x32xf32, #tpu.memory_space<vmem>>) dst(%dma_wait3A_1626 : memref<64x32xf32, #tpu.memory_space<vmem_shared>>)
      tpu.yield
    }) : () -> ()
    %add3A_341 = arith.constant 512 : i32
    %add3A_342 = arith.addi %mul3A_0, %add3A_341 : i32
    "tpu.region"() ({
      %run_scoped3A_1618 = tpu.sem_alloc : memref<!tpu.dma_semaphore, #tpu.memory_space<semaphore_mem>>
      %dma_start3A_1619 = arith.constant 0 : i32
      %dma_start3A_1620 = tpu.memref_slice %arg16[%add3A_342, %dma_start3A_1619] : memref<16384x32xf32, #tpu.memory_space<vmem_shared>> -> memref<64x32xf32, #tpu.memory_space<vmem_shared>>
      %dma_start3A_1621 = arith.constant 0 : i32
      %dma_start3A_1622 = tpu.memref_slice %arg16[%add3A_342, %dma_start3A_1621] : memref<16384x32xf32, #tpu.memory_space<vmem_shared>> -> memref<64x32xf32, #tpu.memory_space<vmem_shared>>
      tpu.enqueue_dma source(%arg13 : memref<64x32xf32, #tpu.memory_space<vmem>>) target(%dma_start3A_1622 : memref<64x32xf32, #tpu.memory_space<vmem_shared>>) target_semaphore(%run_scoped3A_1618 : memref<!tpu.dma_semaphore, #tpu.memory_space<semaphore_mem>>)
      %dma_wait3A_1623 = arith.constant 0 : i32
      %dma_wait3A_1624 = tpu.memref_slice %arg16[%add3A_342, %dma_wait3A_1623] : memref<16384x32xf32, #tpu.memory_space<vmem_shared>> -> memref<64x32xf32, #tpu.memory_space<vmem_shared>>
      %dma_wait3A_1625 = arith.constant 0 : i32
      %dma_wait3A_1626 = tpu.memref_slice %arg16[%add3A_342, %dma_wait3A_1625] : memref<16384x32xf32, #tpu.memory_space<vmem_shared>> -> memref<64x32xf32, #tpu.memory_space<vmem_shared>>
      tpu.wait_dma2 semaphore(%run_scoped3A_1618 : memref<!tpu.dma_semaphore, #tpu.memory_space<semaphore_mem>>) src(%arg13 : memref<64x32xf32, #tpu.memory_space<vmem>>) dst(%dma_wait3A_1626 : memref<64x32xf32, #tpu.memory_space<vmem_shared>>)
      tpu.yield
    }) : () -> ()
    %add3A_343 = arith.constant 576 : i32
    %add3A_344 = arith.addi %mul3A_0, %add3A_343 : i32
    "tpu.region"() ({
      %run_scoped3A_1618 = tpu.sem_alloc : memref<!tpu.dma_semaphore, #tpu.memory_space<semaphore_mem>>
      %dma_start3A_1619 = arith.constant 0 : i32
      %dma_start3A_1620 = tpu.memref_slice %arg16[%add3A_344, %dma_start3A_1619] : memref<16384x32xf32, #tpu.memory_space<vmem_shared>> -> memref<64x32xf32, #tpu.memory_space<vmem_shared>>
      %dma_start3A_1621 = arith.constant 0 : i32
      %dma_start3A_1622 = tpu.memref_slice %arg16[%add3A_344, %dma_start3A_1621] : memref<16384x32xf32, #tpu.memory_space<vmem_shared>> -> memref<64x32xf32, #tpu.memory_space<vmem_shared>>
      tpu.enqueue_dma source(%arg13 : memref<64x32xf32, #tpu.memory_space<vmem>>) target(%dma_start3A_1622 : memref<64x32xf32, #tpu.memory_space<vmem_shared>>) target_semaphore(%run_scoped3A_1618 : memref<!tpu.dma_semaphore, #tpu.memory_space<semaphore_mem>>)
      %dma_wait3A_1623 = arith.constant 0 : i32
      %dma_wait3A_1624 = tpu.memref_slice %arg16[%add3A_344, %dma_wait3A_1623] : memref<16384x32xf32, #tpu.memory_space<vmem_shared>> -> memref<64x32xf32, #tpu.memory_space<vmem_shared>>
      %dma_wait3A_1625 = arith.constant 0 : i32
      %dma_wait3A_1626 = tpu.memref_slice %arg16[%add3A_344, %dma_wait3A_1625] : memref<16384x32xf32, #tpu.memory_space<vmem_shared>> -> memref<64x32xf32, #tpu.memory_space<vmem_shared>>
      tpu.wait_dma2 semaphore(%run_scoped3A_1618 : memref<!tpu.dma_semaphore, #tpu.memory_space<semaphore_mem>>) src(%arg13 : memref<64x32xf32, #tpu.memory_space<vmem>>) dst(%dma_wait3A_1626 : memref<64x32xf32, #tpu.memory_space<vmem_shared>>)
      tpu.yield
    }) : () -> ()
    %add3A_345 = arith.constant 640 : i32
    %add3A_346 = arith.addi %mul3A_0, %add3A_345 : i32
    "tpu.region"() ({
      %run_scoped3A_1618 = tpu.sem_alloc : memref<!tpu.dma_semaphore, #tpu.memory_space<semaphore_mem>>
      %dma_start3A_1619 = arith.constant 0 : i32
      %dma_start3A_1620 = tpu.memref_slice %arg16[%add3A_346, %dma_start3A_1619] : memref<16384x32xf32, #tpu.memory_space<vmem_shared>> -> memref<64x32xf32, #tpu.memory_space<vmem_shared>>
      %dma_start3A_1621 = arith.constant 0 : i32
      %dma_start3A_1622 = tpu.memref_slice %arg16[%add3A_346, %dma_start3A_1621] : memref<16384x32xf32, #tpu.memory_space<vmem_shared>> -> memref<64x32xf32, #tpu.memory_space<vmem_shared>>
      tpu.enqueue_dma source(%arg13 : memref<64x32xf32, #tpu.memory_space<vmem>>) target(%dma_start3A_1622 : memref<64x32xf32, #tpu.memory_space<vmem_shared>>) target_semaphore(%run_scoped3A_1618 : memref<!tpu.dma_semaphore, #tpu.memory_space<semaphore_mem>>)
      %dma_wait3A_1623 = arith.constant 0 : i32
      %dma_wait3A_1624 = tpu.memref_slice %arg16[%add3A_346, %dma_wait3A_1623] : memref<16384x32xf32, #tpu.memory_space<vmem_shared>> -> memref<64x32xf32, #tpu.memory_space<vmem_shared>>
      %dma_wait3A_1625 = arith.constant 0 : i32
      %dma_wait3A_1626 = tpu.memref_slice %arg16[%add3A_346, %dma_wait3A_1625] : memref<16384x32xf32, #tpu.memory_space<vmem_shared>> -> memref<64x32xf32, #tpu.memory_space<vmem_shared>>
      tpu.wait_dma2 semaphore(%run_scoped3A_1618 : memref<!tpu.dma_semaphore, #tpu.memory_space<semaphore_mem>>) src(%arg13 : memref<64x32xf32, #tpu.memory_space<vmem>>) dst(%dma_wait3A_1626 : memref<64x32xf32, #tpu.memory_space<vmem_shared>>)
      tpu.yield
    }) : () -> ()
    %add3A_347 = arith.constant 704 : i32
    %add3A_348 = arith.addi %mul3A_0, %add3A_347 : i32
    "tpu.region"() ({
      %run_scoped3A_1618 = tpu.sem_alloc : memref<!tpu.dma_semaphore, #tpu.memory_space<semaphore_mem>>
      %dma_start3A_1619 = arith.constant 0 : i32
      %dma_start3A_1620 = tpu.memref_slice %arg16[%add3A_348, %dma_start3A_1619] : memref<16384x32xf32, #tpu.memory_space<vmem_shared>> -> memref<64x32xf32, #tpu.memory_space<vmem_shared>>
      %dma_start3A_1621 = arith.constant 0 : i32
      %dma_start3A_1622 = tpu.memref_slice %arg16[%add3A_348, %dma_start3A_1621] : memref<16384x32xf32, #tpu.memory_space<vmem_shared>> -> memref<64x32xf32, #tpu.memory_space<vmem_shared>>
      tpu.enqueue_dma source(%arg13 : memref<64x32xf32, #tpu.memory_space<vmem>>) target(%dma_start3A_1622 : memref<64x32xf32, #tpu.memory_space<vmem_shared>>) target_semaphore(%run_scoped3A_1618 : memref<!tpu.dma_semaphore, #tpu.memory_space<semaphore_mem>>)
      %dma_wait3A_1623 = arith.constant 0 : i32
      %dma_wait3A_1624 = tpu.memref_slice %arg16[%add3A_348, %dma_wait3A_1623] : memref<16384x32xf32, #tpu.memory_space<vmem_shared>> -> memref<64x32xf32, #tpu.memory_space<vmem_shared>>
      %dma_wait3A_1625 = arith.constant 0 : i32
      %dma_wait3A_1626 = tpu.memref_slice %arg16[%add3A_348, %dma_wait3A_1625] : memref<16384x32xf32, #tpu.memory_space<vmem_shared>> -> memref<64x32xf32, #tpu.memory_space<vmem_shared>>
      tpu.wait_dma2 semaphore(%run_scoped3A_1618 : memref<!tpu.dma_semaphore, #tpu.memory_space<semaphore_mem>>) src(%arg13 : memref<64x32xf32, #tpu.memory_space<vmem>>) dst(%dma_wait3A_1626 : memref<64x32xf32, #tpu.memory_space<vmem_shared>>)
      tpu.yield
    }) : () -> ()
    %add3A_349 = arith.constant 768 : i32
    %add3A_350 = arith.addi %mul3A_0, %add3A_349 : i32
    "tpu.region"() ({
      %run_scoped3A_1618 = tpu.sem_alloc : memref<!tpu.dma_semaphore, #tpu.memory_space<semaphore_mem>>
      %dma_start3A_1619 = arith.constant 0 : i32
      %dma_start3A_1620 = tpu.memref_slice %arg16[%add3A_350, %dma_start3A_1619] : memref<16384x32xf32, #tpu.memory_space<vmem_shared>> -> memref<64x32xf32, #tpu.memory_space<vmem_shared>>
      %dma_start3A_1621 = arith.constant 0 : i32
      %dma_start3A_1622 = tpu.memref_slice %arg16[%add3A_350, %dma_start3A_1621] : memref<16384x32xf32, #tpu.memory_space<vmem_shared>> -> memref<64x32xf32, #tpu.memory_space<vmem_shared>>
      tpu.enqueue_dma source(%arg13 : memref<64x32xf32, #tpu.memory_space<vmem>>) target(%dma_start3A_1622 : memref<64x32xf32, #tpu.memory_space<vmem_shared>>) target_semaphore(%run_scoped3A_1618 : memref<!tpu.dma_semaphore, #tpu.memory_space<semaphore_mem>>)
      %dma_wait3A_1623 = arith.constant 0 : i32
      %dma_wait3A_1624 = tpu.memref_slice %arg16[%add3A_350, %dma_wait3A_1623] : memref<16384x32xf32, #tpu.memory_space<vmem_shared>> -> memref<64x32xf32, #tpu.memory_space<vmem_shared>>
      %dma_wait3A_1625 = arith.constant 0 : i32
      %dma_wait3A_1626 = tpu.memref_slice %arg16[%add3A_350, %dma_wait3A_1625] : memref<16384x32xf32, #tpu.memory_space<vmem_shared>> -> memref<64x32xf32, #tpu.memory_space<vmem_shared>>
      tpu.wait_dma2 semaphore(%run_scoped3A_1618 : memref<!tpu.dma_semaphore, #tpu.memory_space<semaphore_mem>>) src(%arg13 : memref<64x32xf32, #tpu.memory_space<vmem>>) dst(%dma_wait3A_1626 : memref<64x32xf32, #tpu.memory_space<vmem_shared>>)
      tpu.yield
    }) : () -> ()
    %add3A_351 = arith.constant 832 : i32
    %add3A_352 = arith.addi %mul3A_0, %add3A_351 : i32
    "tpu.region"() ({
      %run_scoped3A_1618 = tpu.sem_alloc : memref<!tpu.dma_semaphore, #tpu.memory_space<semaphore_mem>>
      %dma_start3A_1619 = arith.constant 0 : i32
      %dma_start3A_1620 = tpu.memref_slice %arg16[%add3A_352, %dma_start3A_1619] : memref<16384x32xf32, #tpu.memory_space<vmem_shared>> -> memref<64x32xf32, #tpu.memory_space<vmem_shared>>
      %dma_start3A_1621 = arith.constant 0 : i32
      %dma_start3A_1622 = tpu.memref_slice %arg16[%add3A_352, %dma_start3A_1621] : memref<16384x32xf32, #tpu.memory_space<vmem_shared>> -> memref<64x32xf32, #tpu.memory_space<vmem_shared>>
      tpu.enqueue_dma source(%arg13 : memref<64x32xf32, #tpu.memory_space<vmem>>) target(%dma_start3A_1622 : memref<64x32xf32, #tpu.memory_space<vmem_shared>>) target_semaphore(%run_scoped3A_1618 : memref<!tpu.dma_semaphore, #tpu.memory_space<semaphore_mem>>)
      %dma_wait3A_1623 = arith.constant 0 : i32
      %dma_wait3A_1624 = tpu.memref_slice %arg16[%add3A_352, %dma_wait3A_1623] : memref<16384x32xf32, #tpu.memory_space<vmem_shared>> -> memref<64x32xf32, #tpu.memory_space<vmem_shared>>
      %dma_wait3A_1625 = arith.constant 0 : i32
      %dma_wait3A_1626 = tpu.memref_slice %arg16[%add3A_352, %dma_wait3A_1625] : memref<16384x32xf32, #tpu.memory_space<vmem_shared>> -> memref<64x32xf32, #tpu.memory_space<vmem_shared>>
      tpu.wait_dma2 semaphore(%run_scoped3A_1618 : memref<!tpu.dma_semaphore, #tpu.memory_space<semaphore_mem>>) src(%arg13 : memref<64x32xf32, #tpu.memory_space<vmem>>) dst(%dma_wait3A_1626 : memref<64x32xf32, #tpu.memory_space<vmem_shared>>)
      tpu.yield
    }) : () -> ()
    %add3A_353 = arith.constant 896 : i32
    %add3A_354 = arith.addi %mul3A_0, %add3A_353 : i32
    "tpu.region"() ({
      %run_scoped3A_1618 = tpu.sem_alloc : memref<!tpu.dma_semaphore, #tpu.memory_space<semaphore_mem>>
      %dma_start3A_1619 = arith.constant 0 : i32
      %dma_start3A_1620 = tpu.memref_slice %arg16[%add3A_354, %dma_start3A_1619] : memref<16384x32xf32, #tpu.memory_space<vmem_shared>> -> memref<64x32xf32, #tpu.memory_space<vmem_shared>>
      %dma_start3A_1621 = arith.constant 0 : i32
      %dma_start3A_1622 = tpu.memref_slice %arg16[%add3A_354, %dma_start3A_1621] : memref<16384x32xf32, #tpu.memory_space<vmem_shared>> -> memref<64x32xf32, #tpu.memory_space<vmem_shared>>
      tpu.enqueue_dma source(%arg13 : memref<64x32xf32, #tpu.memory_space<vmem>>) target(%dma_start3A_1622 : memref<64x32xf32, #tpu.memory_space<vmem_shared>>) target_semaphore(%run_scoped3A_1618 : memref<!tpu.dma_semaphore, #tpu.memory_space<semaphore_mem>>)
      %dma_wait3A_1623 = arith.constant 0 : i32
      %dma_wait3A_1624 = tpu.memref_slice %arg16[%add3A_354, %dma_wait3A_1623] : memref<16384x32xf32, #tpu.memory_space<vmem_shared>> -> memref<64x32xf32, #tpu.memory_space<vmem_shared>>
      %dma_wait3A_1625 = arith.constant 0 : i32
      %dma_wait3A_1626 = tpu.memref_slice %arg16[%add3A_354, %dma_wait3A_1625] : memref<16384x32xf32, #tpu.memory_space<vmem_shared>> -> memref<64x32xf32, #tpu.memory_space<vmem_shared>>
      tpu.wait_dma2 semaphore(%run_scoped3A_1618 : memref<!tpu.dma_semaphore, #tpu.memory_space<semaphore_mem>>) src(%arg13 : memref<64x32xf32, #tpu.memory_space<vmem>>) dst(%dma_wait3A_1626 : memref<64x32xf32, #tpu.memory_space<vmem_shared>>)
      tpu.yield
    }) : () -> ()
    %add3A_355 = arith.constant 960 : i32
    %add3A_356 = arith.addi %mul3A_0, %add3A_355 : i32
    "tpu.region"() ({
      %run_scoped3A_1618 = tpu.sem_alloc : memref<!tpu.dma_semaphore, #tpu.memory_space<semaphore_mem>>
      %dma_start3A_1619 = arith.constant 0 : i32
      %dma_start3A_1620 = tpu.memref_slice %arg16[%add3A_356, %dma_start3A_1619] : memref<16384x32xf32, #tpu.memory_space<vmem_shared>> -> memref<64x32xf32, #tpu.memory_space<vmem_shared>>
      %dma_start3A_1621 = arith.constant 0 : i32
      %dma_start3A_1622 = tpu.memref_slice %arg16[%add3A_356, %dma_start3A_1621] : memref<16384x32xf32, #tpu.memory_space<vmem_shared>> -> memref<64x32xf32, #tpu.memory_space<vmem_shared>>
      tpu.enqueue_dma source(%arg13 : memref<64x32xf32, #tpu.memory_space<vmem>>) target(%dma_start3A_1622 : memref<64x32xf32, #tpu.memory_space<vmem_shared>>) target_semaphore(%run_scoped3A_1618 : memref<!tpu.dma_semaphore, #tpu.memory_space<semaphore_mem>>)
      %dma_wait3A_1623 = arith.constant 0 : i32
      %dma_wait3A_1624 = tpu.memref_slice %arg16[%add3A_356, %dma_wait3A_1623] : memref<16384x32xf32, #tpu.memory_space<vmem_shared>> -> memref<64x32xf32, #tpu.memory_space<vmem_shared>>
      %dma_wait3A_1625 = arith.constant 0 : i32
      %dma_wait3A_1626 = tpu.memref_slice %arg16[%add3A_356, %dma_wait3A_1625] : memref<16384x32xf32, #tpu.memory_space<vmem_shared>> -> memref<64x32xf32, #tpu.memory_space<vmem_shared>>
      tpu.wait_dma2 semaphore(%run_scoped3A_1618 : memref<!tpu.dma_semaphore, #tpu.memory_space<semaphore_mem>>) src(%arg13 : memref<64x32xf32, #tpu.memory_space<vmem>>) dst(%dma_wait3A_1626 : memref<64x32xf32, #tpu.memory_space<vmem_shared>>)
      tpu.yield
    }) : () -> ()
    %add3A_357 = arith.constant 0 : i32
    %add3A_358 = vector.broadcast %add3A_357 : i32 to vector<16xi32>
    %add3A_359 = arith.addi %iota3A, %add3A_358 : vector<16xi32>
    %add3A_360 = arith.constant 0 : i32
    %add3A_361 = arith.addi %mul3A_0, %add3A_360 : i32
    %add3A_362 = arith.constant 0 : i32
    %add3A_363 = arith.addi %add3A_361, %add3A_362 : i32
    %add3A_364 = vector.broadcast %add3A_363 : i32 to vector<16xi32>
    %add3A_365 = arith.addi %iota3A, %add3A_364 : vector<16xi32>
    tpu.vector_store_idx %arg14[%add3A_359, %broadcast_in_dim3A_3], %add3A_365 : memref<128x16xi32, #tpu.memory_space<vmem>>[vector<16xi32>, vector<16xi32>], vector<16xi32>,
    %add3A_366 = arith.constant 16 : i32
    %add3A_367 = vector.broadcast %add3A_366 : i32 to vector<16xi32>
    %add3A_368 = arith.addi %iota3A, %add3A_367 : vector<16xi32>
    %add3A_369 = arith.constant 0 : i32
    %add3A_370 = arith.addi %mul3A_0, %add3A_369 : i32
    %add3A_371 = arith.constant 16 : i32
    %add3A_372 = arith.addi %add3A_370, %add3A_371 : i32
    %add3A_373 = vector.broadcast %add3A_372 : i32 to vector<16xi32>
    %add3A_374 = arith.addi %iota3A, %add3A_373 : vector<16xi32>
    tpu.vector_store_idx %arg14[%add3A_368, %broadcast_in_dim3A_3], %add3A_374 : memref<128x16xi32, #tpu.memory_space<vmem>>[vector<16xi32>, vector<16xi32>], vector<16xi32>,
    %add3A_375 = arith.constant 32 : i32
    %add3A_376 = vector.broadcast %add3A_375 : i32 to vector<16xi32>
    %add3A_377 = arith.addi %iota3A, %add3A_376 : vector<16xi32>
    %add3A_378 = arith.constant 0 : i32
    %add3A_379 = arith.addi %mul3A_0, %add3A_378 : i32
    %add3A_380 = arith.constant 32 : i32
    %add3A_381 = arith.addi %add3A_379, %add3A_380 : i32
    %add3A_382 = vector.broadcast %add3A_381 : i32 to vector<16xi32>
    %add3A_383 = arith.addi %iota3A, %add3A_382 : vector<16xi32>
    tpu.vector_store_idx %arg14[%add3A_377, %broadcast_in_dim3A_3], %add3A_383 : memref<128x16xi32, #tpu.memory_space<vmem>>[vector<16xi32>, vector<16xi32>], vector<16xi32>,
    %add3A_384 = arith.constant 48 : i32
    %add3A_385 = vector.broadcast %add3A_384 : i32 to vector<16xi32>
    %add3A_386 = arith.addi %iota3A, %add3A_385 : vector<16xi32>
    %add3A_387 = arith.constant 0 : i32
    %add3A_388 = arith.addi %mul3A_0, %add3A_387 : i32
    %add3A_389 = arith.constant 48 : i32
    %add3A_390 = arith.addi %add3A_388, %add3A_389 : i32
    %add3A_391 = vector.broadcast %add3A_390 : i32 to vector<16xi32>
    %add3A_392 = arith.addi %iota3A, %add3A_391 : vector<16xi32>
    tpu.vector_store_idx %arg14[%add3A_386, %broadcast_in_dim3A_3], %add3A_392 : memref<128x16xi32, #tpu.memory_space<vmem>>[vector<16xi32>, vector<16xi32>], vector<16xi32>,
    %add3A_393 = arith.constant 64 : i32
    %add3A_394 = vector.broadcast %add3A_393 : i32 to vector<16xi32>
    %add3A_395 = arith.addi %iota3A, %add3A_394 : vector<16xi32>
    %add3A_396 = arith.constant 0 : i32
    %add3A_397 = arith.addi %mul3A_0, %add3A_396 : i32
    %add3A_398 = arith.constant 64 : i32
    %add3A_399 = arith.addi %add3A_397, %add3A_398 : i32
    %add3A_400 = vector.broadcast %add3A_399 : i32 to vector<16xi32>
    %add3A_401 = arith.addi %iota3A, %add3A_400 : vector<16xi32>
    tpu.vector_store_idx %arg14[%add3A_395, %broadcast_in_dim3A_3], %add3A_401 : memref<128x16xi32, #tpu.memory_space<vmem>>[vector<16xi32>, vector<16xi32>], vector<16xi32>,
    %add3A_402 = arith.constant 80 : i32
    %add3A_403 = vector.broadcast %add3A_402 : i32 to vector<16xi32>
    %add3A_404 = arith.addi %iota3A, %add3A_403 : vector<16xi32>
    %add3A_405 = arith.constant 0 : i32
    %add3A_406 = arith.addi %mul3A_0, %add3A_405 : i32
    %add3A_407 = arith.constant 80 : i32
    %add3A_408 = arith.addi %add3A_406, %add3A_407 : i32
    %add3A_409 = vector.broadcast %add3A_408 : i32 to vector<16xi32>
    %add3A_410 = arith.addi %iota3A, %add3A_409 : vector<16xi32>
    tpu.vector_store_idx %arg14[%add3A_404, %broadcast_in_dim3A_3], %add3A_410 : memref<128x16xi32, #tpu.memory_space<vmem>>[vector<16xi32>, vector<16xi32>], vector<16xi32>,
    %add3A_411 = arith.constant 96 : i32
    %add3A_412 = vector.broadcast %add3A_411 : i32 to vector<16xi32>
    %add3A_413 = arith.addi %iota3A, %add3A_412 : vector<16xi32>
    %add3A_414 = arith.constant 0 : i32
    %add3A_415 = arith.addi %mul3A_0, %add3A_414 : i32
    %add3A_416 = arith.constant 96 : i32
    %add3A_417 = arith.addi %add3A_415, %add3A_416 : i32
    %add3A_418 = vector.broadcast %add3A_417 : i32 to vector<16xi32>
    %add3A_419 = arith.addi %iota3A, %add3A_418 : vector<16xi32>
    tpu.vector_store_idx %arg14[%add3A_413, %broadcast_in_dim3A_3], %add3A_419 : memref<128x16xi32, #tpu.memory_space<vmem>>[vector<16xi32>, vector<16xi32>], vector<16xi32>,
    %add3A_420 = arith.constant 112 : i32
    %add3A_421 = vector.broadcast %add3A_420 : i32 to vector<16xi32>
    %add3A_422 = arith.addi %iota3A, %add3A_421 : vector<16xi32>
    %add3A_423 = arith.constant 0 : i32
    %add3A_424 = arith.addi %mul3A_0, %add3A_423 : i32
    %add3A_425 = arith.constant 112 : i32
    %add3A_426 = arith.addi %add3A_424, %add3A_425 : i32
    %add3A_427 = vector.broadcast %add3A_426 : i32 to vector<16xi32>
    %add3A_428 = arith.addi %iota3A, %add3A_427 : vector<16xi32>
    tpu.vector_store_idx %arg14[%add3A_422, %broadcast_in_dim3A_3], %add3A_428 : memref<128x16xi32, #tpu.memory_space<vmem>>[vector<16xi32>, vector<16xi32>], vector<16xi32>,
    %run_scoped3A = arith.constant 0 : i32
    "tpu.region"() ({
      %run_scoped3A_1618 = tpu.sem_alloc : memref<!tpu.dma_semaphore, #tpu.memory_space<semaphore_mem>>
      %dma_start3A_1619 = arith.constant 0 : i32
      %dma_start3A_1620 = tpu.memref_slice %arg8[%run_scoped3A, %dma_start3A_1619] : memref<8x128xi32, #tpu.memory_space<vmem>> -> memref<1x128xi32, #tpu.memory_space<vmem>>
      %dma_start3A_1621 = tpu.memref_squeeze %dma_start3A_1620 : memref<1x128xi32, #tpu.memory_space<vmem>> -> memref<128xi32, #tpu.memory_space<vmem>>
      %dma_start3A_1622 = arith.constant 0 : i32
      %dma_start3A_1623 = arith.constant 0 : i32
      %dma_start3A_1624 = tpu.memref_slice %arg7[%arg0, %dma_start3A_1622, %dma_start3A_1623] : memref<2x1000000x16xi32, #tpu.memory_space<hbm>> -> memref<1x1000000x16xi32, #tpu.memory_space<hbm>>
      %dma_start3A_1625 = tpu.memref_squeeze %dma_start3A_1624 : memref<1x1000000x16xi32, #tpu.memory_space<hbm>> -> memref<1000000x16xi32, #tpu.memory_space<hbm>>
      %dma_start3A_1626 = arith.constant 0 : i32
      %dma_start3A_1627 = arith.constant 0 : i32
      %dma_start3A_1628 = tpu.memref_slice %dma_start3A_1625[%dma_start3A_1626, %dma_start3A_1627] : memref<1000000x16xi32, #tpu.memory_space<hbm>> -> memref<1000000x16xi32, #tpu.memory_space<hbm>>
      tpu.enqueue_indirect_dma source(%arg14 : memref<128x16xi32, #tpu.memory_space<vmem>>) target(%dma_start3A_1628 : memref<1000000x16xi32, #tpu.memory_space<hbm>>) offsets(%dma_start3A_1621 : memref<128xi32, #tpu.memory_space<vmem>>) semaphore(%run_scoped3A_1618 : memref<!tpu.dma_semaphore, #tpu.memory_space<semaphore_mem>>)
      %dma_wait3A_1629 = arith.constant 0 : i32
      %dma_wait3A_1630 = tpu.memref_slice %arg8[%run_scoped3A, %dma_wait3A_1629] : memref<8x128xi32, #tpu.memory_space<vmem>> -> memref<1x128xi32, #tpu.memory_space<vmem>>
      %dma_wait3A_1631 = tpu.memref_squeeze %dma_wait3A_1630 : memref<1x128xi32, #tpu.memory_space<vmem>> -> memref<128xi32, #tpu.memory_space<vmem>>
      %dma_wait3A_1632 = arith.constant 0 : i32
      %dma_wait3A_1633 = arith.constant 0 : i32
      %dma_wait3A_1634 = tpu.memref_slice %arg7[%arg0, %dma_wait3A_1632, %dma_wait3A_1633] : memref<2x1000000x16xi32, #tpu.memory_space<hbm>> -> memref<1x1000000x16xi32, #tpu.memory_space<hbm>>
      %dma_wait3A_1635 = tpu.memref_squeeze %dma_wait3A_1634 : memref<1x1000000x16xi32, #tpu.memory_space<hbm>> -> memref<1000000x16xi32, #tpu.memory_space<hbm>>
      %dma_wait3A_1636 = arith.constant 0 : i32
      %dma_wait3A_1637 = arith.constant 0 : i32
      %dma_wait3A_1638 = tpu.memref_slice %dma_wait3A_1635[%dma_wait3A_1636, %dma_wait3A_1637] : memref<1000000x16xi32, #tpu.memory_space<hbm>> -> memref<1000000x16xi32, #tpu.memory_space<hbm>>
      tpu.wait_indirect_dma semaphore(%run_scoped3A_1618 : memref<!tpu.dma_semaphore, #tpu.memory_space<semaphore_mem>>) src(%arg14 : memref<128x16xi32, #tpu.memory_space<vmem>>) dst(%dma_wait3A_1638 : memref<1000000x16xi32, #tpu.memory_space<hbm>>)
      tpu.yield
    }) : () -> ()
    %add3A_429 = arith.constant 0 : i32
    %add3A_430 = vector.broadcast %add3A_429 : i32 to vector<16xi32>
    %add3A_431 = arith.addi %iota3A, %add3A_430 : vector<16xi32>
    %add3A_432 = arith.constant 128 : i32
    %add3A_433 = arith.addi %mul3A_0, %add3A_432 : i32
    %add3A_434 = arith.constant 0 : i32
    %add3A_435 = arith.addi %add3A_433, %add3A_434 : i32
    %add3A_436 = vector.broadcast %add3A_435 : i32 to vector<16xi32>
    %add3A_437 = arith.addi %iota3A, %add3A_436 : vector<16xi32>
    tpu.vector_store_idx %arg14[%add3A_431, %broadcast_in_dim3A_3], %add3A_437 : memref<128x16xi32, #tpu.memory_space<vmem>>[vector<16xi32>, vector<16xi32>], vector<16xi32>,
    %add3A_438 = arith.constant 16 : i32
    %add3A_439 = vector.broadcast %add3A_438 : i32 to vector<16xi32>
    %add3A_440 = arith.addi %iota3A, %add3A_439 : vector<16xi32>
    %add3A_441 = arith.constant 128 : i32
    %add3A_442 = arith.addi %mul3A_0, %add3A_441 : i32
    %add3A_443 = arith.constant 16 : i32
    %add3A_444 = arith.addi %add3A_442, %add3A_443 : i32
    %add3A_445 = vector.broadcast %add3A_444 : i32 to vector<16xi32>
    %add3A_446 = arith.addi %iota3A, %add3A_445 : vector<16xi32>
    tpu.vector_store_idx %arg14[%add3A_440, %broadcast_in_dim3A_3], %add3A_446 : memref<128x16xi32, #tpu.memory_space<vmem>>[vector<16xi32>, vector<16xi32>], vector<16xi32>,
    %add3A_447 = arith.constant 32 : i32
    %add3A_448 = vector.broadcast %add3A_447 : i32 to vector<16xi32>
    %add3A_449 = arith.addi %iota3A, %add3A_448 : vector<16xi32>
    %add3A_450 = arith.constant 128 : i32
    %add3A_451 = arith.addi %mul3A_0, %add3A_450 : i32
    %add3A_452 = arith.constant 32 : i32
    %add3A_453 = arith.addi %add3A_451, %add3A_452 : i32
    %add3A_454 = vector.broadcast %add3A_453 : i32 to vector<16xi32>
    %add3A_455 = arith.addi %iota3A, %add3A_454 : vector<16xi32>
    tpu.vector_store_idx %arg14[%add3A_449, %broadcast_in_dim3A_3], %add3A_455 : memref<128x16xi32, #tpu.memory_space<vmem>>[vector<16xi32>, vector<16xi32>], vector<16xi32>,
    %add3A_456 = arith.constant 48 : i32
    %add3A_457 = vector.broadcast %add3A_456 : i32 to vector<16xi32>
    %add3A_458 = arith.addi %iota3A, %add3A_457 : vector<16xi32>
    %add3A_459 = arith.constant 128 : i32
    %add3A_460 = arith.addi %mul3A_0, %add3A_459 : i32
    %add3A_461 = arith.constant 48 : i32
    %add3A_462 = arith.addi %add3A_460, %add3A_461 : i32
    %add3A_463 = vector.broadcast %add3A_462 : i32 to vector<16xi32>
    %add3A_464 = arith.addi %iota3A, %add3A_463 : vector<16xi32>
    tpu.vector_store_idx %arg14[%add3A_458, %broadcast_in_dim3A_3], %add3A_464 : memref<128x16xi32, #tpu.memory_space<vmem>>[vector<16xi32>, vector<16xi32>], vector<16xi32>,
    %add3A_465 = arith.constant 64 : i32
    %add3A_466 = vector.broadcast %add3A_465 : i32 to vector<16xi32>
    %add3A_467 = arith.addi %iota3A, %add3A_466 : vector<16xi32>
    %add3A_468 = arith.constant 128 : i32
    %add3A_469 = arith.addi %mul3A_0, %add3A_468 : i32
    %add3A_470 = arith.constant 64 : i32
    %add3A_471 = arith.addi %add3A_469, %add3A_470 : i32
    %add3A_472 = vector.broadcast %add3A_471 : i32 to vector<16xi32>
    %add3A_473 = arith.addi %iota3A, %add3A_472 : vector<16xi32>
    tpu.vector_store_idx %arg14[%add3A_467, %broadcast_in_dim3A_3], %add3A_473 : memref<128x16xi32, #tpu.memory_space<vmem>>[vector<16xi32>, vector<16xi32>], vector<16xi32>,
    %add3A_474 = arith.constant 80 : i32
    %add3A_475 = vector.broadcast %add3A_474 : i32 to vector<16xi32>
    %add3A_476 = arith.addi %iota3A, %add3A_475 : vector<16xi32>
    %add3A_477 = arith.constant 128 : i32
    %add3A_478 = arith.addi %mul3A_0, %add3A_477 : i32
    %add3A_479 = arith.constant 80 : i32
    %add3A_480 = arith.addi %add3A_478, %add3A_479 : i32
    %add3A_481 = vector.broadcast %add3A_480 : i32 to vector<16xi32>
    %add3A_482 = arith.addi %iota3A, %add3A_481 : vector<16xi32>
    tpu.vector_store_idx %arg14[%add3A_476, %broadcast_in_dim3A_3], %add3A_482 : memref<128x16xi32, #tpu.memory_space<vmem>>[vector<16xi32>, vector<16xi32>], vector<16xi32>,
    %add3A_483 = arith.constant 96 : i32
    %add3A_484 = vector.broadcast %add3A_483 : i32 to vector<16xi32>
    %add3A_485 = arith.addi %iota3A, %add3A_484 : vector<16xi32>
    %add3A_486 = arith.constant 128 : i32
    %add3A_487 = arith.addi %mul3A_0, %add3A_486 : i32
    %add3A_488 = arith.constant 96 : i32
    %add3A_489 = arith.addi %add3A_487, %add3A_488 : i32
    %add3A_490 = vector.broadcast %add3A_489 : i32 to vector<16xi32>
    %add3A_491 = arith.addi %iota3A, %add3A_490 : vector<16xi32>
    tpu.vector_store_idx %arg14[%add3A_485, %broadcast_in_dim3A_3], %add3A_491 : memref<128x16xi32, #tpu.memory_space<vmem>>[vector<16xi32>, vector<16xi32>], vector<16xi32>,
    %add3A_492 = arith.constant 112 : i32
    %add3A_493 = vector.broadcast %add3A_492 : i32 to vector<16xi32>
    %add3A_494 = arith.addi %iota3A, %add3A_493 : vector<16xi32>
    %add3A_495 = arith.constant 128 : i32
    %add3A_496 = arith.addi %mul3A_0, %add3A_495 : i32
    %add3A_497 = arith.constant 112 : i32
    %add3A_498 = arith.addi %add3A_496, %add3A_497 : i32
    %add3A_499 = vector.broadcast %add3A_498 : i32 to vector<16xi32>
    %add3A_500 = arith.addi %iota3A, %add3A_499 : vector<16xi32>
    tpu.vector_store_idx %arg14[%add3A_494, %broadcast_in_dim3A_3], %add3A_500 : memref<128x16xi32, #tpu.memory_space<vmem>>[vector<16xi32>, vector<16xi32>], vector<16xi32>,
    %run_scoped3A_501 = arith.constant 1 : i32
    "tpu.region"() ({
      %run_scoped3A_1618 = tpu.sem_alloc : memref<!tpu.dma_semaphore, #tpu.memory_space<semaphore_mem>>
      %dma_start3A_1619 = arith.constant 0 : i32
      %dma_start3A_1620 = tpu.memref_slice %arg8[%run_scoped3A_501, %dma_start3A_1619] : memref<8x128xi32, #tpu.memory_space<vmem>> -> memref<1x128xi32, #tpu.memory_space<vmem>>
      %dma_start3A_1621 = tpu.memref_squeeze %dma_start3A_1620 : memref<1x128xi32, #tpu.memory_space<vmem>> -> memref<128xi32, #tpu.memory_space<vmem>>
      %dma_start3A_1622 = arith.constant 0 : i32
      %dma_start3A_1623 = arith.constant 0 : i32
      %dma_start3A_1624 = tpu.memref_slice %arg7[%arg0, %dma_start3A_1622, %dma_start3A_1623] : memref<2x1000000x16xi32, #tpu.memory_space<hbm>> -> memref<1x1000000x16xi32, #tpu.memory_space<hbm>>
      %dma_start3A_1625 = tpu.memref_squeeze %dma_start3A_1624 : memref<1x1000000x16xi32, #tpu.memory_space<hbm>> -> memref<1000000x16xi32, #tpu.memory_space<hbm>>
      %dma_start3A_1626 = arith.constant 0 : i32
      %dma_start3A_1627 = arith.constant 0 : i32
      %dma_start3A_1628 = tpu.memref_slice %dma_start3A_1625[%dma_start3A_1626, %dma_start3A_1627] : memref<1000000x16xi32, #tpu.memory_space<hbm>> -> memref<1000000x16xi32, #tpu.memory_space<hbm>>
      tpu.enqueue_indirect_dma source(%arg14 : memref<128x16xi32, #tpu.memory_space<vmem>>) target(%dma_start3A_1628 : memref<1000000x16xi32, #tpu.memory_space<hbm>>) offsets(%dma_start3A_1621 : memref<128xi32, #tpu.memory_space<vmem>>) semaphore(%run_scoped3A_1618 : memref<!tpu.dma_semaphore, #tpu.memory_space<semaphore_mem>>)
      %dma_wait3A_1629 = arith.constant 0 : i32
      %dma_wait3A_1630 = tpu.memref_slice %arg8[%run_scoped3A_501, %dma_wait3A_1629] : memref<8x128xi32, #tpu.memory_space<vmem>> -> memref<1x128xi32, #tpu.memory_space<vmem>>
      %dma_wait3A_1631 = tpu.memref_squeeze %dma_wait3A_1630 : memref<1x128xi32, #tpu.memory_space<vmem>> -> memref<128xi32, #tpu.memory_space<vmem>>
      %dma_wait3A_1632 = arith.constant 0 : i32
      %dma_wait3A_1633 = arith.constant 0 : i32
      %dma_wait3A_1634 = tpu.memref_slice %arg7[%arg0, %dma_wait3A_1632, %dma_wait3A_1633] : memref<2x1000000x16xi32, #tpu.memory_space<hbm>> -> memref<1x1000000x16xi32, #tpu.memory_space<hbm>>
      %dma_wait3A_1635 = tpu.memref_squeeze %dma_wait3A_1634 : memref<1x1000000x16xi32, #tpu.memory_space<hbm>> -> memref<1000000x16xi32, #tpu.memory_space<hbm>>
      %dma_wait3A_1636 = arith.constant 0 : i32
      %dma_wait3A_1637 = arith.constant 0 : i32
      %dma_wait3A_1638 = tpu.memref_slice %dma_wait3A_1635[%dma_wait3A_1636, %dma_wait3A_1637] : memref<1000000x16xi32, #tpu.memory_space<hbm>> -> memref<1000000x16xi32, #tpu.memory_space<hbm>>
      tpu.wait_indirect_dma semaphore(%run_scoped3A_1618 : memref<!tpu.dma_semaphore, #tpu.memory_space<semaphore_mem>>) src(%arg14 : memref<128x16xi32, #tpu.memory_space<vmem>>) dst(%dma_wait3A_1638 : memref<1000000x16xi32, #tpu.memory_space<hbm>>)
      tpu.yield
    }) : () -> ()
    %add3A_502 = arith.constant 0 : i32
    %add3A_503 = vector.broadcast %add3A_502 : i32 to vector<16xi32>
    %add3A_504 = arith.addi %iota3A, %add3A_503 : vector<16xi32>
    %add3A_505 = arith.constant 256 : i32
    %add3A_506 = arith.addi %mul3A_0, %add3A_505 : i32
    %add3A_507 = arith.constant 0 : i32
    %add3A_508 = arith.addi %add3A_506, %add3A_507 : i32
    %add3A_509 = vector.broadcast %add3A_508 : i32 to vector<16xi32>
    %add3A_510 = arith.addi %iota3A, %add3A_509 : vector<16xi32>
    tpu.vector_store_idx %arg14[%add3A_504, %broadcast_in_dim3A_3], %add3A_510 : memref<128x16xi32, #tpu.memory_space<vmem>>[vector<16xi32>, vector<16xi32>], vector<16xi32>,
    %add3A_511 = arith.constant 16 : i32
    %add3A_512 = vector.broadcast %add3A_511 : i32 to vector<16xi32>
    %add3A_513 = arith.addi %iota3A, %add3A_512 : vector<16xi32>
    %add3A_514 = arith.constant 256 : i32
    %add3A_515 = arith.addi %mul3A_0, %add3A_514 : i32
    %add3A_516 = arith.constant 16 : i32
    %add3A_517 = arith.addi %add3A_515, %add3A_516 : i32
    %add3A_518 = vector.broadcast %add3A_517 : i32 to vector<16xi32>
    %add3A_519 = arith.addi %iota3A, %add3A_518 : vector<16xi32>
    tpu.vector_store_idx %arg14[%add3A_513, %broadcast_in_dim3A_3], %add3A_519 : memref<128x16xi32, #tpu.memory_space<vmem>>[vector<16xi32>, vector<16xi32>], vector<16xi32>,
    %add3A_520 = arith.constant 32 : i32
    %add3A_521 = vector.broadcast %add3A_520 : i32 to vector<16xi32>
    %add3A_522 = arith.addi %iota3A, %add3A_521 : vector<16xi32>
    %add3A_523 = arith.constant 256 : i32
    %add3A_524 = arith.addi %mul3A_0, %add3A_523 : i32
    %add3A_525 = arith.constant 32 : i32
    %add3A_526 = arith.addi %add3A_524, %add3A_525 : i32
    %add3A_527 = vector.broadcast %add3A_526 : i32 to vector<16xi32>
    %add3A_528 = arith.addi %iota3A, %add3A_527 : vector<16xi32>
    tpu.vector_store_idx %arg14[%add3A_522, %broadcast_in_dim3A_3], %add3A_528 : memref<128x16xi32, #tpu.memory_space<vmem>>[vector<16xi32>, vector<16xi32>], vector<16xi32>,
    %add3A_529 = arith.constant 48 : i32
    %add3A_530 = vector.broadcast %add3A_529 : i32 to vector<16xi32>
    %add3A_531 = arith.addi %iota3A, %add3A_530 : vector<16xi32>
    %add3A_532 = arith.constant 256 : i32
    %add3A_533 = arith.addi %mul3A_0, %add3A_532 : i32
    %add3A_534 = arith.constant 48 : i32
    %add3A_535 = arith.addi %add3A_533, %add3A_534 : i32
    %add3A_536 = vector.broadcast %add3A_535 : i32 to vector<16xi32>
    %add3A_537 = arith.addi %iota3A, %add3A_536 : vector<16xi32>
    tpu.vector_store_idx %arg14[%add3A_531, %broadcast_in_dim3A_3], %add3A_537 : memref<128x16xi32, #tpu.memory_space<vmem>>[vector<16xi32>, vector<16xi32>], vector<16xi32>,
    %add3A_538 = arith.constant 64 : i32
    %add3A_539 = vector.broadcast %add3A_538 : i32 to vector<16xi32>
    %add3A_540 = arith.addi %iota3A, %add3A_539 : vector<16xi32>
    %add3A_541 = arith.constant 256 : i32
    %add3A_542 = arith.addi %mul3A_0, %add3A_541 : i32
    %add3A_543 = arith.constant 64 : i32
    %add3A_544 = arith.addi %add3A_542, %add3A_543 : i32
    %add3A_545 = vector.broadcast %add3A_544 : i32 to vector<16xi32>
    %add3A_546 = arith.addi %iota3A, %add3A_545 : vector<16xi32>
    tpu.vector_store_idx %arg14[%add3A_540, %broadcast_in_dim3A_3], %add3A_546 : memref<128x16xi32, #tpu.memory_space<vmem>>[vector<16xi32>, vector<16xi32>], vector<16xi32>,
    %add3A_547 = arith.constant 80 : i32
    %add3A_548 = vector.broadcast %add3A_547 : i32 to vector<16xi32>
    %add3A_549 = arith.addi %iota3A, %add3A_548 : vector<16xi32>
    %add3A_550 = arith.constant 256 : i32
    %add3A_551 = arith.addi %mul3A_0, %add3A_550 : i32
    %add3A_552 = arith.constant 80 : i32
    %add3A_553 = arith.addi %add3A_551, %add3A_552 : i32
    %add3A_554 = vector.broadcast %add3A_553 : i32 to vector<16xi32>
    %add3A_555 = arith.addi %iota3A, %add3A_554 : vector<16xi32>
    tpu.vector_store_idx %arg14[%add3A_549, %broadcast_in_dim3A_3], %add3A_555 : memref<128x16xi32, #tpu.memory_space<vmem>>[vector<16xi32>, vector<16xi32>], vector<16xi32>,
    %add3A_556 = arith.constant 96 : i32
    %add3A_557 = vector.broadcast %add3A_556 : i32 to vector<16xi32>
    %add3A_558 = arith.addi %iota3A, %add3A_557 : vector<16xi32>
    %add3A_559 = arith.constant 256 : i32
    %add3A_560 = arith.addi %mul3A_0, %add3A_559 : i32
    %add3A_561 = arith.constant 96 : i32
    %add3A_562 = arith.addi %add3A_560, %add3A_561 : i32
    %add3A_563 = vector.broadcast %add3A_562 : i32 to vector<16xi32>
    %add3A_564 = arith.addi %iota3A, %add3A_563 : vector<16xi32>
    tpu.vector_store_idx %arg14[%add3A_558, %broadcast_in_dim3A_3], %add3A_564 : memref<128x16xi32, #tpu.memory_space<vmem>>[vector<16xi32>, vector<16xi32>], vector<16xi32>,
    %add3A_565 = arith.constant 112 : i32
    %add3A_566 = vector.broadcast %add3A_565 : i32 to vector<16xi32>
    %add3A_567 = arith.addi %iota3A, %add3A_566 : vector<16xi32>
    %add3A_568 = arith.constant 256 : i32
    %add3A_569 = arith.addi %mul3A_0, %add3A_568 : i32
    %add3A_570 = arith.constant 112 : i32
    %add3A_571 = arith.addi %add3A_569, %add3A_570 : i32
    %add3A_572 = vector.broadcast %add3A_571 : i32 to vector<16xi32>
    %add3A_573 = arith.addi %iota3A, %add3A_572 : vector<16xi32>
    tpu.vector_store_idx %arg14[%add3A_567, %broadcast_in_dim3A_3], %add3A_573 : memref<128x16xi32, #tpu.memory_space<vmem>>[vector<16xi32>, vector<16xi32>], vector<16xi32>,
    %run_scoped3A_574 = arith.constant 2 : i32
    "tpu.region"() ({
      %run_scoped3A_1618 = tpu.sem_alloc : memref<!tpu.dma_semaphore, #tpu.memory_space<semaphore_mem>>
      %dma_start3A_1619 = arith.constant 0 : i32
      %dma_start3A_1620 = tpu.memref_slice %arg8[%run_scoped3A_574, %dma_start3A_1619] : memref<8x128xi32, #tpu.memory_space<vmem>> -> memref<1x128xi32, #tpu.memory_space<vmem>>
      %dma_start3A_1621 = tpu.memref_squeeze %dma_start3A_1620 : memref<1x128xi32, #tpu.memory_space<vmem>> -> memref<128xi32, #tpu.memory_space<vmem>>
      %dma_start3A_1622 = arith.constant 0 : i32
      %dma_start3A_1623 = arith.constant 0 : i32
      %dma_start3A_1624 = tpu.memref_slice %arg7[%arg0, %dma_start3A_1622, %dma_start3A_1623] : memref<2x1000000x16xi32, #tpu.memory_space<hbm>> -> memref<1x1000000x16xi32, #tpu.memory_space<hbm>>
      %dma_start3A_1625 = tpu.memref_squeeze %dma_start3A_1624 : memref<1x1000000x16xi32, #tpu.memory_space<hbm>> -> memref<1000000x16xi32, #tpu.memory_space<hbm>>
      %dma_start3A_1626 = arith.constant 0 : i32
      %dma_start3A_1627 = arith.constant 0 : i32
      %dma_start3A_1628 = tpu.memref_slice %dma_start3A_1625[%dma_start3A_1626, %dma_start3A_1627] : memref<1000000x16xi32, #tpu.memory_space<hbm>> -> memref<1000000x16xi32, #tpu.memory_space<hbm>>
      tpu.enqueue_indirect_dma source(%arg14 : memref<128x16xi32, #tpu.memory_space<vmem>>) target(%dma_start3A_1628 : memref<1000000x16xi32, #tpu.memory_space<hbm>>) offsets(%dma_start3A_1621 : memref<128xi32, #tpu.memory_space<vmem>>) semaphore(%run_scoped3A_1618 : memref<!tpu.dma_semaphore, #tpu.memory_space<semaphore_mem>>)
      %dma_wait3A_1629 = arith.constant 0 : i32
      %dma_wait3A_1630 = tpu.memref_slice %arg8[%run_scoped3A_574, %dma_wait3A_1629] : memref<8x128xi32, #tpu.memory_space<vmem>> -> memref<1x128xi32, #tpu.memory_space<vmem>>
      %dma_wait3A_1631 = tpu.memref_squeeze %dma_wait3A_1630 : memref<1x128xi32, #tpu.memory_space<vmem>> -> memref<128xi32, #tpu.memory_space<vmem>>
      %dma_wait3A_1632 = arith.constant 0 : i32
      %dma_wait3A_1633 = arith.constant 0 : i32
      %dma_wait3A_1634 = tpu.memref_slice %arg7[%arg0, %dma_wait3A_1632, %dma_wait3A_1633] : memref<2x1000000x16xi32, #tpu.memory_space<hbm>> -> memref<1x1000000x16xi32, #tpu.memory_space<hbm>>
      %dma_wait3A_1635 = tpu.memref_squeeze %dma_wait3A_1634 : memref<1x1000000x16xi32, #tpu.memory_space<hbm>> -> memref<1000000x16xi32, #tpu.memory_space<hbm>>
      %dma_wait3A_1636 = arith.constant 0 : i32
      %dma_wait3A_1637 = arith.constant 0 : i32
      %dma_wait3A_1638 = tpu.memref_slice %dma_wait3A_1635[%dma_wait3A_1636, %dma_wait3A_1637] : memref<1000000x16xi32, #tpu.memory_space<hbm>> -> memref<1000000x16xi32, #tpu.memory_space<hbm>>
      tpu.wait_indirect_dma semaphore(%run_scoped3A_1618 : memref<!tpu.dma_semaphore, #tpu.memory_space<semaphore_mem>>) src(%arg14 : memref<128x16xi32, #tpu.memory_space<vmem>>) dst(%dma_wait3A_1638 : memref<1000000x16xi32, #tpu.memory_space<hbm>>)
      tpu.yield
    }) : () -> ()
    %add3A_575 = arith.constant 0 : i32
    %add3A_576 = vector.broadcast %add3A_575 : i32 to vector<16xi32>
    %add3A_577 = arith.addi %iota3A, %add3A_576 : vector<16xi32>
    %add3A_578 = arith.constant 384 : i32
    %add3A_579 = arith.addi %mul3A_0, %add3A_578 : i32
    %add3A_580 = arith.constant 0 : i32
    %add3A_581 = arith.addi %add3A_579, %add3A_580 : i32
    %add3A_582 = vector.broadcast %add3A_581 : i32 to vector<16xi32>
    %add3A_583 = arith.addi %iota3A, %add3A_582 : vector<16xi32>
    tpu.vector_store_idx %arg14[%add3A_577, %broadcast_in_dim3A_3], %add3A_583 : memref<128x16xi32, #tpu.memory_space<vmem>>[vector<16xi32>, vector<16xi32>], vector<16xi32>,
    %add3A_584 = arith.constant 16 : i32
    %add3A_585 = vector.broadcast %add3A_584 : i32 to vector<16xi32>
    %add3A_586 = arith.addi %iota3A, %add3A_585 : vector<16xi32>
    %add3A_587 = arith.constant 384 : i32
    %add3A_588 = arith.addi %mul3A_0, %add3A_587 : i32
    %add3A_589 = arith.constant 16 : i32
    %add3A_590 = arith.addi %add3A_588, %add3A_589 : i32
    %add3A_591 = vector.broadcast %add3A_590 : i32 to vector<16xi32>
    %add3A_592 = arith.addi %iota3A, %add3A_591 : vector<16xi32>
    tpu.vector_store_idx %arg14[%add3A_586, %broadcast_in_dim3A_3], %add3A_592 : memref<128x16xi32, #tpu.memory_space<vmem>>[vector<16xi32>, vector<16xi32>], vector<16xi32>,
    %add3A_593 = arith.constant 32 : i32
    %add3A_594 = vector.broadcast %add3A_593 : i32 to vector<16xi32>
    %add3A_595 = arith.addi %iota3A, %add3A_594 : vector<16xi32>
    %add3A_596 = arith.constant 384 : i32
    %add3A_597 = arith.addi %mul3A_0, %add3A_596 : i32
    %add3A_598 = arith.constant 32 : i32
    %add3A_599 = arith.addi %add3A_597, %add3A_598 : i32
    %add3A_600 = vector.broadcast %add3A_599 : i32 to vector<16xi32>
    %add3A_601 = arith.addi %iota3A, %add3A_600 : vector<16xi32>
    tpu.vector_store_idx %arg14[%add3A_595, %broadcast_in_dim3A_3], %add3A_601 : memref<128x16xi32, #tpu.memory_space<vmem>>[vector<16xi32>, vector<16xi32>], vector<16xi32>,
    %add3A_602 = arith.constant 48 : i32
    %add3A_603 = vector.broadcast %add3A_602 : i32 to vector<16xi32>
    %add3A_604 = arith.addi %iota3A, %add3A_603 : vector<16xi32>
    %add3A_605 = arith.constant 384 : i32
    %add3A_606 = arith.addi %mul3A_0, %add3A_605 : i32
    %add3A_607 = arith.constant 48 : i32
    %add3A_608 = arith.addi %add3A_606, %add3A_607 : i32
    %add3A_609 = vector.broadcast %add3A_608 : i32 to vector<16xi32>
    %add3A_610 = arith.addi %iota3A, %add3A_609 : vector<16xi32>
    tpu.vector_store_idx %arg14[%add3A_604, %broadcast_in_dim3A_3], %add3A_610 : memref<128x16xi32, #tpu.memory_space<vmem>>[vector<16xi32>, vector<16xi32>], vector<16xi32>,
    %add3A_611 = arith.constant 64 : i32
    %add3A_612 = vector.broadcast %add3A_611 : i32 to vector<16xi32>
    %add3A_613 = arith.addi %iota3A, %add3A_612 : vector<16xi32>
    %add3A_614 = arith.constant 384 : i32
    %add3A_615 = arith.addi %mul3A_0, %add3A_614 : i32
    %add3A_616 = arith.constant 64 : i32
    %add3A_617 = arith.addi %add3A_615, %add3A_616 : i32
    %add3A_618 = vector.broadcast %add3A_617 : i32 to vector<16xi32>
    %add3A_619 = arith.addi %iota3A, %add3A_618 : vector<16xi32>
    tpu.vector_store_idx %arg14[%add3A_613, %broadcast_in_dim3A_3], %add3A_619 : memref<128x16xi32, #tpu.memory_space<vmem>>[vector<16xi32>, vector<16xi32>], vector<16xi32>,
    %add3A_620 = arith.constant 80 : i32
    %add3A_621 = vector.broadcast %add3A_620 : i32 to vector<16xi32>
    %add3A_622 = arith.addi %iota3A, %add3A_621 : vector<16xi32>
    %add3A_623 = arith.constant 384 : i32
    %add3A_624 = arith.addi %mul3A_0, %add3A_623 : i32
    %add3A_625 = arith.constant 80 : i32
    %add3A_626 = arith.addi %add3A_624, %add3A_625 : i32
    %add3A_627 = vector.broadcast %add3A_626 : i32 to vector<16xi32>
    %add3A_628 = arith.addi %iota3A, %add3A_627 : vector<16xi32>
    tpu.vector_store_idx %arg14[%add3A_622, %broadcast_in_dim3A_3], %add3A_628 : memref<128x16xi32, #tpu.memory_space<vmem>>[vector<16xi32>, vector<16xi32>], vector<16xi32>,
    %add3A_629 = arith.constant 96 : i32
    %add3A_630 = vector.broadcast %add3A_629 : i32 to vector<16xi32>
    %add3A_631 = arith.addi %iota3A, %add3A_630 : vector<16xi32>
    %add3A_632 = arith.constant 384 : i32
    %add3A_633 = arith.addi %mul3A_0, %add3A_632 : i32
    %add3A_634 = arith.constant 96 : i32
    %add3A_635 = arith.addi %add3A_633, %add3A_634 : i32
    %add3A_636 = vector.broadcast %add3A_635 : i32 to vector<16xi32>
    %add3A_637 = arith.addi %iota3A, %add3A_636 : vector<16xi32>
    tpu.vector_store_idx %arg14[%add3A_631, %broadcast_in_dim3A_3], %add3A_637 : memref<128x16xi32, #tpu.memory_space<vmem>>[vector<16xi32>, vector<16xi32>], vector<16xi32>,
    %add3A_638 = arith.constant 112 : i32
    %add3A_639 = vector.broadcast %add3A_638 : i32 to vector<16xi32>
    %add3A_640 = arith.addi %iota3A, %add3A_639 : vector<16xi32>
    %add3A_641 = arith.constant 384 : i32
    %add3A_642 = arith.addi %mul3A_0, %add3A_641 : i32
    %add3A_643 = arith.constant 112 : i32
    %add3A_644 = arith.addi %add3A_642, %add3A_643 : i32
    %add3A_645 = vector.broadcast %add3A_644 : i32 to vector<16xi32>
    %add3A_646 = arith.addi %iota3A, %add3A_645 : vector<16xi32>
    tpu.vector_store_idx %arg14[%add3A_640, %broadcast_in_dim3A_3], %add3A_646 : memref<128x16xi32, #tpu.memory_space<vmem>>[vector<16xi32>, vector<16xi32>], vector<16xi32>,
    %run_scoped3A_647 = arith.constant 3 : i32
    "tpu.region"() ({
      %run_scoped3A_1618 = tpu.sem_alloc : memref<!tpu.dma_semaphore, #tpu.memory_space<semaphore_mem>>
      %dma_start3A_1619 = arith.constant 0 : i32
      %dma_start3A_1620 = tpu.memref_slice %arg8[%run_scoped3A_647, %dma_start3A_1619] : memref<8x128xi32, #tpu.memory_space<vmem>> -> memref<1x128xi32, #tpu.memory_space<vmem>>
      %dma_start3A_1621 = tpu.memref_squeeze %dma_start3A_1620 : memref<1x128xi32, #tpu.memory_space<vmem>> -> memref<128xi32, #tpu.memory_space<vmem>>
      %dma_start3A_1622 = arith.constant 0 : i32
      %dma_start3A_1623 = arith.constant 0 : i32
      %dma_start3A_1624 = tpu.memref_slice %arg7[%arg0, %dma_start3A_1622, %dma_start3A_1623] : memref<2x1000000x16xi32, #tpu.memory_space<hbm>> -> memref<1x1000000x16xi32, #tpu.memory_space<hbm>>
      %dma_start3A_1625 = tpu.memref_squeeze %dma_start3A_1624 : memref<1x1000000x16xi32, #tpu.memory_space<hbm>> -> memref<1000000x16xi32, #tpu.memory_space<hbm>>
      %dma_start3A_1626 = arith.constant 0 : i32
      %dma_start3A_1627 = arith.constant 0 : i32
      %dma_start3A_1628 = tpu.memref_slice %dma_start3A_1625[%dma_start3A_1626, %dma_start3A_1627] : memref<1000000x16xi32, #tpu.memory_space<hbm>> -> memref<1000000x16xi32, #tpu.memory_space<hbm>>
      tpu.enqueue_indirect_dma source(%arg14 : memref<128x16xi32, #tpu.memory_space<vmem>>) target(%dma_start3A_1628 : memref<1000000x16xi32, #tpu.memory_space<hbm>>) offsets(%dma_start3A_1621 : memref<128xi32, #tpu.memory_space<vmem>>) semaphore(%run_scoped3A_1618 : memref<!tpu.dma_semaphore, #tpu.memory_space<semaphore_mem>>)
      %dma_wait3A_1629 = arith.constant 0 : i32
      %dma_wait3A_1630 = tpu.memref_slice %arg8[%run_scoped3A_647, %dma_wait3A_1629] : memref<8x128xi32, #tpu.memory_space<vmem>> -> memref<1x128xi32, #tpu.memory_space<vmem>>
      %dma_wait3A_1631 = tpu.memref_squeeze %dma_wait3A_1630 : memref<1x128xi32, #tpu.memory_space<vmem>> -> memref<128xi32, #tpu.memory_space<vmem>>
      %dma_wait3A_1632 = arith.constant 0 : i32
      %dma_wait3A_1633 = arith.constant 0 : i32
      %dma_wait3A_1634 = tpu.memref_slice %arg7[%arg0, %dma_wait3A_1632, %dma_wait3A_1633] : memref<2x1000000x16xi32, #tpu.memory_space<hbm>> -> memref<1x1000000x16xi32, #tpu.memory_space<hbm>>
      %dma_wait3A_1635 = tpu.memref_squeeze %dma_wait3A_1634 : memref<1x1000000x16xi32, #tpu.memory_space<hbm>> -> memref<1000000x16xi32, #tpu.memory_space<hbm>>
      %dma_wait3A_1636 = arith.constant 0 : i32
      %dma_wait3A_1637 = arith.constant 0 : i32
      %dma_wait3A_1638 = tpu.memref_slice %dma_wait3A_1635[%dma_wait3A_1636, %dma_wait3A_1637] : memref<1000000x16xi32, #tpu.memory_space<hbm>> -> memref<1000000x16xi32, #tpu.memory_space<hbm>>
      tpu.wait_indirect_dma semaphore(%run_scoped3A_1618 : memref<!tpu.dma_semaphore, #tpu.memory_space<semaphore_mem>>) src(%arg14 : memref<128x16xi32, #tpu.memory_space<vmem>>) dst(%dma_wait3A_1638 : memref<1000000x16xi32, #tpu.memory_space<hbm>>)
      tpu.yield
    }) : () -> ()
    %add3A_648 = arith.constant 0 : i32
    %add3A_649 = vector.broadcast %add3A_648 : i32 to vector<16xi32>
    %add3A_650 = arith.addi %iota3A, %add3A_649 : vector<16xi32>
    %add3A_651 = arith.constant 512 : i32
    %add3A_652 = arith.addi %mul3A_0, %add3A_651 : i32
    %add3A_653 = arith.constant 0 : i32
    %add3A_654 = arith.addi %add3A_652, %add3A_653 : i32
    %add3A_655 = vector.broadcast %add3A_654 : i32 to vector<16xi32>
    %add3A_656 = arith.addi %iota3A, %add3A_655 : vector<16xi32>
    tpu.vector_store_idx %arg14[%add3A_650, %broadcast_in_dim3A_3], %add3A_656 : memref<128x16xi32, #tpu.memory_space<vmem>>[vector<16xi32>, vector<16xi32>], vector<16xi32>,
    %add3A_657 = arith.constant 16 : i32
    %add3A_658 = vector.broadcast %add3A_657 : i32 to vector<16xi32>
    %add3A_659 = arith.addi %iota3A, %add3A_658 : vector<16xi32>
    %add3A_660 = arith.constant 512 : i32
    %add3A_661 = arith.addi %mul3A_0, %add3A_660 : i32
    %add3A_662 = arith.constant 16 : i32
    %add3A_663 = arith.addi %add3A_661, %add3A_662 : i32
    %add3A_664 = vector.broadcast %add3A_663 : i32 to vector<16xi32>
    %add3A_665 = arith.addi %iota3A, %add3A_664 : vector<16xi32>
    tpu.vector_store_idx %arg14[%add3A_659, %broadcast_in_dim3A_3], %add3A_665 : memref<128x16xi32, #tpu.memory_space<vmem>>[vector<16xi32>, vector<16xi32>], vector<16xi32>,
    %add3A_666 = arith.constant 32 : i32
    %add3A_667 = vector.broadcast %add3A_666 : i32 to vector<16xi32>
    %add3A_668 = arith.addi %iota3A, %add3A_667 : vector<16xi32>
    %add3A_669 = arith.constant 512 : i32
    %add3A_670 = arith.addi %mul3A_0, %add3A_669 : i32
    %add3A_671 = arith.constant 32 : i32
    %add3A_672 = arith.addi %add3A_670, %add3A_671 : i32
    %add3A_673 = vector.broadcast %add3A_672 : i32 to vector<16xi32>
    %add3A_674 = arith.addi %iota3A, %add3A_673 : vector<16xi32>
    tpu.vector_store_idx %arg14[%add3A_668, %broadcast_in_dim3A_3], %add3A_674 : memref<128x16xi32, #tpu.memory_space<vmem>>[vector<16xi32>, vector<16xi32>], vector<16xi32>,
    %add3A_675 = arith.constant 48 : i32
    %add3A_676 = vector.broadcast %add3A_675 : i32 to vector<16xi32>
    %add3A_677 = arith.addi %iota3A, %add3A_676 : vector<16xi32>
    %add3A_678 = arith.constant 512 : i32
    %add3A_679 = arith.addi %mul3A_0, %add3A_678 : i32
    %add3A_680 = arith.constant 48 : i32
    %add3A_681 = arith.addi %add3A_679, %add3A_680 : i32
    %add3A_682 = vector.broadcast %add3A_681 : i32 to vector<16xi32>
    %add3A_683 = arith.addi %iota3A, %add3A_682 : vector<16xi32>
    tpu.vector_store_idx %arg14[%add3A_677, %broadcast_in_dim3A_3], %add3A_683 : memref<128x16xi32, #tpu.memory_space<vmem>>[vector<16xi32>, vector<16xi32>], vector<16xi32>,
    %add3A_684 = arith.constant 64 : i32
    %add3A_685 = vector.broadcast %add3A_684 : i32 to vector<16xi32>
    %add3A_686 = arith.addi %iota3A, %add3A_685 : vector<16xi32>
    %add3A_687 = arith.constant 512 : i32
    %add3A_688 = arith.addi %mul3A_0, %add3A_687 : i32
    %add3A_689 = arith.constant 64 : i32
    %add3A_690 = arith.addi %add3A_688, %add3A_689 : i32
    %add3A_691 = vector.broadcast %add3A_690 : i32 to vector<16xi32>
    %add3A_692 = arith.addi %iota3A, %add3A_691 : vector<16xi32>
    tpu.vector_store_idx %arg14[%add3A_686, %broadcast_in_dim3A_3], %add3A_692 : memref<128x16xi32, #tpu.memory_space<vmem>>[vector<16xi32>, vector<16xi32>], vector<16xi32>,
    %add3A_693 = arith.constant 80 : i32
    %add3A_694 = vector.broadcast %add3A_693 : i32 to vector<16xi32>
    %add3A_695 = arith.addi %iota3A, %add3A_694 : vector<16xi32>
    %add3A_696 = arith.constant 512 : i32
    %add3A_697 = arith.addi %mul3A_0, %add3A_696 : i32
    %add3A_698 = arith.constant 80 : i32
    %add3A_699 = arith.addi %add3A_697, %add3A_698 : i32
    %add3A_700 = vector.broadcast %add3A_699 : i32 to vector<16xi32>
    %add3A_701 = arith.addi %iota3A, %add3A_700 : vector<16xi32>
    tpu.vector_store_idx %arg14[%add3A_695, %broadcast_in_dim3A_3], %add3A_701 : memref<128x16xi32, #tpu.memory_space<vmem>>[vector<16xi32>, vector<16xi32>], vector<16xi32>,
    %add3A_702 = arith.constant 96 : i32
    %add3A_703 = vector.broadcast %add3A_702 : i32 to vector<16xi32>
    %add3A_704 = arith.addi %iota3A, %add3A_703 : vector<16xi32>
    %add3A_705 = arith.constant 512 : i32
    %add3A_706 = arith.addi %mul3A_0, %add3A_705 : i32
    %add3A_707 = arith.constant 96 : i32
    %add3A_708 = arith.addi %add3A_706, %add3A_707 : i32
    %add3A_709 = vector.broadcast %add3A_708 : i32 to vector<16xi32>
    %add3A_710 = arith.addi %iota3A, %add3A_709 : vector<16xi32>
    tpu.vector_store_idx %arg14[%add3A_704, %broadcast_in_dim3A_3], %add3A_710 : memref<128x16xi32, #tpu.memory_space<vmem>>[vector<16xi32>, vector<16xi32>], vector<16xi32>,
    %add3A_711 = arith.constant 112 : i32
    %add3A_712 = vector.broadcast %add3A_711 : i32 to vector<16xi32>
    %add3A_713 = arith.addi %iota3A, %add3A_712 : vector<16xi32>
    %add3A_714 = arith.constant 512 : i32
    %add3A_715 = arith.addi %mul3A_0, %add3A_714 : i32
    %add3A_716 = arith.constant 112 : i32
    %add3A_717 = arith.addi %add3A_715, %add3A_716 : i32
    %add3A_718 = vector.broadcast %add3A_717 : i32 to vector<16xi32>
    %add3A_719 = arith.addi %iota3A, %add3A_718 : vector<16xi32>
    tpu.vector_store_idx %arg14[%add3A_713, %broadcast_in_dim3A_3], %add3A_719 : memref<128x16xi32, #tpu.memory_space<vmem>>[vector<16xi32>, vector<16xi32>], vector<16xi32>,
    %run_scoped3A_720 = arith.constant 4 : i32
    "tpu.region"() ({
      %run_scoped3A_1618 = tpu.sem_alloc : memref<!tpu.dma_semaphore, #tpu.memory_space<semaphore_mem>>
      %dma_start3A_1619 = arith.constant 0 : i32
      %dma_start3A_1620 = tpu.memref_slice %arg8[%run_scoped3A_720, %dma_start3A_1619] : memref<8x128xi32, #tpu.memory_space<vmem>> -> memref<1x128xi32, #tpu.memory_space<vmem>>
      %dma_start3A_1621 = tpu.memref_squeeze %dma_start3A_1620 : memref<1x128xi32, #tpu.memory_space<vmem>> -> memref<128xi32, #tpu.memory_space<vmem>>
      %dma_start3A_1622 = arith.constant 0 : i32
      %dma_start3A_1623 = arith.constant 0 : i32
      %dma_start3A_1624 = tpu.memref_slice %arg7[%arg0, %dma_start3A_1622, %dma_start3A_1623] : memref<2x1000000x16xi32, #tpu.memory_space<hbm>> -> memref<1x1000000x16xi32, #tpu.memory_space<hbm>>
      %dma_start3A_1625 = tpu.memref_squeeze %dma_start3A_1624 : memref<1x1000000x16xi32, #tpu.memory_space<hbm>> -> memref<1000000x16xi32, #tpu.memory_space<hbm>>
      %dma_start3A_1626 = arith.constant 0 : i32
      %dma_start3A_1627 = arith.constant 0 : i32
      %dma_start3A_1628 = tpu.memref_slice %dma_start3A_1625[%dma_start3A_1626, %dma_start3A_1627] : memref<1000000x16xi32, #tpu.memory_space<hbm>> -> memref<1000000x16xi32, #tpu.memory_space<hbm>>
      tpu.enqueue_indirect_dma source(%arg14 : memref<128x16xi32, #tpu.memory_space<vmem>>) target(%dma_start3A_1628 : memref<1000000x16xi32, #tpu.memory_space<hbm>>) offsets(%dma_start3A_1621 : memref<128xi32, #tpu.memory_space<vmem>>) semaphore(%run_scoped3A_1618 : memref<!tpu.dma_semaphore, #tpu.memory_space<semaphore_mem>>)
      %dma_wait3A_1629 = arith.constant 0 : i32
      %dma_wait3A_1630 = tpu.memref_slice %arg8[%run_scoped3A_720, %dma_wait3A_1629] : memref<8x128xi32, #tpu.memory_space<vmem>> -> memref<1x128xi32, #tpu.memory_space<vmem>>
      %dma_wait3A_1631 = tpu.memref_squeeze %dma_wait3A_1630 : memref<1x128xi32, #tpu.memory_space<vmem>> -> memref<128xi32, #tpu.memory_space<vmem>>
      %dma_wait3A_1632 = arith.constant 0 : i32
      %dma_wait3A_1633 = arith.constant 0 : i32
      %dma_wait3A_1634 = tpu.memref_slice %arg7[%arg0, %dma_wait3A_1632, %dma_wait3A_1633] : memref<2x1000000x16xi32, #tpu.memory_space<hbm>> -> memref<1x1000000x16xi32, #tpu.memory_space<hbm>>
      %dma_wait3A_1635 = tpu.memref_squeeze %dma_wait3A_1634 : memref<1x1000000x16xi32, #tpu.memory_space<hbm>> -> memref<1000000x16xi32, #tpu.memory_space<hbm>>
      %dma_wait3A_1636 = arith.constant 0 : i32
      %dma_wait3A_1637 = arith.constant 0 : i32
      %dma_wait3A_1638 = tpu.memref_slice %dma_wait3A_1635[%dma_wait3A_1636, %dma_wait3A_1637] : memref<1000000x16xi32, #tpu.memory_space<hbm>> -> memref<1000000x16xi32, #tpu.memory_space<hbm>>
      tpu.wait_indirect_dma semaphore(%run_scoped3A_1618 : memref<!tpu.dma_semaphore, #tpu.memory_space<semaphore_mem>>) src(%arg14 : memref<128x16xi32, #tpu.memory_space<vmem>>) dst(%dma_wait3A_1638 : memref<1000000x16xi32, #tpu.memory_space<hbm>>)
      tpu.yield
    }) : () -> ()
    %add3A_721 = arith.constant 0 : i32
    %add3A_722 = vector.broadcast %add3A_721 : i32 to vector<16xi32>
    %add3A_723 = arith.addi %iota3A, %add3A_722 : vector<16xi32>
    %add3A_724 = arith.constant 640 : i32
    %add3A_725 = arith.addi %mul3A_0, %add3A_724 : i32
    %add3A_726 = arith.constant 0 : i32
    %add3A_727 = arith.addi %add3A_725, %add3A_726 : i32
    %add3A_728 = vector.broadcast %add3A_727 : i32 to vector<16xi32>
    %add3A_729 = arith.addi %iota3A, %add3A_728 : vector<16xi32>
    tpu.vector_store_idx %arg14[%add3A_723, %broadcast_in_dim3A_3], %add3A_729 : memref<128x16xi32, #tpu.memory_space<vmem>>[vector<16xi32>, vector<16xi32>], vector<16xi32>,
    %add3A_730 = arith.constant 16 : i32
    %add3A_731 = vector.broadcast %add3A_730 : i32 to vector<16xi32>
    %add3A_732 = arith.addi %iota3A, %add3A_731 : vector<16xi32>
    %add3A_733 = arith.constant 640 : i32
    %add3A_734 = arith.addi %mul3A_0, %add3A_733 : i32
    %add3A_735 = arith.constant 16 : i32
    %add3A_736 = arith.addi %add3A_734, %add3A_735 : i32
    %add3A_737 = vector.broadcast %add3A_736 : i32 to vector<16xi32>
    %add3A_738 = arith.addi %iota3A, %add3A_737 : vector<16xi32>
    tpu.vector_store_idx %arg14[%add3A_732, %broadcast_in_dim3A_3], %add3A_738 : memref<128x16xi32, #tpu.memory_space<vmem>>[vector<16xi32>, vector<16xi32>], vector<16xi32>,
    %add3A_739 = arith.constant 32 : i32
    %add3A_740 = vector.broadcast %add3A_739 : i32 to vector<16xi32>
    %add3A_741 = arith.addi %iota3A, %add3A_740 : vector<16xi32>
    %add3A_742 = arith.constant 640 : i32
    %add3A_743 = arith.addi %mul3A_0, %add3A_742 : i32
    %add3A_744 = arith.constant 32 : i32
    %add3A_745 = arith.addi %add3A_743, %add3A_744 : i32
    %add3A_746 = vector.broadcast %add3A_745 : i32 to vector<16xi32>
    %add3A_747 = arith.addi %iota3A, %add3A_746 : vector<16xi32>
    tpu.vector_store_idx %arg14[%add3A_741, %broadcast_in_dim3A_3], %add3A_747 : memref<128x16xi32, #tpu.memory_space<vmem>>[vector<16xi32>, vector<16xi32>], vector<16xi32>,
    %add3A_748 = arith.constant 48 : i32
    %add3A_749 = vector.broadcast %add3A_748 : i32 to vector<16xi32>
    %add3A_750 = arith.addi %iota3A, %add3A_749 : vector<16xi32>
    %add3A_751 = arith.constant 640 : i32
    %add3A_752 = arith.addi %mul3A_0, %add3A_751 : i32
    %add3A_753 = arith.constant 48 : i32
    %add3A_754 = arith.addi %add3A_752, %add3A_753 : i32
    %add3A_755 = vector.broadcast %add3A_754 : i32 to vector<16xi32>
    %add3A_756 = arith.addi %iota3A, %add3A_755 : vector<16xi32>
    tpu.vector_store_idx %arg14[%add3A_750, %broadcast_in_dim3A_3], %add3A_756 : memref<128x16xi32, #tpu.memory_space<vmem>>[vector<16xi32>, vector<16xi32>], vector<16xi32>,
    %add3A_757 = arith.constant 64 : i32
    %add3A_758 = vector.broadcast %add3A_757 : i32 to vector<16xi32>
    %add3A_759 = arith.addi %iota3A, %add3A_758 : vector<16xi32>
    %add3A_760 = arith.constant 640 : i32
    %add3A_761 = arith.addi %mul3A_0, %add3A_760 : i32
    %add3A_762 = arith.constant 64 : i32
    %add3A_763 = arith.addi %add3A_761, %add3A_762 : i32
    %add3A_764 = vector.broadcast %add3A_763 : i32 to vector<16xi32>
    %add3A_765 = arith.addi %iota3A, %add3A_764 : vector<16xi32>
    tpu.vector_store_idx %arg14[%add3A_759, %broadcast_in_dim3A_3], %add3A_765 : memref<128x16xi32, #tpu.memory_space<vmem>>[vector<16xi32>, vector<16xi32>], vector<16xi32>,
    %add3A_766 = arith.constant 80 : i32
    %add3A_767 = vector.broadcast %add3A_766 : i32 to vector<16xi32>
    %add3A_768 = arith.addi %iota3A, %add3A_767 : vector<16xi32>
    %add3A_769 = arith.constant 640 : i32
    %add3A_770 = arith.addi %mul3A_0, %add3A_769 : i32
    %add3A_771 = arith.constant 80 : i32
    %add3A_772 = arith.addi %add3A_770, %add3A_771 : i32
    %add3A_773 = vector.broadcast %add3A_772 : i32 to vector<16xi32>
    %add3A_774 = arith.addi %iota3A, %add3A_773 : vector<16xi32>
    tpu.vector_store_idx %arg14[%add3A_768, %broadcast_in_dim3A_3], %add3A_774 : memref<128x16xi32, #tpu.memory_space<vmem>>[vector<16xi32>, vector<16xi32>], vector<16xi32>,
    %add3A_775 = arith.constant 96 : i32
    %add3A_776 = vector.broadcast %add3A_775 : i32 to vector<16xi32>
    %add3A_777 = arith.addi %iota3A, %add3A_776 : vector<16xi32>
    %add3A_778 = arith.constant 640 : i32
    %add3A_779 = arith.addi %mul3A_0, %add3A_778 : i32
    %add3A_780 = arith.constant 96 : i32
    %add3A_781 = arith.addi %add3A_779, %add3A_780 : i32
    %add3A_782 = vector.broadcast %add3A_781 : i32 to vector<16xi32>
    %add3A_783 = arith.addi %iota3A, %add3A_782 : vector<16xi32>
    tpu.vector_store_idx %arg14[%add3A_777, %broadcast_in_dim3A_3], %add3A_783 : memref<128x16xi32, #tpu.memory_space<vmem>>[vector<16xi32>, vector<16xi32>], vector<16xi32>,
    %add3A_784 = arith.constant 112 : i32
    %add3A_785 = vector.broadcast %add3A_784 : i32 to vector<16xi32>
    %add3A_786 = arith.addi %iota3A, %add3A_785 : vector<16xi32>
    %add3A_787 = arith.constant 640 : i32
    %add3A_788 = arith.addi %mul3A_0, %add3A_787 : i32
    %add3A_789 = arith.constant 112 : i32
    %add3A_790 = arith.addi %add3A_788, %add3A_789 : i32
    %add3A_791 = vector.broadcast %add3A_790 : i32 to vector<16xi32>
    %add3A_792 = arith.addi %iota3A, %add3A_791 : vector<16xi32>
    tpu.vector_store_idx %arg14[%add3A_786, %broadcast_in_dim3A_3], %add3A_792 : memref<128x16xi32, #tpu.memory_space<vmem>>[vector<16xi32>, vector<16xi32>], vector<16xi32>,
    %run_scoped3A_793 = arith.constant 5 : i32
    "tpu.region"() ({
      %run_scoped3A_1618 = tpu.sem_alloc : memref<!tpu.dma_semaphore, #tpu.memory_space<semaphore_mem>>
      %dma_start3A_1619 = arith.constant 0 : i32
      %dma_start3A_1620 = tpu.memref_slice %arg8[%run_scoped3A_793, %dma_start3A_1619] : memref<8x128xi32, #tpu.memory_space<vmem>> -> memref<1x128xi32, #tpu.memory_space<vmem>>
      %dma_start3A_1621 = tpu.memref_squeeze %dma_start3A_1620 : memref<1x128xi32, #tpu.memory_space<vmem>> -> memref<128xi32, #tpu.memory_space<vmem>>
      %dma_start3A_1622 = arith.constant 0 : i32
      %dma_start3A_1623 = arith.constant 0 : i32
      %dma_start3A_1624 = tpu.memref_slice %arg7[%arg0, %dma_start3A_1622, %dma_start3A_1623] : memref<2x1000000x16xi32, #tpu.memory_space<hbm>> -> memref<1x1000000x16xi32, #tpu.memory_space<hbm>>
      %dma_start3A_1625 = tpu.memref_squeeze %dma_start3A_1624 : memref<1x1000000x16xi32, #tpu.memory_space<hbm>> -> memref<1000000x16xi32, #tpu.memory_space<hbm>>
      %dma_start3A_1626 = arith.constant 0 : i32
      %dma_start3A_1627 = arith.constant 0 : i32
      %dma_start3A_1628 = tpu.memref_slice %dma_start3A_1625[%dma_start3A_1626, %dma_start3A_1627] : memref<1000000x16xi32, #tpu.memory_space<hbm>> -> memref<1000000x16xi32, #tpu.memory_space<hbm>>
      tpu.enqueue_indirect_dma source(%arg14 : memref<128x16xi32, #tpu.memory_space<vmem>>) target(%dma_start3A_1628 : memref<1000000x16xi32, #tpu.memory_space<hbm>>) offsets(%dma_start3A_1621 : memref<128xi32, #tpu.memory_space<vmem>>) semaphore(%run_scoped3A_1618 : memref<!tpu.dma_semaphore, #tpu.memory_space<semaphore_mem>>)
      %dma_wait3A_1629 = arith.constant 0 : i32
      %dma_wait3A_1630 = tpu.memref_slice %arg8[%run_scoped3A_793, %dma_wait3A_1629] : memref<8x128xi32, #tpu.memory_space<vmem>> -> memref<1x128xi32, #tpu.memory_space<vmem>>
      %dma_wait3A_1631 = tpu.memref_squeeze %dma_wait3A_1630 : memref<1x128xi32, #tpu.memory_space<vmem>> -> memref<128xi32, #tpu.memory_space<vmem>>
      %dma_wait3A_1632 = arith.constant 0 : i32
      %dma_wait3A_1633 = arith.constant 0 : i32
      %dma_wait3A_1634 = tpu.memref_slice %arg7[%arg0, %dma_wait3A_1632, %dma_wait3A_1633] : memref<2x1000000x16xi32, #tpu.memory_space<hbm>> -> memref<1x1000000x16xi32, #tpu.memory_space<hbm>>
      %dma_wait3A_1635 = tpu.memref_squeeze %dma_wait3A_1634 : memref<1x1000000x16xi32, #tpu.memory_space<hbm>> -> memref<1000000x16xi32, #tpu.memory_space<hbm>>
      %dma_wait3A_1636 = arith.constant 0 : i32
      %dma_wait3A_1637 = arith.constant 0 : i32
      %dma_wait3A_1638 = tpu.memref_slice %dma_wait3A_1635[%dma_wait3A_1636, %dma_wait3A_1637] : memref<1000000x16xi32, #tpu.memory_space<hbm>> -> memref<1000000x16xi32, #tpu.memory_space<hbm>>
      tpu.wait_indirect_dma semaphore(%run_scoped3A_1618 : memref<!tpu.dma_semaphore, #tpu.memory_space<semaphore_mem>>) src(%arg14 : memref<128x16xi32, #tpu.memory_space<vmem>>) dst(%dma_wait3A_1638 : memref<1000000x16xi32, #tpu.memory_space<hbm>>)
      tpu.yield
    }) : () -> ()
    %add3A_794 = arith.constant 0 : i32
    %add3A_795 = vector.broadcast %add3A_794 : i32 to vector<16xi32>
    %add3A_796 = arith.addi %iota3A, %add3A_795 : vector<16xi32>
    %add3A_797 = arith.constant 768 : i32
    %add3A_798 = arith.addi %mul3A_0, %add3A_797 : i32
    %add3A_799 = arith.constant 0 : i32
    %add3A_800 = arith.addi %add3A_798, %add3A_799 : i32
    %add3A_801 = vector.broadcast %add3A_800 : i32 to vector<16xi32>
    %add3A_802 = arith.addi %iota3A, %add3A_801 : vector<16xi32>
    tpu.vector_store_idx %arg14[%add3A_796, %broadcast_in_dim3A_3], %add3A_802 : memref<128x16xi32, #tpu.memory_space<vmem>>[vector<16xi32>, vector<16xi32>], vector<16xi32>,
    %add3A_803 = arith.constant 16 : i32
    %add3A_804 = vector.broadcast %add3A_803 : i32 to vector<16xi32>
    %add3A_805 = arith.addi %iota3A, %add3A_804 : vector<16xi32>
    %add3A_806 = arith.constant 768 : i32
    %add3A_807 = arith.addi %mul3A_0, %add3A_806 : i32
    %add3A_808 = arith.constant 16 : i32
    %add3A_809 = arith.addi %add3A_807, %add3A_808 : i32
    %add3A_810 = vector.broadcast %add3A_809 : i32 to vector<16xi32>
    %add3A_811 = arith.addi %iota3A, %add3A_810 : vector<16xi32>
    tpu.vector_store_idx %arg14[%add3A_805, %broadcast_in_dim3A_3], %add3A_811 : memref<128x16xi32, #tpu.memory_space<vmem>>[vector<16xi32>, vector<16xi32>], vector<16xi32>,
    %add3A_812 = arith.constant 32 : i32
    %add3A_813 = vector.broadcast %add3A_812 : i32 to vector<16xi32>
    %add3A_814 = arith.addi %iota3A, %add3A_813 : vector<16xi32>
    %add3A_815 = arith.constant 768 : i32
    %add3A_816 = arith.addi %mul3A_0, %add3A_815 : i32
    %add3A_817 = arith.constant 32 : i32
    %add3A_818 = arith.addi %add3A_816, %add3A_817 : i32
    %add3A_819 = vector.broadcast %add3A_818 : i32 to vector<16xi32>
    %add3A_820 = arith.addi %iota3A, %add3A_819 : vector<16xi32>
    tpu.vector_store_idx %arg14[%add3A_814, %broadcast_in_dim3A_3], %add3A_820 : memref<128x16xi32, #tpu.memory_space<vmem>>[vector<16xi32>, vector<16xi32>], vector<16xi32>,
    %add3A_821 = arith.constant 48 : i32
    %add3A_822 = vector.broadcast %add3A_821 : i32 to vector<16xi32>
    %add3A_823 = arith.addi %iota3A, %add3A_822 : vector<16xi32>
    %add3A_824 = arith.constant 768 : i32
    %add3A_825 = arith.addi %mul3A_0, %add3A_824 : i32
    %add3A_826 = arith.constant 48 : i32
    %add3A_827 = arith.addi %add3A_825, %add3A_826 : i32
    %add3A_828 = vector.broadcast %add3A_827 : i32 to vector<16xi32>
    %add3A_829 = arith.addi %iota3A, %add3A_828 : vector<16xi32>
    tpu.vector_store_idx %arg14[%add3A_823, %broadcast_in_dim3A_3], %add3A_829 : memref<128x16xi32, #tpu.memory_space<vmem>>[vector<16xi32>, vector<16xi32>], vector<16xi32>,
    %add3A_830 = arith.constant 64 : i32
    %add3A_831 = vector.broadcast %add3A_830 : i32 to vector<16xi32>
    %add3A_832 = arith.addi %iota3A, %add3A_831 : vector<16xi32>
    %add3A_833 = arith.constant 768 : i32
    %add3A_834 = arith.addi %mul3A_0, %add3A_833 : i32
    %add3A_835 = arith.constant 64 : i32
    %add3A_836 = arith.addi %add3A_834, %add3A_835 : i32
    %add3A_837 = vector.broadcast %add3A_836 : i32 to vector<16xi32>
    %add3A_838 = arith.addi %iota3A, %add3A_837 : vector<16xi32>
    tpu.vector_store_idx %arg14[%add3A_832, %broadcast_in_dim3A_3], %add3A_838 : memref<128x16xi32, #tpu.memory_space<vmem>>[vector<16xi32>, vector<16xi32>], vector<16xi32>,
    %add3A_839 = arith.constant 80 : i32
    %add3A_840 = vector.broadcast %add3A_839 : i32 to vector<16xi32>
    %add3A_841 = arith.addi %iota3A, %add3A_840 : vector<16xi32>
    %add3A_842 = arith.constant 768 : i32
    %add3A_843 = arith.addi %mul3A_0, %add3A_842 : i32
    %add3A_844 = arith.constant 80 : i32
    %add3A_845 = arith.addi %add3A_843, %add3A_844 : i32
    %add3A_846 = vector.broadcast %add3A_845 : i32 to vector<16xi32>
    %add3A_847 = arith.addi %iota3A, %add3A_846 : vector<16xi32>
    tpu.vector_store_idx %arg14[%add3A_841, %broadcast_in_dim3A_3], %add3A_847 : memref<128x16xi32, #tpu.memory_space<vmem>>[vector<16xi32>, vector<16xi32>], vector<16xi32>,
    %add3A_848 = arith.constant 96 : i32
    %add3A_849 = vector.broadcast %add3A_848 : i32 to vector<16xi32>
    %add3A_850 = arith.addi %iota3A, %add3A_849 : vector<16xi32>
    %add3A_851 = arith.constant 768 : i32
    %add3A_852 = arith.addi %mul3A_0, %add3A_851 : i32
    %add3A_853 = arith.constant 96 : i32
    %add3A_854 = arith.addi %add3A_852, %add3A_853 : i32
    %add3A_855 = vector.broadcast %add3A_854 : i32 to vector<16xi32>
    %add3A_856 = arith.addi %iota3A, %add3A_855 : vector<16xi32>
    tpu.vector_store_idx %arg14[%add3A_850, %broadcast_in_dim3A_3], %add3A_856 : memref<128x16xi32, #tpu.memory_space<vmem>>[vector<16xi32>, vector<16xi32>], vector<16xi32>,
    %add3A_857 = arith.constant 112 : i32
    %add3A_858 = vector.broadcast %add3A_857 : i32 to vector<16xi32>
    %add3A_859 = arith.addi %iota3A, %add3A_858 : vector<16xi32>
    %add3A_860 = arith.constant 768 : i32
    %add3A_861 = arith.addi %mul3A_0, %add3A_860 : i32
    %add3A_862 = arith.constant 112 : i32
    %add3A_863 = arith.addi %add3A_861, %add3A_862 : i32
    %add3A_864 = vector.broadcast %add3A_863 : i32 to vector<16xi32>
    %add3A_865 = arith.addi %iota3A, %add3A_864 : vector<16xi32>
    tpu.vector_store_idx %arg14[%add3A_859, %broadcast_in_dim3A_3], %add3A_865 : memref<128x16xi32, #tpu.memory_space<vmem>>[vector<16xi32>, vector<16xi32>], vector<16xi32>,
    %run_scoped3A_866 = arith.constant 6 : i32
    "tpu.region"() ({
      %run_scoped3A_1618 = tpu.sem_alloc : memref<!tpu.dma_semaphore, #tpu.memory_space<semaphore_mem>>
      %dma_start3A_1619 = arith.constant 0 : i32
      %dma_start3A_1620 = tpu.memref_slice %arg8[%run_scoped3A_866, %dma_start3A_1619] : memref<8x128xi32, #tpu.memory_space<vmem>> -> memref<1x128xi32, #tpu.memory_space<vmem>>
      %dma_start3A_1621 = tpu.memref_squeeze %dma_start3A_1620 : memref<1x128xi32, #tpu.memory_space<vmem>> -> memref<128xi32, #tpu.memory_space<vmem>>
      %dma_start3A_1622 = arith.constant 0 : i32
      %dma_start3A_1623 = arith.constant 0 : i32
      %dma_start3A_1624 = tpu.memref_slice %arg7[%arg0, %dma_start3A_1622, %dma_start3A_1623] : memref<2x1000000x16xi32, #tpu.memory_space<hbm>> -> memref<1x1000000x16xi32, #tpu.memory_space<hbm>>
      %dma_start3A_1625 = tpu.memref_squeeze %dma_start3A_1624 : memref<1x1000000x16xi32, #tpu.memory_space<hbm>> -> memref<1000000x16xi32, #tpu.memory_space<hbm>>
      %dma_start3A_1626 = arith.constant 0 : i32
      %dma_start3A_1627 = arith.constant 0 : i32
      %dma_start3A_1628 = tpu.memref_slice %dma_start3A_1625[%dma_start3A_1626, %dma_start3A_1627] : memref<1000000x16xi32, #tpu.memory_space<hbm>> -> memref<1000000x16xi32, #tpu.memory_space<hbm>>
      tpu.enqueue_indirect_dma source(%arg14 : memref<128x16xi32, #tpu.memory_space<vmem>>) target(%dma_start3A_1628 : memref<1000000x16xi32, #tpu.memory_space<hbm>>) offsets(%dma_start3A_1621 : memref<128xi32, #tpu.memory_space<vmem>>) semaphore(%run_scoped3A_1618 : memref<!tpu.dma_semaphore, #tpu.memory_space<semaphore_mem>>)
      %dma_wait3A_1629 = arith.constant 0 : i32
      %dma_wait3A_1630 = tpu.memref_slice %arg8[%run_scoped3A_866, %dma_wait3A_1629] : memref<8x128xi32, #tpu.memory_space<vmem>> -> memref<1x128xi32, #tpu.memory_space<vmem>>
      %dma_wait3A_1631 = tpu.memref_squeeze %dma_wait3A_1630 : memref<1x128xi32, #tpu.memory_space<vmem>> -> memref<128xi32, #tpu.memory_space<vmem>>
      %dma_wait3A_1632 = arith.constant 0 : i32
      %dma_wait3A_1633 = arith.constant 0 : i32
      %dma_wait3A_1634 = tpu.memref_slice %arg7[%arg0, %dma_wait3A_1632, %dma_wait3A_1633] : memref<2x1000000x16xi32, #tpu.memory_space<hbm>> -> memref<1x1000000x16xi32, #tpu.memory_space<hbm>>
      %dma_wait3A_1635 = tpu.memref_squeeze %dma_wait3A_1634 : memref<1x1000000x16xi32, #tpu.memory_space<hbm>> -> memref<1000000x16xi32, #tpu.memory_space<hbm>>
      %dma_wait3A_1636 = arith.constant 0 : i32
      %dma_wait3A_1637 = arith.constant 0 : i32
      %dma_wait3A_1638 = tpu.memref_slice %dma_wait3A_1635[%dma_wait3A_1636, %dma_wait3A_1637] : memref<1000000x16xi32, #tpu.memory_space<hbm>> -> memref<1000000x16xi32, #tpu.memory_space<hbm>>
      tpu.wait_indirect_dma semaphore(%run_scoped3A_1618 : memref<!tpu.dma_semaphore, #tpu.memory_space<semaphore_mem>>) src(%arg14 : memref<128x16xi32, #tpu.memory_space<vmem>>) dst(%dma_wait3A_1638 : memref<1000000x16xi32, #tpu.memory_space<hbm>>)
      tpu.yield
    }) : () -> ()
    %add3A_867 = arith.constant 0 : i32
    %add3A_868 = vector.broadcast %add3A_867 : i32 to vector<16xi32>
    %add3A_869 = arith.addi %iota3A, %add3A_868 : vector<16xi32>
    %add3A_870 = arith.constant 896 : i32
    %add3A_871 = arith.addi %mul3A_0, %add3A_870 : i32
    %add3A_872 = arith.constant 0 : i32
    %add3A_873 = arith.addi %add3A_871, %add3A_872 : i32
    %add3A_874 = vector.broadcast %add3A_873 : i32 to vector<16xi32>
    %add3A_875 = arith.addi %iota3A, %add3A_874 : vector<16xi32>
    tpu.vector_store_idx %arg14[%add3A_869, %broadcast_in_dim3A_3], %add3A_875 : memref<128x16xi32, #tpu.memory_space<vmem>>[vector<16xi32>, vector<16xi32>], vector<16xi32>,
    %add3A_876 = arith.constant 16 : i32
    %add3A_877 = vector.broadcast %add3A_876 : i32 to vector<16xi32>
    %add3A_878 = arith.addi %iota3A, %add3A_877 : vector<16xi32>
    %add3A_879 = arith.constant 896 : i32
    %add3A_880 = arith.addi %mul3A_0, %add3A_879 : i32
    %add3A_881 = arith.constant 16 : i32
    %add3A_882 = arith.addi %add3A_880, %add3A_881 : i32
    %add3A_883 = vector.broadcast %add3A_882 : i32 to vector<16xi32>
    %add3A_884 = arith.addi %iota3A, %add3A_883 : vector<16xi32>
    tpu.vector_store_idx %arg14[%add3A_878, %broadcast_in_dim3A_3], %add3A_884 : memref<128x16xi32, #tpu.memory_space<vmem>>[vector<16xi32>, vector<16xi32>], vector<16xi32>,
    %add3A_885 = arith.constant 32 : i32
    %add3A_886 = vector.broadcast %add3A_885 : i32 to vector<16xi32>
    %add3A_887 = arith.addi %iota3A, %add3A_886 : vector<16xi32>
    %add3A_888 = arith.constant 896 : i32
    %add3A_889 = arith.addi %mul3A_0, %add3A_888 : i32
    %add3A_890 = arith.constant 32 : i32
    %add3A_891 = arith.addi %add3A_889, %add3A_890 : i32
    %add3A_892 = vector.broadcast %add3A_891 : i32 to vector<16xi32>
    %add3A_893 = arith.addi %iota3A, %add3A_892 : vector<16xi32>
    tpu.vector_store_idx %arg14[%add3A_887, %broadcast_in_dim3A_3], %add3A_893 : memref<128x16xi32, #tpu.memory_space<vmem>>[vector<16xi32>, vector<16xi32>], vector<16xi32>,
    %add3A_894 = arith.constant 48 : i32
    %add3A_895 = vector.broadcast %add3A_894 : i32 to vector<16xi32>
    %add3A_896 = arith.addi %iota3A, %add3A_895 : vector<16xi32>
    %add3A_897 = arith.constant 896 : i32
    %add3A_898 = arith.addi %mul3A_0, %add3A_897 : i32
    %add3A_899 = arith.constant 48 : i32
    %add3A_900 = arith.addi %add3A_898, %add3A_899 : i32
    %add3A_901 = vector.broadcast %add3A_900 : i32 to vector<16xi32>
    %add3A_902 = arith.addi %iota3A, %add3A_901 : vector<16xi32>
    tpu.vector_store_idx %arg14[%add3A_896, %broadcast_in_dim3A_3], %add3A_902 : memref<128x16xi32, #tpu.memory_space<vmem>>[vector<16xi32>, vector<16xi32>], vector<16xi32>,
    %add3A_903 = arith.constant 64 : i32
    %add3A_904 = vector.broadcast %add3A_903 : i32 to vector<16xi32>
    %add3A_905 = arith.addi %iota3A, %add3A_904 : vector<16xi32>
    %add3A_906 = arith.constant 896 : i32
    %add3A_907 = arith.addi %mul3A_0, %add3A_906 : i32
    %add3A_908 = arith.constant 64 : i32
    %add3A_909 = arith.addi %add3A_907, %add3A_908 : i32
    %add3A_910 = vector.broadcast %add3A_909 : i32 to vector<16xi32>
    %add3A_911 = arith.addi %iota3A, %add3A_910 : vector<16xi32>
    tpu.vector_store_idx %arg14[%add3A_905, %broadcast_in_dim3A_3], %add3A_911 : memref<128x16xi32, #tpu.memory_space<vmem>>[vector<16xi32>, vector<16xi32>], vector<16xi32>,
    %add3A_912 = arith.constant 80 : i32
    %add3A_913 = vector.broadcast %add3A_912 : i32 to vector<16xi32>
    %add3A_914 = arith.addi %iota3A, %add3A_913 : vector<16xi32>
    %add3A_915 = arith.constant 896 : i32
    %add3A_916 = arith.addi %mul3A_0, %add3A_915 : i32
    %add3A_917 = arith.constant 80 : i32
    %add3A_918 = arith.addi %add3A_916, %add3A_917 : i32
    %add3A_919 = vector.broadcast %add3A_918 : i32 to vector<16xi32>
    %add3A_920 = arith.addi %iota3A, %add3A_919 : vector<16xi32>
    tpu.vector_store_idx %arg14[%add3A_914, %broadcast_in_dim3A_3], %add3A_920 : memref<128x16xi32, #tpu.memory_space<vmem>>[vector<16xi32>, vector<16xi32>], vector<16xi32>,
    %add3A_921 = arith.constant 96 : i32
    %add3A_922 = vector.broadcast %add3A_921 : i32 to vector<16xi32>
    %add3A_923 = arith.addi %iota3A, %add3A_922 : vector<16xi32>
    %add3A_924 = arith.constant 896 : i32
    %add3A_925 = arith.addi %mul3A_0, %add3A_924 : i32
    %add3A_926 = arith.constant 96 : i32
    %add3A_927 = arith.addi %add3A_925, %add3A_926 : i32
    %add3A_928 = vector.broadcast %add3A_927 : i32 to vector<16xi32>
    %add3A_929 = arith.addi %iota3A, %add3A_928 : vector<16xi32>
    tpu.vector_store_idx %arg14[%add3A_923, %broadcast_in_dim3A_3], %add3A_929 : memref<128x16xi32, #tpu.memory_space<vmem>>[vector<16xi32>, vector<16xi32>], vector<16xi32>,
    %add3A_930 = arith.constant 112 : i32
    %add3A_931 = vector.broadcast %add3A_930 : i32 to vector<16xi32>
    %add3A_932 = arith.addi %iota3A, %add3A_931 : vector<16xi32>
    %add3A_933 = arith.constant 896 : i32
    %add3A_934 = arith.addi %mul3A_0, %add3A_933 : i32
    %add3A_935 = arith.constant 112 : i32
    %add3A_936 = arith.addi %add3A_934, %add3A_935 : i32
    %add3A_937 = vector.broadcast %add3A_936 : i32 to vector<16xi32>
    %add3A_938 = arith.addi %iota3A, %add3A_937 : vector<16xi32>
    tpu.vector_store_idx %arg14[%add3A_932, %broadcast_in_dim3A_3], %add3A_938 : memref<128x16xi32, #tpu.memory_space<vmem>>[vector<16xi32>, vector<16xi32>], vector<16xi32>,
    %run_scoped3A_939 = arith.constant 7 : i32
    "tpu.region"() ({
      %run_scoped3A_1618 = tpu.sem_alloc : memref<!tpu.dma_semaphore, #tpu.memory_space<semaphore_mem>>
      %dma_start3A_1619 = arith.constant 0 : i32
      %dma_start3A_1620 = tpu.memref_slice %arg8[%run_scoped3A_939, %dma_start3A_1619] : memref<8x128xi32, #tpu.memory_space<vmem>> -> memref<1x128xi32, #tpu.memory_space<vmem>>
      %dma_start3A_1621 = tpu.memref_squeeze %dma_start3A_1620 : memref<1x128xi32, #tpu.memory_space<vmem>> -> memref<128xi32, #tpu.memory_space<vmem>>
      %dma_start3A_1622 = arith.constant 0 : i32
      %dma_start3A_1623 = arith.constant 0 : i32
      %dma_start3A_1624 = tpu.memref_slice %arg7[%arg0, %dma_start3A_1622, %dma_start3A_1623] : memref<2x1000000x16xi32, #tpu.memory_space<hbm>> -> memref<1x1000000x16xi32, #tpu.memory_space<hbm>>
      %dma_start3A_1625 = tpu.memref_squeeze %dma_start3A_1624 : memref<1x1000000x16xi32, #tpu.memory_space<hbm>> -> memref<1000000x16xi32, #tpu.memory_space<hbm>>
      %dma_start3A_1626 = arith.constant 0 : i32
      %dma_start3A_1627 = arith.constant 0 : i32
      %dma_start3A_1628 = tpu.memref_slice %dma_start3A_1625[%dma_start3A_1626, %dma_start3A_1627] : memref<1000000x16xi32, #tpu.memory_space<hbm>> -> memref<1000000x16xi32, #tpu.memory_space<hbm>>
      tpu.enqueue_indirect_dma source(%arg14 : memref<128x16xi32, #tpu.memory_space<vmem>>) target(%dma_start3A_1628 : memref<1000000x16xi32, #tpu.memory_space<hbm>>) offsets(%dma_start3A_1621 : memref<128xi32, #tpu.memory_space<vmem>>) semaphore(%run_scoped3A_1618 : memref<!tpu.dma_semaphore, #tpu.memory_space<semaphore_mem>>)
      %dma_wait3A_1629 = arith.constant 0 : i32
      %dma_wait3A_1630 = tpu.memref_slice %arg8[%run_scoped3A_939, %dma_wait3A_1629] : memref<8x128xi32, #tpu.memory_space<vmem>> -> memref<1x128xi32, #tpu.memory_space<vmem>>
      %dma_wait3A_1631 = tpu.memref_squeeze %dma_wait3A_1630 : memref<1x128xi32, #tpu.memory_space<vmem>> -> memref<128xi32, #tpu.memory_space<vmem>>
      %dma_wait3A_1632 = arith.constant 0 : i32
      %dma_wait3A_1633 = arith.constant 0 : i32
      %dma_wait3A_1634 = tpu.memref_slice %arg7[%arg0, %dma_wait3A_1632, %dma_wait3A_1633] : memref<2x1000000x16xi32, #tpu.memory_space<hbm>> -> memref<1x1000000x16xi32, #tpu.memory_space<hbm>>
      %dma_wait3A_1635 = tpu.memref_squeeze %dma_wait3A_1634 : memref<1x1000000x16xi32, #tpu.memory_space<hbm>> -> memref<1000000x16xi32, #tpu.memory_space<hbm>>
      %dma_wait3A_1636 = arith.constant 0 : i32
      %dma_wait3A_1637 = arith.constant 0 : i32
      %dma_wait3A_1638 = tpu.memref_slice %dma_wait3A_1635[%dma_wait3A_1636, %dma_wait3A_1637] : memref<1000000x16xi32, #tpu.memory_space<hbm>> -> memref<1000000x16xi32, #tpu.memory_space<hbm>>
      tpu.wait_indirect_dma semaphore(%run_scoped3A_1618 : memref<!tpu.dma_semaphore, #tpu.memory_space<semaphore_mem>>) src(%arg14 : memref<128x16xi32, #tpu.memory_space<vmem>>) dst(%dma_wait3A_1638 : memref<1000000x16xi32, #tpu.memory_space<hbm>>)
      tpu.yield
    }) : () -> ()
    %dma_start3A = arith.constant 0 : i32
    %dma_start3A_940 = arith.constant 0 : i32
    %dma_start3A_941 = arith.constant 0 : i32
    %dma_start3A_942 = tpu.memref_slice %arg11[%dma_start3A_940, %dma_start3A_941] : memref<1024x32xf32, #tpu.memory_space<vmem>> -> memref<128x32xf32, #tpu.memory_space<vmem>>
    %dma_start3A_943 = arith.constant 0 : i32
    %dma_start3A_944 = tpu.memref_slice %arg8[%dma_start3A, %dma_start3A_943] : memref<8x128xi32, #tpu.memory_space<vmem>> -> memref<1x128xi32, #tpu.memory_space<vmem>>
    %dma_start3A_945 = tpu.memref_squeeze %dma_start3A_944 : memref<1x128xi32, #tpu.memory_space<vmem>> -> memref<128xi32, #tpu.memory_space<vmem>>
    %dma_start3A_946 = arith.constant 0 : i32
    %dma_start3A_947 = arith.constant 0 : i32
    %dma_start3A_948 = tpu.memref_slice %arg2[%dma_start3A_946, %dma_start3A_947] : memref<1000000x32xf32, #tpu.memory_space<hbm>> -> memref<1000000x32xf32, #tpu.memory_space<hbm>>
    tpu.enqueue_indirect_dma source(%dma_start3A_948 : memref<1000000x32xf32, #tpu.memory_space<hbm>>) target(%dma_start3A_942 : memref<128x32xf32, #tpu.memory_space<vmem>>) offsets(%dma_start3A_945 : memref<128xi32, #tpu.memory_space<vmem>>) semaphore(%arg17 : memref<!tpu.dma_semaphore, #tpu.memory_space<semaphore_mem>>)
    %dma_start3A_949 = arith.constant 1 : i32
    %dma_start3A_950 = arith.constant 128 : i32
    %dma_start3A_951 = arith.constant 0 : i32
    %dma_start3A_952 = tpu.memref_slice %arg11[%dma_start3A_950, %dma_start3A_951] : memref<1024x32xf32, #tpu.memory_space<vmem>> -> memref<128x32xf32, #tpu.memory_space<vmem>>
    %dma_start3A_953 = arith.constant 0 : i32
    %dma_start3A_954 = tpu.memref_slice %arg8[%dma_start3A_949, %dma_start3A_953] : memref<8x128xi32, #tpu.memory_space<vmem>> -> memref<1x128xi32, #tpu.memory_space<vmem>>
    %dma_start3A_955 = tpu.memref_squeeze %dma_start3A_954 : memref<1x128xi32, #tpu.memory_space<vmem>> -> memref<128xi32, #tpu.memory_space<vmem>>
    %dma_start3A_956 = arith.constant 0 : i32
    %dma_start3A_957 = arith.constant 0 : i32
    %dma_start3A_958 = tpu.memref_slice %arg2[%dma_start3A_956, %dma_start3A_957] : memref<1000000x32xf32, #tpu.memory_space<hbm>> -> memref<1000000x32xf32, #tpu.memory_space<hbm>>
    tpu.enqueue_indirect_dma source(%dma_start3A_958 : memref<1000000x32xf32, #tpu.memory_space<hbm>>) target(%dma_start3A_952 : memref<128x32xf32, #tpu.memory_space<vmem>>) offsets(%dma_start3A_955 : memref<128xi32, #tpu.memory_space<vmem>>) semaphore(%arg17 : memref<!tpu.dma_semaphore, #tpu.memory_space<semaphore_mem>>)
    %dma_start3A_959 = arith.constant 2 : i32
    %dma_start3A_960 = arith.constant 256 : i32
    %dma_start3A_961 = arith.constant 0 : i32
    %dma_start3A_962 = tpu.memref_slice %arg11[%dma_start3A_960, %dma_start3A_961] : memref<1024x32xf32, #tpu.memory_space<vmem>> -> memref<128x32xf32, #tpu.memory_space<vmem>>
    %dma_start3A_963 = arith.constant 0 : i32
    %dma_start3A_964 = tpu.memref_slice %arg8[%dma_start3A_959, %dma_start3A_963] : memref<8x128xi32, #tpu.memory_space<vmem>> -> memref<1x128xi32, #tpu.memory_space<vmem>>
    %dma_start3A_965 = tpu.memref_squeeze %dma_start3A_964 : memref<1x128xi32, #tpu.memory_space<vmem>> -> memref<128xi32, #tpu.memory_space<vmem>>
    %dma_start3A_966 = arith.constant 0 : i32
    %dma_start3A_967 = arith.constant 0 : i32
    %dma_start3A_968 = tpu.memref_slice %arg2[%dma_start3A_966, %dma_start3A_967] : memref<1000000x32xf32, #tpu.memory_space<hbm>> -> memref<1000000x32xf32, #tpu.memory_space<hbm>>
    tpu.enqueue_indirect_dma source(%dma_start3A_968 : memref<1000000x32xf32, #tpu.memory_space<hbm>>) target(%dma_start3A_962 : memref<128x32xf32, #tpu.memory_space<vmem>>) offsets(%dma_start3A_965 : memref<128xi32, #tpu.memory_space<vmem>>) semaphore(%arg17 : memref<!tpu.dma_semaphore, #tpu.memory_space<semaphore_mem>>)
    %dma_start3A_969 = arith.constant 3 : i32
    %dma_start3A_970 = arith.constant 384 : i32
    %dma_start3A_971 = arith.constant 0 : i32
    %dma_start3A_972 = tpu.memref_slice %arg11[%dma_start3A_970, %dma_start3A_971] : memref<1024x32xf32, #tpu.memory_space<vmem>> -> memref<128x32xf32, #tpu.memory_space<vmem>>
    %dma_start3A_973 = arith.constant 0 : i32
    %dma_start3A_974 = tpu.memref_slice %arg8[%dma_start3A_969, %dma_start3A_973] : memref<8x128xi32, #tpu.memory_space<vmem>> -> memref<1x128xi32, #tpu.memory_space<vmem>>
    %dma_start3A_975 = tpu.memref_squeeze %dma_start3A_974 : memref<1x128xi32, #tpu.memory_space<vmem>> -> memref<128xi32, #tpu.memory_space<vmem>>
    %dma_start3A_976 = arith.constant 0 : i32
    %dma_start3A_977 = arith.constant 0 : i32
    %dma_start3A_978 = tpu.memref_slice %arg2[%dma_start3A_976, %dma_start3A_977] : memref<1000000x32xf32, #tpu.memory_space<hbm>> -> memref<1000000x32xf32, #tpu.memory_space<hbm>>
    tpu.enqueue_indirect_dma source(%dma_start3A_978 : memref<1000000x32xf32, #tpu.memory_space<hbm>>) target(%dma_start3A_972 : memref<128x32xf32, #tpu.memory_space<vmem>>) offsets(%dma_start3A_975 : memref<128xi32, #tpu.memory_space<vmem>>) semaphore(%arg17 : memref<!tpu.dma_semaphore, #tpu.memory_space<semaphore_mem>>)
    %dma_start3A_979 = arith.constant 4 : i32
    %dma_start3A_980 = arith.constant 512 : i32
    %dma_start3A_981 = arith.constant 0 : i32
    %dma_start3A_982 = tpu.memref_slice %arg11[%dma_start3A_980, %dma_start3A_981] : memref<1024x32xf32, #tpu.memory_space<vmem>> -> memref<128x32xf32, #tpu.memory_space<vmem>>
    %dma_start3A_983 = arith.constant 0 : i32
    %dma_start3A_984 = tpu.memref_slice %arg8[%dma_start3A_979, %dma_start3A_983] : memref<8x128xi32, #tpu.memory_space<vmem>> -> memref<1x128xi32, #tpu.memory_space<vmem>>
    %dma_start3A_985 = tpu.memref_squeeze %dma_start3A_984 : memref<1x128xi32, #tpu.memory_space<vmem>> -> memref<128xi32, #tpu.memory_space<vmem>>
    %dma_start3A_986 = arith.constant 0 : i32
    %dma_start3A_987 = arith.constant 0 : i32
    %dma_start3A_988 = tpu.memref_slice %arg2[%dma_start3A_986, %dma_start3A_987] : memref<1000000x32xf32, #tpu.memory_space<hbm>> -> memref<1000000x32xf32, #tpu.memory_space<hbm>>
    tpu.enqueue_indirect_dma source(%dma_start3A_988 : memref<1000000x32xf32, #tpu.memory_space<hbm>>) target(%dma_start3A_982 : memref<128x32xf32, #tpu.memory_space<vmem>>) offsets(%dma_start3A_985 : memref<128xi32, #tpu.memory_space<vmem>>) semaphore(%arg17 : memref<!tpu.dma_semaphore, #tpu.memory_space<semaphore_mem>>)
    %dma_start3A_989 = arith.constant 5 : i32
    %dma_start3A_990 = arith.constant 640 : i32
    %dma_start3A_991 = arith.constant 0 : i32
    %dma_start3A_992 = tpu.memref_slice %arg11[%dma_start3A_990, %dma_start3A_991] : memref<1024x32xf32, #tpu.memory_space<vmem>> -> memref<128x32xf32, #tpu.memory_space<vmem>>
    %dma_start3A_993 = arith.constant 0 : i32
    %dma_start3A_994 = tpu.memref_slice %arg8[%dma_start3A_989, %dma_start3A_993] : memref<8x128xi32, #tpu.memory_space<vmem>> -> memref<1x128xi32, #tpu.memory_space<vmem>>
    %dma_start3A_995 = tpu.memref_squeeze %dma_start3A_994 : memref<1x128xi32, #tpu.memory_space<vmem>> -> memref<128xi32, #tpu.memory_space<vmem>>
    %dma_start3A_996 = arith.constant 0 : i32
    %dma_start3A_997 = arith.constant 0 : i32
    %dma_start3A_998 = tpu.memref_slice %arg2[%dma_start3A_996, %dma_start3A_997] : memref<1000000x32xf32, #tpu.memory_space<hbm>> -> memref<1000000x32xf32, #tpu.memory_space<hbm>>
    tpu.enqueue_indirect_dma source(%dma_start3A_998 : memref<1000000x32xf32, #tpu.memory_space<hbm>>) target(%dma_start3A_992 : memref<128x32xf32, #tpu.memory_space<vmem>>) offsets(%dma_start3A_995 : memref<128xi32, #tpu.memory_space<vmem>>) semaphore(%arg17 : memref<!tpu.dma_semaphore, #tpu.memory_space<semaphore_mem>>)
    %dma_start3A_999 = arith.constant 6 : i32
    %dma_start3A_1000 = arith.constant 768 : i32
    %dma_start3A_1001 = arith.constant 0 : i32
    %dma_start3A_1002 = tpu.memref_slice %arg11[%dma_start3A_1000, %dma_start3A_1001] : memref<1024x32xf32, #tpu.memory_space<vmem>> -> memref<128x32xf32, #tpu.memory_space<vmem>>
    %dma_start3A_1003 = arith.constant 0 : i32
    %dma_start3A_1004 = tpu.memref_slice %arg8[%dma_start3A_999, %dma_start3A_1003] : memref<8x128xi32, #tpu.memory_space<vmem>> -> memref<1x128xi32, #tpu.memory_space<vmem>>
    %dma_start3A_1005 = tpu.memref_squeeze %dma_start3A_1004 : memref<1x128xi32, #tpu.memory_space<vmem>> -> memref<128xi32, #tpu.memory_space<vmem>>
    %dma_start3A_1006 = arith.constant 0 : i32
    %dma_start3A_1007 = arith.constant 0 : i32
    %dma_start3A_1008 = tpu.memref_slice %arg2[%dma_start3A_1006, %dma_start3A_1007] : memref<1000000x32xf32, #tpu.memory_space<hbm>> -> memref<1000000x32xf32, #tpu.memory_space<hbm>>
    tpu.enqueue_indirect_dma source(%dma_start3A_1008 : memref<1000000x32xf32, #tpu.memory_space<hbm>>) target(%dma_start3A_1002 : memref<128x32xf32, #tpu.memory_space<vmem>>) offsets(%dma_start3A_1005 : memref<128xi32, #tpu.memory_space<vmem>>) semaphore(%arg17 : memref<!tpu.dma_semaphore, #tpu.memory_space<semaphore_mem>>)
    %dma_start3A_1009 = arith.constant 7 : i32
    %dma_start3A_1010 = arith.constant 896 : i32
    %dma_start3A_1011 = arith.constant 0 : i32
    %dma_start3A_1012 = tpu.memref_slice %arg11[%dma_start3A_1010, %dma_start3A_1011] : memref<1024x32xf32, #tpu.memory_space<vmem>> -> memref<128x32xf32, #tpu.memory_space<vmem>>
    %dma_start3A_1013 = arith.constant 0 : i32
    %dma_start3A_1014 = tpu.memref_slice %arg8[%dma_start3A_1009, %dma_start3A_1013] : memref<8x128xi32, #tpu.memory_space<vmem>> -> memref<1x128xi32, #tpu.memory_space<vmem>>
    %dma_start3A_1015 = tpu.memref_squeeze %dma_start3A_1014 : memref<1x128xi32, #tpu.memory_space<vmem>> -> memref<128xi32, #tpu.memory_space<vmem>>
    %dma_start3A_1016 = arith.constant 0 : i32
    %dma_start3A_1017 = arith.constant 0 : i32
    %dma_start3A_1018 = tpu.memref_slice %arg2[%dma_start3A_1016, %dma_start3A_1017] : memref<1000000x32xf32, #tpu.memory_space<hbm>> -> memref<1000000x32xf32, #tpu.memory_space<hbm>>
    tpu.enqueue_indirect_dma source(%dma_start3A_1018 : memref<1000000x32xf32, #tpu.memory_space<hbm>>) target(%dma_start3A_1012 : memref<128x32xf32, #tpu.memory_space<vmem>>) offsets(%dma_start3A_1015 : memref<128xi32, #tpu.memory_space<vmem>>) semaphore(%arg17 : memref<!tpu.dma_semaphore, #tpu.memory_space<semaphore_mem>>)
    %dma_wait3A = arith.constant 0 : i32
    %dma_wait3A_1019 = arith.constant 0 : i32
    %dma_wait3A_1020 = arith.constant 0 : i32
    %dma_wait3A_1021 = tpu.memref_slice %arg11[%dma_wait3A_1019, %dma_wait3A_1020] : memref<1024x32xf32, #tpu.memory_space<vmem>> -> memref<128x32xf32, #tpu.memory_space<vmem>>
    %dma_wait3A_1022 = arith.constant 0 : i32
    %dma_wait3A_1023 = tpu.memref_slice %arg8[%dma_wait3A, %dma_wait3A_1022] : memref<8x128xi32, #tpu.memory_space<vmem>> -> memref<1x128xi32, #tpu.memory_space<vmem>>
    %dma_wait3A_1024 = tpu.memref_squeeze %dma_wait3A_1023 : memref<1x128xi32, #tpu.memory_space<vmem>> -> memref<128xi32, #tpu.memory_space<vmem>>
    %dma_wait3A_1025 = arith.constant 0 : i32
    %dma_wait3A_1026 = arith.constant 0 : i32
    %dma_wait3A_1027 = tpu.memref_slice %arg2[%dma_wait3A_1025, %dma_wait3A_1026] : memref<1000000x32xf32, #tpu.memory_space<hbm>> -> memref<1000000x32xf32, #tpu.memory_space<hbm>>
    tpu.wait_indirect_dma semaphore(%arg17 : memref<!tpu.dma_semaphore, #tpu.memory_space<semaphore_mem>>) src(%dma_wait3A_1027 : memref<1000000x32xf32, #tpu.memory_space<hbm>>) dst(%dma_wait3A_1021 : memref<128x32xf32, #tpu.memory_space<vmem>>)
    %dma_wait3A_1028 = arith.constant 1 : i32
    %dma_wait3A_1029 = arith.constant 128 : i32
    %dma_wait3A_1030 = arith.constant 0 : i32
    %dma_wait3A_1031 = tpu.memref_slice %arg11[%dma_wait3A_1029, %dma_wait3A_1030] : memref<1024x32xf32, #tpu.memory_space<vmem>> -> memref<128x32xf32, #tpu.memory_space<vmem>>
    %dma_wait3A_1032 = arith.constant 0 : i32
    %dma_wait3A_1033 = tpu.memref_slice %arg8[%dma_wait3A_1028, %dma_wait3A_1032] : memref<8x128xi32, #tpu.memory_space<vmem>> -> memref<1x128xi32, #tpu.memory_space<vmem>>
    %dma_wait3A_1034 = tpu.memref_squeeze %dma_wait3A_1033 : memref<1x128xi32, #tpu.memory_space<vmem>> -> memref<128xi32, #tpu.memory_space<vmem>>
    %dma_wait3A_1035 = arith.constant 0 : i32
    %dma_wait3A_1036 = arith.constant 0 : i32
    %dma_wait3A_1037 = tpu.memref_slice %arg2[%dma_wait3A_1035, %dma_wait3A_1036] : memref<1000000x32xf32, #tpu.memory_space<hbm>> -> memref<1000000x32xf32, #tpu.memory_space<hbm>>
    tpu.wait_indirect_dma semaphore(%arg17 : memref<!tpu.dma_semaphore, #tpu.memory_space<semaphore_mem>>) src(%dma_wait3A_1037 : memref<1000000x32xf32, #tpu.memory_space<hbm>>) dst(%dma_wait3A_1031 : memref<128x32xf32, #tpu.memory_space<vmem>>)
    %dma_wait3A_1038 = arith.constant 2 : i32
    %dma_wait3A_1039 = arith.constant 256 : i32
    %dma_wait3A_1040 = arith.constant 0 : i32
    %dma_wait3A_1041 = tpu.memref_slice %arg11[%dma_wait3A_1039, %dma_wait3A_1040] : memref<1024x32xf32, #tpu.memory_space<vmem>> -> memref<128x32xf32, #tpu.memory_space<vmem>>
    %dma_wait3A_1042 = arith.constant 0 : i32
    %dma_wait3A_1043 = tpu.memref_slice %arg8[%dma_wait3A_1038, %dma_wait3A_1042] : memref<8x128xi32, #tpu.memory_space<vmem>> -> memref<1x128xi32, #tpu.memory_space<vmem>>
    %dma_wait3A_1044 = tpu.memref_squeeze %dma_wait3A_1043 : memref<1x128xi32, #tpu.memory_space<vmem>> -> memref<128xi32, #tpu.memory_space<vmem>>
    %dma_wait3A_1045 = arith.constant 0 : i32
    %dma_wait3A_1046 = arith.constant 0 : i32
    %dma_wait3A_1047 = tpu.memref_slice %arg2[%dma_wait3A_1045, %dma_wait3A_1046] : memref<1000000x32xf32, #tpu.memory_space<hbm>> -> memref<1000000x32xf32, #tpu.memory_space<hbm>>
    tpu.wait_indirect_dma semaphore(%arg17 : memref<!tpu.dma_semaphore, #tpu.memory_space<semaphore_mem>>) src(%dma_wait3A_1047 : memref<1000000x32xf32, #tpu.memory_space<hbm>>) dst(%dma_wait3A_1041 : memref<128x32xf32, #tpu.memory_space<vmem>>)
    %dma_wait3A_1048 = arith.constant 3 : i32
    %dma_wait3A_1049 = arith.constant 384 : i32
    %dma_wait3A_1050 = arith.constant 0 : i32
    %dma_wait3A_1051 = tpu.memref_slice %arg11[%dma_wait3A_1049, %dma_wait3A_1050] : memref<1024x32xf32, #tpu.memory_space<vmem>> -> memref<128x32xf32, #tpu.memory_space<vmem>>
    %dma_wait3A_1052 = arith.constant 0 : i32
    %dma_wait3A_1053 = tpu.memref_slice %arg8[%dma_wait3A_1048, %dma_wait3A_1052] : memref<8x128xi32, #tpu.memory_space<vmem>> -> memref<1x128xi32, #tpu.memory_space<vmem>>
    %dma_wait3A_1054 = tpu.memref_squeeze %dma_wait3A_1053 : memref<1x128xi32, #tpu.memory_space<vmem>> -> memref<128xi32, #tpu.memory_space<vmem>>
    %dma_wait3A_1055 = arith.constant 0 : i32
    %dma_wait3A_1056 = arith.constant 0 : i32
    %dma_wait3A_1057 = tpu.memref_slice %arg2[%dma_wait3A_1055, %dma_wait3A_1056] : memref<1000000x32xf32, #tpu.memory_space<hbm>> -> memref<1000000x32xf32, #tpu.memory_space<hbm>>
    tpu.wait_indirect_dma semaphore(%arg17 : memref<!tpu.dma_semaphore, #tpu.memory_space<semaphore_mem>>) src(%dma_wait3A_1057 : memref<1000000x32xf32, #tpu.memory_space<hbm>>) dst(%dma_wait3A_1051 : memref<128x32xf32, #tpu.memory_space<vmem>>)
    %dma_wait3A_1058 = arith.constant 4 : i32
    %dma_wait3A_1059 = arith.constant 512 : i32
    %dma_wait3A_1060 = arith.constant 0 : i32
    %dma_wait3A_1061 = tpu.memref_slice %arg11[%dma_wait3A_1059, %dma_wait3A_1060] : memref<1024x32xf32, #tpu.memory_space<vmem>> -> memref<128x32xf32, #tpu.memory_space<vmem>>
    %dma_wait3A_1062 = arith.constant 0 : i32
    %dma_wait3A_1063 = tpu.memref_slice %arg8[%dma_wait3A_1058, %dma_wait3A_1062] : memref<8x128xi32, #tpu.memory_space<vmem>> -> memref<1x128xi32, #tpu.memory_space<vmem>>
    %dma_wait3A_1064 = tpu.memref_squeeze %dma_wait3A_1063 : memref<1x128xi32, #tpu.memory_space<vmem>> -> memref<128xi32, #tpu.memory_space<vmem>>
    %dma_wait3A_1065 = arith.constant 0 : i32
    %dma_wait3A_1066 = arith.constant 0 : i32
    %dma_wait3A_1067 = tpu.memref_slice %arg2[%dma_wait3A_1065, %dma_wait3A_1066] : memref<1000000x32xf32, #tpu.memory_space<hbm>> -> memref<1000000x32xf32, #tpu.memory_space<hbm>>
    tpu.wait_indirect_dma semaphore(%arg17 : memref<!tpu.dma_semaphore, #tpu.memory_space<semaphore_mem>>) src(%dma_wait3A_1067 : memref<1000000x32xf32, #tpu.memory_space<hbm>>) dst(%dma_wait3A_1061 : memref<128x32xf32, #tpu.memory_space<vmem>>)
    %dma_wait3A_1068 = arith.constant 5 : i32
    %dma_wait3A_1069 = arith.constant 640 : i32
    %dma_wait3A_1070 = arith.constant 0 : i32
    %dma_wait3A_1071 = tpu.memref_slice %arg11[%dma_wait3A_1069, %dma_wait3A_1070] : memref<1024x32xf32, #tpu.memory_space<vmem>> -> memref<128x32xf32, #tpu.memory_space<vmem>>
    %dma_wait3A_1072 = arith.constant 0 : i32
    %dma_wait3A_1073 = tpu.memref_slice %arg8[%dma_wait3A_1068, %dma_wait3A_1072] : memref<8x128xi32, #tpu.memory_space<vmem>> -> memref<1x128xi32, #tpu.memory_space<vmem>>
    %dma_wait3A_1074 = tpu.memref_squeeze %dma_wait3A_1073 : memref<1x128xi32, #tpu.memory_space<vmem>> -> memref<128xi32, #tpu.memory_space<vmem>>
    %dma_wait3A_1075 = arith.constant 0 : i32
    %dma_wait3A_1076 = arith.constant 0 : i32
    %dma_wait3A_1077 = tpu.memref_slice %arg2[%dma_wait3A_1075, %dma_wait3A_1076] : memref<1000000x32xf32, #tpu.memory_space<hbm>> -> memref<1000000x32xf32, #tpu.memory_space<hbm>>
    tpu.wait_indirect_dma semaphore(%arg17 : memref<!tpu.dma_semaphore, #tpu.memory_space<semaphore_mem>>) src(%dma_wait3A_1077 : memref<1000000x32xf32, #tpu.memory_space<hbm>>) dst(%dma_wait3A_1071 : memref<128x32xf32, #tpu.memory_space<vmem>>)
    %dma_wait3A_1078 = arith.constant 6 : i32
    %dma_wait3A_1079 = arith.constant 768 : i32
    %dma_wait3A_1080 = arith.constant 0 : i32
    %dma_wait3A_1081 = tpu.memref_slice %arg11[%dma_wait3A_1079, %dma_wait3A_1080] : memref<1024x32xf32, #tpu.memory_space<vmem>> -> memref<128x32xf32, #tpu.memory_space<vmem>>
    %dma_wait3A_1082 = arith.constant 0 : i32
    %dma_wait3A_1083 = tpu.memref_slice %arg8[%dma_wait3A_1078, %dma_wait3A_1082] : memref<8x128xi32, #tpu.memory_space<vmem>> -> memref<1x128xi32, #tpu.memory_space<vmem>>
    %dma_wait3A_1084 = tpu.memref_squeeze %dma_wait3A_1083 : memref<1x128xi32, #tpu.memory_space<vmem>> -> memref<128xi32, #tpu.memory_space<vmem>>
    %dma_wait3A_1085 = arith.constant 0 : i32
    %dma_wait3A_1086 = arith.constant 0 : i32
    %dma_wait3A_1087 = tpu.memref_slice %arg2[%dma_wait3A_1085, %dma_wait3A_1086] : memref<1000000x32xf32, #tpu.memory_space<hbm>> -> memref<1000000x32xf32, #tpu.memory_space<hbm>>
    tpu.wait_indirect_dma semaphore(%arg17 : memref<!tpu.dma_semaphore, #tpu.memory_space<semaphore_mem>>) src(%dma_wait3A_1087 : memref<1000000x32xf32, #tpu.memory_space<hbm>>) dst(%dma_wait3A_1081 : memref<128x32xf32, #tpu.memory_space<vmem>>)
    %dma_wait3A_1088 = arith.constant 7 : i32
    %dma_wait3A_1089 = arith.constant 896 : i32
    %dma_wait3A_1090 = arith.constant 0 : i32
    %dma_wait3A_1091 = tpu.memref_slice %arg11[%dma_wait3A_1089, %dma_wait3A_1090] : memref<1024x32xf32, #tpu.memory_space<vmem>> -> memref<128x32xf32, #tpu.memory_space<vmem>>
    %dma_wait3A_1092 = arith.constant 0 : i32
    %dma_wait3A_1093 = tpu.memref_slice %arg8[%dma_wait3A_1088, %dma_wait3A_1092] : memref<8x128xi32, #tpu.memory_space<vmem>> -> memref<1x128xi32, #tpu.memory_space<vmem>>
    %dma_wait3A_1094 = tpu.memref_squeeze %dma_wait3A_1093 : memref<1x128xi32, #tpu.memory_space<vmem>> -> memref<128xi32, #tpu.memory_space<vmem>>
    %dma_wait3A_1095 = arith.constant 0 : i32
    %dma_wait3A_1096 = arith.constant 0 : i32
    %dma_wait3A_1097 = tpu.memref_slice %arg2[%dma_wait3A_1095, %dma_wait3A_1096] : memref<1000000x32xf32, #tpu.memory_space<hbm>> -> memref<1000000x32xf32, #tpu.memory_space<hbm>>
    tpu.wait_indirect_dma semaphore(%arg17 : memref<!tpu.dma_semaphore, #tpu.memory_space<semaphore_mem>>) src(%dma_wait3A_1097 : memref<1000000x32xf32, #tpu.memory_space<hbm>>) dst(%dma_wait3A_1091 : memref<128x32xf32, #tpu.memory_space<vmem>>)
    %broadcast_in_dim3A_1098 = arith.constant 0.000000e+00 : f32
    %broadcast_in_dim3A_1099 = vector.broadcast %broadcast_in_dim3A_1098 : f32 to vector<16xf32>
    %while3A = arith.constant 0 : i32
    %while3A_1100 = arith.constant 1024 : i32
    %while3A_1101 = arith.subi %while3A_1100, %while3A : i32
    %while3A_1102 = arith.addi %while3A, %while3A_1101 : i32
    %while3A_1103 = arith.constant 1 : i32
    %while3A_1104 = arith.divsi %while3A_1101, %while3A_1103 : i32
    %while3A_1105 = arith.muli %while3A_1104, %while3A_1103 : i32
    %while3A_1106 = arith.addi %while3A, %while3A_1105 : i32
    %while3A_1107 = arith.constant 1 : i32
    %while3A_1108 = scf.for %while3A_1618 = %while3A to %while3A_1106 step %while3A_1107 iter_args(%while3A_1619 = %broadcast_in_dim3A_1099) -> (vector<16xf32>)  : i32 {
      %broadcast_in_dim3A_1620 = vector.broadcast %while3A_1618 : i32 to vector<16xi32>
      %gather3A_1621 = tpu.vector_load_idx %arg10[%broadcast_in_dim3A_1620, %iota3A] : memref<1024x16xf32, #tpu.memory_space<vmem>>[vector<16xi32>, vector<16xi32>], vector<16xf32>,
      %mul3A_1622 = arith.mulf %gather3A_1621, %gather3A_1621 : vector<16xf32>
      %reduce_sum3A = arith.constant true
      %reduce_sum3A_1623 = vector.broadcast %reduce_sum3A : i1 to vector<16xi1>
      %reduce_sum3A_1624 = tpu.scan <sum>, %mul3A_1622 masked %reduce_sum3A_1623 : vector<16xf32>, vector<16xi1> -> vector<16xf32>
      %reduce_sum3A_1625 = vector.extract %reduce_sum3A_1624[15] : f32 from vector<16xf32>
      %broadcast_in_dim3A_1626 = vector.broadcast %reduce_sum3A_1625 : f32 to vector<16xf32>
      %bitcast3A = vector.bitcast %broadcast_in_dim3A_1626 : vector<16xf32> to vector<16xi32>
      %shift_right_arithmetic3A = arith.constant 1 : i32
      %shift_right_arithmetic3A_1627 = vector.broadcast %shift_right_arithmetic3A : i32 to vector<16xi32>
      %shift_right_arithmetic3A_1628 = arith.shrsi %bitcast3A, %shift_right_arithmetic3A_1627 : vector<16xi32>
      %sub3A = arith.constant 1597463007 : i32
      %sub3A_1629 = vector.broadcast %sub3A : i32 to vector<16xi32>
      %sub3A_1630 = arith.subi %sub3A_1629, %shift_right_arithmetic3A_1628 : vector<16xi32>
      %bitcast3A_1631 = vector.bitcast %sub3A_1630 : vector<16xi32> to vector<16xf32>
      %mul3A_1632 = arith.constant 5.000000e-01 : f32
      %mul3A_1633 = vector.broadcast %mul3A_1632 : f32 to vector<16xf32>
      %mul3A_1634 = arith.mulf %broadcast_in_dim3A_1626, %mul3A_1633 : vector<16xf32>
      %mul3A_1635 = arith.mulf %mul3A_1634, %bitcast3A_1631 : vector<16xf32>
      %mul3A_1636 = arith.mulf %mul3A_1635, %bitcast3A_1631 : vector<16xf32>
      %sub3A_1637 = arith.constant 1.500000e+00 : f32
      %sub3A_1638 = vector.broadcast %sub3A_1637 : f32 to vector<16xf32>
      %sub3A_1639 = arith.subf %sub3A_1638, %mul3A_1636 : vector<16xf32>
      %mul3A_1640 = arith.mulf %bitcast3A_1631, %sub3A_1639 : vector<16xf32>
      %mul3A_1641 = arith.mulf %mul3A_1634, %mul3A_1640 : vector<16xf32>
      %mul3A_1642 = arith.mulf %mul3A_1641, %mul3A_1640 : vector<16xf32>
      %sub3A_1643 = arith.constant 1.500000e+00 : f32
      %sub3A_1644 = vector.broadcast %sub3A_1643 : f32 to vector<16xf32>
      %sub3A_1645 = arith.subf %sub3A_1644, %mul3A_1642 : vector<16xf32>
      %mul3A_1646 = arith.mulf %mul3A_1640, %sub3A_1645 : vector<16xf32>
      %mul3A_1647 = arith.mulf %mul3A_1634, %mul3A_1646 : vector<16xf32>
      %mul3A_1648 = arith.mulf %mul3A_1647, %mul3A_1646 : vector<16xf32>
      %sub3A_1649 = arith.constant 1.500000e+00 : f32
      %sub3A_1650 = vector.broadcast %sub3A_1649 : f32 to vector<16xf32>
      %sub3A_1651 = arith.subf %sub3A_1650, %mul3A_1648 : vector<16xf32>
      %mul3A_1652 = arith.mulf %mul3A_1646, %sub3A_1651 : vector<16xf32>
      %mul3A_1653 = arith.mulf %broadcast_in_dim3A_1626, %mul3A_1652 : vector<16xf32>
      %mul3A_1654 = arith.constant 2 : i32
      %mul3A_1655 = vector.broadcast %mul3A_1654 : i32 to vector<16xi32>
      %mul3A_1656 = arith.muli %iota3A, %mul3A_1655 : vector<16xi32>
      %add3A_1657 = arith.constant 1 : i32
      %add3A_1658 = vector.broadcast %add3A_1657 : i32 to vector<16xi32>
      %add3A_1659 = arith.addi %mul3A_1656, %add3A_1658 : vector<16xi32>
      %gather3A_1660 = tpu.vector_load_idx %arg11[%broadcast_in_dim3A_1620, %add3A_1659] : memref<1024x32xf32, #tpu.memory_space<vmem>>[vector<16xi32>, vector<16xi32>], vector<16xf32>,
      %mul3A_1661 = arith.mulf %gather3A_1621, %mul3A_1652 : vector<16xf32>
      tpu.vector_store_idx %arg12[%broadcast_in_dim3A_1620, %iota3A], %mul3A_1661 : memref<1024x32xf32, #tpu.memory_space<vmem>>[vector<16xi32>, vector<16xi32>], vector<16xf32>,
      %eq3A_1662 = arith.constant 0 : i32
      %eq3A_1663 = vector.broadcast %eq3A_1662 : i32 to vector<16xi32>
      %eq3A_1664 = arith.cmpi eq, %iota3A, %eq3A_1663 : vector<16xi32>
      %jit3A = arith.constant 1.000000e+00 : f32
      %jit3A_1665 = arith.constant 0.000000e+00 : f32
      %broadcast_in_dim3A_1666 = vector.broadcast %jit3A : f32 to vector<16xf32>
      %broadcast_in_dim3A_1667 = vector.broadcast %jit3A_1665 : f32 to vector<16xf32>
      %select_n3A = arith.select %eq3A_1664, %broadcast_in_dim3A_1666, %broadcast_in_dim3A_1667 : vector<16xi1>, vector<16xf32>
      %add3A_1668 = arith.constant 16 : i32
      %add3A_1669 = vector.broadcast %add3A_1668 : i32 to vector<16xi32>
      %add3A_1670 = arith.addi %iota3A, %add3A_1669 : vector<16xi32>
      tpu.vector_store_idx %arg12[%broadcast_in_dim3A_1620, %add3A_1670], %select_n3A : memref<1024x32xf32, #tpu.memory_space<vmem>>[vector<16xi32>, vector<16xi32>], vector<16xf32>,
      %mul3A_1671 = arith.mulf %gather3A_1660, %mul3A_1653 : vector<16xf32>
      %sub3A_1672 = arith.subf %gather3A_1621, %mul3A_1671 : vector<16xf32>
      tpu.vector_store_idx %arg10[%broadcast_in_dim3A_1620, %iota3A], %gather3A_1660 : memref<1024x16xf32, #tpu.memory_space<vmem>>[vector<16xi32>, vector<16xi32>], vector<16xf32>,
      %mul3A_1673 = arith.mulf %sub3A_1672, %sub3A_1672 : vector<16xf32>
      %add3A_1674 = arith.addf %while3A_1619, %mul3A_1673 : vector<16xf32>
      scf.yield %add3A_1674 : vector<16xf32>
    }
    %while3A_1109 = arith.constant 1 : i32
    %while3A_1110 = scf.for %while3A_1618 = %while3A_1106 to %while3A_1102 step %while3A_1109 iter_args(%while3A_1619 = %while3A_1108) -> (vector<16xf32>)  : i32 {
      %broadcast_in_dim3A_1620 = vector.broadcast %while3A_1618 : i32 to vector<16xi32>
      %gather3A_1621 = tpu.vector_load_idx %arg10[%broadcast_in_dim3A_1620, %iota3A] : memref<1024x16xf32, #tpu.memory_space<vmem>>[vector<16xi32>, vector<16xi32>], vector<16xf32>,
      %mul3A_1622 = arith.mulf %gather3A_1621, %gather3A_1621 : vector<16xf32>
      %reduce_sum3A = arith.constant true
      %reduce_sum3A_1623 = vector.broadcast %reduce_sum3A : i1 to vector<16xi1>
      %reduce_sum3A_1624 = tpu.scan <sum>, %mul3A_1622 masked %reduce_sum3A_1623 : vector<16xf32>, vector<16xi1> -> vector<16xf32>
      %reduce_sum3A_1625 = vector.extract %reduce_sum3A_1624[15] : f32 from vector<16xf32>
      %broadcast_in_dim3A_1626 = vector.broadcast %reduce_sum3A_1625 : f32 to vector<16xf32>
      %bitcast3A = vector.bitcast %broadcast_in_dim3A_1626 : vector<16xf32> to vector<16xi32>
      %shift_right_arithmetic3A = arith.constant 1 : i32
      %shift_right_arithmetic3A_1627 = vector.broadcast %shift_right_arithmetic3A : i32 to vector<16xi32>
      %shift_right_arithmetic3A_1628 = arith.shrsi %bitcast3A, %shift_right_arithmetic3A_1627 : vector<16xi32>
      %sub3A = arith.constant 1597463007 : i32
      %sub3A_1629 = vector.broadcast %sub3A : i32 to vector<16xi32>
      %sub3A_1630 = arith.subi %sub3A_1629, %shift_right_arithmetic3A_1628 : vector<16xi32>
      %bitcast3A_1631 = vector.bitcast %sub3A_1630 : vector<16xi32> to vector<16xf32>
      %mul3A_1632 = arith.constant 5.000000e-01 : f32
      %mul3A_1633 = vector.broadcast %mul3A_1632 : f32 to vector<16xf32>
      %mul3A_1634 = arith.mulf %broadcast_in_dim3A_1626, %mul3A_1633 : vector<16xf32>
      %mul3A_1635 = arith.mulf %mul3A_1634, %bitcast3A_1631 : vector<16xf32>
      %mul3A_1636 = arith.mulf %mul3A_1635, %bitcast3A_1631 : vector<16xf32>
      %sub3A_1637 = arith.constant 1.500000e+00 : f32
      %sub3A_1638 = vector.broadcast %sub3A_1637 : f32 to vector<16xf32>
      %sub3A_1639 = arith.subf %sub3A_1638, %mul3A_1636 : vector<16xf32>
      %mul3A_1640 = arith.mulf %bitcast3A_1631, %sub3A_1639 : vector<16xf32>
      %mul3A_1641 = arith.mulf %mul3A_1634, %mul3A_1640 : vector<16xf32>
      %mul3A_1642 = arith.mulf %mul3A_1641, %mul3A_1640 : vector<16xf32>
      %sub3A_1643 = arith.constant 1.500000e+00 : f32
      %sub3A_1644 = vector.broadcast %sub3A_1643 : f32 to vector<16xf32>
      %sub3A_1645 = arith.subf %sub3A_1644, %mul3A_1642 : vector<16xf32>
      %mul3A_1646 = arith.mulf %mul3A_1640, %sub3A_1645 : vector<16xf32>
      %mul3A_1647 = arith.mulf %mul3A_1634, %mul3A_1646 : vector<16xf32>
      %mul3A_1648 = arith.mulf %mul3A_1647, %mul3A_1646 : vector<16xf32>
      %sub3A_1649 = arith.constant 1.500000e+00 : f32
      %sub3A_1650 = vector.broadcast %sub3A_1649 : f32 to vector<16xf32>
      %sub3A_1651 = arith.subf %sub3A_1650, %mul3A_1648 : vector<16xf32>
      %mul3A_1652 = arith.mulf %mul3A_1646, %sub3A_1651 : vector<16xf32>
      %mul3A_1653 = arith.mulf %broadcast_in_dim3A_1626, %mul3A_1652 : vector<16xf32>
      %mul3A_1654 = arith.constant 2 : i32
      %mul3A_1655 = vector.broadcast %mul3A_1654 : i32 to vector<16xi32>
      %mul3A_1656 = arith.muli %iota3A, %mul3A_1655 : vector<16xi32>
      %add3A_1657 = arith.constant 1 : i32
      %add3A_1658 = vector.broadcast %add3A_1657 : i32 to vector<16xi32>
      %add3A_1659 = arith.addi %mul3A_1656, %add3A_1658 : vector<16xi32>
      %gather3A_1660 = tpu.vector_load_idx %arg11[%broadcast_in_dim3A_1620, %add3A_1659] : memref<1024x32xf32, #tpu.memory_space<vmem>>[vector<16xi32>, vector<16xi32>], vector<16xf32>,
      %mul3A_1661 = arith.mulf %gather3A_1621, %mul3A_1652 : vector<16xf32>
      tpu.vector_store_idx %arg12[%broadcast_in_dim3A_1620, %iota3A], %mul3A_1661 : memref<1024x32xf32, #tpu.memory_space<vmem>>[vector<16xi32>, vector<16xi32>], vector<16xf32>,
      %eq3A_1662 = arith.constant 0 : i32
      %eq3A_1663 = vector.broadcast %eq3A_1662 : i32 to vector<16xi32>
      %eq3A_1664 = arith.cmpi eq, %iota3A, %eq3A_1663 : vector<16xi32>
      %jit3A = arith.constant 1.000000e+00 : f32
      %jit3A_1665 = arith.constant 0.000000e+00 : f32
      %broadcast_in_dim3A_1666 = vector.broadcast %jit3A : f32 to vector<16xf32>
      %broadcast_in_dim3A_1667 = vector.broadcast %jit3A_1665 : f32 to vector<16xf32>
      %select_n3A = arith.select %eq3A_1664, %broadcast_in_dim3A_1666, %broadcast_in_dim3A_1667 : vector<16xi1>, vector<16xf32>
      %add3A_1668 = arith.constant 16 : i32
      %add3A_1669 = vector.broadcast %add3A_1668 : i32 to vector<16xi32>
      %add3A_1670 = arith.addi %iota3A, %add3A_1669 : vector<16xi32>
      tpu.vector_store_idx %arg12[%broadcast_in_dim3A_1620, %add3A_1670], %select_n3A : memref<1024x32xf32, #tpu.memory_space<vmem>>[vector<16xi32>, vector<16xi32>], vector<16xf32>,
      %mul3A_1671 = arith.mulf %gather3A_1660, %mul3A_1653 : vector<16xf32>
      %sub3A_1672 = arith.subf %gather3A_1621, %mul3A_1671 : vector<16xf32>
      tpu.vector_store_idx %arg10[%broadcast_in_dim3A_1620, %iota3A], %gather3A_1660 : memref<1024x16xf32, #tpu.memory_space<vmem>>[vector<16xi32>, vector<16xi32>], vector<16xf32>,
      %mul3A_1673 = arith.mulf %sub3A_1672, %sub3A_1672 : vector<16xf32>
      %add3A_1674 = arith.addf %while3A_1619, %mul3A_1673 : vector<16xf32>
      scf.yield %add3A_1674 : vector<16xf32>
    }
    %swap3A = arith.constant 0 : index
    %swap3A_1111 = tpu.vector_load %arg15[%swap3A] {strides = array<i32>} : memref<16xf32, #tpu.memory_space<vmem>>, vector<16xf32>,
    tpu.vector_store %arg15[%swap3A], %while3A_1110 {strides = array<i32>} : memref<16xf32, #tpu.memory_space<vmem>>, vector<16xf32>,
    %eq3A = arith.constant 0 : i32
    %eq3A_1112 = arith.cmpi eq, %arg0, %eq3A : i32
    %convert_element_type3A = arith.extui %eq3A_1112 : i1 to i32
    %cond3A = arith.constant 0 : i32
    %cond3A_1113 = arith.cmpi ne, %convert_element_type3A, %cond3A : i32
    scf.if %cond3A_1113 {
      "tpu.region"() ({
        %run_scoped3A_1618 = tpu.sem_alloc : memref<!tpu.dma_semaphore, #tpu.memory_space<semaphore_mem>>
        %dma_start3A_1619 = arith.constant 0 : i32
        %dma_start3A_1620 = tpu.memref_slice %arg6[%arg1, %dma_start3A_1619] : memref<16x16xf32, #tpu.memory_space<hbm>> -> memref<1x16xf32, #tpu.memory_space<hbm>>
        %dma_start3A_1621 = tpu.memref_squeeze %dma_start3A_1620 : memref<1x16xf32, #tpu.memory_space<hbm>> -> memref<16xf32, #tpu.memory_space<hbm>>
        %dma_start3A_1622 = arith.constant 0 : i32
        %dma_start3A_1623 = tpu.memref_slice %arg6[%arg1, %dma_start3A_1622] : memref<16x16xf32, #tpu.memory_space<hbm>> -> memref<1x16xf32, #tpu.memory_space<hbm>>
        %dma_start3A_1624 = tpu.memref_squeeze %dma_start3A_1623 : memref<1x16xf32, #tpu.memory_space<hbm>> -> memref<16xf32, #tpu.memory_space<hbm>>
        tpu.enqueue_dma source(%arg15 : memref<16xf32, #tpu.memory_space<vmem>>) target(%dma_start3A_1624 : memref<16xf32, #tpu.memory_space<hbm>>) target_semaphore(%run_scoped3A_1618 : memref<!tpu.dma_semaphore, #tpu.memory_space<semaphore_mem>>)
        %dma_wait3A_1625 = arith.constant 0 : i32
        %dma_wait3A_1626 = tpu.memref_slice %arg6[%arg1, %dma_wait3A_1625] : memref<16x16xf32, #tpu.memory_space<hbm>> -> memref<1x16xf32, #tpu.memory_space<hbm>>
        %dma_wait3A_1627 = tpu.memref_squeeze %dma_wait3A_1626 : memref<1x16xf32, #tpu.memory_space<hbm>> -> memref<16xf32, #tpu.memory_space<hbm>>
        %dma_wait3A_1628 = arith.constant 0 : i32
        %dma_wait3A_1629 = tpu.memref_slice %arg6[%arg1, %dma_wait3A_1628] : memref<16x16xf32, #tpu.memory_space<hbm>> -> memref<1x16xf32, #tpu.memory_space<hbm>>
        %dma_wait3A_1630 = tpu.memref_squeeze %dma_wait3A_1629 : memref<1x16xf32, #tpu.memory_space<hbm>> -> memref<16xf32, #tpu.memory_space<hbm>>
        tpu.wait_dma2 semaphore(%run_scoped3A_1618 : memref<!tpu.dma_semaphore, #tpu.memory_space<semaphore_mem>>) src(%arg15 : memref<16xf32, #tpu.memory_space<vmem>>) dst(%dma_wait3A_1630 : memref<16xf32, #tpu.memory_space<hbm>>)
        tpu.yield
      }) : () -> ()
    } else {
    }
    %barrier3A = arith.constant 0 : index
    tpu.barrier barrier_id(%barrier3A)
    %broadcast_in_dim3A_1114 = arith.constant 0 : i32
    %broadcast_in_dim3A_1115 = vector.broadcast %broadcast_in_dim3A_1114 : i32 to vector<16xi32>
    %run_scoped3A_1116 = arith.constant 0 : i32
    "tpu.region"() ({
      %run_scoped3A_1618 = tpu.sem_alloc : memref<!tpu.dma_semaphore, #tpu.memory_space<semaphore_mem>>
      %dma_start3A_1619 = arith.constant 0 : i32
      %dma_start3A_1620 = tpu.memref_slice %arg8[%run_scoped3A_1116, %dma_start3A_1619] : memref<8x128xi32, #tpu.memory_space<vmem>> -> memref<1x128xi32, #tpu.memory_space<vmem>>
      %dma_start3A_1621 = tpu.memref_squeeze %dma_start3A_1620 : memref<1x128xi32, #tpu.memory_space<vmem>> -> memref<128xi32, #tpu.memory_space<vmem>>
      %dma_start3A_1622 = arith.constant 0 : i32
      %dma_start3A_1623 = arith.constant 0 : i32
      %dma_start3A_1624 = tpu.memref_slice %arg7[%arg0, %dma_start3A_1622, %dma_start3A_1623] : memref<2x1000000x16xi32, #tpu.memory_space<hbm>> -> memref<1x1000000x16xi32, #tpu.memory_space<hbm>>
      %dma_start3A_1625 = tpu.memref_squeeze %dma_start3A_1624 : memref<1x1000000x16xi32, #tpu.memory_space<hbm>> -> memref<1000000x16xi32, #tpu.memory_space<hbm>>
      %dma_start3A_1626 = arith.constant 0 : i32
      %dma_start3A_1627 = arith.constant 0 : i32
      %dma_start3A_1628 = tpu.memref_slice %dma_start3A_1625[%dma_start3A_1626, %dma_start3A_1627] : memref<1000000x16xi32, #tpu.memory_space<hbm>> -> memref<1000000x16xi32, #tpu.memory_space<hbm>>
      tpu.enqueue_indirect_dma source(%dma_start3A_1628 : memref<1000000x16xi32, #tpu.memory_space<hbm>>) target(%arg14 : memref<128x16xi32, #tpu.memory_space<vmem>>) offsets(%dma_start3A_1621 : memref<128xi32, #tpu.memory_space<vmem>>) semaphore(%run_scoped3A_1618 : memref<!tpu.dma_semaphore, #tpu.memory_space<semaphore_mem>>)
      %dma_wait3A_1629 = arith.constant 0 : i32
      %dma_wait3A_1630 = tpu.memref_slice %arg8[%run_scoped3A_1116, %dma_wait3A_1629] : memref<8x128xi32, #tpu.memory_space<vmem>> -> memref<1x128xi32, #tpu.memory_space<vmem>>
      %dma_wait3A_1631 = tpu.memref_squeeze %dma_wait3A_1630 : memref<1x128xi32, #tpu.memory_space<vmem>> -> memref<128xi32, #tpu.memory_space<vmem>>
      %dma_wait3A_1632 = arith.constant 0 : i32
      %dma_wait3A_1633 = arith.constant 0 : i32
      %dma_wait3A_1634 = tpu.memref_slice %arg7[%arg0, %dma_wait3A_1632, %dma_wait3A_1633] : memref<2x1000000x16xi32, #tpu.memory_space<hbm>> -> memref<1x1000000x16xi32, #tpu.memory_space<hbm>>
      %dma_wait3A_1635 = tpu.memref_squeeze %dma_wait3A_1634 : memref<1x1000000x16xi32, #tpu.memory_space<hbm>> -> memref<1000000x16xi32, #tpu.memory_space<hbm>>
      %dma_wait3A_1636 = arith.constant 0 : i32
      %dma_wait3A_1637 = arith.constant 0 : i32
      %dma_wait3A_1638 = tpu.memref_slice %dma_wait3A_1635[%dma_wait3A_1636, %dma_wait3A_1637] : memref<1000000x16xi32, #tpu.memory_space<hbm>> -> memref<1000000x16xi32, #tpu.memory_space<hbm>>
      tpu.wait_indirect_dma semaphore(%run_scoped3A_1618 : memref<!tpu.dma_semaphore, #tpu.memory_space<semaphore_mem>>) src(%dma_wait3A_1638 : memref<1000000x16xi32, #tpu.memory_space<hbm>>) dst(%arg14 : memref<128x16xi32, #tpu.memory_space<vmem>>)
      tpu.yield
    }) : () -> ()
    %add3A_1117 = arith.constant 0 : i32
    %add3A_1118 = vector.broadcast %add3A_1117 : i32 to vector<16xi32>
    %add3A_1119 = arith.addi %iota3A, %add3A_1118 : vector<16xi32>
    %gather3A = tpu.vector_load_idx %arg14[%add3A_1119, %broadcast_in_dim3A_3] : memref<128x16xi32, #tpu.memory_space<vmem>>[vector<16xi32>, vector<16xi32>], vector<16xi32>,
    %add3A_1120 = arith.constant 0 : i32
    %add3A_1121 = vector.broadcast %add3A_1120 : i32 to vector<16xi32>
    %add3A_1122 = arith.addi %iota3A, %add3A_1121 : vector<16xi32>
    tpu.vector_store_idx %arg9[%broadcast_in_dim3A_1115, %add3A_1122], %gather3A : memref<8x128xi32, #tpu.memory_space<vmem>>[vector<16xi32>, vector<16xi32>], vector<16xi32>,
    %add3A_1123 = arith.constant 16 : i32
    %add3A_1124 = vector.broadcast %add3A_1123 : i32 to vector<16xi32>
    %add3A_1125 = arith.addi %iota3A, %add3A_1124 : vector<16xi32>
    %gather3A_1126 = tpu.vector_load_idx %arg14[%add3A_1125, %broadcast_in_dim3A_3] : memref<128x16xi32, #tpu.memory_space<vmem>>[vector<16xi32>, vector<16xi32>], vector<16xi32>,
    %add3A_1127 = arith.constant 16 : i32
    %add3A_1128 = vector.broadcast %add3A_1127 : i32 to vector<16xi32>
    %add3A_1129 = arith.addi %iota3A, %add3A_1128 : vector<16xi32>
    tpu.vector_store_idx %arg9[%broadcast_in_dim3A_1115, %add3A_1129], %gather3A_1126 : memref<8x128xi32, #tpu.memory_space<vmem>>[vector<16xi32>, vector<16xi32>], vector<16xi32>,
    %add3A_1130 = arith.constant 32 : i32
    %add3A_1131 = vector.broadcast %add3A_1130 : i32 to vector<16xi32>
    %add3A_1132 = arith.addi %iota3A, %add3A_1131 : vector<16xi32>
    %gather3A_1133 = tpu.vector_load_idx %arg14[%add3A_1132, %broadcast_in_dim3A_3] : memref<128x16xi32, #tpu.memory_space<vmem>>[vector<16xi32>, vector<16xi32>], vector<16xi32>,
    %add3A_1134 = arith.constant 32 : i32
    %add3A_1135 = vector.broadcast %add3A_1134 : i32 to vector<16xi32>
    %add3A_1136 = arith.addi %iota3A, %add3A_1135 : vector<16xi32>
    tpu.vector_store_idx %arg9[%broadcast_in_dim3A_1115, %add3A_1136], %gather3A_1133 : memref<8x128xi32, #tpu.memory_space<vmem>>[vector<16xi32>, vector<16xi32>], vector<16xi32>,
    %add3A_1137 = arith.constant 48 : i32
    %add3A_1138 = vector.broadcast %add3A_1137 : i32 to vector<16xi32>
    %add3A_1139 = arith.addi %iota3A, %add3A_1138 : vector<16xi32>
    %gather3A_1140 = tpu.vector_load_idx %arg14[%add3A_1139, %broadcast_in_dim3A_3] : memref<128x16xi32, #tpu.memory_space<vmem>>[vector<16xi32>, vector<16xi32>], vector<16xi32>,
    %add3A_1141 = arith.constant 48 : i32
    %add3A_1142 = vector.broadcast %add3A_1141 : i32 to vector<16xi32>
    %add3A_1143 = arith.addi %iota3A, %add3A_1142 : vector<16xi32>
    tpu.vector_store_idx %arg9[%broadcast_in_dim3A_1115, %add3A_1143], %gather3A_1140 : memref<8x128xi32, #tpu.memory_space<vmem>>[vector<16xi32>, vector<16xi32>], vector<16xi32>,
    %add3A_1144 = arith.constant 64 : i32
    %add3A_1145 = vector.broadcast %add3A_1144 : i32 to vector<16xi32>
    %add3A_1146 = arith.addi %iota3A, %add3A_1145 : vector<16xi32>
    %gather3A_1147 = tpu.vector_load_idx %arg14[%add3A_1146, %broadcast_in_dim3A_3] : memref<128x16xi32, #tpu.memory_space<vmem>>[vector<16xi32>, vector<16xi32>], vector<16xi32>,
    %add3A_1148 = arith.constant 64 : i32
    %add3A_1149 = vector.broadcast %add3A_1148 : i32 to vector<16xi32>
    %add3A_1150 = arith.addi %iota3A, %add3A_1149 : vector<16xi32>
    tpu.vector_store_idx %arg9[%broadcast_in_dim3A_1115, %add3A_1150], %gather3A_1147 : memref<8x128xi32, #tpu.memory_space<vmem>>[vector<16xi32>, vector<16xi32>], vector<16xi32>,
    %add3A_1151 = arith.constant 80 : i32
    %add3A_1152 = vector.broadcast %add3A_1151 : i32 to vector<16xi32>
    %add3A_1153 = arith.addi %iota3A, %add3A_1152 : vector<16xi32>
    %gather3A_1154 = tpu.vector_load_idx %arg14[%add3A_1153, %broadcast_in_dim3A_3] : memref<128x16xi32, #tpu.memory_space<vmem>>[vector<16xi32>, vector<16xi32>], vector<16xi32>,
    %add3A_1155 = arith.constant 80 : i32
    %add3A_1156 = vector.broadcast %add3A_1155 : i32 to vector<16xi32>
    %add3A_1157 = arith.addi %iota3A, %add3A_1156 : vector<16xi32>
    tpu.vector_store_idx %arg9[%broadcast_in_dim3A_1115, %add3A_1157], %gather3A_1154 : memref<8x128xi32, #tpu.memory_space<vmem>>[vector<16xi32>, vector<16xi32>], vector<16xi32>,
    %add3A_1158 = arith.constant 96 : i32
    %add3A_1159 = vector.broadcast %add3A_1158 : i32 to vector<16xi32>
    %add3A_1160 = arith.addi %iota3A, %add3A_1159 : vector<16xi32>
    %gather3A_1161 = tpu.vector_load_idx %arg14[%add3A_1160, %broadcast_in_dim3A_3] : memref<128x16xi32, #tpu.memory_space<vmem>>[vector<16xi32>, vector<16xi32>], vector<16xi32>,
    %add3A_1162 = arith.constant 96 : i32
    %add3A_1163 = vector.broadcast %add3A_1162 : i32 to vector<16xi32>
    %add3A_1164 = arith.addi %iota3A, %add3A_1163 : vector<16xi32>
    tpu.vector_store_idx %arg9[%broadcast_in_dim3A_1115, %add3A_1164], %gather3A_1161 : memref<8x128xi32, #tpu.memory_space<vmem>>[vector<16xi32>, vector<16xi32>], vector<16xi32>,
    %add3A_1165 = arith.constant 112 : i32
    %add3A_1166 = vector.broadcast %add3A_1165 : i32 to vector<16xi32>
    %add3A_1167 = arith.addi %iota3A, %add3A_1166 : vector<16xi32>
    %gather3A_1168 = tpu.vector_load_idx %arg14[%add3A_1167, %broadcast_in_dim3A_3] : memref<128x16xi32, #tpu.memory_space<vmem>>[vector<16xi32>, vector<16xi32>], vector<16xi32>,
    %add3A_1169 = arith.constant 112 : i32
    %add3A_1170 = vector.broadcast %add3A_1169 : i32 to vector<16xi32>
    %add3A_1171 = arith.addi %iota3A, %add3A_1170 : vector<16xi32>
    tpu.vector_store_idx %arg9[%broadcast_in_dim3A_1115, %add3A_1171], %gather3A_1168 : memref<8x128xi32, #tpu.memory_space<vmem>>[vector<16xi32>, vector<16xi32>], vector<16xi32>,
    %broadcast_in_dim3A_1172 = arith.constant 1 : i32
    %broadcast_in_dim3A_1173 = vector.broadcast %broadcast_in_dim3A_1172 : i32 to vector<16xi32>
    %run_scoped3A_1174 = arith.constant 1 : i32
    "tpu.region"() ({
      %run_scoped3A_1618 = tpu.sem_alloc : memref<!tpu.dma_semaphore, #tpu.memory_space<semaphore_mem>>
      %dma_start3A_1619 = arith.constant 0 : i32
      %dma_start3A_1620 = tpu.memref_slice %arg8[%run_scoped3A_1174, %dma_start3A_1619] : memref<8x128xi32, #tpu.memory_space<vmem>> -> memref<1x128xi32, #tpu.memory_space<vmem>>
      %dma_start3A_1621 = tpu.memref_squeeze %dma_start3A_1620 : memref<1x128xi32, #tpu.memory_space<vmem>> -> memref<128xi32, #tpu.memory_space<vmem>>
      %dma_start3A_1622 = arith.constant 0 : i32
      %dma_start3A_1623 = arith.constant 0 : i32
      %dma_start3A_1624 = tpu.memref_slice %arg7[%arg0, %dma_start3A_1622, %dma_start3A_1623] : memref<2x1000000x16xi32, #tpu.memory_space<hbm>> -> memref<1x1000000x16xi32, #tpu.memory_space<hbm>>
      %dma_start3A_1625 = tpu.memref_squeeze %dma_start3A_1624 : memref<1x1000000x16xi32, #tpu.memory_space<hbm>> -> memref<1000000x16xi32, #tpu.memory_space<hbm>>
      %dma_start3A_1626 = arith.constant 0 : i32
      %dma_start3A_1627 = arith.constant 0 : i32
      %dma_start3A_1628 = tpu.memref_slice %dma_start3A_1625[%dma_start3A_1626, %dma_start3A_1627] : memref<1000000x16xi32, #tpu.memory_space<hbm>> -> memref<1000000x16xi32, #tpu.memory_space<hbm>>
      tpu.enqueue_indirect_dma source(%dma_start3A_1628 : memref<1000000x16xi32, #tpu.memory_space<hbm>>) target(%arg14 : memref<128x16xi32, #tpu.memory_space<vmem>>) offsets(%dma_start3A_1621 : memref<128xi32, #tpu.memory_space<vmem>>) semaphore(%run_scoped3A_1618 : memref<!tpu.dma_semaphore, #tpu.memory_space<semaphore_mem>>)
      %dma_wait3A_1629 = arith.constant 0 : i32
      %dma_wait3A_1630 = tpu.memref_slice %arg8[%run_scoped3A_1174, %dma_wait3A_1629] : memref<8x128xi32, #tpu.memory_space<vmem>> -> memref<1x128xi32, #tpu.memory_space<vmem>>
      %dma_wait3A_1631 = tpu.memref_squeeze %dma_wait3A_1630 : memref<1x128xi32, #tpu.memory_space<vmem>> -> memref<128xi32, #tpu.memory_space<vmem>>
      %dma_wait3A_1632 = arith.constant 0 : i32
      %dma_wait3A_1633 = arith.constant 0 : i32
      %dma_wait3A_1634 = tpu.memref_slice %arg7[%arg0, %dma_wait3A_1632, %dma_wait3A_1633] : memref<2x1000000x16xi32, #tpu.memory_space<hbm>> -> memref<1x1000000x16xi32, #tpu.memory_space<hbm>>
      %dma_wait3A_1635 = tpu.memref_squeeze %dma_wait3A_1634 : memref<1x1000000x16xi32, #tpu.memory_space<hbm>> -> memref<1000000x16xi32, #tpu.memory_space<hbm>>
      %dma_wait3A_1636 = arith.constant 0 : i32
      %dma_wait3A_1637 = arith.constant 0 : i32
      %dma_wait3A_1638 = tpu.memref_slice %dma_wait3A_1635[%dma_wait3A_1636, %dma_wait3A_1637] : memref<1000000x16xi32, #tpu.memory_space<hbm>> -> memref<1000000x16xi32, #tpu.memory_space<hbm>>
      tpu.wait_indirect_dma semaphore(%run_scoped3A_1618 : memref<!tpu.dma_semaphore, #tpu.memory_space<semaphore_mem>>) src(%dma_wait3A_1638 : memref<1000000x16xi32, #tpu.memory_space<hbm>>) dst(%arg14 : memref<128x16xi32, #tpu.memory_space<vmem>>)
      tpu.yield
    }) : () -> ()
    %add3A_1175 = arith.constant 0 : i32
    %add3A_1176 = vector.broadcast %add3A_1175 : i32 to vector<16xi32>
    %add3A_1177 = arith.addi %iota3A, %add3A_1176 : vector<16xi32>
    %gather3A_1178 = tpu.vector_load_idx %arg14[%add3A_1177, %broadcast_in_dim3A_3] : memref<128x16xi32, #tpu.memory_space<vmem>>[vector<16xi32>, vector<16xi32>], vector<16xi32>,
    %add3A_1179 = arith.constant 0 : i32
    %add3A_1180 = vector.broadcast %add3A_1179 : i32 to vector<16xi32>
    %add3A_1181 = arith.addi %iota3A, %add3A_1180 : vector<16xi32>
    tpu.vector_store_idx %arg9[%broadcast_in_dim3A_1173, %add3A_1181], %gather3A_1178 : memref<8x128xi32, #tpu.memory_space<vmem>>[vector<16xi32>, vector<16xi32>], vector<16xi32>,
    %add3A_1182 = arith.constant 16 : i32
    %add3A_1183 = vector.broadcast %add3A_1182 : i32 to vector<16xi32>
    %add3A_1184 = arith.addi %iota3A, %add3A_1183 : vector<16xi32>
    %gather3A_1185 = tpu.vector_load_idx %arg14[%add3A_1184, %broadcast_in_dim3A_3] : memref<128x16xi32, #tpu.memory_space<vmem>>[vector<16xi32>, vector<16xi32>], vector<16xi32>,
    %add3A_1186 = arith.constant 16 : i32
    %add3A_1187 = vector.broadcast %add3A_1186 : i32 to vector<16xi32>
    %add3A_1188 = arith.addi %iota3A, %add3A_1187 : vector<16xi32>
    tpu.vector_store_idx %arg9[%broadcast_in_dim3A_1173, %add3A_1188], %gather3A_1185 : memref<8x128xi32, #tpu.memory_space<vmem>>[vector<16xi32>, vector<16xi32>], vector<16xi32>,
    %add3A_1189 = arith.constant 32 : i32
    %add3A_1190 = vector.broadcast %add3A_1189 : i32 to vector<16xi32>
    %add3A_1191 = arith.addi %iota3A, %add3A_1190 : vector<16xi32>
    %gather3A_1192 = tpu.vector_load_idx %arg14[%add3A_1191, %broadcast_in_dim3A_3] : memref<128x16xi32, #tpu.memory_space<vmem>>[vector<16xi32>, vector<16xi32>], vector<16xi32>,
    %add3A_1193 = arith.constant 32 : i32
    %add3A_1194 = vector.broadcast %add3A_1193 : i32 to vector<16xi32>
    %add3A_1195 = arith.addi %iota3A, %add3A_1194 : vector<16xi32>
    tpu.vector_store_idx %arg9[%broadcast_in_dim3A_1173, %add3A_1195], %gather3A_1192 : memref<8x128xi32, #tpu.memory_space<vmem>>[vector<16xi32>, vector<16xi32>], vector<16xi32>,
    %add3A_1196 = arith.constant 48 : i32
    %add3A_1197 = vector.broadcast %add3A_1196 : i32 to vector<16xi32>
    %add3A_1198 = arith.addi %iota3A, %add3A_1197 : vector<16xi32>
    %gather3A_1199 = tpu.vector_load_idx %arg14[%add3A_1198, %broadcast_in_dim3A_3] : memref<128x16xi32, #tpu.memory_space<vmem>>[vector<16xi32>, vector<16xi32>], vector<16xi32>,
    %add3A_1200 = arith.constant 48 : i32
    %add3A_1201 = vector.broadcast %add3A_1200 : i32 to vector<16xi32>
    %add3A_1202 = arith.addi %iota3A, %add3A_1201 : vector<16xi32>
    tpu.vector_store_idx %arg9[%broadcast_in_dim3A_1173, %add3A_1202], %gather3A_1199 : memref<8x128xi32, #tpu.memory_space<vmem>>[vector<16xi32>, vector<16xi32>], vector<16xi32>,
    %add3A_1203 = arith.constant 64 : i32
    %add3A_1204 = vector.broadcast %add3A_1203 : i32 to vector<16xi32>
    %add3A_1205 = arith.addi %iota3A, %add3A_1204 : vector<16xi32>
    %gather3A_1206 = tpu.vector_load_idx %arg14[%add3A_1205, %broadcast_in_dim3A_3] : memref<128x16xi32, #tpu.memory_space<vmem>>[vector<16xi32>, vector<16xi32>], vector<16xi32>,
    %add3A_1207 = arith.constant 64 : i32
    %add3A_1208 = vector.broadcast %add3A_1207 : i32 to vector<16xi32>
    %add3A_1209 = arith.addi %iota3A, %add3A_1208 : vector<16xi32>
    tpu.vector_store_idx %arg9[%broadcast_in_dim3A_1173, %add3A_1209], %gather3A_1206 : memref<8x128xi32, #tpu.memory_space<vmem>>[vector<16xi32>, vector<16xi32>], vector<16xi32>,
    %add3A_1210 = arith.constant 80 : i32
    %add3A_1211 = vector.broadcast %add3A_1210 : i32 to vector<16xi32>
    %add3A_1212 = arith.addi %iota3A, %add3A_1211 : vector<16xi32>
    %gather3A_1213 = tpu.vector_load_idx %arg14[%add3A_1212, %broadcast_in_dim3A_3] : memref<128x16xi32, #tpu.memory_space<vmem>>[vector<16xi32>, vector<16xi32>], vector<16xi32>,
    %add3A_1214 = arith.constant 80 : i32
    %add3A_1215 = vector.broadcast %add3A_1214 : i32 to vector<16xi32>
    %add3A_1216 = arith.addi %iota3A, %add3A_1215 : vector<16xi32>
    tpu.vector_store_idx %arg9[%broadcast_in_dim3A_1173, %add3A_1216], %gather3A_1213 : memref<8x128xi32, #tpu.memory_space<vmem>>[vector<16xi32>, vector<16xi32>], vector<16xi32>,
    %add3A_1217 = arith.constant 96 : i32
    %add3A_1218 = vector.broadcast %add3A_1217 : i32 to vector<16xi32>
    %add3A_1219 = arith.addi %iota3A, %add3A_1218 : vector<16xi32>
    %gather3A_1220 = tpu.vector_load_idx %arg14[%add3A_1219, %broadcast_in_dim3A_3] : memref<128x16xi32, #tpu.memory_space<vmem>>[vector<16xi32>, vector<16xi32>], vector<16xi32>,
    %add3A_1221 = arith.constant 96 : i32
    %add3A_1222 = vector.broadcast %add3A_1221 : i32 to vector<16xi32>
    %add3A_1223 = arith.addi %iota3A, %add3A_1222 : vector<16xi32>
    tpu.vector_store_idx %arg9[%broadcast_in_dim3A_1173, %add3A_1223], %gather3A_1220 : memref<8x128xi32, #tpu.memory_space<vmem>>[vector<16xi32>, vector<16xi32>], vector<16xi32>,
    %add3A_1224 = arith.constant 112 : i32
    %add3A_1225 = vector.broadcast %add3A_1224 : i32 to vector<16xi32>
    %add3A_1226 = arith.addi %iota3A, %add3A_1225 : vector<16xi32>
    %gather3A_1227 = tpu.vector_load_idx %arg14[%add3A_1226, %broadcast_in_dim3A_3] : memref<128x16xi32, #tpu.memory_space<vmem>>[vector<16xi32>, vector<16xi32>], vector<16xi32>,
    %add3A_1228 = arith.constant 112 : i32
    %add3A_1229 = vector.broadcast %add3A_1228 : i32 to vector<16xi32>
    %add3A_1230 = arith.addi %iota3A, %add3A_1229 : vector<16xi32>
    tpu.vector_store_idx %arg9[%broadcast_in_dim3A_1173, %add3A_1230], %gather3A_1227 : memref<8x128xi32, #tpu.memory_space<vmem>>[vector<16xi32>, vector<16xi32>], vector<16xi32>,
    %broadcast_in_dim3A_1231 = arith.constant 2 : i32
    %broadcast_in_dim3A_1232 = vector.broadcast %broadcast_in_dim3A_1231 : i32 to vector<16xi32>
    %run_scoped3A_1233 = arith.constant 2 : i32
    "tpu.region"() ({
      %run_scoped3A_1618 = tpu.sem_alloc : memref<!tpu.dma_semaphore, #tpu.memory_space<semaphore_mem>>
      %dma_start3A_1619 = arith.constant 0 : i32
      %dma_start3A_1620 = tpu.memref_slice %arg8[%run_scoped3A_1233, %dma_start3A_1619] : memref<8x128xi32, #tpu.memory_space<vmem>> -> memref<1x128xi32, #tpu.memory_space<vmem>>
      %dma_start3A_1621 = tpu.memref_squeeze %dma_start3A_1620 : memref<1x128xi32, #tpu.memory_space<vmem>> -> memref<128xi32, #tpu.memory_space<vmem>>
      %dma_start3A_1622 = arith.constant 0 : i32
      %dma_start3A_1623 = arith.constant 0 : i32
      %dma_start3A_1624 = tpu.memref_slice %arg7[%arg0, %dma_start3A_1622, %dma_start3A_1623] : memref<2x1000000x16xi32, #tpu.memory_space<hbm>> -> memref<1x1000000x16xi32, #tpu.memory_space<hbm>>
      %dma_start3A_1625 = tpu.memref_squeeze %dma_start3A_1624 : memref<1x1000000x16xi32, #tpu.memory_space<hbm>> -> memref<1000000x16xi32, #tpu.memory_space<hbm>>
      %dma_start3A_1626 = arith.constant 0 : i32
      %dma_start3A_1627 = arith.constant 0 : i32
      %dma_start3A_1628 = tpu.memref_slice %dma_start3A_1625[%dma_start3A_1626, %dma_start3A_1627] : memref<1000000x16xi32, #tpu.memory_space<hbm>> -> memref<1000000x16xi32, #tpu.memory_space<hbm>>
      tpu.enqueue_indirect_dma source(%dma_start3A_1628 : memref<1000000x16xi32, #tpu.memory_space<hbm>>) target(%arg14 : memref<128x16xi32, #tpu.memory_space<vmem>>) offsets(%dma_start3A_1621 : memref<128xi32, #tpu.memory_space<vmem>>) semaphore(%run_scoped3A_1618 : memref<!tpu.dma_semaphore, #tpu.memory_space<semaphore_mem>>)
      %dma_wait3A_1629 = arith.constant 0 : i32
      %dma_wait3A_1630 = tpu.memref_slice %arg8[%run_scoped3A_1233, %dma_wait3A_1629] : memref<8x128xi32, #tpu.memory_space<vmem>> -> memref<1x128xi32, #tpu.memory_space<vmem>>
      %dma_wait3A_1631 = tpu.memref_squeeze %dma_wait3A_1630 : memref<1x128xi32, #tpu.memory_space<vmem>> -> memref<128xi32, #tpu.memory_space<vmem>>
      %dma_wait3A_1632 = arith.constant 0 : i32
      %dma_wait3A_1633 = arith.constant 0 : i32
      %dma_wait3A_1634 = tpu.memref_slice %arg7[%arg0, %dma_wait3A_1632, %dma_wait3A_1633] : memref<2x1000000x16xi32, #tpu.memory_space<hbm>> -> memref<1x1000000x16xi32, #tpu.memory_space<hbm>>
      %dma_wait3A_1635 = tpu.memref_squeeze %dma_wait3A_1634 : memref<1x1000000x16xi32, #tpu.memory_space<hbm>> -> memref<1000000x16xi32, #tpu.memory_space<hbm>>
      %dma_wait3A_1636 = arith.constant 0 : i32
      %dma_wait3A_1637 = arith.constant 0 : i32
      %dma_wait3A_1638 = tpu.memref_slice %dma_wait3A_1635[%dma_wait3A_1636, %dma_wait3A_1637] : memref<1000000x16xi32, #tpu.memory_space<hbm>> -> memref<1000000x16xi32, #tpu.memory_space<hbm>>
      tpu.wait_indirect_dma semaphore(%run_scoped3A_1618 : memref<!tpu.dma_semaphore, #tpu.memory_space<semaphore_mem>>) src(%dma_wait3A_1638 : memref<1000000x16xi32, #tpu.memory_space<hbm>>) dst(%arg14 : memref<128x16xi32, #tpu.memory_space<vmem>>)
      tpu.yield
    }) : () -> ()
    %add3A_1234 = arith.constant 0 : i32
    %add3A_1235 = vector.broadcast %add3A_1234 : i32 to vector<16xi32>
    %add3A_1236 = arith.addi %iota3A, %add3A_1235 : vector<16xi32>
    %gather3A_1237 = tpu.vector_load_idx %arg14[%add3A_1236, %broadcast_in_dim3A_3] : memref<128x16xi32, #tpu.memory_space<vmem>>[vector<16xi32>, vector<16xi32>], vector<16xi32>,
    %add3A_1238 = arith.constant 0 : i32
    %add3A_1239 = vector.broadcast %add3A_1238 : i32 to vector<16xi32>
    %add3A_1240 = arith.addi %iota3A, %add3A_1239 : vector<16xi32>
    tpu.vector_store_idx %arg9[%broadcast_in_dim3A_1232, %add3A_1240], %gather3A_1237 : memref<8x128xi32, #tpu.memory_space<vmem>>[vector<16xi32>, vector<16xi32>], vector<16xi32>,
    %add3A_1241 = arith.constant 16 : i32
    %add3A_1242 = vector.broadcast %add3A_1241 : i32 to vector<16xi32>
    %add3A_1243 = arith.addi %iota3A, %add3A_1242 : vector<16xi32>
    %gather3A_1244 = tpu.vector_load_idx %arg14[%add3A_1243, %broadcast_in_dim3A_3] : memref<128x16xi32, #tpu.memory_space<vmem>>[vector<16xi32>, vector<16xi32>], vector<16xi32>,
    %add3A_1245 = arith.constant 16 : i32
    %add3A_1246 = vector.broadcast %add3A_1245 : i32 to vector<16xi32>
    %add3A_1247 = arith.addi %iota3A, %add3A_1246 : vector<16xi32>
    tpu.vector_store_idx %arg9[%broadcast_in_dim3A_1232, %add3A_1247], %gather3A_1244 : memref<8x128xi32, #tpu.memory_space<vmem>>[vector<16xi32>, vector<16xi32>], vector<16xi32>,
    %add3A_1248 = arith.constant 32 : i32
    %add3A_1249 = vector.broadcast %add3A_1248 : i32 to vector<16xi32>
    %add3A_1250 = arith.addi %iota3A, %add3A_1249 : vector<16xi32>
    %gather3A_1251 = tpu.vector_load_idx %arg14[%add3A_1250, %broadcast_in_dim3A_3] : memref<128x16xi32, #tpu.memory_space<vmem>>[vector<16xi32>, vector<16xi32>], vector<16xi32>,
    %add3A_1252 = arith.constant 32 : i32
    %add3A_1253 = vector.broadcast %add3A_1252 : i32 to vector<16xi32>
    %add3A_1254 = arith.addi %iota3A, %add3A_1253 : vector<16xi32>
    tpu.vector_store_idx %arg9[%broadcast_in_dim3A_1232, %add3A_1254], %gather3A_1251 : memref<8x128xi32, #tpu.memory_space<vmem>>[vector<16xi32>, vector<16xi32>], vector<16xi32>,
    %add3A_1255 = arith.constant 48 : i32
    %add3A_1256 = vector.broadcast %add3A_1255 : i32 to vector<16xi32>
    %add3A_1257 = arith.addi %iota3A, %add3A_1256 : vector<16xi32>
    %gather3A_1258 = tpu.vector_load_idx %arg14[%add3A_1257, %broadcast_in_dim3A_3] : memref<128x16xi32, #tpu.memory_space<vmem>>[vector<16xi32>, vector<16xi32>], vector<16xi32>,
    %add3A_1259 = arith.constant 48 : i32
    %add3A_1260 = vector.broadcast %add3A_1259 : i32 to vector<16xi32>
    %add3A_1261 = arith.addi %iota3A, %add3A_1260 : vector<16xi32>
    tpu.vector_store_idx %arg9[%broadcast_in_dim3A_1232, %add3A_1261], %gather3A_1258 : memref<8x128xi32, #tpu.memory_space<vmem>>[vector<16xi32>, vector<16xi32>], vector<16xi32>,
    %add3A_1262 = arith.constant 64 : i32
    %add3A_1263 = vector.broadcast %add3A_1262 : i32 to vector<16xi32>
    %add3A_1264 = arith.addi %iota3A, %add3A_1263 : vector<16xi32>
    %gather3A_1265 = tpu.vector_load_idx %arg14[%add3A_1264, %broadcast_in_dim3A_3] : memref<128x16xi32, #tpu.memory_space<vmem>>[vector<16xi32>, vector<16xi32>], vector<16xi32>,
    %add3A_1266 = arith.constant 64 : i32
    %add3A_1267 = vector.broadcast %add3A_1266 : i32 to vector<16xi32>
    %add3A_1268 = arith.addi %iota3A, %add3A_1267 : vector<16xi32>
    tpu.vector_store_idx %arg9[%broadcast_in_dim3A_1232, %add3A_1268], %gather3A_1265 : memref<8x128xi32, #tpu.memory_space<vmem>>[vector<16xi32>, vector<16xi32>], vector<16xi32>,
    %add3A_1269 = arith.constant 80 : i32
    %add3A_1270 = vector.broadcast %add3A_1269 : i32 to vector<16xi32>
    %add3A_1271 = arith.addi %iota3A, %add3A_1270 : vector<16xi32>
    %gather3A_1272 = tpu.vector_load_idx %arg14[%add3A_1271, %broadcast_in_dim3A_3] : memref<128x16xi32, #tpu.memory_space<vmem>>[vector<16xi32>, vector<16xi32>], vector<16xi32>,
    %add3A_1273 = arith.constant 80 : i32
    %add3A_1274 = vector.broadcast %add3A_1273 : i32 to vector<16xi32>
    %add3A_1275 = arith.addi %iota3A, %add3A_1274 : vector<16xi32>
    tpu.vector_store_idx %arg9[%broadcast_in_dim3A_1232, %add3A_1275], %gather3A_1272 : memref<8x128xi32, #tpu.memory_space<vmem>>[vector<16xi32>, vector<16xi32>], vector<16xi32>,
    %add3A_1276 = arith.constant 96 : i32
    %add3A_1277 = vector.broadcast %add3A_1276 : i32 to vector<16xi32>
    %add3A_1278 = arith.addi %iota3A, %add3A_1277 : vector<16xi32>
    %gather3A_1279 = tpu.vector_load_idx %arg14[%add3A_1278, %broadcast_in_dim3A_3] : memref<128x16xi32, #tpu.memory_space<vmem>>[vector<16xi32>, vector<16xi32>], vector<16xi32>,
    %add3A_1280 = arith.constant 96 : i32
    %add3A_1281 = vector.broadcast %add3A_1280 : i32 to vector<16xi32>
    %add3A_1282 = arith.addi %iota3A, %add3A_1281 : vector<16xi32>
    tpu.vector_store_idx %arg9[%broadcast_in_dim3A_1232, %add3A_1282], %gather3A_1279 : memref<8x128xi32, #tpu.memory_space<vmem>>[vector<16xi32>, vector<16xi32>], vector<16xi32>,
    %add3A_1283 = arith.constant 112 : i32
    %add3A_1284 = vector.broadcast %add3A_1283 : i32 to vector<16xi32>
    %add3A_1285 = arith.addi %iota3A, %add3A_1284 : vector<16xi32>
    %gather3A_1286 = tpu.vector_load_idx %arg14[%add3A_1285, %broadcast_in_dim3A_3] : memref<128x16xi32, #tpu.memory_space<vmem>>[vector<16xi32>, vector<16xi32>], vector<16xi32>,
    %add3A_1287 = arith.constant 112 : i32
    %add3A_1288 = vector.broadcast %add3A_1287 : i32 to vector<16xi32>
    %add3A_1289 = arith.addi %iota3A, %add3A_1288 : vector<16xi32>
    tpu.vector_store_idx %arg9[%broadcast_in_dim3A_1232, %add3A_1289], %gather3A_1286 : memref<8x128xi32, #tpu.memory_space<vmem>>[vector<16xi32>, vector<16xi32>], vector<16xi32>,
    %broadcast_in_dim3A_1290 = arith.constant 3 : i32
    %broadcast_in_dim3A_1291 = vector.broadcast %broadcast_in_dim3A_1290 : i32 to vector<16xi32>
    %run_scoped3A_1292 = arith.constant 3 : i32
    "tpu.region"() ({
      %run_scoped3A_1618 = tpu.sem_alloc : memref<!tpu.dma_semaphore, #tpu.memory_space<semaphore_mem>>
      %dma_start3A_1619 = arith.constant 0 : i32
      %dma_start3A_1620 = tpu.memref_slice %arg8[%run_scoped3A_1292, %dma_start3A_1619] : memref<8x128xi32, #tpu.memory_space<vmem>> -> memref<1x128xi32, #tpu.memory_space<vmem>>
      %dma_start3A_1621 = tpu.memref_squeeze %dma_start3A_1620 : memref<1x128xi32, #tpu.memory_space<vmem>> -> memref<128xi32, #tpu.memory_space<vmem>>
      %dma_start3A_1622 = arith.constant 0 : i32
      %dma_start3A_1623 = arith.constant 0 : i32
      %dma_start3A_1624 = tpu.memref_slice %arg7[%arg0, %dma_start3A_1622, %dma_start3A_1623] : memref<2x1000000x16xi32, #tpu.memory_space<hbm>> -> memref<1x1000000x16xi32, #tpu.memory_space<hbm>>
      %dma_start3A_1625 = tpu.memref_squeeze %dma_start3A_1624 : memref<1x1000000x16xi32, #tpu.memory_space<hbm>> -> memref<1000000x16xi32, #tpu.memory_space<hbm>>
      %dma_start3A_1626 = arith.constant 0 : i32
      %dma_start3A_1627 = arith.constant 0 : i32
      %dma_start3A_1628 = tpu.memref_slice %dma_start3A_1625[%dma_start3A_1626, %dma_start3A_1627] : memref<1000000x16xi32, #tpu.memory_space<hbm>> -> memref<1000000x16xi32, #tpu.memory_space<hbm>>
      tpu.enqueue_indirect_dma source(%dma_start3A_1628 : memref<1000000x16xi32, #tpu.memory_space<hbm>>) target(%arg14 : memref<128x16xi32, #tpu.memory_space<vmem>>) offsets(%dma_start3A_1621 : memref<128xi32, #tpu.memory_space<vmem>>) semaphore(%run_scoped3A_1618 : memref<!tpu.dma_semaphore, #tpu.memory_space<semaphore_mem>>)
      %dma_wait3A_1629 = arith.constant 0 : i32
      %dma_wait3A_1630 = tpu.memref_slice %arg8[%run_scoped3A_1292, %dma_wait3A_1629] : memref<8x128xi32, #tpu.memory_space<vmem>> -> memref<1x128xi32, #tpu.memory_space<vmem>>
      %dma_wait3A_1631 = tpu.memref_squeeze %dma_wait3A_1630 : memref<1x128xi32, #tpu.memory_space<vmem>> -> memref<128xi32, #tpu.memory_space<vmem>>
      %dma_wait3A_1632 = arith.constant 0 : i32
      %dma_wait3A_1633 = arith.constant 0 : i32
      %dma_wait3A_1634 = tpu.memref_slice %arg7[%arg0, %dma_wait3A_1632, %dma_wait3A_1633] : memref<2x1000000x16xi32, #tpu.memory_space<hbm>> -> memref<1x1000000x16xi32, #tpu.memory_space<hbm>>
      %dma_wait3A_1635 = tpu.memref_squeeze %dma_wait3A_1634 : memref<1x1000000x16xi32, #tpu.memory_space<hbm>> -> memref<1000000x16xi32, #tpu.memory_space<hbm>>
      %dma_wait3A_1636 = arith.constant 0 : i32
      %dma_wait3A_1637 = arith.constant 0 : i32
      %dma_wait3A_1638 = tpu.memref_slice %dma_wait3A_1635[%dma_wait3A_1636, %dma_wait3A_1637] : memref<1000000x16xi32, #tpu.memory_space<hbm>> -> memref<1000000x16xi32, #tpu.memory_space<hbm>>
      tpu.wait_indirect_dma semaphore(%run_scoped3A_1618 : memref<!tpu.dma_semaphore, #tpu.memory_space<semaphore_mem>>) src(%dma_wait3A_1638 : memref<1000000x16xi32, #tpu.memory_space<hbm>>) dst(%arg14 : memref<128x16xi32, #tpu.memory_space<vmem>>)
      tpu.yield
    }) : () -> ()
    %add3A_1293 = arith.constant 0 : i32
    %add3A_1294 = vector.broadcast %add3A_1293 : i32 to vector<16xi32>
    %add3A_1295 = arith.addi %iota3A, %add3A_1294 : vector<16xi32>
    %gather3A_1296 = tpu.vector_load_idx %arg14[%add3A_1295, %broadcast_in_dim3A_3] : memref<128x16xi32, #tpu.memory_space<vmem>>[vector<16xi32>, vector<16xi32>], vector<16xi32>,
    %add3A_1297 = arith.constant 0 : i32
    %add3A_1298 = vector.broadcast %add3A_1297 : i32 to vector<16xi32>
    %add3A_1299 = arith.addi %iota3A, %add3A_1298 : vector<16xi32>
    tpu.vector_store_idx %arg9[%broadcast_in_dim3A_1291, %add3A_1299], %gather3A_1296 : memref<8x128xi32, #tpu.memory_space<vmem>>[vector<16xi32>, vector<16xi32>], vector<16xi32>,
    %add3A_1300 = arith.constant 16 : i32
    %add3A_1301 = vector.broadcast %add3A_1300 : i32 to vector<16xi32>
    %add3A_1302 = arith.addi %iota3A, %add3A_1301 : vector<16xi32>
    %gather3A_1303 = tpu.vector_load_idx %arg14[%add3A_1302, %broadcast_in_dim3A_3] : memref<128x16xi32, #tpu.memory_space<vmem>>[vector<16xi32>, vector<16xi32>], vector<16xi32>,
    %add3A_1304 = arith.constant 16 : i32
    %add3A_1305 = vector.broadcast %add3A_1304 : i32 to vector<16xi32>
    %add3A_1306 = arith.addi %iota3A, %add3A_1305 : vector<16xi32>
    tpu.vector_store_idx %arg9[%broadcast_in_dim3A_1291, %add3A_1306], %gather3A_1303 : memref<8x128xi32, #tpu.memory_space<vmem>>[vector<16xi32>, vector<16xi32>], vector<16xi32>,
    %add3A_1307 = arith.constant 32 : i32
    %add3A_1308 = vector.broadcast %add3A_1307 : i32 to vector<16xi32>
    %add3A_1309 = arith.addi %iota3A, %add3A_1308 : vector<16xi32>
    %gather3A_1310 = tpu.vector_load_idx %arg14[%add3A_1309, %broadcast_in_dim3A_3] : memref<128x16xi32, #tpu.memory_space<vmem>>[vector<16xi32>, vector<16xi32>], vector<16xi32>,
    %add3A_1311 = arith.constant 32 : i32
    %add3A_1312 = vector.broadcast %add3A_1311 : i32 to vector<16xi32>
    %add3A_1313 = arith.addi %iota3A, %add3A_1312 : vector<16xi32>
    tpu.vector_store_idx %arg9[%broadcast_in_dim3A_1291, %add3A_1313], %gather3A_1310 : memref<8x128xi32, #tpu.memory_space<vmem>>[vector<16xi32>, vector<16xi32>], vector<16xi32>,
    %add3A_1314 = arith.constant 48 : i32
    %add3A_1315 = vector.broadcast %add3A_1314 : i32 to vector<16xi32>
    %add3A_1316 = arith.addi %iota3A, %add3A_1315 : vector<16xi32>
    %gather3A_1317 = tpu.vector_load_idx %arg14[%add3A_1316, %broadcast_in_dim3A_3] : memref<128x16xi32, #tpu.memory_space<vmem>>[vector<16xi32>, vector<16xi32>], vector<16xi32>,
    %add3A_1318 = arith.constant 48 : i32
    %add3A_1319 = vector.broadcast %add3A_1318 : i32 to vector<16xi32>
    %add3A_1320 = arith.addi %iota3A, %add3A_1319 : vector<16xi32>
    tpu.vector_store_idx %arg9[%broadcast_in_dim3A_1291, %add3A_1320], %gather3A_1317 : memref<8x128xi32, #tpu.memory_space<vmem>>[vector<16xi32>, vector<16xi32>], vector<16xi32>,
    %add3A_1321 = arith.constant 64 : i32
    %add3A_1322 = vector.broadcast %add3A_1321 : i32 to vector<16xi32>
    %add3A_1323 = arith.addi %iota3A, %add3A_1322 : vector<16xi32>
    %gather3A_1324 = tpu.vector_load_idx %arg14[%add3A_1323, %broadcast_in_dim3A_3] : memref<128x16xi32, #tpu.memory_space<vmem>>[vector<16xi32>, vector<16xi32>], vector<16xi32>,
    %add3A_1325 = arith.constant 64 : i32
    %add3A_1326 = vector.broadcast %add3A_1325 : i32 to vector<16xi32>
    %add3A_1327 = arith.addi %iota3A, %add3A_1326 : vector<16xi32>
    tpu.vector_store_idx %arg9[%broadcast_in_dim3A_1291, %add3A_1327], %gather3A_1324 : memref<8x128xi32, #tpu.memory_space<vmem>>[vector<16xi32>, vector<16xi32>], vector<16xi32>,
    %add3A_1328 = arith.constant 80 : i32
    %add3A_1329 = vector.broadcast %add3A_1328 : i32 to vector<16xi32>
    %add3A_1330 = arith.addi %iota3A, %add3A_1329 : vector<16xi32>
    %gather3A_1331 = tpu.vector_load_idx %arg14[%add3A_1330, %broadcast_in_dim3A_3] : memref<128x16xi32, #tpu.memory_space<vmem>>[vector<16xi32>, vector<16xi32>], vector<16xi32>,
    %add3A_1332 = arith.constant 80 : i32
    %add3A_1333 = vector.broadcast %add3A_1332 : i32 to vector<16xi32>
    %add3A_1334 = arith.addi %iota3A, %add3A_1333 : vector<16xi32>
    tpu.vector_store_idx %arg9[%broadcast_in_dim3A_1291, %add3A_1334], %gather3A_1331 : memref<8x128xi32, #tpu.memory_space<vmem>>[vector<16xi32>, vector<16xi32>], vector<16xi32>,
    %add3A_1335 = arith.constant 96 : i32
    %add3A_1336 = vector.broadcast %add3A_1335 : i32 to vector<16xi32>
    %add3A_1337 = arith.addi %iota3A, %add3A_1336 : vector<16xi32>
    %gather3A_1338 = tpu.vector_load_idx %arg14[%add3A_1337, %broadcast_in_dim3A_3] : memref<128x16xi32, #tpu.memory_space<vmem>>[vector<16xi32>, vector<16xi32>], vector<16xi32>,
    %add3A_1339 = arith.constant 96 : i32
    %add3A_1340 = vector.broadcast %add3A_1339 : i32 to vector<16xi32>
    %add3A_1341 = arith.addi %iota3A, %add3A_1340 : vector<16xi32>
    tpu.vector_store_idx %arg9[%broadcast_in_dim3A_1291, %add3A_1341], %gather3A_1338 : memref<8x128xi32, #tpu.memory_space<vmem>>[vector<16xi32>, vector<16xi32>], vector<16xi32>,
    %add3A_1342 = arith.constant 112 : i32
    %add3A_1343 = vector.broadcast %add3A_1342 : i32 to vector<16xi32>
    %add3A_1344 = arith.addi %iota3A, %add3A_1343 : vector<16xi32>
    %gather3A_1345 = tpu.vector_load_idx %arg14[%add3A_1344, %broadcast_in_dim3A_3] : memref<128x16xi32, #tpu.memory_space<vmem>>[vector<16xi32>, vector<16xi32>], vector<16xi32>,
    %add3A_1346 = arith.constant 112 : i32
    %add3A_1347 = vector.broadcast %add3A_1346 : i32 to vector<16xi32>
    %add3A_1348 = arith.addi %iota3A, %add3A_1347 : vector<16xi32>
    tpu.vector_store_idx %arg9[%broadcast_in_dim3A_1291, %add3A_1348], %gather3A_1345 : memref<8x128xi32, #tpu.memory_space<vmem>>[vector<16xi32>, vector<16xi32>], vector<16xi32>,
    %broadcast_in_dim3A_1349 = arith.constant 4 : i32
    %broadcast_in_dim3A_1350 = vector.broadcast %broadcast_in_dim3A_1349 : i32 to vector<16xi32>
    %run_scoped3A_1351 = arith.constant 4 : i32
    "tpu.region"() ({
      %run_scoped3A_1618 = tpu.sem_alloc : memref<!tpu.dma_semaphore, #tpu.memory_space<semaphore_mem>>
      %dma_start3A_1619 = arith.constant 0 : i32
      %dma_start3A_1620 = tpu.memref_slice %arg8[%run_scoped3A_1351, %dma_start3A_1619] : memref<8x128xi32, #tpu.memory_space<vmem>> -> memref<1x128xi32, #tpu.memory_space<vmem>>
      %dma_start3A_1621 = tpu.memref_squeeze %dma_start3A_1620 : memref<1x128xi32, #tpu.memory_space<vmem>> -> memref<128xi32, #tpu.memory_space<vmem>>
      %dma_start3A_1622 = arith.constant 0 : i32
      %dma_start3A_1623 = arith.constant 0 : i32
      %dma_start3A_1624 = tpu.memref_slice %arg7[%arg0, %dma_start3A_1622, %dma_start3A_1623] : memref<2x1000000x16xi32, #tpu.memory_space<hbm>> -> memref<1x1000000x16xi32, #tpu.memory_space<hbm>>
      %dma_start3A_1625 = tpu.memref_squeeze %dma_start3A_1624 : memref<1x1000000x16xi32, #tpu.memory_space<hbm>> -> memref<1000000x16xi32, #tpu.memory_space<hbm>>
      %dma_start3A_1626 = arith.constant 0 : i32
      %dma_start3A_1627 = arith.constant 0 : i32
      %dma_start3A_1628 = tpu.memref_slice %dma_start3A_1625[%dma_start3A_1626, %dma_start3A_1627] : memref<1000000x16xi32, #tpu.memory_space<hbm>> -> memref<1000000x16xi32, #tpu.memory_space<hbm>>
      tpu.enqueue_indirect_dma source(%dma_start3A_1628 : memref<1000000x16xi32, #tpu.memory_space<hbm>>) target(%arg14 : memref<128x16xi32, #tpu.memory_space<vmem>>) offsets(%dma_start3A_1621 : memref<128xi32, #tpu.memory_space<vmem>>) semaphore(%run_scoped3A_1618 : memref<!tpu.dma_semaphore, #tpu.memory_space<semaphore_mem>>)
      %dma_wait3A_1629 = arith.constant 0 : i32
      %dma_wait3A_1630 = tpu.memref_slice %arg8[%run_scoped3A_1351, %dma_wait3A_1629] : memref<8x128xi32, #tpu.memory_space<vmem>> -> memref<1x128xi32, #tpu.memory_space<vmem>>
      %dma_wait3A_1631 = tpu.memref_squeeze %dma_wait3A_1630 : memref<1x128xi32, #tpu.memory_space<vmem>> -> memref<128xi32, #tpu.memory_space<vmem>>
      %dma_wait3A_1632 = arith.constant 0 : i32
      %dma_wait3A_1633 = arith.constant 0 : i32
      %dma_wait3A_1634 = tpu.memref_slice %arg7[%arg0, %dma_wait3A_1632, %dma_wait3A_1633] : memref<2x1000000x16xi32, #tpu.memory_space<hbm>> -> memref<1x1000000x16xi32, #tpu.memory_space<hbm>>
      %dma_wait3A_1635 = tpu.memref_squeeze %dma_wait3A_1634 : memref<1x1000000x16xi32, #tpu.memory_space<hbm>> -> memref<1000000x16xi32, #tpu.memory_space<hbm>>
      %dma_wait3A_1636 = arith.constant 0 : i32
      %dma_wait3A_1637 = arith.constant 0 : i32
      %dma_wait3A_1638 = tpu.memref_slice %dma_wait3A_1635[%dma_wait3A_1636, %dma_wait3A_1637] : memref<1000000x16xi32, #tpu.memory_space<hbm>> -> memref<1000000x16xi32, #tpu.memory_space<hbm>>
      tpu.wait_indirect_dma semaphore(%run_scoped3A_1618 : memref<!tpu.dma_semaphore, #tpu.memory_space<semaphore_mem>>) src(%dma_wait3A_1638 : memref<1000000x16xi32, #tpu.memory_space<hbm>>) dst(%arg14 : memref<128x16xi32, #tpu.memory_space<vmem>>)
      tpu.yield
    }) : () -> ()
    %add3A_1352 = arith.constant 0 : i32
    %add3A_1353 = vector.broadcast %add3A_1352 : i32 to vector<16xi32>
    %add3A_1354 = arith.addi %iota3A, %add3A_1353 : vector<16xi32>
    %gather3A_1355 = tpu.vector_load_idx %arg14[%add3A_1354, %broadcast_in_dim3A_3] : memref<128x16xi32, #tpu.memory_space<vmem>>[vector<16xi32>, vector<16xi32>], vector<16xi32>,
    %add3A_1356 = arith.constant 0 : i32
    %add3A_1357 = vector.broadcast %add3A_1356 : i32 to vector<16xi32>
    %add3A_1358 = arith.addi %iota3A, %add3A_1357 : vector<16xi32>
    tpu.vector_store_idx %arg9[%broadcast_in_dim3A_1350, %add3A_1358], %gather3A_1355 : memref<8x128xi32, #tpu.memory_space<vmem>>[vector<16xi32>, vector<16xi32>], vector<16xi32>,
    %add3A_1359 = arith.constant 16 : i32
    %add3A_1360 = vector.broadcast %add3A_1359 : i32 to vector<16xi32>
    %add3A_1361 = arith.addi %iota3A, %add3A_1360 : vector<16xi32>
    %gather3A_1362 = tpu.vector_load_idx %arg14[%add3A_1361, %broadcast_in_dim3A_3] : memref<128x16xi32, #tpu.memory_space<vmem>>[vector<16xi32>, vector<16xi32>], vector<16xi32>,
    %add3A_1363 = arith.constant 16 : i32
    %add3A_1364 = vector.broadcast %add3A_1363 : i32 to vector<16xi32>
    %add3A_1365 = arith.addi %iota3A, %add3A_1364 : vector<16xi32>
    tpu.vector_store_idx %arg9[%broadcast_in_dim3A_1350, %add3A_1365], %gather3A_1362 : memref<8x128xi32, #tpu.memory_space<vmem>>[vector<16xi32>, vector<16xi32>], vector<16xi32>,
    %add3A_1366 = arith.constant 32 : i32
    %add3A_1367 = vector.broadcast %add3A_1366 : i32 to vector<16xi32>
    %add3A_1368 = arith.addi %iota3A, %add3A_1367 : vector<16xi32>
    %gather3A_1369 = tpu.vector_load_idx %arg14[%add3A_1368, %broadcast_in_dim3A_3] : memref<128x16xi32, #tpu.memory_space<vmem>>[vector<16xi32>, vector<16xi32>], vector<16xi32>,
    %add3A_1370 = arith.constant 32 : i32
    %add3A_1371 = vector.broadcast %add3A_1370 : i32 to vector<16xi32>
    %add3A_1372 = arith.addi %iota3A, %add3A_1371 : vector<16xi32>
    tpu.vector_store_idx %arg9[%broadcast_in_dim3A_1350, %add3A_1372], %gather3A_1369 : memref<8x128xi32, #tpu.memory_space<vmem>>[vector<16xi32>, vector<16xi32>], vector<16xi32>,
    %add3A_1373 = arith.constant 48 : i32
    %add3A_1374 = vector.broadcast %add3A_1373 : i32 to vector<16xi32>
    %add3A_1375 = arith.addi %iota3A, %add3A_1374 : vector<16xi32>
    %gather3A_1376 = tpu.vector_load_idx %arg14[%add3A_1375, %broadcast_in_dim3A_3] : memref<128x16xi32, #tpu.memory_space<vmem>>[vector<16xi32>, vector<16xi32>], vector<16xi32>,
    %add3A_1377 = arith.constant 48 : i32
    %add3A_1378 = vector.broadcast %add3A_1377 : i32 to vector<16xi32>
    %add3A_1379 = arith.addi %iota3A, %add3A_1378 : vector<16xi32>
    tpu.vector_store_idx %arg9[%broadcast_in_dim3A_1350, %add3A_1379], %gather3A_1376 : memref<8x128xi32, #tpu.memory_space<vmem>>[vector<16xi32>, vector<16xi32>], vector<16xi32>,
    %add3A_1380 = arith.constant 64 : i32
    %add3A_1381 = vector.broadcast %add3A_1380 : i32 to vector<16xi32>
    %add3A_1382 = arith.addi %iota3A, %add3A_1381 : vector<16xi32>
    %gather3A_1383 = tpu.vector_load_idx %arg14[%add3A_1382, %broadcast_in_dim3A_3] : memref<128x16xi32, #tpu.memory_space<vmem>>[vector<16xi32>, vector<16xi32>], vector<16xi32>,
    %add3A_1384 = arith.constant 64 : i32
    %add3A_1385 = vector.broadcast %add3A_1384 : i32 to vector<16xi32>
    %add3A_1386 = arith.addi %iota3A, %add3A_1385 : vector<16xi32>
    tpu.vector_store_idx %arg9[%broadcast_in_dim3A_1350, %add3A_1386], %gather3A_1383 : memref<8x128xi32, #tpu.memory_space<vmem>>[vector<16xi32>, vector<16xi32>], vector<16xi32>,
    %add3A_1387 = arith.constant 80 : i32
    %add3A_1388 = vector.broadcast %add3A_1387 : i32 to vector<16xi32>
    %add3A_1389 = arith.addi %iota3A, %add3A_1388 : vector<16xi32>
    %gather3A_1390 = tpu.vector_load_idx %arg14[%add3A_1389, %broadcast_in_dim3A_3] : memref<128x16xi32, #tpu.memory_space<vmem>>[vector<16xi32>, vector<16xi32>], vector<16xi32>,
    %add3A_1391 = arith.constant 80 : i32
    %add3A_1392 = vector.broadcast %add3A_1391 : i32 to vector<16xi32>
    %add3A_1393 = arith.addi %iota3A, %add3A_1392 : vector<16xi32>
    tpu.vector_store_idx %arg9[%broadcast_in_dim3A_1350, %add3A_1393], %gather3A_1390 : memref<8x128xi32, #tpu.memory_space<vmem>>[vector<16xi32>, vector<16xi32>], vector<16xi32>,
    %add3A_1394 = arith.constant 96 : i32
    %add3A_1395 = vector.broadcast %add3A_1394 : i32 to vector<16xi32>
    %add3A_1396 = arith.addi %iota3A, %add3A_1395 : vector<16xi32>
    %gather3A_1397 = tpu.vector_load_idx %arg14[%add3A_1396, %broadcast_in_dim3A_3] : memref<128x16xi32, #tpu.memory_space<vmem>>[vector<16xi32>, vector<16xi32>], vector<16xi32>,
    %add3A_1398 = arith.constant 96 : i32
    %add3A_1399 = vector.broadcast %add3A_1398 : i32 to vector<16xi32>
    %add3A_1400 = arith.addi %iota3A, %add3A_1399 : vector<16xi32>
    tpu.vector_store_idx %arg9[%broadcast_in_dim3A_1350, %add3A_1400], %gather3A_1397 : memref<8x128xi32, #tpu.memory_space<vmem>>[vector<16xi32>, vector<16xi32>], vector<16xi32>,
    %add3A_1401 = arith.constant 112 : i32
    %add3A_1402 = vector.broadcast %add3A_1401 : i32 to vector<16xi32>
    %add3A_1403 = arith.addi %iota3A, %add3A_1402 : vector<16xi32>
    %gather3A_1404 = tpu.vector_load_idx %arg14[%add3A_1403, %broadcast_in_dim3A_3] : memref<128x16xi32, #tpu.memory_space<vmem>>[vector<16xi32>, vector<16xi32>], vector<16xi32>,
    %add3A_1405 = arith.constant 112 : i32
    %add3A_1406 = vector.broadcast %add3A_1405 : i32 to vector<16xi32>
    %add3A_1407 = arith.addi %iota3A, %add3A_1406 : vector<16xi32>
    tpu.vector_store_idx %arg9[%broadcast_in_dim3A_1350, %add3A_1407], %gather3A_1404 : memref<8x128xi32, #tpu.memory_space<vmem>>[vector<16xi32>, vector<16xi32>], vector<16xi32>,
    %broadcast_in_dim3A_1408 = arith.constant 5 : i32
    %broadcast_in_dim3A_1409 = vector.broadcast %broadcast_in_dim3A_1408 : i32 to vector<16xi32>
    %run_scoped3A_1410 = arith.constant 5 : i32
    "tpu.region"() ({
      %run_scoped3A_1618 = tpu.sem_alloc : memref<!tpu.dma_semaphore, #tpu.memory_space<semaphore_mem>>
      %dma_start3A_1619 = arith.constant 0 : i32
      %dma_start3A_1620 = tpu.memref_slice %arg8[%run_scoped3A_1410, %dma_start3A_1619] : memref<8x128xi32, #tpu.memory_space<vmem>> -> memref<1x128xi32, #tpu.memory_space<vmem>>
      %dma_start3A_1621 = tpu.memref_squeeze %dma_start3A_1620 : memref<1x128xi32, #tpu.memory_space<vmem>> -> memref<128xi32, #tpu.memory_space<vmem>>
      %dma_start3A_1622 = arith.constant 0 : i32
      %dma_start3A_1623 = arith.constant 0 : i32
      %dma_start3A_1624 = tpu.memref_slice %arg7[%arg0, %dma_start3A_1622, %dma_start3A_1623] : memref<2x1000000x16xi32, #tpu.memory_space<hbm>> -> memref<1x1000000x16xi32, #tpu.memory_space<hbm>>
      %dma_start3A_1625 = tpu.memref_squeeze %dma_start3A_1624 : memref<1x1000000x16xi32, #tpu.memory_space<hbm>> -> memref<1000000x16xi32, #tpu.memory_space<hbm>>
      %dma_start3A_1626 = arith.constant 0 : i32
      %dma_start3A_1627 = arith.constant 0 : i32
      %dma_start3A_1628 = tpu.memref_slice %dma_start3A_1625[%dma_start3A_1626, %dma_start3A_1627] : memref<1000000x16xi32, #tpu.memory_space<hbm>> -> memref<1000000x16xi32, #tpu.memory_space<hbm>>
      tpu.enqueue_indirect_dma source(%dma_start3A_1628 : memref<1000000x16xi32, #tpu.memory_space<hbm>>) target(%arg14 : memref<128x16xi32, #tpu.memory_space<vmem>>) offsets(%dma_start3A_1621 : memref<128xi32, #tpu.memory_space<vmem>>) semaphore(%run_scoped3A_1618 : memref<!tpu.dma_semaphore, #tpu.memory_space<semaphore_mem>>)
      %dma_wait3A_1629 = arith.constant 0 : i32
      %dma_wait3A_1630 = tpu.memref_slice %arg8[%run_scoped3A_1410, %dma_wait3A_1629] : memref<8x128xi32, #tpu.memory_space<vmem>> -> memref<1x128xi32, #tpu.memory_space<vmem>>
      %dma_wait3A_1631 = tpu.memref_squeeze %dma_wait3A_1630 : memref<1x128xi32, #tpu.memory_space<vmem>> -> memref<128xi32, #tpu.memory_space<vmem>>
      %dma_wait3A_1632 = arith.constant 0 : i32
      %dma_wait3A_1633 = arith.constant 0 : i32
      %dma_wait3A_1634 = tpu.memref_slice %arg7[%arg0, %dma_wait3A_1632, %dma_wait3A_1633] : memref<2x1000000x16xi32, #tpu.memory_space<hbm>> -> memref<1x1000000x16xi32, #tpu.memory_space<hbm>>
      %dma_wait3A_1635 = tpu.memref_squeeze %dma_wait3A_1634 : memref<1x1000000x16xi32, #tpu.memory_space<hbm>> -> memref<1000000x16xi32, #tpu.memory_space<hbm>>
      %dma_wait3A_1636 = arith.constant 0 : i32
      %dma_wait3A_1637 = arith.constant 0 : i32
      %dma_wait3A_1638 = tpu.memref_slice %dma_wait3A_1635[%dma_wait3A_1636, %dma_wait3A_1637] : memref<1000000x16xi32, #tpu.memory_space<hbm>> -> memref<1000000x16xi32, #tpu.memory_space<hbm>>
      tpu.wait_indirect_dma semaphore(%run_scoped3A_1618 : memref<!tpu.dma_semaphore, #tpu.memory_space<semaphore_mem>>) src(%dma_wait3A_1638 : memref<1000000x16xi32, #tpu.memory_space<hbm>>) dst(%arg14 : memref<128x16xi32, #tpu.memory_space<vmem>>)
      tpu.yield
    }) : () -> ()
    %add3A_1411 = arith.constant 0 : i32
    %add3A_1412 = vector.broadcast %add3A_1411 : i32 to vector<16xi32>
    %add3A_1413 = arith.addi %iota3A, %add3A_1412 : vector<16xi32>
    %gather3A_1414 = tpu.vector_load_idx %arg14[%add3A_1413, %broadcast_in_dim3A_3] : memref<128x16xi32, #tpu.memory_space<vmem>>[vector<16xi32>, vector<16xi32>], vector<16xi32>,
    %add3A_1415 = arith.constant 0 : i32
    %add3A_1416 = vector.broadcast %add3A_1415 : i32 to vector<16xi32>
    %add3A_1417 = arith.addi %iota3A, %add3A_1416 : vector<16xi32>
    tpu.vector_store_idx %arg9[%broadcast_in_dim3A_1409, %add3A_1417], %gather3A_1414 : memref<8x128xi32, #tpu.memory_space<vmem>>[vector<16xi32>, vector<16xi32>], vector<16xi32>,
    %add3A_1418 = arith.constant 16 : i32
    %add3A_1419 = vector.broadcast %add3A_1418 : i32 to vector<16xi32>
    %add3A_1420 = arith.addi %iota3A, %add3A_1419 : vector<16xi32>
    %gather3A_1421 = tpu.vector_load_idx %arg14[%add3A_1420, %broadcast_in_dim3A_3] : memref<128x16xi32, #tpu.memory_space<vmem>>[vector<16xi32>, vector<16xi32>], vector<16xi32>,
    %add3A_1422 = arith.constant 16 : i32
    %add3A_1423 = vector.broadcast %add3A_1422 : i32 to vector<16xi32>
    %add3A_1424 = arith.addi %iota3A, %add3A_1423 : vector<16xi32>
    tpu.vector_store_idx %arg9[%broadcast_in_dim3A_1409, %add3A_1424], %gather3A_1421 : memref<8x128xi32, #tpu.memory_space<vmem>>[vector<16xi32>, vector<16xi32>], vector<16xi32>,
    %add3A_1425 = arith.constant 32 : i32
    %add3A_1426 = vector.broadcast %add3A_1425 : i32 to vector<16xi32>
    %add3A_1427 = arith.addi %iota3A, %add3A_1426 : vector<16xi32>
    %gather3A_1428 = tpu.vector_load_idx %arg14[%add3A_1427, %broadcast_in_dim3A_3] : memref<128x16xi32, #tpu.memory_space<vmem>>[vector<16xi32>, vector<16xi32>], vector<16xi32>,
    %add3A_1429 = arith.constant 32 : i32
    %add3A_1430 = vector.broadcast %add3A_1429 : i32 to vector<16xi32>
    %add3A_1431 = arith.addi %iota3A, %add3A_1430 : vector<16xi32>
    tpu.vector_store_idx %arg9[%broadcast_in_dim3A_1409, %add3A_1431], %gather3A_1428 : memref<8x128xi32, #tpu.memory_space<vmem>>[vector<16xi32>, vector<16xi32>], vector<16xi32>,
    %add3A_1432 = arith.constant 48 : i32
    %add3A_1433 = vector.broadcast %add3A_1432 : i32 to vector<16xi32>
    %add3A_1434 = arith.addi %iota3A, %add3A_1433 : vector<16xi32>
    %gather3A_1435 = tpu.vector_load_idx %arg14[%add3A_1434, %broadcast_in_dim3A_3] : memref<128x16xi32, #tpu.memory_space<vmem>>[vector<16xi32>, vector<16xi32>], vector<16xi32>,
    %add3A_1436 = arith.constant 48 : i32
    %add3A_1437 = vector.broadcast %add3A_1436 : i32 to vector<16xi32>
    %add3A_1438 = arith.addi %iota3A, %add3A_1437 : vector<16xi32>
    tpu.vector_store_idx %arg9[%broadcast_in_dim3A_1409, %add3A_1438], %gather3A_1435 : memref<8x128xi32, #tpu.memory_space<vmem>>[vector<16xi32>, vector<16xi32>], vector<16xi32>,
    %add3A_1439 = arith.constant 64 : i32
    %add3A_1440 = vector.broadcast %add3A_1439 : i32 to vector<16xi32>
    %add3A_1441 = arith.addi %iota3A, %add3A_1440 : vector<16xi32>
    %gather3A_1442 = tpu.vector_load_idx %arg14[%add3A_1441, %broadcast_in_dim3A_3] : memref<128x16xi32, #tpu.memory_space<vmem>>[vector<16xi32>, vector<16xi32>], vector<16xi32>,
    %add3A_1443 = arith.constant 64 : i32
    %add3A_1444 = vector.broadcast %add3A_1443 : i32 to vector<16xi32>
    %add3A_1445 = arith.addi %iota3A, %add3A_1444 : vector<16xi32>
    tpu.vector_store_idx %arg9[%broadcast_in_dim3A_1409, %add3A_1445], %gather3A_1442 : memref<8x128xi32, #tpu.memory_space<vmem>>[vector<16xi32>, vector<16xi32>], vector<16xi32>,
    %add3A_1446 = arith.constant 80 : i32
    %add3A_1447 = vector.broadcast %add3A_1446 : i32 to vector<16xi32>
    %add3A_1448 = arith.addi %iota3A, %add3A_1447 : vector<16xi32>
    %gather3A_1449 = tpu.vector_load_idx %arg14[%add3A_1448, %broadcast_in_dim3A_3] : memref<128x16xi32, #tpu.memory_space<vmem>>[vector<16xi32>, vector<16xi32>], vector<16xi32>,
    %add3A_1450 = arith.constant 80 : i32
    %add3A_1451 = vector.broadcast %add3A_1450 : i32 to vector<16xi32>
    %add3A_1452 = arith.addi %iota3A, %add3A_1451 : vector<16xi32>
    tpu.vector_store_idx %arg9[%broadcast_in_dim3A_1409, %add3A_1452], %gather3A_1449 : memref<8x128xi32, #tpu.memory_space<vmem>>[vector<16xi32>, vector<16xi32>], vector<16xi32>,
    %add3A_1453 = arith.constant 96 : i32
    %add3A_1454 = vector.broadcast %add3A_1453 : i32 to vector<16xi32>
    %add3A_1455 = arith.addi %iota3A, %add3A_1454 : vector<16xi32>
    %gather3A_1456 = tpu.vector_load_idx %arg14[%add3A_1455, %broadcast_in_dim3A_3] : memref<128x16xi32, #tpu.memory_space<vmem>>[vector<16xi32>, vector<16xi32>], vector<16xi32>,
    %add3A_1457 = arith.constant 96 : i32
    %add3A_1458 = vector.broadcast %add3A_1457 : i32 to vector<16xi32>
    %add3A_1459 = arith.addi %iota3A, %add3A_1458 : vector<16xi32>
    tpu.vector_store_idx %arg9[%broadcast_in_dim3A_1409, %add3A_1459], %gather3A_1456 : memref<8x128xi32, #tpu.memory_space<vmem>>[vector<16xi32>, vector<16xi32>], vector<16xi32>,
    %add3A_1460 = arith.constant 112 : i32
    %add3A_1461 = vector.broadcast %add3A_1460 : i32 to vector<16xi32>
    %add3A_1462 = arith.addi %iota3A, %add3A_1461 : vector<16xi32>
    %gather3A_1463 = tpu.vector_load_idx %arg14[%add3A_1462, %broadcast_in_dim3A_3] : memref<128x16xi32, #tpu.memory_space<vmem>>[vector<16xi32>, vector<16xi32>], vector<16xi32>,
    %add3A_1464 = arith.constant 112 : i32
    %add3A_1465 = vector.broadcast %add3A_1464 : i32 to vector<16xi32>
    %add3A_1466 = arith.addi %iota3A, %add3A_1465 : vector<16xi32>
    tpu.vector_store_idx %arg9[%broadcast_in_dim3A_1409, %add3A_1466], %gather3A_1463 : memref<8x128xi32, #tpu.memory_space<vmem>>[vector<16xi32>, vector<16xi32>], vector<16xi32>,
    %broadcast_in_dim3A_1467 = arith.constant 6 : i32
    %broadcast_in_dim3A_1468 = vector.broadcast %broadcast_in_dim3A_1467 : i32 to vector<16xi32>
    %run_scoped3A_1469 = arith.constant 6 : i32
    "tpu.region"() ({
      %run_scoped3A_1618 = tpu.sem_alloc : memref<!tpu.dma_semaphore, #tpu.memory_space<semaphore_mem>>
      %dma_start3A_1619 = arith.constant 0 : i32
      %dma_start3A_1620 = tpu.memref_slice %arg8[%run_scoped3A_1469, %dma_start3A_1619] : memref<8x128xi32, #tpu.memory_space<vmem>> -> memref<1x128xi32, #tpu.memory_space<vmem>>
      %dma_start3A_1621 = tpu.memref_squeeze %dma_start3A_1620 : memref<1x128xi32, #tpu.memory_space<vmem>> -> memref<128xi32, #tpu.memory_space<vmem>>
      %dma_start3A_1622 = arith.constant 0 : i32
      %dma_start3A_1623 = arith.constant 0 : i32
      %dma_start3A_1624 = tpu.memref_slice %arg7[%arg0, %dma_start3A_1622, %dma_start3A_1623] : memref<2x1000000x16xi32, #tpu.memory_space<hbm>> -> memref<1x1000000x16xi32, #tpu.memory_space<hbm>>
      %dma_start3A_1625 = tpu.memref_squeeze %dma_start3A_1624 : memref<1x1000000x16xi32, #tpu.memory_space<hbm>> -> memref<1000000x16xi32, #tpu.memory_space<hbm>>
      %dma_start3A_1626 = arith.constant 0 : i32
      %dma_start3A_1627 = arith.constant 0 : i32
      %dma_start3A_1628 = tpu.memref_slice %dma_start3A_1625[%dma_start3A_1626, %dma_start3A_1627] : memref<1000000x16xi32, #tpu.memory_space<hbm>> -> memref<1000000x16xi32, #tpu.memory_space<hbm>>
      tpu.enqueue_indirect_dma source(%dma_start3A_1628 : memref<1000000x16xi32, #tpu.memory_space<hbm>>) target(%arg14 : memref<128x16xi32, #tpu.memory_space<vmem>>) offsets(%dma_start3A_1621 : memref<128xi32, #tpu.memory_space<vmem>>) semaphore(%run_scoped3A_1618 : memref<!tpu.dma_semaphore, #tpu.memory_space<semaphore_mem>>)
      %dma_wait3A_1629 = arith.constant 0 : i32
      %dma_wait3A_1630 = tpu.memref_slice %arg8[%run_scoped3A_1469, %dma_wait3A_1629] : memref<8x128xi32, #tpu.memory_space<vmem>> -> memref<1x128xi32, #tpu.memory_space<vmem>>
      %dma_wait3A_1631 = tpu.memref_squeeze %dma_wait3A_1630 : memref<1x128xi32, #tpu.memory_space<vmem>> -> memref<128xi32, #tpu.memory_space<vmem>>
      %dma_wait3A_1632 = arith.constant 0 : i32
      %dma_wait3A_1633 = arith.constant 0 : i32
      %dma_wait3A_1634 = tpu.memref_slice %arg7[%arg0, %dma_wait3A_1632, %dma_wait3A_1633] : memref<2x1000000x16xi32, #tpu.memory_space<hbm>> -> memref<1x1000000x16xi32, #tpu.memory_space<hbm>>
      %dma_wait3A_1635 = tpu.memref_squeeze %dma_wait3A_1634 : memref<1x1000000x16xi32, #tpu.memory_space<hbm>> -> memref<1000000x16xi32, #tpu.memory_space<hbm>>
      %dma_wait3A_1636 = arith.constant 0 : i32
      %dma_wait3A_1637 = arith.constant 0 : i32
      %dma_wait3A_1638 = tpu.memref_slice %dma_wait3A_1635[%dma_wait3A_1636, %dma_wait3A_1637] : memref<1000000x16xi32, #tpu.memory_space<hbm>> -> memref<1000000x16xi32, #tpu.memory_space<hbm>>
      tpu.wait_indirect_dma semaphore(%run_scoped3A_1618 : memref<!tpu.dma_semaphore, #tpu.memory_space<semaphore_mem>>) src(%dma_wait3A_1638 : memref<1000000x16xi32, #tpu.memory_space<hbm>>) dst(%arg14 : memref<128x16xi32, #tpu.memory_space<vmem>>)
      tpu.yield
    }) : () -> ()
    %add3A_1470 = arith.constant 0 : i32
    %add3A_1471 = vector.broadcast %add3A_1470 : i32 to vector<16xi32>
    %add3A_1472 = arith.addi %iota3A, %add3A_1471 : vector<16xi32>
    %gather3A_1473 = tpu.vector_load_idx %arg14[%add3A_1472, %broadcast_in_dim3A_3] : memref<128x16xi32, #tpu.memory_space<vmem>>[vector<16xi32>, vector<16xi32>], vector<16xi32>,
    %add3A_1474 = arith.constant 0 : i32
    %add3A_1475 = vector.broadcast %add3A_1474 : i32 to vector<16xi32>
    %add3A_1476 = arith.addi %iota3A, %add3A_1475 : vector<16xi32>
    tpu.vector_store_idx %arg9[%broadcast_in_dim3A_1468, %add3A_1476], %gather3A_1473 : memref<8x128xi32, #tpu.memory_space<vmem>>[vector<16xi32>, vector<16xi32>], vector<16xi32>,
    %add3A_1477 = arith.constant 16 : i32
    %add3A_1478 = vector.broadcast %add3A_1477 : i32 to vector<16xi32>
    %add3A_1479 = arith.addi %iota3A, %add3A_1478 : vector<16xi32>
    %gather3A_1480 = tpu.vector_load_idx %arg14[%add3A_1479, %broadcast_in_dim3A_3] : memref<128x16xi32, #tpu.memory_space<vmem>>[vector<16xi32>, vector<16xi32>], vector<16xi32>,
    %add3A_1481 = arith.constant 16 : i32
    %add3A_1482 = vector.broadcast %add3A_1481 : i32 to vector<16xi32>
    %add3A_1483 = arith.addi %iota3A, %add3A_1482 : vector<16xi32>
    tpu.vector_store_idx %arg9[%broadcast_in_dim3A_1468, %add3A_1483], %gather3A_1480 : memref<8x128xi32, #tpu.memory_space<vmem>>[vector<16xi32>, vector<16xi32>], vector<16xi32>,
    %add3A_1484 = arith.constant 32 : i32
    %add3A_1485 = vector.broadcast %add3A_1484 : i32 to vector<16xi32>
    %add3A_1486 = arith.addi %iota3A, %add3A_1485 : vector<16xi32>
    %gather3A_1487 = tpu.vector_load_idx %arg14[%add3A_1486, %broadcast_in_dim3A_3] : memref<128x16xi32, #tpu.memory_space<vmem>>[vector<16xi32>, vector<16xi32>], vector<16xi32>,
    %add3A_1488 = arith.constant 32 : i32
    %add3A_1489 = vector.broadcast %add3A_1488 : i32 to vector<16xi32>
    %add3A_1490 = arith.addi %iota3A, %add3A_1489 : vector<16xi32>
    tpu.vector_store_idx %arg9[%broadcast_in_dim3A_1468, %add3A_1490], %gather3A_1487 : memref<8x128xi32, #tpu.memory_space<vmem>>[vector<16xi32>, vector<16xi32>], vector<16xi32>,
    %add3A_1491 = arith.constant 48 : i32
    %add3A_1492 = vector.broadcast %add3A_1491 : i32 to vector<16xi32>
    %add3A_1493 = arith.addi %iota3A, %add3A_1492 : vector<16xi32>
    %gather3A_1494 = tpu.vector_load_idx %arg14[%add3A_1493, %broadcast_in_dim3A_3] : memref<128x16xi32, #tpu.memory_space<vmem>>[vector<16xi32>, vector<16xi32>], vector<16xi32>,
    %add3A_1495 = arith.constant 48 : i32
    %add3A_1496 = vector.broadcast %add3A_1495 : i32 to vector<16xi32>
    %add3A_1497 = arith.addi %iota3A, %add3A_1496 : vector<16xi32>
    tpu.vector_store_idx %arg9[%broadcast_in_dim3A_1468, %add3A_1497], %gather3A_1494 : memref<8x128xi32, #tpu.memory_space<vmem>>[vector<16xi32>, vector<16xi32>], vector<16xi32>,
    %add3A_1498 = arith.constant 64 : i32
    %add3A_1499 = vector.broadcast %add3A_1498 : i32 to vector<16xi32>
    %add3A_1500 = arith.addi %iota3A, %add3A_1499 : vector<16xi32>
    %gather3A_1501 = tpu.vector_load_idx %arg14[%add3A_1500, %broadcast_in_dim3A_3] : memref<128x16xi32, #tpu.memory_space<vmem>>[vector<16xi32>, vector<16xi32>], vector<16xi32>,
    %add3A_1502 = arith.constant 64 : i32
    %add3A_1503 = vector.broadcast %add3A_1502 : i32 to vector<16xi32>
    %add3A_1504 = arith.addi %iota3A, %add3A_1503 : vector<16xi32>
    tpu.vector_store_idx %arg9[%broadcast_in_dim3A_1468, %add3A_1504], %gather3A_1501 : memref<8x128xi32, #tpu.memory_space<vmem>>[vector<16xi32>, vector<16xi32>], vector<16xi32>,
    %add3A_1505 = arith.constant 80 : i32
    %add3A_1506 = vector.broadcast %add3A_1505 : i32 to vector<16xi32>
    %add3A_1507 = arith.addi %iota3A, %add3A_1506 : vector<16xi32>
    %gather3A_1508 = tpu.vector_load_idx %arg14[%add3A_1507, %broadcast_in_dim3A_3] : memref<128x16xi32, #tpu.memory_space<vmem>>[vector<16xi32>, vector<16xi32>], vector<16xi32>,
    %add3A_1509 = arith.constant 80 : i32
    %add3A_1510 = vector.broadcast %add3A_1509 : i32 to vector<16xi32>
    %add3A_1511 = arith.addi %iota3A, %add3A_1510 : vector<16xi32>
    tpu.vector_store_idx %arg9[%broadcast_in_dim3A_1468, %add3A_1511], %gather3A_1508 : memref<8x128xi32, #tpu.memory_space<vmem>>[vector<16xi32>, vector<16xi32>], vector<16xi32>,
    %add3A_1512 = arith.constant 96 : i32
    %add3A_1513 = vector.broadcast %add3A_1512 : i32 to vector<16xi32>
    %add3A_1514 = arith.addi %iota3A, %add3A_1513 : vector<16xi32>
    %gather3A_1515 = tpu.vector_load_idx %arg14[%add3A_1514, %broadcast_in_dim3A_3] : memref<128x16xi32, #tpu.memory_space<vmem>>[vector<16xi32>, vector<16xi32>], vector<16xi32>,
    %add3A_1516 = arith.constant 96 : i32
    %add3A_1517 = vector.broadcast %add3A_1516 : i32 to vector<16xi32>
    %add3A_1518 = arith.addi %iota3A, %add3A_1517 : vector<16xi32>
    tpu.vector_store_idx %arg9[%broadcast_in_dim3A_1468, %add3A_1518], %gather3A_1515 : memref<8x128xi32, #tpu.memory_space<vmem>>[vector<16xi32>, vector<16xi32>], vector<16xi32>,
    %add3A_1519 = arith.constant 112 : i32
    %add3A_1520 = vector.broadcast %add3A_1519 : i32 to vector<16xi32>
    %add3A_1521 = arith.addi %iota3A, %add3A_1520 : vector<16xi32>
    %gather3A_1522 = tpu.vector_load_idx %arg14[%add3A_1521, %broadcast_in_dim3A_3] : memref<128x16xi32, #tpu.memory_space<vmem>>[vector<16xi32>, vector<16xi32>], vector<16xi32>,
    %add3A_1523 = arith.constant 112 : i32
    %add3A_1524 = vector.broadcast %add3A_1523 : i32 to vector<16xi32>
    %add3A_1525 = arith.addi %iota3A, %add3A_1524 : vector<16xi32>
    tpu.vector_store_idx %arg9[%broadcast_in_dim3A_1468, %add3A_1525], %gather3A_1522 : memref<8x128xi32, #tpu.memory_space<vmem>>[vector<16xi32>, vector<16xi32>], vector<16xi32>,
    %broadcast_in_dim3A_1526 = arith.constant 7 : i32
    %broadcast_in_dim3A_1527 = vector.broadcast %broadcast_in_dim3A_1526 : i32 to vector<16xi32>
    %run_scoped3A_1528 = arith.constant 7 : i32
    "tpu.region"() ({
      %run_scoped3A_1618 = tpu.sem_alloc : memref<!tpu.dma_semaphore, #tpu.memory_space<semaphore_mem>>
      %dma_start3A_1619 = arith.constant 0 : i32
      %dma_start3A_1620 = tpu.memref_slice %arg8[%run_scoped3A_1528, %dma_start3A_1619] : memref<8x128xi32, #tpu.memory_space<vmem>> -> memref<1x128xi32, #tpu.memory_space<vmem>>
      %dma_start3A_1621 = tpu.memref_squeeze %dma_start3A_1620 : memref<1x128xi32, #tpu.memory_space<vmem>> -> memref<128xi32, #tpu.memory_space<vmem>>
      %dma_start3A_1622 = arith.constant 0 : i32
      %dma_start3A_1623 = arith.constant 0 : i32
      %dma_start3A_1624 = tpu.memref_slice %arg7[%arg0, %dma_start3A_1622, %dma_start3A_1623] : memref<2x1000000x16xi32, #tpu.memory_space<hbm>> -> memref<1x1000000x16xi32, #tpu.memory_space<hbm>>
      %dma_start3A_1625 = tpu.memref_squeeze %dma_start3A_1624 : memref<1x1000000x16xi32, #tpu.memory_space<hbm>> -> memref<1000000x16xi32, #tpu.memory_space<hbm>>
      %dma_start3A_1626 = arith.constant 0 : i32
      %dma_start3A_1627 = arith.constant 0 : i32
      %dma_start3A_1628 = tpu.memref_slice %dma_start3A_1625[%dma_start3A_1626, %dma_start3A_1627] : memref<1000000x16xi32, #tpu.memory_space<hbm>> -> memref<1000000x16xi32, #tpu.memory_space<hbm>>
      tpu.enqueue_indirect_dma source(%dma_start3A_1628 : memref<1000000x16xi32, #tpu.memory_space<hbm>>) target(%arg14 : memref<128x16xi32, #tpu.memory_space<vmem>>) offsets(%dma_start3A_1621 : memref<128xi32, #tpu.memory_space<vmem>>) semaphore(%run_scoped3A_1618 : memref<!tpu.dma_semaphore, #tpu.memory_space<semaphore_mem>>)
      %dma_wait3A_1629 = arith.constant 0 : i32
      %dma_wait3A_1630 = tpu.memref_slice %arg8[%run_scoped3A_1528, %dma_wait3A_1629] : memref<8x128xi32, #tpu.memory_space<vmem>> -> memref<1x128xi32, #tpu.memory_space<vmem>>
      %dma_wait3A_1631 = tpu.memref_squeeze %dma_wait3A_1630 : memref<1x128xi32, #tpu.memory_space<vmem>> -> memref<128xi32, #tpu.memory_space<vmem>>
      %dma_wait3A_1632 = arith.constant 0 : i32
      %dma_wait3A_1633 = arith.constant 0 : i32
      %dma_wait3A_1634 = tpu.memref_slice %arg7[%arg0, %dma_wait3A_1632, %dma_wait3A_1633] : memref<2x1000000x16xi32, #tpu.memory_space<hbm>> -> memref<1x1000000x16xi32, #tpu.memory_space<hbm>>
      %dma_wait3A_1635 = tpu.memref_squeeze %dma_wait3A_1634 : memref<1x1000000x16xi32, #tpu.memory_space<hbm>> -> memref<1000000x16xi32, #tpu.memory_space<hbm>>
      %dma_wait3A_1636 = arith.constant 0 : i32
      %dma_wait3A_1637 = arith.constant 0 : i32
      %dma_wait3A_1638 = tpu.memref_slice %dma_wait3A_1635[%dma_wait3A_1636, %dma_wait3A_1637] : memref<1000000x16xi32, #tpu.memory_space<hbm>> -> memref<1000000x16xi32, #tpu.memory_space<hbm>>
      tpu.wait_indirect_dma semaphore(%run_scoped3A_1618 : memref<!tpu.dma_semaphore, #tpu.memory_space<semaphore_mem>>) src(%dma_wait3A_1638 : memref<1000000x16xi32, #tpu.memory_space<hbm>>) dst(%arg14 : memref<128x16xi32, #tpu.memory_space<vmem>>)
      tpu.yield
    }) : () -> ()
    %add3A_1529 = arith.constant 0 : i32
    %add3A_1530 = vector.broadcast %add3A_1529 : i32 to vector<16xi32>
    %add3A_1531 = arith.addi %iota3A, %add3A_1530 : vector<16xi32>
    %gather3A_1532 = tpu.vector_load_idx %arg14[%add3A_1531, %broadcast_in_dim3A_3] : memref<128x16xi32, #tpu.memory_space<vmem>>[vector<16xi32>, vector<16xi32>], vector<16xi32>,
    %add3A_1533 = arith.constant 0 : i32
    %add3A_1534 = vector.broadcast %add3A_1533 : i32 to vector<16xi32>
    %add3A_1535 = arith.addi %iota3A, %add3A_1534 : vector<16xi32>
    tpu.vector_store_idx %arg9[%broadcast_in_dim3A_1527, %add3A_1535], %gather3A_1532 : memref<8x128xi32, #tpu.memory_space<vmem>>[vector<16xi32>, vector<16xi32>], vector<16xi32>,
    %add3A_1536 = arith.constant 16 : i32
    %add3A_1537 = vector.broadcast %add3A_1536 : i32 to vector<16xi32>
    %add3A_1538 = arith.addi %iota3A, %add3A_1537 : vector<16xi32>
    %gather3A_1539 = tpu.vector_load_idx %arg14[%add3A_1538, %broadcast_in_dim3A_3] : memref<128x16xi32, #tpu.memory_space<vmem>>[vector<16xi32>, vector<16xi32>], vector<16xi32>,
    %add3A_1540 = arith.constant 16 : i32
    %add3A_1541 = vector.broadcast %add3A_1540 : i32 to vector<16xi32>
    %add3A_1542 = arith.addi %iota3A, %add3A_1541 : vector<16xi32>
    tpu.vector_store_idx %arg9[%broadcast_in_dim3A_1527, %add3A_1542], %gather3A_1539 : memref<8x128xi32, #tpu.memory_space<vmem>>[vector<16xi32>, vector<16xi32>], vector<16xi32>,
    %add3A_1543 = arith.constant 32 : i32
    %add3A_1544 = vector.broadcast %add3A_1543 : i32 to vector<16xi32>
    %add3A_1545 = arith.addi %iota3A, %add3A_1544 : vector<16xi32>
    %gather3A_1546 = tpu.vector_load_idx %arg14[%add3A_1545, %broadcast_in_dim3A_3] : memref<128x16xi32, #tpu.memory_space<vmem>>[vector<16xi32>, vector<16xi32>], vector<16xi32>,
    %add3A_1547 = arith.constant 32 : i32
    %add3A_1548 = vector.broadcast %add3A_1547 : i32 to vector<16xi32>
    %add3A_1549 = arith.addi %iota3A, %add3A_1548 : vector<16xi32>
    tpu.vector_store_idx %arg9[%broadcast_in_dim3A_1527, %add3A_1549], %gather3A_1546 : memref<8x128xi32, #tpu.memory_space<vmem>>[vector<16xi32>, vector<16xi32>], vector<16xi32>,
    %add3A_1550 = arith.constant 48 : i32
    %add3A_1551 = vector.broadcast %add3A_1550 : i32 to vector<16xi32>
    %add3A_1552 = arith.addi %iota3A, %add3A_1551 : vector<16xi32>
    %gather3A_1553 = tpu.vector_load_idx %arg14[%add3A_1552, %broadcast_in_dim3A_3] : memref<128x16xi32, #tpu.memory_space<vmem>>[vector<16xi32>, vector<16xi32>], vector<16xi32>,
    %add3A_1554 = arith.constant 48 : i32
    %add3A_1555 = vector.broadcast %add3A_1554 : i32 to vector<16xi32>
    %add3A_1556 = arith.addi %iota3A, %add3A_1555 : vector<16xi32>
    tpu.vector_store_idx %arg9[%broadcast_in_dim3A_1527, %add3A_1556], %gather3A_1553 : memref<8x128xi32, #tpu.memory_space<vmem>>[vector<16xi32>, vector<16xi32>], vector<16xi32>,
    %add3A_1557 = arith.constant 64 : i32
    %add3A_1558 = vector.broadcast %add3A_1557 : i32 to vector<16xi32>
    %add3A_1559 = arith.addi %iota3A, %add3A_1558 : vector<16xi32>
    %gather3A_1560 = tpu.vector_load_idx %arg14[%add3A_1559, %broadcast_in_dim3A_3] : memref<128x16xi32, #tpu.memory_space<vmem>>[vector<16xi32>, vector<16xi32>], vector<16xi32>,
    %add3A_1561 = arith.constant 64 : i32
    %add3A_1562 = vector.broadcast %add3A_1561 : i32 to vector<16xi32>
    %add3A_1563 = arith.addi %iota3A, %add3A_1562 : vector<16xi32>
    tpu.vector_store_idx %arg9[%broadcast_in_dim3A_1527, %add3A_1563], %gather3A_1560 : memref<8x128xi32, #tpu.memory_space<vmem>>[vector<16xi32>, vector<16xi32>], vector<16xi32>,
    %add3A_1564 = arith.constant 80 : i32
    %add3A_1565 = vector.broadcast %add3A_1564 : i32 to vector<16xi32>
    %add3A_1566 = arith.addi %iota3A, %add3A_1565 : vector<16xi32>
    %gather3A_1567 = tpu.vector_load_idx %arg14[%add3A_1566, %broadcast_in_dim3A_3] : memref<128x16xi32, #tpu.memory_space<vmem>>[vector<16xi32>, vector<16xi32>], vector<16xi32>,
    %add3A_1568 = arith.constant 80 : i32
    %add3A_1569 = vector.broadcast %add3A_1568 : i32 to vector<16xi32>
    %add3A_1570 = arith.addi %iota3A, %add3A_1569 : vector<16xi32>
    tpu.vector_store_idx %arg9[%broadcast_in_dim3A_1527, %add3A_1570], %gather3A_1567 : memref<8x128xi32, #tpu.memory_space<vmem>>[vector<16xi32>, vector<16xi32>], vector<16xi32>,
    %add3A_1571 = arith.constant 96 : i32
    %add3A_1572 = vector.broadcast %add3A_1571 : i32 to vector<16xi32>
    %add3A_1573 = arith.addi %iota3A, %add3A_1572 : vector<16xi32>
    %gather3A_1574 = tpu.vector_load_idx %arg14[%add3A_1573, %broadcast_in_dim3A_3] : memref<128x16xi32, #tpu.memory_space<vmem>>[vector<16xi32>, vector<16xi32>], vector<16xi32>,
    %add3A_1575 = arith.constant 96 : i32
    %add3A_1576 = vector.broadcast %add3A_1575 : i32 to vector<16xi32>
    %add3A_1577 = arith.addi %iota3A, %add3A_1576 : vector<16xi32>
    tpu.vector_store_idx %arg9[%broadcast_in_dim3A_1527, %add3A_1577], %gather3A_1574 : memref<8x128xi32, #tpu.memory_space<vmem>>[vector<16xi32>, vector<16xi32>], vector<16xi32>,
    %add3A_1578 = arith.constant 112 : i32
    %add3A_1579 = vector.broadcast %add3A_1578 : i32 to vector<16xi32>
    %add3A_1580 = arith.addi %iota3A, %add3A_1579 : vector<16xi32>
    %gather3A_1581 = tpu.vector_load_idx %arg14[%add3A_1580, %broadcast_in_dim3A_3] : memref<128x16xi32, #tpu.memory_space<vmem>>[vector<16xi32>, vector<16xi32>], vector<16xi32>,
    %add3A_1582 = arith.constant 112 : i32
    %add3A_1583 = vector.broadcast %add3A_1582 : i32 to vector<16xi32>
    %add3A_1584 = arith.addi %iota3A, %add3A_1583 : vector<16xi32>
    tpu.vector_store_idx %arg9[%broadcast_in_dim3A_1527, %add3A_1584], %gather3A_1581 : memref<8x128xi32, #tpu.memory_space<vmem>>[vector<16xi32>, vector<16xi32>], vector<16xi32>,
    %run_scoped3A_1585 = arith.constant 0 : i32
    "tpu.region"() ({
      %run_scoped3A_1618 = tpu.sem_alloc : memref<!tpu.dma_semaphore, #tpu.memory_space<semaphore_mem>>
      %dma_start3A_1619 = arith.constant 0 : i32
      %dma_start3A_1620 = arith.constant 0 : i32
      %dma_start3A_1621 = tpu.memref_slice %arg12[%dma_start3A_1619, %dma_start3A_1620] : memref<1024x32xf32, #tpu.memory_space<vmem>> -> memref<128x32xf32, #tpu.memory_space<vmem>>
      %dma_start3A_1622 = arith.constant 0 : i32
      %dma_start3A_1623 = tpu.memref_slice %arg9[%run_scoped3A_1585, %dma_start3A_1622] : memref<8x128xi32, #tpu.memory_space<vmem>> -> memref<1x128xi32, #tpu.memory_space<vmem>>
      %dma_start3A_1624 = tpu.memref_squeeze %dma_start3A_1623 : memref<1x128xi32, #tpu.memory_space<vmem>> -> memref<128xi32, #tpu.memory_space<vmem>>
      %dma_start3A_1625 = arith.constant 0 : i32
      %dma_start3A_1626 = arith.constant 0 : i32
      %dma_start3A_1627 = tpu.memref_slice %arg16[%dma_start3A_1625, %dma_start3A_1626] : memref<16384x32xf32, #tpu.memory_space<vmem_shared>> -> memref<16384x32xf32, #tpu.memory_space<vmem_shared>>
      tpu.enqueue_indirect_dma source(%dma_start3A_1621 : memref<128x32xf32, #tpu.memory_space<vmem>>) target(%dma_start3A_1627 : memref<16384x32xf32, #tpu.memory_space<vmem_shared>>) offsets(%dma_start3A_1624 : memref<128xi32, #tpu.memory_space<vmem>>) semaphore(%run_scoped3A_1618 : memref<!tpu.dma_semaphore, #tpu.memory_space<semaphore_mem>>) {add = true}
      %dma_wait3A_1628 = arith.constant 0 : i32
      %dma_wait3A_1629 = arith.constant 0 : i32
      %dma_wait3A_1630 = tpu.memref_slice %arg12[%dma_wait3A_1628, %dma_wait3A_1629] : memref<1024x32xf32, #tpu.memory_space<vmem>> -> memref<128x32xf32, #tpu.memory_space<vmem>>
      %dma_wait3A_1631 = arith.constant 0 : i32
      %dma_wait3A_1632 = tpu.memref_slice %arg9[%run_scoped3A_1585, %dma_wait3A_1631] : memref<8x128xi32, #tpu.memory_space<vmem>> -> memref<1x128xi32, #tpu.memory_space<vmem>>
      %dma_wait3A_1633 = tpu.memref_squeeze %dma_wait3A_1632 : memref<1x128xi32, #tpu.memory_space<vmem>> -> memref<128xi32, #tpu.memory_space<vmem>>
      %dma_wait3A_1634 = arith.constant 0 : i32
      %dma_wait3A_1635 = arith.constant 0 : i32
      %dma_wait3A_1636 = tpu.memref_slice %arg16[%dma_wait3A_1634, %dma_wait3A_1635] : memref<16384x32xf32, #tpu.memory_space<vmem_shared>> -> memref<16384x32xf32, #tpu.memory_space<vmem_shared>>
      tpu.wait_indirect_dma semaphore(%run_scoped3A_1618 : memref<!tpu.dma_semaphore, #tpu.memory_space<semaphore_mem>>) src(%dma_wait3A_1630 : memref<128x32xf32, #tpu.memory_space<vmem>>) dst(%dma_wait3A_1636 : memref<16384x32xf32, #tpu.memory_space<vmem_shared>>)
      tpu.yield
    }) : () -> ()
    %run_scoped3A_1586 = arith.constant 1 : i32
    "tpu.region"() ({
      %run_scoped3A_1618 = tpu.sem_alloc : memref<!tpu.dma_semaphore, #tpu.memory_space<semaphore_mem>>
      %dma_start3A_1619 = arith.constant 128 : i32
      %dma_start3A_1620 = arith.constant 0 : i32
      %dma_start3A_1621 = tpu.memref_slice %arg12[%dma_start3A_1619, %dma_start3A_1620] : memref<1024x32xf32, #tpu.memory_space<vmem>> -> memref<128x32xf32, #tpu.memory_space<vmem>>
      %dma_start3A_1622 = arith.constant 0 : i32
      %dma_start3A_1623 = tpu.memref_slice %arg9[%run_scoped3A_1586, %dma_start3A_1622] : memref<8x128xi32, #tpu.memory_space<vmem>> -> memref<1x128xi32, #tpu.memory_space<vmem>>
      %dma_start3A_1624 = tpu.memref_squeeze %dma_start3A_1623 : memref<1x128xi32, #tpu.memory_space<vmem>> -> memref<128xi32, #tpu.memory_space<vmem>>
      %dma_start3A_1625 = arith.constant 0 : i32
      %dma_start3A_1626 = arith.constant 0 : i32
      %dma_start3A_1627 = tpu.memref_slice %arg16[%dma_start3A_1625, %dma_start3A_1626] : memref<16384x32xf32, #tpu.memory_space<vmem_shared>> -> memref<16384x32xf32, #tpu.memory_space<vmem_shared>>
      tpu.enqueue_indirect_dma source(%dma_start3A_1621 : memref<128x32xf32, #tpu.memory_space<vmem>>) target(%dma_start3A_1627 : memref<16384x32xf32, #tpu.memory_space<vmem_shared>>) offsets(%dma_start3A_1624 : memref<128xi32, #tpu.memory_space<vmem>>) semaphore(%run_scoped3A_1618 : memref<!tpu.dma_semaphore, #tpu.memory_space<semaphore_mem>>) {add = true}
      %dma_wait3A_1628 = arith.constant 128 : i32
      %dma_wait3A_1629 = arith.constant 0 : i32
      %dma_wait3A_1630 = tpu.memref_slice %arg12[%dma_wait3A_1628, %dma_wait3A_1629] : memref<1024x32xf32, #tpu.memory_space<vmem>> -> memref<128x32xf32, #tpu.memory_space<vmem>>
      %dma_wait3A_1631 = arith.constant 0 : i32
      %dma_wait3A_1632 = tpu.memref_slice %arg9[%run_scoped3A_1586, %dma_wait3A_1631] : memref<8x128xi32, #tpu.memory_space<vmem>> -> memref<1x128xi32, #tpu.memory_space<vmem>>
      %dma_wait3A_1633 = tpu.memref_squeeze %dma_wait3A_1632 : memref<1x128xi32, #tpu.memory_space<vmem>> -> memref<128xi32, #tpu.memory_space<vmem>>
      %dma_wait3A_1634 = arith.constant 0 : i32
      %dma_wait3A_1635 = arith.constant 0 : i32
      %dma_wait3A_1636 = tpu.memref_slice %arg16[%dma_wait3A_1634, %dma_wait3A_1635] : memref<16384x32xf32, #tpu.memory_space<vmem_shared>> -> memref<16384x32xf32, #tpu.memory_space<vmem_shared>>
      tpu.wait_indirect_dma semaphore(%run_scoped3A_1618 : memref<!tpu.dma_semaphore, #tpu.memory_space<semaphore_mem>>) src(%dma_wait3A_1630 : memref<128x32xf32, #tpu.memory_space<vmem>>) dst(%dma_wait3A_1636 : memref<16384x32xf32, #tpu.memory_space<vmem_shared>>)
      tpu.yield
    }) : () -> ()
    %run_scoped3A_1587 = arith.constant 2 : i32
    "tpu.region"() ({
      %run_scoped3A_1618 = tpu.sem_alloc : memref<!tpu.dma_semaphore, #tpu.memory_space<semaphore_mem>>
      %dma_start3A_1619 = arith.constant 256 : i32
      %dma_start3A_1620 = arith.constant 0 : i32
      %dma_start3A_1621 = tpu.memref_slice %arg12[%dma_start3A_1619, %dma_start3A_1620] : memref<1024x32xf32, #tpu.memory_space<vmem>> -> memref<128x32xf32, #tpu.memory_space<vmem>>
      %dma_start3A_1622 = arith.constant 0 : i32
      %dma_start3A_1623 = tpu.memref_slice %arg9[%run_scoped3A_1587, %dma_start3A_1622] : memref<8x128xi32, #tpu.memory_space<vmem>> -> memref<1x128xi32, #tpu.memory_space<vmem>>
      %dma_start3A_1624 = tpu.memref_squeeze %dma_start3A_1623 : memref<1x128xi32, #tpu.memory_space<vmem>> -> memref<128xi32, #tpu.memory_space<vmem>>
      %dma_start3A_1625 = arith.constant 0 : i32
      %dma_start3A_1626 = arith.constant 0 : i32
      %dma_start3A_1627 = tpu.memref_slice %arg16[%dma_start3A_1625, %dma_start3A_1626] : memref<16384x32xf32, #tpu.memory_space<vmem_shared>> -> memref<16384x32xf32, #tpu.memory_space<vmem_shared>>
      tpu.enqueue_indirect_dma source(%dma_start3A_1621 : memref<128x32xf32, #tpu.memory_space<vmem>>) target(%dma_start3A_1627 : memref<16384x32xf32, #tpu.memory_space<vmem_shared>>) offsets(%dma_start3A_1624 : memref<128xi32, #tpu.memory_space<vmem>>) semaphore(%run_scoped3A_1618 : memref<!tpu.dma_semaphore, #tpu.memory_space<semaphore_mem>>) {add = true}
      %dma_wait3A_1628 = arith.constant 256 : i32
      %dma_wait3A_1629 = arith.constant 0 : i32
      %dma_wait3A_1630 = tpu.memref_slice %arg12[%dma_wait3A_1628, %dma_wait3A_1629] : memref<1024x32xf32, #tpu.memory_space<vmem>> -> memref<128x32xf32, #tpu.memory_space<vmem>>
      %dma_wait3A_1631 = arith.constant 0 : i32
      %dma_wait3A_1632 = tpu.memref_slice %arg9[%run_scoped3A_1587, %dma_wait3A_1631] : memref<8x128xi32, #tpu.memory_space<vmem>> -> memref<1x128xi32, #tpu.memory_space<vmem>>
      %dma_wait3A_1633 = tpu.memref_squeeze %dma_wait3A_1632 : memref<1x128xi32, #tpu.memory_space<vmem>> -> memref<128xi32, #tpu.memory_space<vmem>>
      %dma_wait3A_1634 = arith.constant 0 : i32
      %dma_wait3A_1635 = arith.constant 0 : i32
      %dma_wait3A_1636 = tpu.memref_slice %arg16[%dma_wait3A_1634, %dma_wait3A_1635] : memref<16384x32xf32, #tpu.memory_space<vmem_shared>> -> memref<16384x32xf32, #tpu.memory_space<vmem_shared>>
      tpu.wait_indirect_dma semaphore(%run_scoped3A_1618 : memref<!tpu.dma_semaphore, #tpu.memory_space<semaphore_mem>>) src(%dma_wait3A_1630 : memref<128x32xf32, #tpu.memory_space<vmem>>) dst(%dma_wait3A_1636 : memref<16384x32xf32, #tpu.memory_space<vmem_shared>>)
      tpu.yield
    }) : () -> ()
    %run_scoped3A_1588 = arith.constant 3 : i32
    "tpu.region"() ({
      %run_scoped3A_1618 = tpu.sem_alloc : memref<!tpu.dma_semaphore, #tpu.memory_space<semaphore_mem>>
      %dma_start3A_1619 = arith.constant 384 : i32
      %dma_start3A_1620 = arith.constant 0 : i32
      %dma_start3A_1621 = tpu.memref_slice %arg12[%dma_start3A_1619, %dma_start3A_1620] : memref<1024x32xf32, #tpu.memory_space<vmem>> -> memref<128x32xf32, #tpu.memory_space<vmem>>
      %dma_start3A_1622 = arith.constant 0 : i32
      %dma_start3A_1623 = tpu.memref_slice %arg9[%run_scoped3A_1588, %dma_start3A_1622] : memref<8x128xi32, #tpu.memory_space<vmem>> -> memref<1x128xi32, #tpu.memory_space<vmem>>
      %dma_start3A_1624 = tpu.memref_squeeze %dma_start3A_1623 : memref<1x128xi32, #tpu.memory_space<vmem>> -> memref<128xi32, #tpu.memory_space<vmem>>
      %dma_start3A_1625 = arith.constant 0 : i32
      %dma_start3A_1626 = arith.constant 0 : i32
      %dma_start3A_1627 = tpu.memref_slice %arg16[%dma_start3A_1625, %dma_start3A_1626] : memref<16384x32xf32, #tpu.memory_space<vmem_shared>> -> memref<16384x32xf32, #tpu.memory_space<vmem_shared>>
      tpu.enqueue_indirect_dma source(%dma_start3A_1621 : memref<128x32xf32, #tpu.memory_space<vmem>>) target(%dma_start3A_1627 : memref<16384x32xf32, #tpu.memory_space<vmem_shared>>) offsets(%dma_start3A_1624 : memref<128xi32, #tpu.memory_space<vmem>>) semaphore(%run_scoped3A_1618 : memref<!tpu.dma_semaphore, #tpu.memory_space<semaphore_mem>>) {add = true}
      %dma_wait3A_1628 = arith.constant 384 : i32
      %dma_wait3A_1629 = arith.constant 0 : i32
      %dma_wait3A_1630 = tpu.memref_slice %arg12[%dma_wait3A_1628, %dma_wait3A_1629] : memref<1024x32xf32, #tpu.memory_space<vmem>> -> memref<128x32xf32, #tpu.memory_space<vmem>>
      %dma_wait3A_1631 = arith.constant 0 : i32
      %dma_wait3A_1632 = tpu.memref_slice %arg9[%run_scoped3A_1588, %dma_wait3A_1631] : memref<8x128xi32, #tpu.memory_space<vmem>> -> memref<1x128xi32, #tpu.memory_space<vmem>>
      %dma_wait3A_1633 = tpu.memref_squeeze %dma_wait3A_1632 : memref<1x128xi32, #tpu.memory_space<vmem>> -> memref<128xi32, #tpu.memory_space<vmem>>
      %dma_wait3A_1634 = arith.constant 0 : i32
      %dma_wait3A_1635 = arith.constant 0 : i32
      %dma_wait3A_1636 = tpu.memref_slice %arg16[%dma_wait3A_1634, %dma_wait3A_1635] : memref<16384x32xf32, #tpu.memory_space<vmem_shared>> -> memref<16384x32xf32, #tpu.memory_space<vmem_shared>>
      tpu.wait_indirect_dma semaphore(%run_scoped3A_1618 : memref<!tpu.dma_semaphore, #tpu.memory_space<semaphore_mem>>) src(%dma_wait3A_1630 : memref<128x32xf32, #tpu.memory_space<vmem>>) dst(%dma_wait3A_1636 : memref<16384x32xf32, #tpu.memory_space<vmem_shared>>)
      tpu.yield
    }) : () -> ()
    %run_scoped3A_1589 = arith.constant 4 : i32
    "tpu.region"() ({
      %run_scoped3A_1618 = tpu.sem_alloc : memref<!tpu.dma_semaphore, #tpu.memory_space<semaphore_mem>>
      %dma_start3A_1619 = arith.constant 512 : i32
      %dma_start3A_1620 = arith.constant 0 : i32
      %dma_start3A_1621 = tpu.memref_slice %arg12[%dma_start3A_1619, %dma_start3A_1620] : memref<1024x32xf32, #tpu.memory_space<vmem>> -> memref<128x32xf32, #tpu.memory_space<vmem>>
      %dma_start3A_1622 = arith.constant 0 : i32
      %dma_start3A_1623 = tpu.memref_slice %arg9[%run_scoped3A_1589, %dma_start3A_1622] : memref<8x128xi32, #tpu.memory_space<vmem>> -> memref<1x128xi32, #tpu.memory_space<vmem>>
      %dma_start3A_1624 = tpu.memref_squeeze %dma_start3A_1623 : memref<1x128xi32, #tpu.memory_space<vmem>> -> memref<128xi32, #tpu.memory_space<vmem>>
      %dma_start3A_1625 = arith.constant 0 : i32
      %dma_start3A_1626 = arith.constant 0 : i32
      %dma_start3A_1627 = tpu.memref_slice %arg16[%dma_start3A_1625, %dma_start3A_1626] : memref<16384x32xf32, #tpu.memory_space<vmem_shared>> -> memref<16384x32xf32, #tpu.memory_space<vmem_shared>>
      tpu.enqueue_indirect_dma source(%dma_start3A_1621 : memref<128x32xf32, #tpu.memory_space<vmem>>) target(%dma_start3A_1627 : memref<16384x32xf32, #tpu.memory_space<vmem_shared>>) offsets(%dma_start3A_1624 : memref<128xi32, #tpu.memory_space<vmem>>) semaphore(%run_scoped3A_1618 : memref<!tpu.dma_semaphore, #tpu.memory_space<semaphore_mem>>) {add = true}
      %dma_wait3A_1628 = arith.constant 512 : i32
      %dma_wait3A_1629 = arith.constant 0 : i32
      %dma_wait3A_1630 = tpu.memref_slice %arg12[%dma_wait3A_1628, %dma_wait3A_1629] : memref<1024x32xf32, #tpu.memory_space<vmem>> -> memref<128x32xf32, #tpu.memory_space<vmem>>
      %dma_wait3A_1631 = arith.constant 0 : i32
      %dma_wait3A_1632 = tpu.memref_slice %arg9[%run_scoped3A_1589, %dma_wait3A_1631] : memref<8x128xi32, #tpu.memory_space<vmem>> -> memref<1x128xi32, #tpu.memory_space<vmem>>
      %dma_wait3A_1633 = tpu.memref_squeeze %dma_wait3A_1632 : memref<1x128xi32, #tpu.memory_space<vmem>> -> memref<128xi32, #tpu.memory_space<vmem>>
      %dma_wait3A_1634 = arith.constant 0 : i32
      %dma_wait3A_1635 = arith.constant 0 : i32
      %dma_wait3A_1636 = tpu.memref_slice %arg16[%dma_wait3A_1634, %dma_wait3A_1635] : memref<16384x32xf32, #tpu.memory_space<vmem_shared>> -> memref<16384x32xf32, #tpu.memory_space<vmem_shared>>
      tpu.wait_indirect_dma semaphore(%run_scoped3A_1618 : memref<!tpu.dma_semaphore, #tpu.memory_space<semaphore_mem>>) src(%dma_wait3A_1630 : memref<128x32xf32, #tpu.memory_space<vmem>>) dst(%dma_wait3A_1636 : memref<16384x32xf32, #tpu.memory_space<vmem_shared>>)
      tpu.yield
    }) : () -> ()
    %run_scoped3A_1590 = arith.constant 5 : i32
    "tpu.region"() ({
      %run_scoped3A_1618 = tpu.sem_alloc : memref<!tpu.dma_semaphore, #tpu.memory_space<semaphore_mem>>
      %dma_start3A_1619 = arith.constant 640 : i32
      %dma_start3A_1620 = arith.constant 0 : i32
      %dma_start3A_1621 = tpu.memref_slice %arg12[%dma_start3A_1619, %dma_start3A_1620] : memref<1024x32xf32, #tpu.memory_space<vmem>> -> memref<128x32xf32, #tpu.memory_space<vmem>>
      %dma_start3A_1622 = arith.constant 0 : i32
      %dma_start3A_1623 = tpu.memref_slice %arg9[%run_scoped3A_1590, %dma_start3A_1622] : memref<8x128xi32, #tpu.memory_space<vmem>> -> memref<1x128xi32, #tpu.memory_space<vmem>>
      %dma_start3A_1624 = tpu.memref_squeeze %dma_start3A_1623 : memref<1x128xi32, #tpu.memory_space<vmem>> -> memref<128xi32, #tpu.memory_space<vmem>>
      %dma_start3A_1625 = arith.constant 0 : i32
      %dma_start3A_1626 = arith.constant 0 : i32
      %dma_start3A_1627 = tpu.memref_slice %arg16[%dma_start3A_1625, %dma_start3A_1626] : memref<16384x32xf32, #tpu.memory_space<vmem_shared>> -> memref<16384x32xf32, #tpu.memory_space<vmem_shared>>
      tpu.enqueue_indirect_dma source(%dma_start3A_1621 : memref<128x32xf32, #tpu.memory_space<vmem>>) target(%dma_start3A_1627 : memref<16384x32xf32, #tpu.memory_space<vmem_shared>>) offsets(%dma_start3A_1624 : memref<128xi32, #tpu.memory_space<vmem>>) semaphore(%run_scoped3A_1618 : memref<!tpu.dma_semaphore, #tpu.memory_space<semaphore_mem>>) {add = true}
      %dma_wait3A_1628 = arith.constant 640 : i32
      %dma_wait3A_1629 = arith.constant 0 : i32
      %dma_wait3A_1630 = tpu.memref_slice %arg12[%dma_wait3A_1628, %dma_wait3A_1629] : memref<1024x32xf32, #tpu.memory_space<vmem>> -> memref<128x32xf32, #tpu.memory_space<vmem>>
      %dma_wait3A_1631 = arith.constant 0 : i32
      %dma_wait3A_1632 = tpu.memref_slice %arg9[%run_scoped3A_1590, %dma_wait3A_1631] : memref<8x128xi32, #tpu.memory_space<vmem>> -> memref<1x128xi32, #tpu.memory_space<vmem>>
      %dma_wait3A_1633 = tpu.memref_squeeze %dma_wait3A_1632 : memref<1x128xi32, #tpu.memory_space<vmem>> -> memref<128xi32, #tpu.memory_space<vmem>>
      %dma_wait3A_1634 = arith.constant 0 : i32
      %dma_wait3A_1635 = arith.constant 0 : i32
      %dma_wait3A_1636 = tpu.memref_slice %arg16[%dma_wait3A_1634, %dma_wait3A_1635] : memref<16384x32xf32, #tpu.memory_space<vmem_shared>> -> memref<16384x32xf32, #tpu.memory_space<vmem_shared>>
      tpu.wait_indirect_dma semaphore(%run_scoped3A_1618 : memref<!tpu.dma_semaphore, #tpu.memory_space<semaphore_mem>>) src(%dma_wait3A_1630 : memref<128x32xf32, #tpu.memory_space<vmem>>) dst(%dma_wait3A_1636 : memref<16384x32xf32, #tpu.memory_space<vmem_shared>>)
      tpu.yield
    }) : () -> ()
    %run_scoped3A_1591 = arith.constant 6 : i32
    "tpu.region"() ({
      %run_scoped3A_1618 = tpu.sem_alloc : memref<!tpu.dma_semaphore, #tpu.memory_space<semaphore_mem>>
      %dma_start3A_1619 = arith.constant 768 : i32
      %dma_start3A_1620 = arith.constant 0 : i32
      %dma_start3A_1621 = tpu.memref_slice %arg12[%dma_start3A_1619, %dma_start3A_1620] : memref<1024x32xf32, #tpu.memory_space<vmem>> -> memref<128x32xf32, #tpu.memory_space<vmem>>
      %dma_start3A_1622 = arith.constant 0 : i32
      %dma_start3A_1623 = tpu.memref_slice %arg9[%run_scoped3A_1591, %dma_start3A_1622] : memref<8x128xi32, #tpu.memory_space<vmem>> -> memref<1x128xi32, #tpu.memory_space<vmem>>
      %dma_start3A_1624 = tpu.memref_squeeze %dma_start3A_1623 : memref<1x128xi32, #tpu.memory_space<vmem>> -> memref<128xi32, #tpu.memory_space<vmem>>
      %dma_start3A_1625 = arith.constant 0 : i32
      %dma_start3A_1626 = arith.constant 0 : i32
      %dma_start3A_1627 = tpu.memref_slice %arg16[%dma_start3A_1625, %dma_start3A_1626] : memref<16384x32xf32, #tpu.memory_space<vmem_shared>> -> memref<16384x32xf32, #tpu.memory_space<vmem_shared>>
      tpu.enqueue_indirect_dma source(%dma_start3A_1621 : memref<128x32xf32, #tpu.memory_space<vmem>>) target(%dma_start3A_1627 : memref<16384x32xf32, #tpu.memory_space<vmem_shared>>) offsets(%dma_start3A_1624 : memref<128xi32, #tpu.memory_space<vmem>>) semaphore(%run_scoped3A_1618 : memref<!tpu.dma_semaphore, #tpu.memory_space<semaphore_mem>>) {add = true}
      %dma_wait3A_1628 = arith.constant 768 : i32
      %dma_wait3A_1629 = arith.constant 0 : i32
      %dma_wait3A_1630 = tpu.memref_slice %arg12[%dma_wait3A_1628, %dma_wait3A_1629] : memref<1024x32xf32, #tpu.memory_space<vmem>> -> memref<128x32xf32, #tpu.memory_space<vmem>>
      %dma_wait3A_1631 = arith.constant 0 : i32
      %dma_wait3A_1632 = tpu.memref_slice %arg9[%run_scoped3A_1591, %dma_wait3A_1631] : memref<8x128xi32, #tpu.memory_space<vmem>> -> memref<1x128xi32, #tpu.memory_space<vmem>>
      %dma_wait3A_1633 = tpu.memref_squeeze %dma_wait3A_1632 : memref<1x128xi32, #tpu.memory_space<vmem>> -> memref<128xi32, #tpu.memory_space<vmem>>
      %dma_wait3A_1634 = arith.constant 0 : i32
      %dma_wait3A_1635 = arith.constant 0 : i32
      %dma_wait3A_1636 = tpu.memref_slice %arg16[%dma_wait3A_1634, %dma_wait3A_1635] : memref<16384x32xf32, #tpu.memory_space<vmem_shared>> -> memref<16384x32xf32, #tpu.memory_space<vmem_shared>>
      tpu.wait_indirect_dma semaphore(%run_scoped3A_1618 : memref<!tpu.dma_semaphore, #tpu.memory_space<semaphore_mem>>) src(%dma_wait3A_1630 : memref<128x32xf32, #tpu.memory_space<vmem>>) dst(%dma_wait3A_1636 : memref<16384x32xf32, #tpu.memory_space<vmem_shared>>)
      tpu.yield
    }) : () -> ()
    %run_scoped3A_1592 = arith.constant 7 : i32
    "tpu.region"() ({
      %run_scoped3A_1618 = tpu.sem_alloc : memref<!tpu.dma_semaphore, #tpu.memory_space<semaphore_mem>>
      %dma_start3A_1619 = arith.constant 896 : i32
      %dma_start3A_1620 = arith.constant 0 : i32
      %dma_start3A_1621 = tpu.memref_slice %arg12[%dma_start3A_1619, %dma_start3A_1620] : memref<1024x32xf32, #tpu.memory_space<vmem>> -> memref<128x32xf32, #tpu.memory_space<vmem>>
      %dma_start3A_1622 = arith.constant 0 : i32
      %dma_start3A_1623 = tpu.memref_slice %arg9[%run_scoped3A_1592, %dma_start3A_1622] : memref<8x128xi32, #tpu.memory_space<vmem>> -> memref<1x128xi32, #tpu.memory_space<vmem>>
      %dma_start3A_1624 = tpu.memref_squeeze %dma_start3A_1623 : memref<1x128xi32, #tpu.memory_space<vmem>> -> memref<128xi32, #tpu.memory_space<vmem>>
      %dma_start3A_1625 = arith.constant 0 : i32
      %dma_start3A_1626 = arith.constant 0 : i32
      %dma_start3A_1627 = tpu.memref_slice %arg16[%dma_start3A_1625, %dma_start3A_1626] : memref<16384x32xf32, #tpu.memory_space<vmem_shared>> -> memref<16384x32xf32, #tpu.memory_space<vmem_shared>>
      tpu.enqueue_indirect_dma source(%dma_start3A_1621 : memref<128x32xf32, #tpu.memory_space<vmem>>) target(%dma_start3A_1627 : memref<16384x32xf32, #tpu.memory_space<vmem_shared>>) offsets(%dma_start3A_1624 : memref<128xi32, #tpu.memory_space<vmem>>) semaphore(%run_scoped3A_1618 : memref<!tpu.dma_semaphore, #tpu.memory_space<semaphore_mem>>) {add = true}
      %dma_wait3A_1628 = arith.constant 896 : i32
      %dma_wait3A_1629 = arith.constant 0 : i32
      %dma_wait3A_1630 = tpu.memref_slice %arg12[%dma_wait3A_1628, %dma_wait3A_1629] : memref<1024x32xf32, #tpu.memory_space<vmem>> -> memref<128x32xf32, #tpu.memory_space<vmem>>
      %dma_wait3A_1631 = arith.constant 0 : i32
      %dma_wait3A_1632 = tpu.memref_slice %arg9[%run_scoped3A_1592, %dma_wait3A_1631] : memref<8x128xi32, #tpu.memory_space<vmem>> -> memref<1x128xi32, #tpu.memory_space<vmem>>
      %dma_wait3A_1633 = tpu.memref_squeeze %dma_wait3A_1632 : memref<1x128xi32, #tpu.memory_space<vmem>> -> memref<128xi32, #tpu.memory_space<vmem>>
      %dma_wait3A_1634 = arith.constant 0 : i32
      %dma_wait3A_1635 = arith.constant 0 : i32
      %dma_wait3A_1636 = tpu.memref_slice %arg16[%dma_wait3A_1634, %dma_wait3A_1635] : memref<16384x32xf32, #tpu.memory_space<vmem_shared>> -> memref<16384x32xf32, #tpu.memory_space<vmem_shared>>
      tpu.wait_indirect_dma semaphore(%run_scoped3A_1618 : memref<!tpu.dma_semaphore, #tpu.memory_space<semaphore_mem>>) src(%dma_wait3A_1630 : memref<128x32xf32, #tpu.memory_space<vmem>>) dst(%dma_wait3A_1636 : memref<16384x32xf32, #tpu.memory_space<vmem_shared>>)
      tpu.yield
    }) : () -> ()
    %barrier3A_1593 = arith.constant 0 : index
    tpu.barrier barrier_id(%barrier3A_1593)
    %run_scoped3A_1594 = arith.constant 0 : i32
    "tpu.region"() ({
      %run_scoped3A_1618 = tpu.sem_alloc : memref<!tpu.dma_semaphore, #tpu.memory_space<semaphore_mem>>
      %dma_start3A_1619 = arith.constant 0 : i32
      %dma_start3A_1620 = arith.constant 0 : i32
      %dma_start3A_1621 = tpu.memref_slice %arg11[%dma_start3A_1619, %dma_start3A_1620] : memref<1024x32xf32, #tpu.memory_space<vmem>> -> memref<128x32xf32, #tpu.memory_space<vmem>>
      %dma_start3A_1622 = arith.constant 0 : i32
      %dma_start3A_1623 = tpu.memref_slice %arg9[%run_scoped3A_1594, %dma_start3A_1622] : memref<8x128xi32, #tpu.memory_space<vmem>> -> memref<1x128xi32, #tpu.memory_space<vmem>>
      %dma_start3A_1624 = tpu.memref_squeeze %dma_start3A_1623 : memref<1x128xi32, #tpu.memory_space<vmem>> -> memref<128xi32, #tpu.memory_space<vmem>>
      %dma_start3A_1625 = arith.constant 0 : i32
      %dma_start3A_1626 = arith.constant 0 : i32
      %dma_start3A_1627 = tpu.memref_slice %arg16[%dma_start3A_1625, %dma_start3A_1626] : memref<16384x32xf32, #tpu.memory_space<vmem_shared>> -> memref<16384x32xf32, #tpu.memory_space<vmem_shared>>
      tpu.enqueue_indirect_dma source(%dma_start3A_1627 : memref<16384x32xf32, #tpu.memory_space<vmem_shared>>) target(%dma_start3A_1621 : memref<128x32xf32, #tpu.memory_space<vmem>>) offsets(%dma_start3A_1624 : memref<128xi32, #tpu.memory_space<vmem>>) semaphore(%run_scoped3A_1618 : memref<!tpu.dma_semaphore, #tpu.memory_space<semaphore_mem>>)
      %dma_wait3A_1628 = arith.constant 0 : i32
      %dma_wait3A_1629 = arith.constant 0 : i32
      %dma_wait3A_1630 = tpu.memref_slice %arg11[%dma_wait3A_1628, %dma_wait3A_1629] : memref<1024x32xf32, #tpu.memory_space<vmem>> -> memref<128x32xf32, #tpu.memory_space<vmem>>
      %dma_wait3A_1631 = arith.constant 0 : i32
      %dma_wait3A_1632 = tpu.memref_slice %arg9[%run_scoped3A_1594, %dma_wait3A_1631] : memref<8x128xi32, #tpu.memory_space<vmem>> -> memref<1x128xi32, #tpu.memory_space<vmem>>
      %dma_wait3A_1633 = tpu.memref_squeeze %dma_wait3A_1632 : memref<1x128xi32, #tpu.memory_space<vmem>> -> memref<128xi32, #tpu.memory_space<vmem>>
      %dma_wait3A_1634 = arith.constant 0 : i32
      %dma_wait3A_1635 = arith.constant 0 : i32
      %dma_wait3A_1636 = tpu.memref_slice %arg16[%dma_wait3A_1634, %dma_wait3A_1635] : memref<16384x32xf32, #tpu.memory_space<vmem_shared>> -> memref<16384x32xf32, #tpu.memory_space<vmem_shared>>
      tpu.wait_indirect_dma semaphore(%run_scoped3A_1618 : memref<!tpu.dma_semaphore, #tpu.memory_space<semaphore_mem>>) src(%dma_wait3A_1636 : memref<16384x32xf32, #tpu.memory_space<vmem_shared>>) dst(%dma_wait3A_1630 : memref<128x32xf32, #tpu.memory_space<vmem>>)
      tpu.yield
    }) : () -> ()
    %run_scoped3A_1595 = arith.constant 1 : i32
    "tpu.region"() ({
      %run_scoped3A_1618 = tpu.sem_alloc : memref<!tpu.dma_semaphore, #tpu.memory_space<semaphore_mem>>
      %dma_start3A_1619 = arith.constant 128 : i32
      %dma_start3A_1620 = arith.constant 0 : i32
      %dma_start3A_1621 = tpu.memref_slice %arg11[%dma_start3A_1619, %dma_start3A_1620] : memref<1024x32xf32, #tpu.memory_space<vmem>> -> memref<128x32xf32, #tpu.memory_space<vmem>>
      %dma_start3A_1622 = arith.constant 0 : i32
      %dma_start3A_1623 = tpu.memref_slice %arg9[%run_scoped3A_1595, %dma_start3A_1622] : memref<8x128xi32, #tpu.memory_space<vmem>> -> memref<1x128xi32, #tpu.memory_space<vmem>>
      %dma_start3A_1624 = tpu.memref_squeeze %dma_start3A_1623 : memref<1x128xi32, #tpu.memory_space<vmem>> -> memref<128xi32, #tpu.memory_space<vmem>>
      %dma_start3A_1625 = arith.constant 0 : i32
      %dma_start3A_1626 = arith.constant 0 : i32
      %dma_start3A_1627 = tpu.memref_slice %arg16[%dma_start3A_1625, %dma_start3A_1626] : memref<16384x32xf32, #tpu.memory_space<vmem_shared>> -> memref<16384x32xf32, #tpu.memory_space<vmem_shared>>
      tpu.enqueue_indirect_dma source(%dma_start3A_1627 : memref<16384x32xf32, #tpu.memory_space<vmem_shared>>) target(%dma_start3A_1621 : memref<128x32xf32, #tpu.memory_space<vmem>>) offsets(%dma_start3A_1624 : memref<128xi32, #tpu.memory_space<vmem>>) semaphore(%run_scoped3A_1618 : memref<!tpu.dma_semaphore, #tpu.memory_space<semaphore_mem>>)
      %dma_wait3A_1628 = arith.constant 128 : i32
      %dma_wait3A_1629 = arith.constant 0 : i32
      %dma_wait3A_1630 = tpu.memref_slice %arg11[%dma_wait3A_1628, %dma_wait3A_1629] : memref<1024x32xf32, #tpu.memory_space<vmem>> -> memref<128x32xf32, #tpu.memory_space<vmem>>
      %dma_wait3A_1631 = arith.constant 0 : i32
      %dma_wait3A_1632 = tpu.memref_slice %arg9[%run_scoped3A_1595, %dma_wait3A_1631] : memref<8x128xi32, #tpu.memory_space<vmem>> -> memref<1x128xi32, #tpu.memory_space<vmem>>
      %dma_wait3A_1633 = tpu.memref_squeeze %dma_wait3A_1632 : memref<1x128xi32, #tpu.memory_space<vmem>> -> memref<128xi32, #tpu.memory_space<vmem>>
      %dma_wait3A_1634 = arith.constant 0 : i32
      %dma_wait3A_1635 = arith.constant 0 : i32
      %dma_wait3A_1636 = tpu.memref_slice %arg16[%dma_wait3A_1634, %dma_wait3A_1635] : memref<16384x32xf32, #tpu.memory_space<vmem_shared>> -> memref<16384x32xf32, #tpu.memory_space<vmem_shared>>
      tpu.wait_indirect_dma semaphore(%run_scoped3A_1618 : memref<!tpu.dma_semaphore, #tpu.memory_space<semaphore_mem>>) src(%dma_wait3A_1636 : memref<16384x32xf32, #tpu.memory_space<vmem_shared>>) dst(%dma_wait3A_1630 : memref<128x32xf32, #tpu.memory_space<vmem>>)
      tpu.yield
    }) : () -> ()
    %run_scoped3A_1596 = arith.constant 2 : i32
    "tpu.region"() ({
      %run_scoped3A_1618 = tpu.sem_alloc : memref<!tpu.dma_semaphore, #tpu.memory_space<semaphore_mem>>
      %dma_start3A_1619 = arith.constant 256 : i32
      %dma_start3A_1620 = arith.constant 0 : i32
      %dma_start3A_1621 = tpu.memref_slice %arg11[%dma_start3A_1619, %dma_start3A_1620] : memref<1024x32xf32, #tpu.memory_space<vmem>> -> memref<128x32xf32, #tpu.memory_space<vmem>>
      %dma_start3A_1622 = arith.constant 0 : i32
      %dma_start3A_1623 = tpu.memref_slice %arg9[%run_scoped3A_1596, %dma_start3A_1622] : memref<8x128xi32, #tpu.memory_space<vmem>> -> memref<1x128xi32, #tpu.memory_space<vmem>>
      %dma_start3A_1624 = tpu.memref_squeeze %dma_start3A_1623 : memref<1x128xi32, #tpu.memory_space<vmem>> -> memref<128xi32, #tpu.memory_space<vmem>>
      %dma_start3A_1625 = arith.constant 0 : i32
      %dma_start3A_1626 = arith.constant 0 : i32
      %dma_start3A_1627 = tpu.memref_slice %arg16[%dma_start3A_1625, %dma_start3A_1626] : memref<16384x32xf32, #tpu.memory_space<vmem_shared>> -> memref<16384x32xf32, #tpu.memory_space<vmem_shared>>
      tpu.enqueue_indirect_dma source(%dma_start3A_1627 : memref<16384x32xf32, #tpu.memory_space<vmem_shared>>) target(%dma_start3A_1621 : memref<128x32xf32, #tpu.memory_space<vmem>>) offsets(%dma_start3A_1624 : memref<128xi32, #tpu.memory_space<vmem>>) semaphore(%run_scoped3A_1618 : memref<!tpu.dma_semaphore, #tpu.memory_space<semaphore_mem>>)
      %dma_wait3A_1628 = arith.constant 256 : i32
      %dma_wait3A_1629 = arith.constant 0 : i32
      %dma_wait3A_1630 = tpu.memref_slice %arg11[%dma_wait3A_1628, %dma_wait3A_1629] : memref<1024x32xf32, #tpu.memory_space<vmem>> -> memref<128x32xf32, #tpu.memory_space<vmem>>
      %dma_wait3A_1631 = arith.constant 0 : i32
      %dma_wait3A_1632 = tpu.memref_slice %arg9[%run_scoped3A_1596, %dma_wait3A_1631] : memref<8x128xi32, #tpu.memory_space<vmem>> -> memref<1x128xi32, #tpu.memory_space<vmem>>
      %dma_wait3A_1633 = tpu.memref_squeeze %dma_wait3A_1632 : memref<1x128xi32, #tpu.memory_space<vmem>> -> memref<128xi32, #tpu.memory_space<vmem>>
      %dma_wait3A_1634 = arith.constant 0 : i32
      %dma_wait3A_1635 = arith.constant 0 : i32
      %dma_wait3A_1636 = tpu.memref_slice %arg16[%dma_wait3A_1634, %dma_wait3A_1635] : memref<16384x32xf32, #tpu.memory_space<vmem_shared>> -> memref<16384x32xf32, #tpu.memory_space<vmem_shared>>
      tpu.wait_indirect_dma semaphore(%run_scoped3A_1618 : memref<!tpu.dma_semaphore, #tpu.memory_space<semaphore_mem>>) src(%dma_wait3A_1636 : memref<16384x32xf32, #tpu.memory_space<vmem_shared>>) dst(%dma_wait3A_1630 : memref<128x32xf32, #tpu.memory_space<vmem>>)
      tpu.yield
    }) : () -> ()
    %run_scoped3A_1597 = arith.constant 3 : i32
    "tpu.region"() ({
      %run_scoped3A_1618 = tpu.sem_alloc : memref<!tpu.dma_semaphore, #tpu.memory_space<semaphore_mem>>
      %dma_start3A_1619 = arith.constant 384 : i32
      %dma_start3A_1620 = arith.constant 0 : i32
      %dma_start3A_1621 = tpu.memref_slice %arg11[%dma_start3A_1619, %dma_start3A_1620] : memref<1024x32xf32, #tpu.memory_space<vmem>> -> memref<128x32xf32, #tpu.memory_space<vmem>>
      %dma_start3A_1622 = arith.constant 0 : i32
      %dma_start3A_1623 = tpu.memref_slice %arg9[%run_scoped3A_1597, %dma_start3A_1622] : memref<8x128xi32, #tpu.memory_space<vmem>> -> memref<1x128xi32, #tpu.memory_space<vmem>>
      %dma_start3A_1624 = tpu.memref_squeeze %dma_start3A_1623 : memref<1x128xi32, #tpu.memory_space<vmem>> -> memref<128xi32, #tpu.memory_space<vmem>>
      %dma_start3A_1625 = arith.constant 0 : i32
      %dma_start3A_1626 = arith.constant 0 : i32
      %dma_start3A_1627 = tpu.memref_slice %arg16[%dma_start3A_1625, %dma_start3A_1626] : memref<16384x32xf32, #tpu.memory_space<vmem_shared>> -> memref<16384x32xf32, #tpu.memory_space<vmem_shared>>
      tpu.enqueue_indirect_dma source(%dma_start3A_1627 : memref<16384x32xf32, #tpu.memory_space<vmem_shared>>) target(%dma_start3A_1621 : memref<128x32xf32, #tpu.memory_space<vmem>>) offsets(%dma_start3A_1624 : memref<128xi32, #tpu.memory_space<vmem>>) semaphore(%run_scoped3A_1618 : memref<!tpu.dma_semaphore, #tpu.memory_space<semaphore_mem>>)
      %dma_wait3A_1628 = arith.constant 384 : i32
      %dma_wait3A_1629 = arith.constant 0 : i32
      %dma_wait3A_1630 = tpu.memref_slice %arg11[%dma_wait3A_1628, %dma_wait3A_1629] : memref<1024x32xf32, #tpu.memory_space<vmem>> -> memref<128x32xf32, #tpu.memory_space<vmem>>
      %dma_wait3A_1631 = arith.constant 0 : i32
      %dma_wait3A_1632 = tpu.memref_slice %arg9[%run_scoped3A_1597, %dma_wait3A_1631] : memref<8x128xi32, #tpu.memory_space<vmem>> -> memref<1x128xi32, #tpu.memory_space<vmem>>
      %dma_wait3A_1633 = tpu.memref_squeeze %dma_wait3A_1632 : memref<1x128xi32, #tpu.memory_space<vmem>> -> memref<128xi32, #tpu.memory_space<vmem>>
      %dma_wait3A_1634 = arith.constant 0 : i32
      %dma_wait3A_1635 = arith.constant 0 : i32
      %dma_wait3A_1636 = tpu.memref_slice %arg16[%dma_wait3A_1634, %dma_wait3A_1635] : memref<16384x32xf32, #tpu.memory_space<vmem_shared>> -> memref<16384x32xf32, #tpu.memory_space<vmem_shared>>
      tpu.wait_indirect_dma semaphore(%run_scoped3A_1618 : memref<!tpu.dma_semaphore, #tpu.memory_space<semaphore_mem>>) src(%dma_wait3A_1636 : memref<16384x32xf32, #tpu.memory_space<vmem_shared>>) dst(%dma_wait3A_1630 : memref<128x32xf32, #tpu.memory_space<vmem>>)
      tpu.yield
    }) : () -> ()
    %run_scoped3A_1598 = arith.constant 4 : i32
    "tpu.region"() ({
      %run_scoped3A_1618 = tpu.sem_alloc : memref<!tpu.dma_semaphore, #tpu.memory_space<semaphore_mem>>
      %dma_start3A_1619 = arith.constant 512 : i32
      %dma_start3A_1620 = arith.constant 0 : i32
      %dma_start3A_1621 = tpu.memref_slice %arg11[%dma_start3A_1619, %dma_start3A_1620] : memref<1024x32xf32, #tpu.memory_space<vmem>> -> memref<128x32xf32, #tpu.memory_space<vmem>>
      %dma_start3A_1622 = arith.constant 0 : i32
      %dma_start3A_1623 = tpu.memref_slice %arg9[%run_scoped3A_1598, %dma_start3A_1622] : memref<8x128xi32, #tpu.memory_space<vmem>> -> memref<1x128xi32, #tpu.memory_space<vmem>>
      %dma_start3A_1624 = tpu.memref_squeeze %dma_start3A_1623 : memref<1x128xi32, #tpu.memory_space<vmem>> -> memref<128xi32, #tpu.memory_space<vmem>>
      %dma_start3A_1625 = arith.constant 0 : i32
      %dma_start3A_1626 = arith.constant 0 : i32
      %dma_start3A_1627 = tpu.memref_slice %arg16[%dma_start3A_1625, %dma_start3A_1626] : memref<16384x32xf32, #tpu.memory_space<vmem_shared>> -> memref<16384x32xf32, #tpu.memory_space<vmem_shared>>
      tpu.enqueue_indirect_dma source(%dma_start3A_1627 : memref<16384x32xf32, #tpu.memory_space<vmem_shared>>) target(%dma_start3A_1621 : memref<128x32xf32, #tpu.memory_space<vmem>>) offsets(%dma_start3A_1624 : memref<128xi32, #tpu.memory_space<vmem>>) semaphore(%run_scoped3A_1618 : memref<!tpu.dma_semaphore, #tpu.memory_space<semaphore_mem>>)
      %dma_wait3A_1628 = arith.constant 512 : i32
      %dma_wait3A_1629 = arith.constant 0 : i32
      %dma_wait3A_1630 = tpu.memref_slice %arg11[%dma_wait3A_1628, %dma_wait3A_1629] : memref<1024x32xf32, #tpu.memory_space<vmem>> -> memref<128x32xf32, #tpu.memory_space<vmem>>
      %dma_wait3A_1631 = arith.constant 0 : i32
      %dma_wait3A_1632 = tpu.memref_slice %arg9[%run_scoped3A_1598, %dma_wait3A_1631] : memref<8x128xi32, #tpu.memory_space<vmem>> -> memref<1x128xi32, #tpu.memory_space<vmem>>
      %dma_wait3A_1633 = tpu.memref_squeeze %dma_wait3A_1632 : memref<1x128xi32, #tpu.memory_space<vmem>> -> memref<128xi32, #tpu.memory_space<vmem>>
      %dma_wait3A_1634 = arith.constant 0 : i32
      %dma_wait3A_1635 = arith.constant 0 : i32
      %dma_wait3A_1636 = tpu.memref_slice %arg16[%dma_wait3A_1634, %dma_wait3A_1635] : memref<16384x32xf32, #tpu.memory_space<vmem_shared>> -> memref<16384x32xf32, #tpu.memory_space<vmem_shared>>
      tpu.wait_indirect_dma semaphore(%run_scoped3A_1618 : memref<!tpu.dma_semaphore, #tpu.memory_space<semaphore_mem>>) src(%dma_wait3A_1636 : memref<16384x32xf32, #tpu.memory_space<vmem_shared>>) dst(%dma_wait3A_1630 : memref<128x32xf32, #tpu.memory_space<vmem>>)
      tpu.yield
    }) : () -> ()
    %run_scoped3A_1599 = arith.constant 5 : i32
    "tpu.region"() ({
      %run_scoped3A_1618 = tpu.sem_alloc : memref<!tpu.dma_semaphore, #tpu.memory_space<semaphore_mem>>
      %dma_start3A_1619 = arith.constant 640 : i32
      %dma_start3A_1620 = arith.constant 0 : i32
      %dma_start3A_1621 = tpu.memref_slice %arg11[%dma_start3A_1619, %dma_start3A_1620] : memref<1024x32xf32, #tpu.memory_space<vmem>> -> memref<128x32xf32, #tpu.memory_space<vmem>>
      %dma_start3A_1622 = arith.constant 0 : i32
      %dma_start3A_1623 = tpu.memref_slice %arg9[%run_scoped3A_1599, %dma_start3A_1622] : memref<8x128xi32, #tpu.memory_space<vmem>> -> memref<1x128xi32, #tpu.memory_space<vmem>>
      %dma_start3A_1624 = tpu.memref_squeeze %dma_start3A_1623 : memref<1x128xi32, #tpu.memory_space<vmem>> -> memref<128xi32, #tpu.memory_space<vmem>>
      %dma_start3A_1625 = arith.constant 0 : i32
      %dma_start3A_1626 = arith.constant 0 : i32
      %dma_start3A_1627 = tpu.memref_slice %arg16[%dma_start3A_1625, %dma_start3A_1626] : memref<16384x32xf32, #tpu.memory_space<vmem_shared>> -> memref<16384x32xf32, #tpu.memory_space<vmem_shared>>
      tpu.enqueue_indirect_dma source(%dma_start3A_1627 : memref<16384x32xf32, #tpu.memory_space<vmem_shared>>) target(%dma_start3A_1621 : memref<128x32xf32, #tpu.memory_space<vmem>>) offsets(%dma_start3A_1624 : memref<128xi32, #tpu.memory_space<vmem>>) semaphore(%run_scoped3A_1618 : memref<!tpu.dma_semaphore, #tpu.memory_space<semaphore_mem>>)
      %dma_wait3A_1628 = arith.constant 640 : i32
      %dma_wait3A_1629 = arith.constant 0 : i32
      %dma_wait3A_1630 = tpu.memref_slice %arg11[%dma_wait3A_1628, %dma_wait3A_1629] : memref<1024x32xf32, #tpu.memory_space<vmem>> -> memref<128x32xf32, #tpu.memory_space<vmem>>
      %dma_wait3A_1631 = arith.constant 0 : i32
      %dma_wait3A_1632 = tpu.memref_slice %arg9[%run_scoped3A_1599, %dma_wait3A_1631] : memref<8x128xi32, #tpu.memory_space<vmem>> -> memref<1x128xi32, #tpu.memory_space<vmem>>
      %dma_wait3A_1633 = tpu.memref_squeeze %dma_wait3A_1632 : memref<1x128xi32, #tpu.memory_space<vmem>> -> memref<128xi32, #tpu.memory_space<vmem>>
      %dma_wait3A_1634 = arith.constant 0 : i32
      %dma_wait3A_1635 = arith.constant 0 : i32
      %dma_wait3A_1636 = tpu.memref_slice %arg16[%dma_wait3A_1634, %dma_wait3A_1635] : memref<16384x32xf32, #tpu.memory_space<vmem_shared>> -> memref<16384x32xf32, #tpu.memory_space<vmem_shared>>
      tpu.wait_indirect_dma semaphore(%run_scoped3A_1618 : memref<!tpu.dma_semaphore, #tpu.memory_space<semaphore_mem>>) src(%dma_wait3A_1636 : memref<16384x32xf32, #tpu.memory_space<vmem_shared>>) dst(%dma_wait3A_1630 : memref<128x32xf32, #tpu.memory_space<vmem>>)
      tpu.yield
    }) : () -> ()
    %run_scoped3A_1600 = arith.constant 6 : i32
    "tpu.region"() ({
      %run_scoped3A_1618 = tpu.sem_alloc : memref<!tpu.dma_semaphore, #tpu.memory_space<semaphore_mem>>
      %dma_start3A_1619 = arith.constant 768 : i32
      %dma_start3A_1620 = arith.constant 0 : i32
      %dma_start3A_1621 = tpu.memref_slice %arg11[%dma_start3A_1619, %dma_start3A_1620] : memref<1024x32xf32, #tpu.memory_space<vmem>> -> memref<128x32xf32, #tpu.memory_space<vmem>>
      %dma_start3A_1622 = arith.constant 0 : i32
      %dma_start3A_1623 = tpu.memref_slice %arg9[%run_scoped3A_1600, %dma_start3A_1622] : memref<8x128xi32, #tpu.memory_space<vmem>> -> memref<1x128xi32, #tpu.memory_space<vmem>>
      %dma_start3A_1624 = tpu.memref_squeeze %dma_start3A_1623 : memref<1x128xi32, #tpu.memory_space<vmem>> -> memref<128xi32, #tpu.memory_space<vmem>>
      %dma_start3A_1625 = arith.constant 0 : i32
      %dma_start3A_1626 = arith.constant 0 : i32
      %dma_start3A_1627 = tpu.memref_slice %arg16[%dma_start3A_1625, %dma_start3A_1626] : memref<16384x32xf32, #tpu.memory_space<vmem_shared>> -> memref<16384x32xf32, #tpu.memory_space<vmem_shared>>
      tpu.enqueue_indirect_dma source(%dma_start3A_1627 : memref<16384x32xf32, #tpu.memory_space<vmem_shared>>) target(%dma_start3A_1621 : memref<128x32xf32, #tpu.memory_space<vmem>>) offsets(%dma_start3A_1624 : memref<128xi32, #tpu.memory_space<vmem>>) semaphore(%run_scoped3A_1618 : memref<!tpu.dma_semaphore, #tpu.memory_space<semaphore_mem>>)
      %dma_wait3A_1628 = arith.constant 768 : i32
      %dma_wait3A_1629 = arith.constant 0 : i32
      %dma_wait3A_1630 = tpu.memref_slice %arg11[%dma_wait3A_1628, %dma_wait3A_1629] : memref<1024x32xf32, #tpu.memory_space<vmem>> -> memref<128x32xf32, #tpu.memory_space<vmem>>
      %dma_wait3A_1631 = arith.constant 0 : i32
      %dma_wait3A_1632 = tpu.memref_slice %arg9[%run_scoped3A_1600, %dma_wait3A_1631] : memref<8x128xi32, #tpu.memory_space<vmem>> -> memref<1x128xi32, #tpu.memory_space<vmem>>
      %dma_wait3A_1633 = tpu.memref_squeeze %dma_wait3A_1632 : memref<1x128xi32, #tpu.memory_space<vmem>> -> memref<128xi32, #tpu.memory_space<vmem>>
      %dma_wait3A_1634 = arith.constant 0 : i32
      %dma_wait3A_1635 = arith.constant 0 : i32
      %dma_wait3A_1636 = tpu.memref_slice %arg16[%dma_wait3A_1634, %dma_wait3A_1635] : memref<16384x32xf32, #tpu.memory_space<vmem_shared>> -> memref<16384x32xf32, #tpu.memory_space<vmem_shared>>
      tpu.wait_indirect_dma semaphore(%run_scoped3A_1618 : memref<!tpu.dma_semaphore, #tpu.memory_space<semaphore_mem>>) src(%dma_wait3A_1636 : memref<16384x32xf32, #tpu.memory_space<vmem_shared>>) dst(%dma_wait3A_1630 : memref<128x32xf32, #tpu.memory_space<vmem>>)
      tpu.yield
    }) : () -> ()
    %run_scoped3A_1601 = arith.constant 7 : i32
    "tpu.region"() ({
      %run_scoped3A_1618 = tpu.sem_alloc : memref<!tpu.dma_semaphore, #tpu.memory_space<semaphore_mem>>
      %dma_start3A_1619 = arith.constant 896 : i32
      %dma_start3A_1620 = arith.constant 0 : i32
      %dma_start3A_1621 = tpu.memref_slice %arg11[%dma_start3A_1619, %dma_start3A_1620] : memref<1024x32xf32, #tpu.memory_space<vmem>> -> memref<128x32xf32, #tpu.memory_space<vmem>>
      %dma_start3A_1622 = arith.constant 0 : i32
      %dma_start3A_1623 = tpu.memref_slice %arg9[%run_scoped3A_1601, %dma_start3A_1622] : memref<8x128xi32, #tpu.memory_space<vmem>> -> memref<1x128xi32, #tpu.memory_space<vmem>>
      %dma_start3A_1624 = tpu.memref_squeeze %dma_start3A_1623 : memref<1x128xi32, #tpu.memory_space<vmem>> -> memref<128xi32, #tpu.memory_space<vmem>>
      %dma_start3A_1625 = arith.constant 0 : i32
      %dma_start3A_1626 = arith.constant 0 : i32
      %dma_start3A_1627 = tpu.memref_slice %arg16[%dma_start3A_1625, %dma_start3A_1626] : memref<16384x32xf32, #tpu.memory_space<vmem_shared>> -> memref<16384x32xf32, #tpu.memory_space<vmem_shared>>
      tpu.enqueue_indirect_dma source(%dma_start3A_1627 : memref<16384x32xf32, #tpu.memory_space<vmem_shared>>) target(%dma_start3A_1621 : memref<128x32xf32, #tpu.memory_space<vmem>>) offsets(%dma_start3A_1624 : memref<128xi32, #tpu.memory_space<vmem>>) semaphore(%run_scoped3A_1618 : memref<!tpu.dma_semaphore, #tpu.memory_space<semaphore_mem>>)
      %dma_wait3A_1628 = arith.constant 896 : i32
      %dma_wait3A_1629 = arith.constant 0 : i32
      %dma_wait3A_1630 = tpu.memref_slice %arg11[%dma_wait3A_1628, %dma_wait3A_1629] : memref<1024x32xf32, #tpu.memory_space<vmem>> -> memref<128x32xf32, #tpu.memory_space<vmem>>
      %dma_wait3A_1631 = arith.constant 0 : i32
      %dma_wait3A_1632 = tpu.memref_slice %arg9[%run_scoped3A_1601, %dma_wait3A_1631] : memref<8x128xi32, #tpu.memory_space<vmem>> -> memref<1x128xi32, #tpu.memory_space<vmem>>
      %dma_wait3A_1633 = tpu.memref_squeeze %dma_wait3A_1632 : memref<1x128xi32, #tpu.memory_space<vmem>> -> memref<128xi32, #tpu.memory_space<vmem>>
      %dma_wait3A_1634 = arith.constant 0 : i32
      %dma_wait3A_1635 = arith.constant 0 : i32
      %dma_wait3A_1636 = tpu.memref_slice %arg16[%dma_wait3A_1634, %dma_wait3A_1635] : memref<16384x32xf32, #tpu.memory_space<vmem_shared>> -> memref<16384x32xf32, #tpu.memory_space<vmem_shared>>
      tpu.wait_indirect_dma semaphore(%run_scoped3A_1618 : memref<!tpu.dma_semaphore, #tpu.memory_space<semaphore_mem>>) src(%dma_wait3A_1636 : memref<16384x32xf32, #tpu.memory_space<vmem_shared>>) dst(%dma_wait3A_1630 : memref<128x32xf32, #tpu.memory_space<vmem>>)
      tpu.yield
    }) : () -> ()
    %while3A_1602 = arith.constant 0 : i32
    %while3A_1603 = arith.constant 0 : i32
    %while3A_1604 = arith.constant 1024 : i32
    %while3A_1605 = arith.subi %while3A_1604, %while3A_1603 : i32
    %while3A_1606 = arith.addi %while3A_1603, %while3A_1605 : i32
    %while3A_1607 = arith.constant 1 : i32
    %while3A_1608 = arith.divsi %while3A_1605, %while3A_1607 : i32
    %while3A_1609 = arith.muli %while3A_1608, %while3A_1607 : i32
    %while3A_1610 = arith.addi %while3A_1603, %while3A_1609 : i32
    %while3A_1611 = arith.constant 1 : i32
    scf.for %while3A_1618 = %while3A_1603 to %while3A_1610 step %while3A_1611  : i32 {
      %broadcast_in_dim3A_1619 = vector.broadcast %while3A_1618 : i32 to vector<16xi32>
      %gather3A_1620 = tpu.vector_load_idx %arg11[%broadcast_in_dim3A_1619, %iota3A] : memref<1024x32xf32, #tpu.memory_space<vmem>>[vector<16xi32>, vector<16xi32>], vector<16xf32>,
      %broadcast_in_dim3A_1621 = arith.constant 16 : i32
      %broadcast_in_dim3A_1622 = vector.broadcast %broadcast_in_dim3A_1621 : i32 to vector<16xi32>
      %gather3A_1623 = tpu.vector_load_idx %arg11[%broadcast_in_dim3A_1619, %broadcast_in_dim3A_1622] : memref<1024x32xf32, #tpu.memory_space<vmem>>[vector<16xi32>, vector<16xi32>], vector<16xf32>,
      %gather3A_1624 = tpu.vector_load_idx %arg10[%broadcast_in_dim3A_1619, %iota3A] : memref<1024x16xf32, #tpu.memory_space<vmem>>[vector<16xi32>, vector<16xi32>], vector<16xf32>,
      %div3A = arith.divf %gather3A_1620, %gather3A_1623 : vector<16xf32>
      %sub3A = arith.subf %gather3A_1624, %div3A : vector<16xf32>
      %mul3A_1625 = arith.constant 5.000000e-01 : f32
      %mul3A_1626 = vector.broadcast %mul3A_1625 : f32 to vector<16xf32>
      %mul3A_1627 = arith.mulf %mul3A_1626, %sub3A : vector<16xf32>
      %sub3A_1628 = arith.subf %gather3A_1624, %mul3A_1627 : vector<16xf32>
      %mul3A_1629 = arith.mulf %sub3A_1628, %sub3A_1628 : vector<16xf32>
      %reduce_sum3A = arith.constant true
      %reduce_sum3A_1630 = vector.broadcast %reduce_sum3A : i1 to vector<16xi1>
      %reduce_sum3A_1631 = tpu.scan <sum>, %mul3A_1629 masked %reduce_sum3A_1630 : vector<16xf32>, vector<16xi1> -> vector<16xf32>
      %reduce_sum3A_1632 = vector.extract %reduce_sum3A_1631[15] : f32 from vector<16xf32>
      %broadcast_in_dim3A_1633 = vector.broadcast %reduce_sum3A_1632 : f32 to vector<16xf32>
      %bitcast3A = vector.bitcast %broadcast_in_dim3A_1633 : vector<16xf32> to vector<16xi32>
      %shift_right_arithmetic3A = arith.constant 1 : i32
      %shift_right_arithmetic3A_1634 = vector.broadcast %shift_right_arithmetic3A : i32 to vector<16xi32>
      %shift_right_arithmetic3A_1635 = arith.shrsi %bitcast3A, %shift_right_arithmetic3A_1634 : vector<16xi32>
      %sub3A_1636 = arith.constant 1597463007 : i32
      %sub3A_1637 = vector.broadcast %sub3A_1636 : i32 to vector<16xi32>
      %sub3A_1638 = arith.subi %sub3A_1637, %shift_right_arithmetic3A_1635 : vector<16xi32>
      %bitcast3A_1639 = vector.bitcast %sub3A_1638 : vector<16xi32> to vector<16xf32>
      %mul3A_1640 = arith.constant 5.000000e-01 : f32
      %mul3A_1641 = vector.broadcast %mul3A_1640 : f32 to vector<16xf32>
      %mul3A_1642 = arith.mulf %broadcast_in_dim3A_1633, %mul3A_1641 : vector<16xf32>
      %mul3A_1643 = arith.mulf %mul3A_1642, %bitcast3A_1639 : vector<16xf32>
      %mul3A_1644 = arith.mulf %mul3A_1643, %bitcast3A_1639 : vector<16xf32>
      %sub3A_1645 = arith.constant 1.500000e+00 : f32
      %sub3A_1646 = vector.broadcast %sub3A_1645 : f32 to vector<16xf32>
      %sub3A_1647 = arith.subf %sub3A_1646, %mul3A_1644 : vector<16xf32>
      %mul3A_1648 = arith.mulf %bitcast3A_1639, %sub3A_1647 : vector<16xf32>
      %mul3A_1649 = arith.mulf %mul3A_1642, %mul3A_1648 : vector<16xf32>
      %mul3A_1650 = arith.mulf %mul3A_1649, %mul3A_1648 : vector<16xf32>
      %sub3A_1651 = arith.constant 1.500000e+00 : f32
      %sub3A_1652 = vector.broadcast %sub3A_1651 : f32 to vector<16xf32>
      %sub3A_1653 = arith.subf %sub3A_1652, %mul3A_1650 : vector<16xf32>
      %mul3A_1654 = arith.mulf %mul3A_1648, %sub3A_1653 : vector<16xf32>
      %mul3A_1655 = arith.mulf %mul3A_1642, %mul3A_1654 : vector<16xf32>
      %mul3A_1656 = arith.mulf %mul3A_1655, %mul3A_1654 : vector<16xf32>
      %sub3A_1657 = arith.constant 1.500000e+00 : f32
      %sub3A_1658 = vector.broadcast %sub3A_1657 : f32 to vector<16xf32>
      %sub3A_1659 = arith.subf %sub3A_1658, %mul3A_1656 : vector<16xf32>
      %mul3A_1660 = arith.mulf %mul3A_1654, %sub3A_1659 : vector<16xf32>
      %min3A = arith.constant 9.99999995E+11 : f32
      %min3A_1661 = vector.broadcast %min3A : f32 to vector<16xf32>
      %min3A_1662 = arith.minimumf %mul3A_1660, %min3A_1661 : vector<16xf32>
      %mul3A_1663 = arith.mulf %sub3A_1628, %min3A_1662 : vector<16xf32>
      tpu.vector_store_idx %arg10[%broadcast_in_dim3A_1619, %iota3A], %mul3A_1663 : memref<1024x16xf32, #tpu.memory_space<vmem>>[vector<16xi32>, vector<16xi32>], vector<16xf32>,
    }
    %while3A_1612 = arith.constant 1 : i32
    scf.for %while3A_1618 = %while3A_1610 to %while3A_1606 step %while3A_1612  : i32 {
      %broadcast_in_dim3A_1619 = vector.broadcast %while3A_1618 : i32 to vector<16xi32>
      %gather3A_1620 = tpu.vector_load_idx %arg11[%broadcast_in_dim3A_1619, %iota3A] : memref<1024x32xf32, #tpu.memory_space<vmem>>[vector<16xi32>, vector<16xi32>], vector<16xf32>,
      %broadcast_in_dim3A_1621 = arith.constant 16 : i32
      %broadcast_in_dim3A_1622 = vector.broadcast %broadcast_in_dim3A_1621 : i32 to vector<16xi32>
      %gather3A_1623 = tpu.vector_load_idx %arg11[%broadcast_in_dim3A_1619, %broadcast_in_dim3A_1622] : memref<1024x32xf32, #tpu.memory_space<vmem>>[vector<16xi32>, vector<16xi32>], vector<16xf32>,
      %gather3A_1624 = tpu.vector_load_idx %arg10[%broadcast_in_dim3A_1619, %iota3A] : memref<1024x16xf32, #tpu.memory_space<vmem>>[vector<16xi32>, vector<16xi32>], vector<16xf32>,
      %div3A = arith.divf %gather3A_1620, %gather3A_1623 : vector<16xf32>
      %sub3A = arith.subf %gather3A_1624, %div3A : vector<16xf32>
      %mul3A_1625 = arith.constant 5.000000e-01 : f32
      %mul3A_1626 = vector.broadcast %mul3A_1625 : f32 to vector<16xf32>
      %mul3A_1627 = arith.mulf %mul3A_1626, %sub3A : vector<16xf32>
      %sub3A_1628 = arith.subf %gather3A_1624, %mul3A_1627 : vector<16xf32>
      %mul3A_1629 = arith.mulf %sub3A_1628, %sub3A_1628 : vector<16xf32>
      %reduce_sum3A = arith.constant true
      %reduce_sum3A_1630 = vector.broadcast %reduce_sum3A : i1 to vector<16xi1>
      %reduce_sum3A_1631 = tpu.scan <sum>, %mul3A_1629 masked %reduce_sum3A_1630 : vector<16xf32>, vector<16xi1> -> vector<16xf32>
      %reduce_sum3A_1632 = vector.extract %reduce_sum3A_1631[15] : f32 from vector<16xf32>
      %broadcast_in_dim3A_1633 = vector.broadcast %reduce_sum3A_1632 : f32 to vector<16xf32>
      %bitcast3A = vector.bitcast %broadcast_in_dim3A_1633 : vector<16xf32> to vector<16xi32>
      %shift_right_arithmetic3A = arith.constant 1 : i32
      %shift_right_arithmetic3A_1634 = vector.broadcast %shift_right_arithmetic3A : i32 to vector<16xi32>
      %shift_right_arithmetic3A_1635 = arith.shrsi %bitcast3A, %shift_right_arithmetic3A_1634 : vector<16xi32>
      %sub3A_1636 = arith.constant 1597463007 : i32
      %sub3A_1637 = vector.broadcast %sub3A_1636 : i32 to vector<16xi32>
      %sub3A_1638 = arith.subi %sub3A_1637, %shift_right_arithmetic3A_1635 : vector<16xi32>
      %bitcast3A_1639 = vector.bitcast %sub3A_1638 : vector<16xi32> to vector<16xf32>
      %mul3A_1640 = arith.constant 5.000000e-01 : f32
      %mul3A_1641 = vector.broadcast %mul3A_1640 : f32 to vector<16xf32>
      %mul3A_1642 = arith.mulf %broadcast_in_dim3A_1633, %mul3A_1641 : vector<16xf32>
      %mul3A_1643 = arith.mulf %mul3A_1642, %bitcast3A_1639 : vector<16xf32>
      %mul3A_1644 = arith.mulf %mul3A_1643, %bitcast3A_1639 : vector<16xf32>
      %sub3A_1645 = arith.constant 1.500000e+00 : f32
      %sub3A_1646 = vector.broadcast %sub3A_1645 : f32 to vector<16xf32>
      %sub3A_1647 = arith.subf %sub3A_1646, %mul3A_1644 : vector<16xf32>
      %mul3A_1648 = arith.mulf %bitcast3A_1639, %sub3A_1647 : vector<16xf32>
      %mul3A_1649 = arith.mulf %mul3A_1642, %mul3A_1648 : vector<16xf32>
      %mul3A_1650 = arith.mulf %mul3A_1649, %mul3A_1648 : vector<16xf32>
      %sub3A_1651 = arith.constant 1.500000e+00 : f32
      %sub3A_1652 = vector.broadcast %sub3A_1651 : f32 to vector<16xf32>
      %sub3A_1653 = arith.subf %sub3A_1652, %mul3A_1650 : vector<16xf32>
      %mul3A_1654 = arith.mulf %mul3A_1648, %sub3A_1653 : vector<16xf32>
      %mul3A_1655 = arith.mulf %mul3A_1642, %mul3A_1654 : vector<16xf32>
      %mul3A_1656 = arith.mulf %mul3A_1655, %mul3A_1654 : vector<16xf32>
      %sub3A_1657 = arith.constant 1.500000e+00 : f32
      %sub3A_1658 = vector.broadcast %sub3A_1657 : f32 to vector<16xf32>
      %sub3A_1659 = arith.subf %sub3A_1658, %mul3A_1656 : vector<16xf32>
      %mul3A_1660 = arith.mulf %mul3A_1654, %sub3A_1659 : vector<16xf32>
      %min3A = arith.constant 9.99999995E+11 : f32
      %min3A_1661 = vector.broadcast %min3A : f32 to vector<16xf32>
      %min3A_1662 = arith.minimumf %mul3A_1660, %min3A_1661 : vector<16xf32>
      %mul3A_1663 = arith.mulf %sub3A_1628, %min3A_1662 : vector<16xf32>
      tpu.vector_store_idx %arg10[%broadcast_in_dim3A_1619, %iota3A], %mul3A_1663 : memref<1024x16xf32, #tpu.memory_space<vmem>>[vector<16xi32>, vector<16xi32>], vector<16xf32>,
    }
    %eq3A_1613 = arith.constant 0 : i32
    %eq3A_1614 = arith.cmpi eq, %arg0, %eq3A_1613 : i32
    %convert_element_type3A_1615 = arith.extui %eq3A_1614 : i1 to i32
    %cond3A_1616 = arith.constant 0 : i32
    %cond3A_1617 = arith.cmpi ne, %convert_element_type3A_1615, %cond3A_1616 : i32
    scf.if %cond3A_1617 {
      "tpu.region"() ({
        %run_scoped3A_1618 = tpu.sem_alloc : memref<!tpu.dma_semaphore, #tpu.memory_space<semaphore_mem>>
        %dma_start3A_1619 = arith.constant 0 : i32
        %dma_start3A_1620 = tpu.memref_slice %arg5[%mul3A_0, %dma_start3A_1619] : memref<16384x16xf32, #tpu.memory_space<hbm>> -> memref<1024x16xf32, #tpu.memory_space<hbm>>
        %dma_start3A_1621 = arith.constant 0 : i32
        %dma_start3A_1622 = tpu.memref_slice %arg5[%mul3A_0, %dma_start3A_1621] : memref<16384x16xf32, #tpu.memory_space<hbm>> -> memref<1024x16xf32, #tpu.memory_space<hbm>>
        tpu.enqueue_dma source(%arg10 : memref<1024x16xf32, #tpu.memory_space<vmem>>) target(%dma_start3A_1622 : memref<1024x16xf32, #tpu.memory_space<hbm>>) target_semaphore(%run_scoped3A_1618 : memref<!tpu.dma_semaphore, #tpu.memory_space<semaphore_mem>>)
        %dma_wait3A_1623 = arith.constant 0 : i32
        %dma_wait3A_1624 = tpu.memref_slice %arg5[%mul3A_0, %dma_wait3A_1623] : memref<16384x16xf32, #tpu.memory_space<hbm>> -> memref<1024x16xf32, #tpu.memory_space<hbm>>
        %dma_wait3A_1625 = arith.constant 0 : i32
        %dma_wait3A_1626 = tpu.memref_slice %arg5[%mul3A_0, %dma_wait3A_1625] : memref<16384x16xf32, #tpu.memory_space<hbm>> -> memref<1024x16xf32, #tpu.memory_space<hbm>>
        tpu.wait_dma2 semaphore(%run_scoped3A_1618 : memref<!tpu.dma_semaphore, #tpu.memory_space<semaphore_mem>>) src(%arg10 : memref<1024x16xf32, #tpu.memory_space<vmem>>) dst(%dma_wait3A_1626 : memref<1024x16xf32, #tpu.memory_space<hbm>>)
        tpu.yield
      }) : () -> ()
    } else {
    }
    return
  }
}

module attributes {stable_mosaic.version = 14 : i64} {
  func.func @_copy_body(%arg0: i32, %arg1: memref<8000x32xf32, #tpu.memory_space<vmem>>, %arg2: memref<8000x16xf32, #tpu.memory_space<vmem>>) attributes {dimension_semantics = [#tpu.dimension_semantics<arbitrary>], iteration_bounds = array<i64: 125>, scalar_prefetch = 0 : i64, scratch_operands = 0 : i64, tpu.core_type = #tpu.core_type<tc>, window_params = [{transform_indices = @transform_0, window_bounds = array<i64: 8000, 32>}, {transform_indices = @transform_1, window_bounds = array<i64: 8000, 16>}]} {
    %iota3A = tpu.iota {dimensions = array<i32: 0>} : vector<32x16xi32>
    %iota3A_0 = tpu.iota {dimensions = array<i32: 1>} : vector<32x16xi32>
    %mul3A = arith.constant 2 : i32
    %mul3A_1 = vector.broadcast %mul3A : i32 to vector<32x16xi32>
    %mul3A_2 = arith.muli %mul3A_1, %iota3A_0 : vector<32x16xi32>
    %add3A = arith.constant 1 : i32
    %add3A_3 = vector.broadcast %add3A : i32 to vector<32x16xi32>
    %add3A_4 = arith.addi %mul3A_2, %add3A_3 : vector<32x16xi32>
    %eq3A = arith.cmpi eq, %iota3A, %add3A_4 : vector<32x16xi32>
    %convert_element_type3A = arith.extui %eq3A : vector<32x16xi1> to vector<32x16xi32>
    %convert_element_type3A_5 = arith.sitofp %convert_element_type3A : vector<32x16xi32> to vector<32x16xf32>
    %get3A = arith.constant 0 : index
    %get3A_6 = arith.constant 0 : index
    %get3A_7 = vector.load %arg1[%get3A, %get3A_6] : memref<8000x32xf32, #tpu.memory_space<vmem>>, vector<8000x32xf32>
    %dot_general3A = arith.constant dense<0.000000e+00> : vector<8000x16xf32>
    %dot_general3A_8 = tpu.matmul %get3A_7, %convert_element_type3A_5, %dot_general3A {dimension_numbers = #tpu.dot_dimension_numbers<[1], [0], [0], [1], [0, 0, 1, 1], [], []>, transpose_lhs_hint = false} : vector<8000x32xf32>, vector<32x16xf32>, vector<8000x16xf32> -> vector<8000x16xf32>
    %swap3A = arith.constant 0 : index
    %swap3A_9 = arith.constant 0 : index
    %swap3A_10 = vector.load %arg2[%swap3A, %swap3A_9] : memref<8000x16xf32, #tpu.memory_space<vmem>>, vector<8000x16xf32>
    tpu.vector_store %arg2[%swap3A, %swap3A_9], %dot_general3A_8 {strides = array<i32>} : memref<8000x16xf32, #tpu.memory_space<vmem>>, vector<8000x16xf32>,
    return
  }
  func.func @transform_0(%arg0: i32) -> (i32, i32) {
    %c0_i32 = arith.constant 0 : i32
    %c0_i32_0 = arith.constant 0 : i32
    return %arg0, %c0_i32 : i32, i32
  }
  func.func @transform_1(%arg0: i32) -> (i32, i32) {
    %c0_i32 = arith.constant 0 : i32
    %c0_i32_0 = arith.constant 0 : i32
    return %arg0, %c0_i32 : i32, i32
  }
}

</mosaic_0001>

<sc_bundles>
// kernel: kernel.5.cloned.1.call-start
scs
__scs_entry_jumppad:
0x0: {  	(pc) =	sbr.rel $0x88, $3  }
0x1: {  	(tag) =	ssettag $0x0;
	lr =	simm.s32 $0x1  }
0x2: {  	[smem:$0x3F9E] =	sst lr;
	_ =	strace $0xD0000000  }
0x3: {  	_ = 	snop  }
0x4: {  	_ = 	snop  }
0x5: {  	_ = 	snop  }
0x6: {  	_ = 	snop  }
0x7: {  	_ = 	snop  }
__scs_overlays_trampoline_lowered:
0x8: {  	[smem:$0x3FAD] =	sst s0  }
0x9: {  	[smem:$0x3FAE] =	sst s1  }
0xa: {  	[smem:$0x3FAF] =	sst s2  }
0xb: {  	[smem:$0x3FB0] =	sst s3  }
0xc: {  	[smem:$0x3FB1] =	sst s4  }
0xd: {  	[smem:$0x3FB2] =	sst s5  }
0xe: {  	[smem:$0x3FB3] =	sst s6  }
0xf: {  	[smem:$0x3FB4] =	sst s7  }
0x10: {  	[smem:$0x3FB5] =	sst s8  }
0x11: {  	[smem:$0x3FB6] =	sst s9;
	s0 =	simm.s32 @!p0 $0x0  }
0x12: {  	s1 =	sld [smem:$0x3F9C];
	s0 =	simm.s32 @p0 $0x1  }
0x13: {  	[smem:$0x3FB7] =	sst s0;
	s0 =	simm.s32 @!p1 $0x0  }
0x14: {  	s2 =	sld [smem:$0x3F9B];
	s0 =	simm.s32 @p1 $0x1  }
0x15: {  	[smem:$0x3FB8] =	sst s0;
	s0 =	simm.s32 @!p2 $0x0  }
0x16: {  	s3 =	sld [smem:$0x3FDB];
	s0 =	simm.s32 @p2 $0x1  }
0x17: {  	s4 =	simm.s32 $0x1BF5;
	[smem:$0x3FBA] =	sst s0  }
0x18: {  	s0 =	sld [smem:$0x3F9D];
	_ =	swait.ge [sflag:s4], $0x0  }
0x19: {  	s7 =	sld [smem:$0x3F9E]  }
0x1a: {  	s8 =	sadd.s32 $0xFFFFE003, lr  }
0x1b: {  	s9 =	sadd.s32 $0xFFFFFEF7, lr;
	s5 =	simm.s32 $0xFFFFFFFF;
	p2 =	slt.u32 s8, $0xFFFFF086  }
0x1c: {  	p1 =	slt.u32 s9, $0xF7A;
	s5 =	simm.s32 @!p2 $0x0  }
0x1d: {  	s5 =	simm.s32 @p1 $0x1;
	p0 =	seq.s32 s7, s2  }
0x1e: {  	s7 =	smul.u32 @!p0 $0xF7A, s2;
	p2 =	seq.s32 @!p0 s5, $0x0  }
0x1f: {  	s9 =	smul.u32 $0xF7A, s1;
	s8 =	simm.s32 @!p0 $0x1BF5;
	p2 =	por !p2, p0  }
0x20: {  	[sflag:s8] =	ssyncset.s32 @!p0 $0xFFFFF086;
	s6 =	sadd.s32 @!p0 s3, s7;
	s7 =	simm.s32 @!p0 $0x108  }
0x21: {  	s3 =	sadd.s32 s3, s9;
	s6 =	sadd.s32 @!p0 $0x88, s6;
	s7 =	simm.s32 @p2 $0x1082  }
0x22: {  	[simem:s7], [sflag:s8] =	dma.local @!p0 [hbm:s6], $0xF7A  }
0x23: {  	s9 =	sor.u32 $0xD0000000, s2;
	s6 =	simm.s32 $0x108;
	_ =	swait.ge @!p0 [sflag:s8], $0x0  }
0x24: {  	s3 =	sadd.s32 $0x88, s3;
	s6 =	simm.s32 @!p1 $0x1082;
	[sflag:s4] =	ssyncset.s32 $0xFFFFF086  }
0x25: {  	[simem:s6], [sflag:s4] =	dma.local [hbm:s3], $0xF7A  }
0x26: {  	[smem:$0x3F9E] =	sst s1;
	(tag) =	ssettag s2;
	_ =	strace s9  }
0x27: {  	s1 =	sld [smem:$0x3FAE]  }
0x28: {  	s2 =	sld [smem:$0x3FAF]  }
0x29: {  	s4 =	sld [smem:$0x3FB1]  }
0x2a: {  	p0 =	seq.s32 s5, $0x0;
	s5 =	sld [smem:$0x3FB2]  }
0x2b: {  	s6 =	sld [smem:$0x3FB3]  }
0x2c: {  	s7 =	sld [smem:$0x3FB4]  }
0x2d: {  	s3 =	simm.s32 $0x108;
	s8 =	sld [smem:$0x3FB5]  }
0x2e: {  	s3 =	simm.s32 @!p0 $0x1082;
	s9 =	sld [smem:$0x3FB6]  }
0x2f: {  	lr =	sadd.s32 s0, s3;
	s0 =	sld [smem:$0x3FAD]  }
0x30: {  	s3 =	sld [smem:$0x3FB0]  }
0x31: {  	[smem:$0x3FB9] =	sst s10  }
0x32: {  	s10 =	sld [smem:$0x3FB7];
	_ =	sdelay $0x3  }
0x33: {  	p0 =	seq.s32 s10, $0x1;
	s10 =	sld [smem:$0x3FB9];
	_ =	sdelay $0x3  }
0x34: {  	[smem:$0x3FB9] =	sst s10  }
0x35: {  	s10 =	sld [smem:$0x3FB8];
	_ =	sdelay $0x3  }
0x36: {  	p1 =	seq.s32 s10, $0x1;
	s10 =	sld [smem:$0x3FB9];
	_ =	sdelay $0x3  }
0x37: {  	[smem:$0x3FB9] =	sst s10  }
0x38: {  	s10 =	sld [smem:$0x3FBA]  }
0x39: {  	_ = 	snop;
	(pc) =	sbr.ind lr, $3  }
0x3a: {  	_ = 	snop  }
0x3b: {  	_ = 	snop  }
0x3c: {  	p2 =	seq.s32 s10, $0x1;
	s10 =	sld [smem:$0x3FB9]  }
0x3d: {  	_ =	shalt  }
0x3e: {  	_ =	shalt  }
0x3f: {  	_ =	shalt  }
0x40: {  	_ =	shalt  }
0x41: {  	_ =	shalt  }
0x42: {  	_ =	shalt  }
0x43: {  	_ =	shalt  }
0x44: {  	_ =	shalt  }
0x45: {  	_ =	shalt  }
0x46: {  	_ =	shalt  }
0x47: {  	_ =	shalt  }
0x48: {  	_ =	shalt  }
0x49: {  	_ =	shalt  }
0x4a: {  	_ =	shalt  }
0x4b: {  	_ =	shalt  }
0x4c: {  	_ =	shalt  }
0x4d: {  	_ =	shalt  }
0x4e: {  	_ =	shalt  }
0x4f: {  	_ =	shalt  }
0x50: {  	_ =	shalt  }
0x51: {  	_ =	shalt  }
0x52: {  	_ =	shalt  }
0x53: {  	_ =	shalt  }
0x54: {  	_ =	shalt  }
0x55: {  	_ =	shalt  }
0x56: {  	_ =	shalt  }
0x57: {  	_ =	shalt  }
0x58: {  	_ =	shalt  }
0x59: {  	_ =	shalt  }
0x5a: {  	_ =	shalt  }
0x5b: {  	_ =	shalt  }
0x5c: {  	_ =	shalt  }
0x5d: {  	_ =	shalt  }
0x5e: {  	_ =	shalt  }
0x5f: {  	_ =	shalt  }
0x60: {  	_ =	shalt  }
0x61: {  	_ =	shalt  }
0x62: {  	_ =	shalt  }
0x63: {  	_ =	shalt  }
0x64: {  	_ =	shalt  }
0x65: {  	_ =	shalt  }
0x66: {  	_ =	shalt  }
0x67: {  	_ =	shalt  }
0x68: {  	_ =	shalt  }
0x69: {  	_ =	shalt  }
0x6a: {  	_ =	shalt  }
0x6b: {  	_ =	shalt  }
0x6c: {  	_ =	shalt  }
0x6d: {  	_ =	shalt  }
0x6e: {  	_ =	shalt  }
0x6f: {  	_ =	shalt  }
0x70: {  	_ =	shalt  }
0x71: {  	_ =	shalt  }
0x72: {  	_ =	shalt  }
0x73: {  	_ =	shalt  }
0x74: {  	_ =	shalt  }
0x75: {  	_ =	shalt  }
0x76: {  	_ =	shalt  }
0x77: {  	_ =	shalt  }
0x78: {  	_ =	shalt  }
0x79: {  	_ =	shalt  }
0x7a: {  	_ =	shalt  }
0x7b: {  	_ =	shalt  }
0x7c: {  	_ =	shalt  }
0x7d: {  	_ =	shalt  }
0x7e: {  	_ =	shalt  }
0x7f: {  	_ =	shalt  }
0x80: {  	_ =	shalt  }
0x81: {  	_ =	shalt  }
0x82: {  	_ =	shalt  }
0x83: {  	_ =	shalt  }
0x84: {  	_ =	shalt  }
0x85: {  	_ =	shalt  }
0x86: {  	_ =	shalt  }
0x87: {  	_ =	shalt  }
.Lfunc_end0:
.L_simem_size_0:
called_computation.2_lowered:
.L_overlay_start_0:
0x88: {  	s2 =	sld [smem:$0x3FD9]  }
0x89: {  	s3 =	sld [smem:$0x3FFE];
	_ =	sdelay $0x1  }
0x8a: {  	s1 =	srdreg.scid  }
0x8b: {  	s0 =	sand.u32 $0x1, s1  }
0x8c: {  	s14 =	sshll.u32 s0, $0xA;
	s2 =	sadd.s32 s3, s2  }
0x8d: {  	s2 =	sadd.s32 s2, s14  }
0x8e: {  	[smem:$0x3FC5] =	sst s2  }
0x8f: {  	_ = 	snop  }
0x90: {  	s2 =	sld [smem:$0x3FD0];
	_ =	sdelay $0x2  }
0x91: {  	s15 =	simm.s32 $0xB;
	s4 =	simm.s32 $0x10  }
0x92: {  	[smem:s4], [sflag:s15] =	dma.local [hbm:s2], $0x1  }
0x93: {  	_ =	swait.eq [sflag:s15], $0x1  }
0x94: {  	[sflag:s15] =	ssyncset.done $0x0  }
0x95: {  	[sflag:s15] =	ssyncadd.s32 $0xFFFFFFFF  }
0x96: {  	s16 =	sld [smem:$0x11];
	(tm) =	ssettm $0x1  }
0x97: {  	s17 =	sld [smem:$0x3FFB];
	_ =	sdelay $0x3  }
0x98: {  	_ =	strace s17  }
0x99: {  	s3 =	sld [smem:$0x3FFC];
	_ =	sdelay $0x3  }
0x9a: {  	_ =	strace s3  }
0x9b: {  	s3 =	sld [smem:$0x3FFD];
	_ =	sdelay $0x3  }
0x9c: {  	_ =	strace s3  }
0x9d: {  	_ =	strace $0x8FFFFFFF  }
0x9e: {  	s18 =	sld [smem:$0x3FDB];
	_ =	sdelay $0x1  }
0x9f: {  	s19 =	simm.s32 $_scs_section_size  }
0xa0: {  	s5 =	simm.s32 $_size__tile_overlayer_lowered;
	s6 =	simm.s32 $_tile_overlayer_lowered  }
0xa1: {  	s22 =	simm.s32 $0x1BFF;
	s21 =	sshll.u32 s6, $0x1;
	s3 =	sadd.s32 s19, s18  }
0xa2: {  	s7 =	simm.s32 $0x0;
	s20 =	sshll.u32 s5, $0x1;
	s5 =	sadd.s32 s21, s3  }
0xa3: {  	[timem:s7], [sflag:s22] =	dma.local [hbm:s5], s20  }
0xa4: {  	_ =	swait.ge [sflag:s22], s20  }
0xa5: {  	s4 =	ssub.s32 $0x0, s20;
	[sflag:s22] =	ssyncset.done $0x0  }
0xa6: {  	[sflag:s22] =	ssyncadd.s32 s4;
	_ =	sdelay $0x1  }
0xa7: {  	s23 =	simm.s32 $0x1B8B  }
0xa8: {  	_ =	swait.ge [sflag:s23], $0x1  }
0xa9: {  	[sflag:s23] =	ssyncset.done $0x0  }
0xaa: {  	s25 =	simm.s32 $0x1B8E;
	s24 =	sld [smem:$0x3FFE];
	[sflag:s23] =	ssyncadd.s32 $0xFFFFFFFF  }
0xab: {  	s26 =	simm.s32 $execute0_lowered;
	[smem:$0x3FD2] =	sst s25  }
0xac: {  	s5 =	sshll.u32 s26, $0x1;
	_ =	strace $0x8000004C;
	[dreg:$0x1] =	wrdreg $0xFFFFFFFF  }
0xad: {  	s28 =	simm.s32 $_size_execute0_lowered;
	s3 =	sadd.s32 s3, s5;
	[dreg:$0x0] =	wrdreg $0x0  }
0xae: {  	s5 =	sshll.u32 s28, $0x1;
	[dreg:$0x2] =	wrdreg s3  }
0xaf: {  	[dreg:$0x3] =	wrdreg s5  }
0xb0: {  	[dreg:$0x4] =	wrdreg $0xC0  }
0xb1: {  	_ =	task [dreg:s7], $0x5FFFF  }
0xb2: {  	[dreg:$0x1] =	wrdreg $0xFFFFFFFF  }
0xb3: {  	[dreg:$0x0] =	wrdreg $0x60  }
0xb4: {  	[dreg:$0x2] =	wrdreg s16  }
0xb5: {  	[dreg:$0x3] =	wrdreg s24  }
0xb6: {  	[dreg:$0x4] =	wrdreg $0x158100  }
0xb7: {  	[dreg:$0x5] =	wrdreg $0x9  }
0xb8: {  	_ =	task.clear_ibuf [dreg:s7], $0x6FFFF;
	_ =	strace $0x9000004C  }
0xb9: {  	s29 =	simm.s32 $0x9;
	_ =	strace $0x8000004E  }
0xba: {  	_ =	swait.ge [sflag:s29], $0x1  }
0xbb: {  	[sflag:s29] =	ssyncadd.s32 $0xFFFFFFFF  }
0xbc: {  	_ =	strace $0x9000004E  }
0xbd: {  	_ =	sfence  }
0xbe: {  	s30 =	sld [smem:$0x0];
	_ =	sdelay $0x2  }
0xbf: {  	s31 =	sshll.u32 s1, $0xD;
	s1 =	sshrl.u32 s1, $0x2  }
0xc0: {  	s3 =	sand.u32 $0x4000, s31;
	s1 =	sadd.s32 s1, s30  }
0xc1: {  	s0 =	sor.u32 s3, s0;
	s1 =	sshll.u32 s1, $0x11  }
0xc2: {  	s0 =	sor.u32 s1, s0  }
0xc3: {  	s0 =	sadd.s32 $0x8F2B, s0  }
0xc4: {  	[sflag:s0] =	ssyncadd.remote.s32 $0x1  }
0xc5: {  	_ =	sfence.sel $0xFFFF  }
0xc6: {  	[dreg:$0x0] =	wrdreg $0xFFFFFFFF;
	(pc) =	sbr.abs _section_cstart, $3  }
0xc7: {  	[dreg:$0x1] =	wrdreg $0xFFFFFFFF  }
0xc8: {  	_ =	task.clear_ibuf [dreg:s7], $0x2FFFF;
	_ =	strace $0x9FFFFFFF  }
0xc9: {  	(tm) =	ssettm $0x7FFFFFFF  }
tec
execute0_lowered:
.L_overlay_start_1:
0x0: {  	(tag) =	ssettag $0x1  }
0x1: {  	s1 =	rddreg [dreg:$0x0]  }
0x2: {  	s0 =	rddreg [dreg:$0x1]  }
0x3: {  	s3 =	rddreg [dreg:$0x2];
	s4 =	simm.s32 $0x0;
	s9 =	stileid.u32  }
0x4: {  	s2 =	srdreg.scid;
	[smem:$0x7FF] =	sst s4;
	s5 =	sshll.u32 s9, $0x7  }
0x5: {  	s2 =	sand.u32 $0x1, s2;
	s6 =	sshll.u32 s9, $0xB;
	s10 =	sshll.u32 s9, $0x1  }
0x6: {  	s12 =	sshll.u32 s9, $0xF;
	_ =	strace $0x8000004D;
	s5 =	sadd.s32 s5, s0  }
0x7: {  	s7 =	smul.u32 $0x1E8480, s2;
	s6 =	sadd.s32 s6, s0;
	s8 =	ssub.s32 $0x2, s2  }
0x8: {  	p0 =	sne.s32 s2, $0x0;
	[dreg:$0x1a] =	wrdreg s6;
	s6 =	sadd.s32 s10, s0  }
0x9: {  	s11 =	sshrl.u32 s8, $0x1;
	s5 =	sadd.s32 $0x2626E00, s5;
	[dreg:$0x1d] =	wrdreg s6  }
0xa: {  	s0 =	sadd.s32 s7, s0;
	s6 =	ssub.s32 s8, s11;
	[dreg:$0x4] =	wrdreg s5  }
0xb: {  	s5 =	sadd.s32 s12, s3;
	[dreg:$0x1c] =	wrdreg s6;
	s6 =	sshll.u32 s9, $0xA  }
0xc: {  	[dreg:$0x5] =	wrdreg s5;
	s11 =	sor.u32 $0x40, s6;
	s20 =	sor.u32 $0x80, s6  }
0xd: {  	s19 =	sor.u32 $0xC0, s6;
	s23 =	sor.u32 $0x100, s6;
	s17 =	sor.u32 $0x140, s6  }
0xe: {  	s22 =	sor.u32 $0x180, s6;
	s24 =	sor.u32 $0x1C0, s6;
	[smem:$0x7EC] =	sst s17  }
0xf: {  	s25 =	sor.u32 $0x200, s6;
	s8 =	sor.u32 $0x240, s6;
	[smem:$0x7ED] =	sst s22  }
0x10: {  	s9 =	sor.u32 $0x280, s6;
	s10 =	sor.u32 $0x2C0, s6;
	[smem:$0x7EF] =	sst s24  }
0x11: {  	s31 =	sor.u32 $0x1D0, s6;
	s13 =	sshll.u32 s11, $0x5;
	[smem:$0x7F2] =	sst s25  }
0x12: {  	s14 =	sshll.u32 s20, $0x5;
	s16 =	sshll.u32 s19, $0x5;
	[smem:$0x7F4] =	sst s8  }
0x13: {  	s18 =	sshll.u32 s23, $0x5;
	s7 =	sshll.u32 s17, $0x5;
	[smem:$0x7F6] =	sst s9  }
0x14: {  	s26 =	sshll.u32 s22, $0x5;
	[dreg:$0x1e] =	wrdreg s10;
	s17 =	sor.u32 $0x340, s6  }
0x15: {  	[smem:$0x7F0] =	sst s31;
	s5 =	sadd.s32 s13, s3;
	s15 =	sadd.s32 s14, s3  }
0x16: {  	s21 =	sadd.s32 s7, s3;
	s7 =	sshll.u32 s25, $0x5;
	[dreg:$0x6] =	wrdreg s5  }
0x17: {  	s5 =	sadd.s32 s16, s3;
	[dreg:$0xa] =	wrdreg s21;
	s7 =	sadd.s32 s7, s3  }
0x18: {  	s16 =	sor.u32 $0x300, s6;
	[dreg:$0x8] =	wrdreg s5;
	s5 =	sadd.s32 s18, s3  }
0x19: {  	[dreg:$0xd] =	wrdreg s7;
	s7 =	sshll.u32 s9, $0x5;
	s18 =	sor.u32 $0x380, s6  }
0x1a: {  	[dreg:$0x9] =	wrdreg s5;
	s5 =	sshll.u32 s24, $0x5;
	s21 =	sshll.u32 s18, $0x5  }
0x1b: {  	s14 =	sadd.s32 s7, s3;
	s5 =	sadd.s32 s5, s3;
	s25 =	sadd.s32 s21, s3  }
0x1c: {  	s21 =	sadd.s32 $0x1200, s0;
	[dreg:$0xc] =	wrdreg s5;
	s5 =	sshll.u32 s8, $0x5  }
0x1d: {  	v0 =	vlaneseq.u32;
	s0 =	sor.u32 $0x10, s6;
	s13 =	sadd.s32 s5, s3;
	s5 =	sshll.u32 s16, $0x5  }
0x1e: {  	s7 =	sshll.u32 s17, $0x5;
	v1 =	vor.u32 s0, v0;
	s22 =	sadd.s32 s5, s3;
	s5 =	sor.u32 $0x20, s6  }
0x1f: {  	[dreg:$0x1b] =	wrdreg s17;
	s24 =	sadd.s32 s7, s3;
	s7 =	sor.u32 $0x30, s6;
	[tilespmem:$0x1FC00] =	vst v1;
	v1 =	vor.u32 s5, v0  }
0x20: {  	s12 =	sshll.u32 s10, $0x5;
	s2 =	sadd.s32 s26, s3;
	[dreg:$0x7] =	wrdreg s15;
	[tilespmem:$0x1FC10] =	vst v1;
	v1 =	vor.u32 s7, v0  }
0x21: {  	s26 =	sor.u32 $0x3C0, s6;
	[dreg:$0xb] =	wrdreg s2;
	s8 =	sor.u32 $0x50, s6;
	[tilespmem:$0x1FC20] =	vst v1;
	v1 =	vor.u32 s11, v0  }
0x22: {  	s15 =	sadd.s32 s12, s3;
	[smem:$0x7EE] =	sst s26;
	s9 =	sor.u32 $0x60, s6;
	[tilespmem:$0x1FC30] =	vst v1;
	v1 =	vor.u32 s8, v0  }
0x23: {  	s12 =	sor.u32 $0x70, s6;
	[dreg:$0x10] =	wrdreg s15;
	[tilespmem:$0x1FC40] =	vst v1;
	v1 =	vor.u32 s9, v0  }
0x24: {  	[dreg:$0x1f] =	wrdreg s16;
	[tilespmem:$0x1FC50] =	vst v1;
	v1 =	vor.u32 s12, v0  }
0x25: {  	[dreg:$0xe] =	wrdreg s13;
	s13 =	sor.u32 $0x90, s6;
	[tilespmem:$0x1FC60] =	vst v1;
	v1 =	vor.u32 s20, v0  }
0x26: {  	[dreg:$0xf] =	wrdreg s14;
	s14 =	sor.u32 $0xA0, s6;
	[tilespmem:$0x1FC70] =	vst v1;
	v1 =	vor.u32 s13, v0  }
0x27: {  	s15 =	sor.u32 $0xB0, s6;
	[dreg:$0x19] =	wrdreg s18;
	[tilespmem:$0x1FC80] =	vst v1;
	v1 =	vor.u32 s14, v0  }
0x28: {  	[dreg:$0x12] =	wrdreg s24;
	[tilespmem:$0x1FC90] =	vst v1;
	v1 =	vor.u32 s15, v0  }
0x29: {  	[dreg:$0x11] =	wrdreg s22;
	s22 =	sor.u32 $0xD0, s6;
	[tilespmem:$0x1FCA0] =	vst v1;
	v1 =	vor.u32 s19, v0  }
0x2a: {  	[dreg:$0x13] =	wrdreg s25;
	s24 =	sor.u32 $0xE0, s6;
	s0 =	sor.u32 $0x1F0, s6;
	[tilespmem:$0x1FCB0] =	vst v1;
	v1 =	vor.u32 s22, v0  }
0x2b: {  	s25 =	sor.u32 $0xF0, s6;
	[smem:$0x7F1] =	sst s0;
	s0 =	sor.u32 $0x210, s6;
	[tilespmem:$0x1FCC0] =	vst v1;
	v1 =	vor.u32 s24, v0  }
0x2c: {  	[smem:$0x7F3] =	sst s0;
	s0 =	sor.u32 $0x250, s6;
	[tilespmem:$0x1FCD0] =	vst v1;
	v1 =	vor.u32 s25, v0  }
0x2d: {  	s2 =	sor.u32 $0x110, s6;
	[smem:$0x7F5] =	sst s0;
	s0 =	sor.u32 $0x390, s6;
	[tilespmem:$0x1FCE0] =	vst v1;
	v1 =	vor.u32 s23, v0  }
0x2e: {  	s10 =	sor.u32 $0x120, s6;
	[smem:$0x7F8] =	sst s0;
	[tilespmem:$0x1FCF0] =	vst v1;
	v1 =	vor.u32 s2, v0  }
0x2f: {  	s0 =	sor.u32 $0x3E0, s6;
	[tilespmem:$0x1FD00] =	vst v1;
	v1 =	vor.u32 s10, v0;
	s10 =	sld [smem:$0x7EC]  }
0x30: {  	s16 =	sor.u32 $0x130, s6;
	[smem:$0x7FC] =	sst s0  }
0x31: {  	s0 =	sld [smem:$0x7EF];
	[tilespmem:$0x1FD10] =	vst v1;
	v1 =	vor.u32 s16, v0;
	s16 =	sor.u32 $0x3A0, s6  }
0x32: {  	s17 =	sor.u32 $0x150, s6;
	[tilespmem:$0x1FD20] =	vst v1;
	[smem:$0x7F9] =	sst s16;
	v1 =	vor.u32 s10, v0  }
0x33: {  	s18 =	sor.u32 $0x160, s6;
	s16 =	sld [smem:$0x7EE];
	[tilespmem:$0x1FD30] =	vst v1;
	v1 =	vor.u32 s17, v0;
	s17 =	sor.u32 $0x3B0, s6  }
0x34: {  	s26 =	sor.u32 $0x170, s6;
	[tilespmem:$0x1FD40] =	vst v1;
	v1 =	vor.u32 s18, v0;
	[smem:$0x7FA] =	sst s17  }
0x35: {  	s30 =	sor.u32 $0x190, s6;
	s28 =	sor.u32 $0x1A0, s6;
	[tilespmem:$0x1FD50] =	vst v1;
	v1 =	vor.u32 s26, v0;
	s26 =	sld [smem:$0x7ED]  }
0x36: {  	s29 =	sor.u32 $0x1B0, s6;
	s18 =	sor.u32 $0x3D0, s6;
	s17 =	rddreg [dreg:$0x1d]  }
0x37: {  	s31 =	sor.u32 $0x1E0, s6;
	s10 =	sshll.u32 s16, $0x5;
	[smem:$0x7FB] =	sst s18  }
0x38: {  	s5 =	sor.u32 $0x220, s6;
	s2 =	sadd.s32 s10, s3;
	s18 =	rddreg [dreg:$0x1a];
	[tilespmem:$0x1FD60] =	vst v1;
	v1 =	vor.u32 s26, v0  }
0x39: {  	s7 =	sor.u32 $0x230, s6;
	[dreg:$0x14] =	wrdreg s2;
	s2 =	sadd.s32 $0x3D1C00, s17;
	[tilespmem:$0x1FD70] =	vst v1;
	v1 =	vor.u32 s6, v0  }
0x3a: {  	s11 =	sor.u32 $0x2A0, s6;
	s8 =	sor.u32 $0x270, s6;
	[dreg:$0x15] =	wrdreg s2;
	[tilespmem:$0x1FD80] =	vst v1;
	v1 =	vor.u32 s30, v0  }
0x3b: {  	s9 =	sor.u32 $0x260, s6;
	s10 =	sadd.s32 $0x3D1E00, s18;
	s2 =	sld [smem:$0x7F0];
	[tilespmem:$0x1FD90] =	vst v1;
	v1 =	vor.u32 s28, v0  }
0x3c: {  	s12 =	sor.u32 $0x290, s6;
	s26 =	sadd.s32 $0x2627600, s18;
	s18 =	sld [smem:$0x7F1];
	[tilespmem:$0x1FDA0] =	vst v1;
	v1 =	vor.u32 s29, v0  }
0x3d: {  	s20 =	sor.u32 $0x330, s6;
	s13 =	sor.u32 $0x2B0, s6;
	[dreg:$0x16] =	wrdreg s26;
	[tilespmem:$0x1FDB0] =	vst v1;
	v1 =	vor.u32 s0, v0  }
0x3e: {  	s14 =	sor.u32 $0x2D0, s6;
	s15 =	sor.u32 $0x2E0, s6;
	s26 =	sld [smem:$0x7F2];
	[tilespmem:$0x1FDC0] =	vst v1;
	v1 =	vor.u32 s2, v0  }
0x3f: {  	s19 =	sor.u32 $0x2F0, s6;
	s22 =	sor.u32 $0x310, s6;
	s2 =	sld [smem:$0x7F3];
	[tilespmem:$0x1FDD0] =	vst v1;
	v1 =	vor.u32 s31, v0  }
0x40: {  	[smem:$0x7F7] =	sst s22;
	s22 =	sor.u32 $0x360, s6;
	s24 =	sor.u32 $0x370, s6;
	[tilespmem:$0x1FDE0] =	vst v1;
	v1 =	vor.u32 s18, v0  }
0x41: {  	s25 =	sor.u32 $0x350, s6;
	s23 =	sor.u32 $0x320, s6;
	s6 =	sor.u32 $0x3F0, s6;
	[tilespmem:$0x1FDF0] =	vst v1;
	v1 =	vor.u32 s26, v0  }
0x42: {  	[smem:$0x7FD] =	sst s6;
	[tilespmem:$0x1FE00] =	vst v1;
	v1 =	vor.u32 s2, v0  }
0x43: {  	s6 =	sld [smem:$0x7F4];
	[tilespmem:$0x1FE10] =	vst v1;
	v1 =	vor.u32 s5, v0  }
0x44: {  	[tilespmem:$0x1FE20] =	vst v1;
	v1 =	vor.u32 s7, v0;
	s7 =	sld [smem:$0x7F5];
	_ =	sdelay $0x1  }
0x45: {  	[dreg:$0x17] =	wrdreg s10;
	[tilespmem:$0x1FE30] =	vst v1;
	v1 =	vor.u32 s6, v0  }
0x46: {  	s10 =	sld [smem:$0x7F6];
	[tilespmem:$0x1FE40] =	vst v1;
	v1 =	vor.u32 s7, v0  }
0x47: {  	[tilespmem:$0x1FE50] =	vst v1;
	v1 =	vor.u32 s9, v0  }
0x48: {  	[tilespmem:$0x1FE60] =	vst v1;
	v1 =	vor.u32 s8, v0  }
0x49: {  	[tilespmem:$0x1FE70] =	vst v1;
	v1 =	vor.u32 s10, v0  }
0x4a: {  	[tilespmem:$0x1FE80] =	vst v1;
	v1 =	vor.u32 s12, v0  }
0x4b: {  	s17 =	rddreg [dreg:$0x1c];
	[tilespmem:$0x1FE90] =	vst v1;
	v1 =	vor.u32 s11, v0  }
0x4c: {  	s0 =	smax.u32 s17, $0x1;
	s17 =	rddreg [dreg:$0x1e];
	[tilespmem:$0x1FEA0] =	vst v1;
	v1 =	vor.u32 s13, v0  }
0x4d: {  	[tilespmem:$0x1FEB0] =	vst v1;
	v1 =	vor.u32 s17, v0  }
0x4e: {  	[tilespmem:$0x1FEC0] =	vst v1;
	v1 =	vor.u32 s14, v0  }
0x4f: {  	[tilespmem:$0x1FED0] =	vst v1;
	v1 =	vor.u32 s15, v0  }
0x50: {  	[tilespmem:$0x1FEE0] =	vst v1;
	v1 =	vor.u32 s19, v0;
	s19 =	sld [smem:$0x7F7]  }
0x51: {  	s18 =	rddreg [dreg:$0x1f]  }
0x52: {  	[tilespmem:$0x1FEF0] =	vst v1;
	v1 =	vor.u32 s18, v0  }
0x53: {  	[tilespmem:$0x1FF00] =	vst v1;
	v1 =	vor.u32 s19, v0  }
0x54: {  	[tilespmem:$0x1FF10] =	vst v1;
	v1 =	vor.u32 s23, v0  }
0x55: {  	s23 =	rddreg [dreg:$0x1b];
	[tilespmem:$0x1FF20] =	vst v1;
	v1 =	vor.u32 s20, v0  }
0x56: {  	[dreg:$0x18] =	wrdreg s0;
	[tilespmem:$0x1FF30] =	vst v1;
	v1 =	vor.u32 s23, v0  }
0x57: {  	s26 =	sld [smem:$0x7F8];
	[tilespmem:$0x1FF40] =	vst v1;
	v1 =	vor.u32 s25, v0  }
0x58: {  	s12 =	sld [smem:$0x7F9];
	[tilespmem:$0x1FF50] =	vst v1;
	v1 =	vor.u32 s22, v0  }
0x59: {  	s30 =	simm.s32 $0x14800;
	s25 =	rddreg [dreg:$0x19];
	[tilespmem:$0x1FF60] =	vst v1;
	v1 =	vor.u32 s24, v0  }
0x5a: {  	s28 =	simm.s32 $0x2;
	s29 =	simm.s32 $0x800;
	s13 =	sld [smem:$0x7FA];
	[tilespmem:$0x1FF70] =	vst v1;
	v1 =	vor.u32 s25, v0  }
0x5b: {  	s0 =	simm.s32 $0x80;
	s31 =	simm.s32 $0x15000;
	s2 =	simm.s32 $0x100;
	[tilespmem:$0x1FF80] =	vst v1;
	v1 =	vor.u32 s26, v0  }
0x5c: {  	s5 =	simm.s32 $0x180;
	s6 =	simm.s32 $0x200;
	s14 =	sld [smem:$0x7FB];
	[tilespmem:$0x1FF90] =	vst v1;
	v1 =	vor.u32 s12, v0  }
0x5d: {  	s7 =	simm.s32 $0x280;
	s9 =	simm.s32 $0x380;
	s15 =	sld [smem:$0x7FC];
	[tilespmem:$0x1FFA0] =	vst v1;
	v1 =	vor.u32 s13, v0  }
0x5e: {  	s8 =	simm.s32 $0x300;
	s10 =	simm.s32 $0x4800;
	[tilespmem:$0x1FFB0] =	vst v1;
	v1 =	vor.u32 s16, v0;
	s16 =	sld [smem:$0x7FD]  }
0x5f: {  	s11 =	simm.s32 $0x700;
	s17 =	simm.s32 $0xB800;
	s18 =	simm.s32 $0x1;
	[tilespmem:$0x1FFC0] =	vst v1;
	v1 =	vor.u32 s14, v0  }
0x60: {  	s19 =	simm.s32 $0xC800;
	s20 =	simm.s32 $0x400;
	s23 =	simm.s32 $0x500;
	[tilespmem:$0x1FFD0] =	vst v1;
	v1 =	vor.u32 s15, v0  }
0x61: {  	v63 =	vimm.f32 $0.0e+00;
	vm0 =	vcmask $0x300;
	s22 =	simm.s32 $0x480;
	s24 =	simm.s32 $0x580;
	s25 =	simm.s32 $0x600;
	[tilespmem:$0x1FFE0] =	vst v1;
	v1 =	vor.u32 s16, v0  }
0x62: {  	v3 =	vsel vm0, $0x3F800000, v63;
	s26 =	simm.s32 $0x680;
	s12 =	simm.s32 $0x780;
	s13 =	simm.s32 $0x0;
	[tilespmem:$0x1FFF0] =	vst v1  }
.LBB2_1:
0x63: {  	s14 =	rddreg [dreg:$0x4]  }
0x64: {  	[tilespmem:s4], [sflag:$0x2] =	stream.linear.gather [hbm4b:s14+s4], $0x400, $0x38;
	[tilespmem:$0x1D810] =	vst v63  }
0x65: {  	_ =	swait.ge [sflag:s28], $0x400  }
0x66: {  	[sflag:s28] =	ssyncset.done $0x0  }
0x67: {  	s16 =	rddreg [dreg:$0x16];
	[sflag:s28] =	ssyncadd.s32 $0xFFFFFC00  }
0x68: {  	[tilespmem:s29], [sflag:$0x2] =	stream.linear.gather [hbm4b:s16+s4], $0x4000, $0x38;
	[tilespmem:$0x1D810] =	vst v63  }
0x69: {  	v6 =	vor.u32 $0x280, v0;
	_ =	swait.ge [sflag:s28], $0x4000  }
0x6a: {  	v7 =	vor.u32 $0x290, v0;
	[tilespmem:$0x1FA90] =	vst v6  }
0x6b: {  	v8 =	vor.u32 $0x2A0, v0;
	[tilespmem:$0x1FAA0] =	vst v7  }
0x6c: {  	v9 =	vor.u32 $0x2B0, v0;
	[tilespmem:$0x1FAB0] =	vst v8  }
0x6d: {  	v10 =	vor.u32 $0x2C0, v0;
	[tilespmem:$0x1FAC0] =	vst v9  }
0x6e: {  	v60 =	vor.u32 $0x10, v0;
	v11 =	vor.u32 $0x2D0, v0;
	[tilespmem:$0x1FAD0] =	vst v10  }
0x6f: {  	v61 =	vor.u32 $0x20, v0;
	v12 =	vor.u32 $0x2E0, v0;
	[tilespmem:$0x1FAE0] =	vst v11  }
0x70: {  	v62 =	vor.u32 $0x30, v0;
	v13 =	vor.u32 $0x370, v0;
	[sflag:s28] =	ssyncset.done $0x0;
	[tilespmem:$0x1FAF0] =	vst v12  }
0x71: {  	v1 =	vor.u32 $0x40, v0;
	[tilespmem:$0x1FB70] =	vst v13;
	[sflag:s28] =	ssyncadd.s32 $0xFFFFC000  }
0x72: {  	v2 =	vor.u32 $0x50, v0;
	[tilespmem:v0+s30+$0x0] =	vst.idx.msk $0xffff, v63  }
0x73: {  	v4 =	vor.u32 $0x60, v0;
	[tilespmem:v60+s30+$0x0] =	vst.idx.msk $0xffff, v63  }
0x74: {  	v5 =	vor.u32 $0x70, v0;
	[tilespmem:v61+s30+$0x0] =	vst.idx.msk $0xffff, v63  }
0x75: {  	v52 =	vor.u32 $0x80, v0;
	[tilespmem:v62+s30+$0x0] =	vst.idx.msk $0xffff, v63  }
0x76: {  	v53 =	vor.u32 $0x90, v0;
	[tilespmem:v1+s30+$0x0] =	vst.idx.msk $0xffff, v63  }
0x77: {  	v54 =	vor.u32 $0xA0, v0;
	[tilespmem:v2+s30+$0x0] =	vst.idx.msk $0xffff, v63  }
0x78: {  	v55 =	vor.u32 $0xB0, v0;
	[tilespmem:v4+s30+$0x0] =	vst.idx.msk $0xffff, v63  }
0x79: {  	v56 =	vor.u32 $0xC0, v0;
	[tilespmem:v5+s30+$0x0] =	vst.idx.msk $0xffff, v63  }
0x7a: {  	v57 =	vor.u32 $0xD0, v0;
	[tilespmem:v52+s30+$0x0] =	vst.idx.msk $0xffff, v63  }
0x7b: {  	v58 =	vor.u32 $0xE0, v0;
	[tilespmem:v53+s30+$0x0] =	vst.idx.msk $0xffff, v63  }
0x7c: {  	v59 =	vor.u32 $0xF0, v0;
	[tilespmem:v54+s30+$0x0] =	vst.idx.msk $0xffff, v63  }
0x7d: {  	v44 =	vor.u32 $0x100, v0;
	[tilespmem:v55+s30+$0x0] =	vst.idx.msk $0xffff, v63  }
0x7e: {  	v45 =	vor.u32 $0x110, v0;
	[tilespmem:v56+s30+$0x0] =	vst.idx.msk $0xffff, v63  }
0x7f: {  	v46 =	vor.u32 $0x120, v0;
	[tilespmem:v57+s30+$0x0] =	vst.idx.msk $0xffff, v63  }
0x80: {  	v47 =	vor.u32 $0x130, v0;
	[tilespmem:v58+s30+$0x0] =	vst.idx.msk $0xffff, v63  }
0x81: {  	v48 =	vor.u32 $0x140, v0;
	[tilespmem:v59+s30+$0x0] =	vst.idx.msk $0xffff, v63  }
0x82: {  	v49 =	vor.u32 $0x150, v0;
	[tilespmem:v44+s30+$0x0] =	vst.idx.msk $0xffff, v63  }
0x83: {  	v50 =	vor.u32 $0x160, v0;
	[tilespmem:v45+s30+$0x0] =	vst.idx.msk $0xffff, v63  }
0x84: {  	v51 =	vor.u32 $0x170, v0;
	[tilespmem:v46+s30+$0x0] =	vst.idx.msk $0xffff, v63  }
0x85: {  	v36 =	vor.u32 $0x180, v0;
	[tilespmem:v47+s30+$0x0] =	vst.idx.msk $0xffff, v63  }
0x86: {  	v37 =	vor.u32 $0x190, v0;
	[tilespmem:v48+s30+$0x0] =	vst.idx.msk $0xffff, v63  }
0x87: {  	v38 =	vor.u32 $0x1A0, v0;
	[tilespmem:v49+s30+$0x0] =	vst.idx.msk $0xffff, v63  }
0x88: {  	v39 =	vor.u32 $0x1B0, v0;
	[tilespmem:v50+s30+$0x0] =	vst.idx.msk $0xffff, v63  }
0x89: {  	v40 =	vor.u32 $0x1C0, v0;
	[tilespmem:v51+s30+$0x0] =	vst.idx.msk $0xffff, v63  }
0x8a: {  	v41 =	vor.u32 $0x1D0, v0;
	[tilespmem:v36+s30+$0x0] =	vst.idx.msk $0xffff, v63  }
0x8b: {  	v42 =	vor.u32 $0x1E0, v0;
	[tilespmem:v37+s30+$0x0] =	vst.idx.msk $0xffff, v63  }
0x8c: {  	v43 =	vor.u32 $0x1F0, v0;
	[tilespmem:v38+s30+$0x0] =	vst.idx.msk $0xffff, v63  }
0x8d: {  	v28 =	vor.u32 $0x200, v0;
	[tilespmem:v39+s30+$0x0] =	vst.idx.msk $0xffff, v63  }
0x8e: {  	v29 =	vor.u32 $0x210, v0;
	[tilespmem:v40+s30+$0x0] =	vst.idx.msk $0xffff, v63  }
0x8f: {  	v30 =	vor.u32 $0x220, v0;
	[tilespmem:v41+s30+$0x0] =	vst.idx.msk $0xffff, v63  }
0x90: {  	v31 =	vor.u32 $0x230, v0;
	[tilespmem:v42+s30+$0x0] =	vst.idx.msk $0xffff, v63  }
0x91: {  	v32 =	vor.u32 $0x240, v0;
	[tilespmem:v43+s30+$0x0] =	vst.idx.msk $0xffff, v63  }
0x92: {  	v33 =	vor.u32 $0x250, v0;
	[tilespmem:v28+s30+$0x0] =	vst.idx.msk $0xffff, v63  }
0x93: {  	v34 =	vor.u32 $0x260, v0;
	[tilespmem:v29+s30+$0x0] =	vst.idx.msk $0xffff, v63  }
0x94: {  	v35 =	vor.u32 $0x270, v0;
	[tilespmem:v30+s30+$0x0] =	vst.idx.msk $0xffff, v63  }
0x95: {  	[tilespmem:v31+s30+$0x0] =	vst.idx.msk $0xffff, v63  }
0x96: {  	[tilespmem:v32+s30+$0x0] =	vst.idx.msk $0xffff, v63  }
0x97: {  	[tilespmem:v33+s30+$0x0] =	vst.idx.msk $0xffff, v63  }
0x98: {  	[tilespmem:v34+s30+$0x0] =	vst.idx.msk $0xffff, v63  }
0x99: {  	[tilespmem:v35+s30+$0x0] =	vst.idx.msk $0xffff, v63  }
0x9a: {  	[tilespmem:v6+s30+$0x0] =	vst.idx.msk $0xffff, v63  }
0x9b: {  	v6 =	vor.u32 $0x300, v0;
	[tilespmem:v7+s30+$0x0] =	vst.idx.msk $0xffff, v63  }
0x9c: {  	[tilespmem:$0x1FB00] =	vst v6  }
0x9d: {  	v7 =	vor.u32 $0x310, v0;
	[tilespmem:v8+s30+$0x0] =	vst.idx.msk $0xffff, v63  }
0x9e: {  	[tilespmem:$0x1FB10] =	vst v7  }
0x9f: {  	v8 =	vor.u32 $0x320, v0;
	[tilespmem:v9+s30+$0x0] =	vst.idx.msk $0xffff, v63  }
0xa0: {  	[tilespmem:$0x1FB20] =	vst v8  }
0xa1: {  	v9 =	vor.u32 $0x330, v0;
	[tilespmem:v10+s30+$0x0] =	vst.idx.msk $0xffff, v63  }
0xa2: {  	v27 =	vor.u32 $0x2F0, v0;
	[tilespmem:$0x1FB30] =	vst v9  }
0xa3: {  	v10 =	vor.u32 $0x340, v0;
	[tilespmem:v11+s30+$0x0] =	vst.idx.msk $0xffff, v63  }
0xa4: {  	[tilespmem:$0x1FB40] =	vst v10  }
0xa5: {  	v11 =	vor.u32 $0x350, v0;
	[tilespmem:v12+s30+$0x0] =	vst.idx.msk $0xffff, v63  }
0xa6: {  	[tilespmem:$0x1FB50] =	vst v11  }
0xa7: {  	v12 =	vor.u32 $0x360, v0;
	[tilespmem:v27+s30+$0x0] =	vst.idx.msk $0xffff, v63  }
0xa8: {  	[tilespmem:$0x1FB60] =	vst v12  }
0xa9: {  	[tilespmem:v6+s30+$0x0] =	vst.idx.msk $0xffff, v63  }
0xaa: {  	v6 =	vor.u32 $0x380, v0;
	[tilespmem:v7+s30+$0x0] =	vst.idx.msk $0xffff, v63  }
0xab: {  	[tilespmem:$0x1FB80] =	vst v6  }
0xac: {  	v7 =	vor.u32 $0x390, v0;
	[tilespmem:v8+s30+$0x0] =	vst.idx.msk $0xffff, v63  }
0xad: {  	[tilespmem:$0x1FB90] =	vst v7  }
0xae: {  	v8 =	vor.u32 $0x3A0, v0;
	[tilespmem:v9+s30+$0x0] =	vst.idx.msk $0xffff, v63  }
0xaf: {  	[tilespmem:$0x1FBA0] =	vst v8  }
0xb0: {  	v9 =	vor.u32 $0x3B0, v0;
	[tilespmem:v10+s30+$0x0] =	vst.idx.msk $0xffff, v63  }
0xb1: {  	[tilespmem:$0x1FBB0] =	vst v9  }
0xb2: {  	v10 =	vor.u32 $0x3C0, v0;
	[tilespmem:v11+s30+$0x0] =	vst.idx.msk $0xffff, v63  }
0xb3: {  	[tilespmem:$0x1FBC0] =	vst v10  }
0xb4: {  	v11 =	vor.u32 $0x3D0, v0;
	[tilespmem:v12+s30+$0x0] =	vst.idx.msk $0xffff, v63  }
0xb5: {  	[tilespmem:$0x1FBD0] =	vst v11  }
0xb6: {  	v12 =	vor.u32 $0x3E0, v0;
	[tilespmem:v13+s30+$0x0] =	vst.idx.msk $0xffff, v63  }
0xb7: {  	[tilespmem:$0x1FBE0] =	vst v12  }
0xb8: {  	v13 =	vor.u32 $0x3F0, v0;
	[tilespmem:v6+s30+$0x0] =	vst.idx.msk $0xffff, v63  }
0xb9: {  	[tilespmem:$0x1FBF0] =	vst v13  }
0xba: {  	[tilespmem:v7+s30+$0x0] =	vst.idx.msk $0xffff, v63  }
0xbb: {  	[tilespmem:v8+s30+$0x0] =	vst.idx.msk $0xffff, v63  }
0xbc: {  	v6 =	vor.u32 $0x400, v0;
	[tilespmem:v9+s30+$0x0] =	vst.idx.msk $0xffff, v63  }
0xbd: {  	v7 =	vor.u32 $0x410, v0;
	[tilespmem:v10+s30+$0x0] =	vst.idx.msk $0xffff, v63  }
0xbe: {  	v8 =	vor.u32 $0x420, v0;
	[tilespmem:v11+s30+$0x0] =	vst.idx.msk $0xffff, v63  }
0xbf: {  	v9 =	vor.u32 $0x430, v0;
	[tilespmem:v12+s30+$0x0] =	vst.idx.msk $0xffff, v63  }
0xc0: {  	v10 =	vor.u32 $0x440, v0;
	[tilespmem:v13+s30+$0x0] =	vst.idx.msk $0xffff, v63  }
0xc1: {  	[tilespmem:v6+s30+$0x0] =	vst.idx.msk $0xffff, v63;
	v6 =	vor.u32 $0x450, v0  }
0xc2: {  	[tilespmem:v7+s30+$0x0] =	vst.idx.msk $0xffff, v63;
	v7 =	vor.u32 $0x460, v0  }
0xc3: {  	[tilespmem:v8+s30+$0x0] =	vst.idx.msk $0xffff, v63;
	v8 =	vor.u32 $0x470, v0  }
0xc4: {  	[tilespmem:v9+s30+$0x0] =	vst.idx.msk $0xffff, v63;
	v9 =	vor.u32 $0x480, v0  }
0xc5: {  	[tilespmem:v10+s30+$0x0] =	vst.idx.msk $0xffff, v63;
	v10 =	vor.u32 $0x490, v0  }
0xc6: {  	[tilespmem:v6+s30+$0x0] =	vst.idx.msk $0xffff, v63;
	v6 =	vor.u32 $0x4A0, v0  }
0xc7: {  	[tilespmem:v7+s30+$0x0] =	vst.idx.msk $0xffff, v63;
	v7 =	vor.u32 $0x4B0, v0  }
0xc8: {  	[tilespmem:v8+s30+$0x0] =	vst.idx.msk $0xffff, v63;
	v8 =	vor.u32 $0x4C0, v0  }
0xc9: {  	[tilespmem:v9+s30+$0x0] =	vst.idx.msk $0xffff, v63;
	v9 =	vor.u32 $0x4D0, v0  }
0xca: {  	[tilespmem:v10+s30+$0x0] =	vst.idx.msk $0xffff, v63;
	v10 =	vor.u32 $0x4E0, v0  }
0xcb: {  	[tilespmem:v6+s30+$0x0] =	vst.idx.msk $0xffff, v63;
	v6 =	vor.u32 $0x4F0, v0  }
0xcc: {  	[tilespmem:v7+s30+$0x0] =	vst.idx.msk $0xffff, v63;
	v7 =	vor.u32 $0x500, v0  }
0xcd: {  	[tilespmem:v8+s30+$0x0] =	vst.idx.msk $0xffff, v63;
	v8 =	vor.u32 $0x510, v0  }
0xce: {  	[tilespmem:v9+s30+$0x0] =	vst.idx.msk $0xffff, v63;
	v9 =	vor.u32 $0x520, v0  }
0xcf: {  	[tilespmem:v10+s30+$0x0] =	vst.idx.msk $0xffff, v63;
	v10 =	vor.u32 $0x530, v0  }
0xd0: {  	[tilespmem:v6+s30+$0x0] =	vst.idx.msk $0xffff, v63;
	v6 =	vor.u32 $0x540, v0  }
0xd1: {  	[tilespmem:v7+s30+$0x0] =	vst.idx.msk $0xffff, v63;
	v7 =	vor.u32 $0x550, v0  }
0xd2: {  	[tilespmem:v8+s30+$0x0] =	vst.idx.msk $0xffff, v63;
	v8 =	vor.u32 $0x560, v0  }
0xd3: {  	[tilespmem:v9+s30+$0x0] =	vst.idx.msk $0xffff, v63;
	v9 =	vor.u32 $0x570, v0  }
0xd4: {  	[tilespmem:v10+s30+$0x0] =	vst.idx.msk $0xffff, v63;
	v10 =	vor.u32 $0x580, v0  }
0xd5: {  	[tilespmem:v6+s30+$0x0] =	vst.idx.msk $0xffff, v63;
	v6 =	vor.u32 $0x590, v0  }
0xd6: {  	[tilespmem:v7+s30+$0x0] =	vst.idx.msk $0xffff, v63;
	v7 =	vor.u32 $0x5A0, v0  }
0xd7: {  	[tilespmem:v8+s30+$0x0] =	vst.idx.msk $0xffff, v63;
	v8 =	vor.u32 $0x5B0, v0  }
0xd8: {  	[tilespmem:v9+s30+$0x0] =	vst.idx.msk $0xffff, v63;
	v9 =	vor.u32 $0x5C0, v0  }
0xd9: {  	[tilespmem:v10+s30+$0x0] =	vst.idx.msk $0xffff, v63;
	v10 =	vor.u32 $0x5D0, v0  }
0xda: {  	[tilespmem:v6+s30+$0x0] =	vst.idx.msk $0xffff, v63;
	v6 =	vor.u32 $0x5E0, v0  }
0xdb: {  	[tilespmem:v7+s30+$0x0] =	vst.idx.msk $0xffff, v63;
	v7 =	vor.u32 $0x5F0, v0  }
0xdc: {  	[tilespmem:v8+s30+$0x0] =	vst.idx.msk $0xffff, v63;
	v8 =	vor.u32 $0x600, v0  }
0xdd: {  	[tilespmem:v9+s30+$0x0] =	vst.idx.msk $0xffff, v63;
	v9 =	vor.u32 $0x610, v0  }
0xde: {  	[tilespmem:v10+s30+$0x0] =	vst.idx.msk $0xffff, v63;
	v10 =	vor.u32 $0x620, v0  }
0xdf: {  	[tilespmem:v6+s30+$0x0] =	vst.idx.msk $0xffff, v63;
	v6 =	vor.u32 $0x630, v0  }
0xe0: {  	[tilespmem:v7+s30+$0x0] =	vst.idx.msk $0xffff, v63;
	v7 =	vor.u32 $0x640, v0  }
0xe1: {  	[tilespmem:v8+s30+$0x0] =	vst.idx.msk $0xffff, v63;
	v8 =	vor.u32 $0x650, v0  }
0xe2: {  	[tilespmem:v9+s30+$0x0] =	vst.idx.msk $0xffff, v63;
	v9 =	vor.u32 $0x660, v0  }
0xe3: {  	[tilespmem:v10+s30+$0x0] =	vst.idx.msk $0xffff, v63;
	v10 =	vor.u32 $0x670, v0  }
0xe4: {  	[tilespmem:v6+s30+$0x0] =	vst.idx.msk $0xffff, v63;
	v6 =	vor.u32 $0x680, v0  }
0xe5: {  	[tilespmem:v7+s30+$0x0] =	vst.idx.msk $0xffff, v63;
	v7 =	vor.u32 $0x690, v0  }
0xe6: {  	[tilespmem:v8+s30+$0x0] =	vst.idx.msk $0xffff, v63;
	v8 =	vor.u32 $0x6A0, v0  }
0xe7: {  	[tilespmem:v9+s30+$0x0] =	vst.idx.msk $0xffff, v63;
	v9 =	vor.u32 $0x6B0, v0  }
0xe8: {  	[tilespmem:v10+s30+$0x0] =	vst.idx.msk $0xffff, v63;
	v10 =	vor.u32 $0x6C0, v0  }
0xe9: {  	[tilespmem:v6+s30+$0x0] =	vst.idx.msk $0xffff, v63;
	v6 =	vor.u32 $0x6D0, v0  }
0xea: {  	[tilespmem:v7+s30+$0x0] =	vst.idx.msk $0xffff, v63;
	v7 =	vor.u32 $0x6E0, v0  }
0xeb: {  	[tilespmem:v8+s30+$0x0] =	vst.idx.msk $0xffff, v63;
	v8 =	vor.u32 $0x6F0, v0  }
0xec: {  	[tilespmem:v9+s30+$0x0] =	vst.idx.msk $0xffff, v63;
	v9 =	vor.u32 $0x700, v0  }
0xed: {  	[tilespmem:v10+s30+$0x0] =	vst.idx.msk $0xffff, v63;
	v10 =	vor.u32 $0x710, v0  }
0xee: {  	[tilespmem:v6+s30+$0x0] =	vst.idx.msk $0xffff, v63;
	v6 =	vor.u32 $0x720, v0  }
0xef: {  	[tilespmem:v7+s30+$0x0] =	vst.idx.msk $0xffff, v63;
	v7 =	vor.u32 $0x730, v0  }
0xf0: {  	[tilespmem:v8+s30+$0x0] =	vst.idx.msk $0xffff, v63;
	v8 =	vor.u32 $0x740, v0  }
0xf1: {  	[tilespmem:v9+s30+$0x0] =	vst.idx.msk $0xffff, v63;
	v9 =	vor.u32 $0x750, v0  }
0xf2: {  	[tilespmem:v10+s30+$0x0] =	vst.idx.msk $0xffff, v63;
	v10 =	vor.u32 $0x760, v0  }
0xf3: {  	[tilespmem:v6+s30+$0x0] =	vst.idx.msk $0xffff, v63;
	v6 =	vor.u32 $0x770, v0  }
0xf4: {  	[tilespmem:v7+s30+$0x0] =	vst.idx.msk $0xffff, v63;
	v7 =	vor.u32 $0x780, v0  }
0xf5: {  	[tilespmem:v8+s30+$0x0] =	vst.idx.msk $0xffff, v63;
	v8 =	vor.u32 $0x790, v0  }
0xf6: {  	[tilespmem:v9+s30+$0x0] =	vst.idx.msk $0xffff, v63;
	v9 =	vor.u32 $0x7A0, v0  }
0xf7: {  	[tilespmem:v10+s30+$0x0] =	vst.idx.msk $0xffff, v63;
	v10 =	vor.u32 $0x7B0, v0  }
0xf8: {  	[tilespmem:v6+s30+$0x0] =	vst.idx.msk $0xffff, v63;
	v6 =	vor.u32 $0x7C0, v0  }
0xf9: {  	[tilespmem:v7+s30+$0x0] =	vst.idx.msk $0xffff, v63;
	v7 =	vor.u32 $0x7D0, v0  }
0xfa: {  	[tilespmem:v8+s30+$0x0] =	vst.idx.msk $0xffff, v63;
	v8 =	vor.u32 $0x7E0, v0  }
0xfb: {  	[tilespmem:v9+s30+$0x0] =	vst.idx.msk $0xffff, v63;
	v9 =	vor.u32 $0x7F0, v0  }
0xfc: {  	[tilespmem:v10+s30+$0x0] =	vst.idx.msk $0xffff, v63  }
0xfd: {  	[tilespmem:v6+s30+$0x0] =	vst.idx.msk $0xffff, v63  }
0xfe: {  	[tilespmem:v7+s30+$0x0] =	vst.idx.msk $0xffff, v63  }
0xff: {  	[tilespmem:v8+s30+$0x0] =	vst.idx.msk $0xffff, v63  }
0x100: {  	s15 =	rddreg [dreg:$0x5];
	[tilespmem:v9+s30+$0x0] =	vst.idx.msk $0xffff, v63  }
0x101: {  	[spmem:s15] =	stream.linear.scatter [tilespmem:s30], [sflag:$0x2], $0x800, $0x38;
	[tilespmem:$0x1D810] =	vst v63  }
0x102: {  	_ =	swait.ge [sflag:s28], $0x800  }
0x103: {  	[sflag:s28] =	ssyncset.done $0x0  }
0x104: {  	s16 =	rddreg [dreg:$0x6];
	[sflag:s28] =	ssyncadd.s32 $0xFFFFF800  }
0x105: {  	[spmem:s16] =	stream.linear.scatter [tilespmem:s30], [sflag:$0x2], $0x800, $0x38;
	[tilespmem:$0x1D810] =	vst v63  }
0x106: {  	_ =	swait.ge [sflag:s28], $0x800  }
0x107: {  	[sflag:s28] =	ssyncset.done $0x0  }
0x108: {  	s15 =	rddreg [dreg:$0x7];
	[sflag:s28] =	ssyncadd.s32 $0xFFFFF800  }
0x109: {  	[spmem:s15] =	stream.linear.scatter [tilespmem:s30], [sflag:$0x2], $0x800, $0x38;
	[tilespmem:$0x1D810] =	vst v63  }
0x10a: {  	_ =	swait.ge [sflag:s28], $0x800  }
0x10b: {  	[sflag:s28] =	ssyncset.done $0x0  }
0x10c: {  	s16 =	rddreg [dreg:$0x8];
	[sflag:s28] =	ssyncadd.s32 $0xFFFFF800  }
0x10d: {  	[spmem:s16] =	stream.linear.scatter [tilespmem:s30], [sflag:$0x2], $0x800, $0x38;
	[tilespmem:$0x1D810] =	vst v63  }
0x10e: {  	_ =	swait.ge [sflag:s28], $0x800  }
0x10f: {  	[sflag:s28] =	ssyncset.done $0x0  }
0x110: {  	s15 =	rddreg [dreg:$0x9];
	[sflag:s28] =	ssyncadd.s32 $0xFFFFF800  }
0x111: {  	[spmem:s15] =	stream.linear.scatter [tilespmem:s30], [sflag:$0x2], $0x800, $0x38;
	[tilespmem:$0x1D810] =	vst v63  }
0x112: {  	_ =	swait.ge [sflag:s28], $0x800  }
0x113: {  	[sflag:s28] =	ssyncset.done $0x0  }
0x114: {  	s16 =	rddreg [dreg:$0xa];
	[sflag:s28] =	ssyncadd.s32 $0xFFFFF800  }
0x115: {  	[spmem:s16] =	stream.linear.scatter [tilespmem:s30], [sflag:$0x2], $0x800, $0x38;
	[tilespmem:$0x1D810] =	vst v63  }
0x116: {  	_ =	swait.ge [sflag:s28], $0x800  }
0x117: {  	[sflag:s28] =	ssyncset.done $0x0  }
0x118: {  	s15 =	rddreg [dreg:$0xb];
	[sflag:s28] =	ssyncadd.s32 $0xFFFFF800  }
0x119: {  	[spmem:s15] =	stream.linear.scatter [tilespmem:s30], [sflag:$0x2], $0x800, $0x38;
	[tilespmem:$0x1D810] =	vst v63  }
0x11a: {  	_ =	swait.ge [sflag:s28], $0x800  }
0x11b: {  	[sflag:s28] =	ssyncset.done $0x0  }
0x11c: {  	s16 =	rddreg [dreg:$0xc];
	[sflag:s28] =	ssyncadd.s32 $0xFFFFF800  }
0x11d: {  	[spmem:s16] =	stream.linear.scatter [tilespmem:s30], [sflag:$0x2], $0x800, $0x38;
	[tilespmem:$0x1D810] =	vst v63  }
0x11e: {  	_ =	swait.ge [sflag:s28], $0x800  }
0x11f: {  	[sflag:s28] =	ssyncset.done $0x0  }
0x120: {  	s15 =	rddreg [dreg:$0xd];
	[sflag:s28] =	ssyncadd.s32 $0xFFFFF800  }
0x121: {  	[spmem:s15] =	stream.linear.scatter [tilespmem:s30], [sflag:$0x2], $0x800, $0x38;
	[tilespmem:$0x1D810] =	vst v63  }
0x122: {  	_ =	swait.ge [sflag:s28], $0x800  }
0x123: {  	[sflag:s28] =	ssyncset.done $0x0  }
0x124: {  	s16 =	rddreg [dreg:$0xe];
	[sflag:s28] =	ssyncadd.s32 $0xFFFFF800  }
0x125: {  	[spmem:s16] =	stream.linear.scatter [tilespmem:s30], [sflag:$0x2], $0x800, $0x38;
	[tilespmem:$0x1D810] =	vst v63  }
0x126: {  	_ =	swait.ge [sflag:s28], $0x800  }
0x127: {  	[sflag:s28] =	ssyncset.done $0x0  }
0x128: {  	s15 =	rddreg [dreg:$0xf];
	[sflag:s28] =	ssyncadd.s32 $0xFFFFF800  }
0x129: {  	[spmem:s15] =	stream.linear.scatter [tilespmem:s30], [sflag:$0x2], $0x800, $0x38;
	[tilespmem:$0x1D810] =	vst v63  }
0x12a: {  	_ =	swait.ge [sflag:s28], $0x800  }
0x12b: {  	[sflag:s28] =	ssyncset.done $0x0  }
0x12c: {  	s16 =	rddreg [dreg:$0x10];
	[sflag:s28] =	ssyncadd.s32 $0xFFFFF800  }
0x12d: {  	[spmem:s16] =	stream.linear.scatter [tilespmem:s30], [sflag:$0x2], $0x800, $0x38;
	[tilespmem:$0x1D810] =	vst v63  }
0x12e: {  	_ =	swait.ge [sflag:s28], $0x800  }
0x12f: {  	[sflag:s28] =	ssyncset.done $0x0  }
0x130: {  	s15 =	rddreg [dreg:$0x11];
	[sflag:s28] =	ssyncadd.s32 $0xFFFFF800  }
0x131: {  	[spmem:s15] =	stream.linear.scatter [tilespmem:s30], [sflag:$0x2], $0x800, $0x38;
	[tilespmem:$0x1D810] =	vst v63  }
0x132: {  	_ =	swait.ge [sflag:s28], $0x800  }
0x133: {  	[sflag:s28] =	ssyncset.done $0x0  }
0x134: {  	s16 =	rddreg [dreg:$0x12];
	[sflag:s28] =	ssyncadd.s32 $0xFFFFF800  }
0x135: {  	[spmem:s16] =	stream.linear.scatter [tilespmem:s30], [sflag:$0x2], $0x800, $0x38;
	[tilespmem:$0x1D810] =	vst v63  }
0x136: {  	_ =	swait.ge [sflag:s28], $0x800  }
0x137: {  	[sflag:s28] =	ssyncset.done $0x0  }
0x138: {  	s15 =	rddreg [dreg:$0x13];
	[sflag:s28] =	ssyncadd.s32 $0xFFFFF800  }
0x139: {  	[spmem:s15] =	stream.linear.scatter [tilespmem:s30], [sflag:$0x2], $0x800, $0x38;
	[tilespmem:$0x1D810] =	vst v63  }
0x13a: {  	_ =	swait.ge [sflag:s28], $0x800  }
0x13b: {  	[sflag:s28] =	ssyncset.done $0x0  }
0x13c: {  	s16 =	rddreg [dreg:$0x14];
	[sflag:s28] =	ssyncadd.s32 $0xFFFFF800  }
0x13d: {  	[spmem:s16] =	stream.linear.scatter [tilespmem:s30], [sflag:$0x2], $0x800, $0x38;
	[tilespmem:$0x1D810] =	vst v63  }
0x13e: {  	v6 =	vmul.u32 $0x10, v0;
	_ =	swait.ge [sflag:s28], $0x800  }
0x13f: {  	v11 =	vld [tilespmem:$0x1FD80]  }
0x140: {  	v7 =	vor.u32 $0x100, v6;
	v12 =	vld [tilespmem:$0x1FC00]  }
0x141: {  	v8 =	vor.u32 $0x200, v6;
	v13 =	vld [tilespmem:$0x1FC10]  }
0x142: {  	v9 =	vor.u32 $0x300, v6;
	[sflag:s28] =	ssyncset.done $0x0;
	v14 =	vld [tilespmem:$0x1FC20]  }
0x143: {  	[sflag:s28] =	ssyncadd.s32 $0xFFFFF800  }
0x144: {  	[tilespmem:v6+s31+$0x0] =	vst.idx.msk $0xffff, v11  }
0x145: {  	[tilespmem:v7+s31+$0x0] =	vst.idx.msk $0xffff, v12  }
0x146: {  	[tilespmem:v8+s31+$0x0] =	vst.idx.msk $0xffff, v13  }
0x147: {  	v10 =	vor.u32 $0x400, v6;
	[tilespmem:v9+s31+$0x0] =	vst.idx.msk $0xffff, v14;
	v14 =	vld [tilespmem:$0x1FC30];
	_ =	sdelay $0x4  }
0x148: {  	v11 =	vor.u32 $0x500, v6;
	[tilespmem:v10+s31+$0x0] =	vst.idx.msk $0xffff, v14;
	v14 =	vld [tilespmem:$0x1FC40];
	_ =	sdelay $0x4  }
0x149: {  	v12 =	vor.u32 $0x600, v6;
	[tilespmem:v11+s31+$0x0] =	vst.idx.msk $0xffff, v14;
	v14 =	vld [tilespmem:$0x1FC50];
	_ =	sdelay $0x4  }
0x14a: {  	v13 =	vor.u32 $0x700, v6;
	[tilespmem:v12+s31+$0x0] =	vst.idx.msk $0xffff, v14;
	v14 =	vld [tilespmem:$0x1FC60];
	_ =	sdelay $0x4  }
0x14b: {  	[tilespmem:v13+s31+$0x0] =	vst.idx.msk $0xffff, v14  }
0x14c: {  	[hbm4b:s21+s0] =	stream.indirect.scatter [tilespmem:s31], [sflag:$0x2], $0x10, s4, s0, $0xb8;
	[tilespmem:$0x1D810] =	vst v63  }
0x14d: {  	_ =	swait.ge [sflag:s28], $0x800  }
0x14e: {  	v14 =	vld [tilespmem:$0x1FC70];
	_ =	sdelay $0x2  }
0x14f: {  	[sflag:s28] =	ssyncset.done $0x0  }
0x150: {  	[sflag:s28] =	ssyncadd.s32 $0xFFFFF800  }
0x151: {  	[tilespmem:v6+s31+$0x0] =	vst.idx.msk $0xffff, v14;
	v14 =	vld [tilespmem:$0x1FC80];
	_ =	sdelay $0x4  }
0x152: {  	[tilespmem:v7+s31+$0x0] =	vst.idx.msk $0xffff, v14;
	v14 =	vld [tilespmem:$0x1FC90];
	_ =	sdelay $0x4  }
0x153: {  	[tilespmem:v8+s31+$0x0] =	vst.idx.msk $0xffff, v14;
	v14 =	vld [tilespmem:$0x1FCA0];
	_ =	sdelay $0x4  }
0x154: {  	[tilespmem:v9+s31+$0x0] =	vst.idx.msk $0xffff, v14;
	v14 =	vld [tilespmem:$0x1FCB0];
	_ =	sdelay $0x4  }
0x155: {  	[tilespmem:v10+s31+$0x0] =	vst.idx.msk $0xffff, v14;
	v14 =	vld [tilespmem:$0x1FCC0];
	_ =	sdelay $0x4  }
0x156: {  	[tilespmem:v11+s31+$0x0] =	vst.idx.msk $0xffff, v14;
	v14 =	vld [tilespmem:$0x1FCD0];
	_ =	sdelay $0x4  }
0x157: {  	[tilespmem:v12+s31+$0x0] =	vst.idx.msk $0xffff, v14;
	v14 =	vld [tilespmem:$0x1FCE0];
	_ =	sdelay $0x4  }
0x158: {  	[tilespmem:v13+s31+$0x0] =	vst.idx.msk $0xffff, v14  }
0x159: {  	[hbm4b:s21+s0] =	stream.indirect.scatter [tilespmem:s31], [sflag:$0x2], $0x10, s0, s0, $0xb8;
	[tilespmem:$0x1D810] =	vst v63  }
0x15a: {  	_ =	swait.ge [sflag:s28], $0x800  }
0x15b: {  	v14 =	vld [tilespmem:$0x1FCF0];
	_ =	sdelay $0x2  }
0x15c: {  	[sflag:s28] =	ssyncset.done $0x0  }
0x15d: {  	[sflag:s28] =	ssyncadd.s32 $0xFFFFF800  }
0x15e: {  	[tilespmem:v6+s31+$0x0] =	vst.idx.msk $0xffff, v14;
	v14 =	vld [tilespmem:$0x1FD00];
	_ =	sdelay $0x4  }
0x15f: {  	[tilespmem:v7+s31+$0x0] =	vst.idx.msk $0xffff, v14;
	v14 =	vld [tilespmem:$0x1FD10];
	_ =	sdelay $0x4  }
0x160: {  	[tilespmem:v8+s31+$0x0] =	vst.idx.msk $0xffff, v14;
	v14 =	vld [tilespmem:$0x1FD20];
	_ =	sdelay $0x4  }
0x161: {  	[tilespmem:v9+s31+$0x0] =	vst.idx.msk $0xffff, v14;
	v14 =	vld [tilespmem:$0x1FD30];
	_ =	sdelay $0x4  }
0x162: {  	[tilespmem:v10+s31+$0x0] =	vst.idx.msk $0xffff, v14;
	v14 =	vld [tilespmem:$0x1FD40];
	_ =	sdelay $0x4  }
0x163: {  	[tilespmem:v11+s31+$0x0] =	vst.idx.msk $0xffff, v14;
	v14 =	vld [tilespmem:$0x1FD50];
	_ =	sdelay $0x4  }
0x164: {  	[tilespmem:v12+s31+$0x0] =	vst.idx.msk $0xffff, v14;
	v14 =	vld [tilespmem:$0x1FD60];
	_ =	sdelay $0x4  }
0x165: {  	[tilespmem:v13+s31+$0x0] =	vst.idx.msk $0xffff, v14  }
0x166: {  	[hbm4b:s21+s0] =	stream.indirect.scatter [tilespmem:s31], [sflag:$0x2], $0x10, s2, s0, $0xb8;
	[tilespmem:$0x1D810] =	vst v63  }
0x167: {  	_ =	swait.ge [sflag:s28], $0x800  }
0x168: {  	v14 =	vld [tilespmem:$0x1FD70];
	_ =	sdelay $0x2  }
0x169: {  	[sflag:s28] =	ssyncset.done $0x0  }
0x16a: {  	[sflag:s28] =	ssyncadd.s32 $0xFFFFF800  }
0x16b: {  	[tilespmem:v6+s31+$0x0] =	vst.idx.msk $0xffff, v14;
	v14 =	vld [tilespmem:$0x1FD90];
	_ =	sdelay $0x4  }
0x16c: {  	[tilespmem:v7+s31+$0x0] =	vst.idx.msk $0xffff, v14;
	v14 =	vld [tilespmem:$0x1FDA0];
	_ =	sdelay $0x4  }
0x16d: {  	[tilespmem:v8+s31+$0x0] =	vst.idx.msk $0xffff, v14;
	v14 =	vld [tilespmem:$0x1FDB0];
	_ =	sdelay $0x4  }
0x16e: {  	[tilespmem:v9+s31+$0x0] =	vst.idx.msk $0xffff, v14;
	v14 =	vld [tilespmem:$0x1FDC0];
	_ =	sdelay $0x4  }
0x16f: {  	[tilespmem:v10+s31+$0x0] =	vst.idx.msk $0xffff, v14;
	v14 =	vld [tilespmem:$0x1FDD0];
	_ =	sdelay $0x4  }
0x170: {  	[tilespmem:v11+s31+$0x0] =	vst.idx.msk $0xffff, v14;
	v14 =	vld [tilespmem:$0x1FDE0];
	_ =	sdelay $0x4  }
0x171: {  	[tilespmem:v12+s31+$0x0] =	vst.idx.msk $0xffff, v14;
	v14 =	vld [tilespmem:$0x1FDF0];
	_ =	sdelay $0x4  }
0x172: {  	[tilespmem:v13+s31+$0x0] =	vst.idx.msk $0xffff, v14  }
0x173: {  	[hbm4b:s21+s0] =	stream.indirect.scatter [tilespmem:s31], [sflag:$0x2], $0x10, s5, s0, $0xb8;
	[tilespmem:$0x1D810] =	vst v63  }
0x174: {  	_ =	swait.ge [sflag:s28], $0x800  }
0x175: {  	v14 =	vld [tilespmem:$0x1FE00];
	_ =	sdelay $0x2  }
0x176: {  	[sflag:s28] =	ssyncset.done $0x0  }
0x177: {  	[sflag:s28] =	ssyncadd.s32 $0xFFFFF800  }
0x178: {  	[tilespmem:v6+s31+$0x0] =	vst.idx.msk $0xffff, v14;
	v14 =	vld [tilespmem:$0x1FE10];
	_ =	sdelay $0x4  }
0x179: {  	[tilespmem:v7+s31+$0x0] =	vst.idx.msk $0xffff, v14;
	v14 =	vld [tilespmem:$0x1FE20];
	_ =	sdelay $0x4  }
0x17a: {  	[tilespmem:v8+s31+$0x0] =	vst.idx.msk $0xffff, v14;
	v14 =	vld [tilespmem:$0x1FE30];
	_ =	sdelay $0x4  }
0x17b: {  	[tilespmem:v9+s31+$0x0] =	vst.idx.msk $0xffff, v14;
	v14 =	vld [tilespmem:$0x1FE40];
	_ =	sdelay $0x4  }
0x17c: {  	[tilespmem:v10+s31+$0x0] =	vst.idx.msk $0xffff, v14;
	v14 =	vld [tilespmem:$0x1FE50];
	_ =	sdelay $0x4  }
0x17d: {  	[tilespmem:v11+s31+$0x0] =	vst.idx.msk $0xffff, v14;
	v14 =	vld [tilespmem:$0x1FE60];
	_ =	sdelay $0x4  }
0x17e: {  	[tilespmem:v12+s31+$0x0] =	vst.idx.msk $0xffff, v14;
	v14 =	vld [tilespmem:$0x1FE70];
	_ =	sdelay $0x4  }
0x17f: {  	[tilespmem:v13+s31+$0x0] =	vst.idx.msk $0xffff, v14  }
0x180: {  	[hbm4b:s21+s0] =	stream.indirect.scatter [tilespmem:s31], [sflag:$0x2], $0x10, s6, s0, $0xb8;
	[tilespmem:$0x1D810] =	vst v63  }
0x181: {  	_ =	swait.ge [sflag:s28], $0x800  }
0x182: {  	v14 =	vld [tilespmem:$0x1FE80];
	_ =	sdelay $0x2  }
0x183: {  	[sflag:s28] =	ssyncset.done $0x0  }
0x184: {  	[sflag:s28] =	ssyncadd.s32 $0xFFFFF800  }
0x185: {  	[tilespmem:v6+s31+$0x0] =	vst.idx.msk $0xffff, v14;
	v14 =	vld [tilespmem:$0x1FE90];
	_ =	sdelay $0x4  }
0x186: {  	[tilespmem:v7+s31+$0x0] =	vst.idx.msk $0xffff, v14;
	v14 =	vld [tilespmem:$0x1FEA0];
	_ =	sdelay $0x4  }
0x187: {  	[tilespmem:v8+s31+$0x0] =	vst.idx.msk $0xffff, v14;
	v14 =	vld [tilespmem:$0x1FEB0];
	_ =	sdelay $0x4  }
0x188: {  	[tilespmem:v9+s31+$0x0] =	vst.idx.msk $0xffff, v14;
	v14 =	vld [tilespmem:$0x1FEC0];
	_ =	sdelay $0x4  }
0x189: {  	[tilespmem:v10+s31+$0x0] =	vst.idx.msk $0xffff, v14;
	v14 =	vld [tilespmem:$0x1FED0];
	_ =	sdelay $0x4  }
0x18a: {  	[tilespmem:v11+s31+$0x0] =	vst.idx.msk $0xffff, v14;
	v14 =	vld [tilespmem:$0x1FEE0];
	_ =	sdelay $0x4  }
0x18b: {  	[tilespmem:v12+s31+$0x0] =	vst.idx.msk $0xffff, v14;
	v14 =	vld [tilespmem:$0x1FEF0];
	_ =	sdelay $0x4  }
0x18c: {  	[tilespmem:v13+s31+$0x0] =	vst.idx.msk $0xffff, v14  }
0x18d: {  	[hbm4b:s21+s0] =	stream.indirect.scatter [tilespmem:s31], [sflag:$0x2], $0x10, s7, s0, $0xb8;
	[tilespmem:$0x1D810] =	vst v63  }
0x18e: {  	_ =	swait.ge [sflag:s28], $0x800  }
0x18f: {  	v14 =	vld [tilespmem:$0x1FF00];
	_ =	sdelay $0x2  }
0x190: {  	[sflag:s28] =	ssyncset.done $0x0  }
0x191: {  	[sflag:s28] =	ssyncadd.s32 $0xFFFFF800  }
0x192: {  	[tilespmem:v6+s31+$0x0] =	vst.idx.msk $0xffff, v14;
	v14 =	vld [tilespmem:$0x1FF10];
	_ =	sdelay $0x4  }
0x193: {  	[tilespmem:v7+s31+$0x0] =	vst.idx.msk $0xffff, v14;
	v14 =	vld [tilespmem:$0x1FF20];
	_ =	sdelay $0x4  }
0x194: {  	[tilespmem:v8+s31+$0x0] =	vst.idx.msk $0xffff, v14;
	v14 =	vld [tilespmem:$0x1FF30];
	_ =	sdelay $0x4  }
0x195: {  	[tilespmem:v9+s31+$0x0] =	vst.idx.msk $0xffff, v14;
	v14 =	vld [tilespmem:$0x1FF40];
	_ =	sdelay $0x4  }
0x196: {  	[tilespmem:v10+s31+$0x0] =	vst.idx.msk $0xffff, v14;
	v14 =	vld [tilespmem:$0x1FF50];
	_ =	sdelay $0x4  }
0x197: {  	[tilespmem:v11+s31+$0x0] =	vst.idx.msk $0xffff, v14;
	v14 =	vld [tilespmem:$0x1FF60];
	_ =	sdelay $0x4  }
0x198: {  	[tilespmem:v12+s31+$0x0] =	vst.idx.msk $0xffff, v14;
	v14 =	vld [tilespmem:$0x1FF70];
	_ =	sdelay $0x4  }
0x199: {  	[tilespmem:v13+s31+$0x0] =	vst.idx.msk $0xffff, v14  }
0x19a: {  	[hbm4b:s21+s0] =	stream.indirect.scatter [tilespmem:s31], [sflag:$0x2], $0x10, s8, s0, $0xb8;
	[tilespmem:$0x1D810] =	vst v63  }
0x19b: {  	_ =	swait.ge [sflag:s28], $0x800  }
0x19c: {  	v14 =	vld [tilespmem:$0x1FF80];
	_ =	sdelay $0x2  }
0x19d: {  	[sflag:s28] =	ssyncset.done $0x0  }
0x19e: {  	[sflag:s28] =	ssyncadd.s32 $0xFFFFF800  }
0x19f: {  	[tilespmem:v6+s31+$0x0] =	vst.idx.msk $0xffff, v14;
	v14 =	vld [tilespmem:$0x1FF90];
	_ =	sdelay $0x4  }
0x1a0: {  	[tilespmem:v7+s31+$0x0] =	vst.idx.msk $0xffff, v14;
	v14 =	vld [tilespmem:$0x1FFA0];
	_ =	sdelay $0x4  }
0x1a1: {  	[tilespmem:v8+s31+$0x0] =	vst.idx.msk $0xffff, v14;
	v14 =	vld [tilespmem:$0x1FFB0];
	_ =	sdelay $0x4  }
0x1a2: {  	[tilespmem:v9+s31+$0x0] =	vst.idx.msk $0xffff, v14;
	v14 =	vld [tilespmem:$0x1FFC0];
	_ =	sdelay $0x4  }
0x1a3: {  	[tilespmem:v10+s31+$0x0] =	vst.idx.msk $0xffff, v14;
	v14 =	vld [tilespmem:$0x1FFD0];
	_ =	sdelay $0x4  }
0x1a4: {  	[tilespmem:v11+s31+$0x0] =	vst.idx.msk $0xffff, v14;
	v14 =	vld [tilespmem:$0x1FFE0];
	_ =	sdelay $0x4  }
0x1a5: {  	[tilespmem:v12+s31+$0x0] =	vst.idx.msk $0xffff, v14;
	v14 =	vld [tilespmem:$0x1FFF0];
	_ =	sdelay $0x4  }
0x1a6: {  	[tilespmem:v13+s31+$0x0] =	vst.idx.msk $0xffff, v14  }
0x1a7: {  	[hbm4b:s21+s0] =	stream.indirect.scatter [tilespmem:s31], [sflag:$0x2], $0x10, s9, s0, $0xb8;
	[tilespmem:$0x1D810] =	vst v63  }
0x1a8: {  	_ =	swait.ge [sflag:s28], $0x800  }
0x1a9: {  	[sflag:s28] =	ssyncset.done $0x0  }
0x1aa: {  	[sflag:s28] =	ssyncadd.s32 $0xFFFFF800  }
0x1ab: {  	[tilespmem:s10], [sflag:$0x1] =	stream.indirect.gather [hbm4b:s1+s0], $0x20, s4, s0, $0xb8;
	[tilespmem:$0x1D810] =	vst v63  }
0x1ac: {  	s15 =	simm.s32 $0x5800  }
0x1ad: {  	[tilespmem:s15], [sflag:$0x1] =	stream.indirect.gather [hbm4b:s1+s0], $0x20, s0, s0, $0xb8;
	[tilespmem:$0x1D810] =	vst v63  }
0x1ae: {  	s16 =	simm.s32 $0x6800  }
0x1af: {  	[tilespmem:s16], [sflag:$0x1] =	stream.indirect.gather [hbm4b:s1+s0], $0x20, s2, s0, $0xb8;
	[tilespmem:$0x1D810] =	vst v63  }
0x1b0: {  	s15 =	simm.s32 $0x7800  }
0x1b1: {  	[tilespmem:s15], [sflag:$0x1] =	stream.indirect.gather [hbm4b:s1+s0], $0x20, s5, s0, $0xb8;
	[tilespmem:$0x1D810] =	vst v63  }
0x1b2: {  	s16 =	simm.s32 $0x8800  }
0x1b3: {  	[tilespmem:s16], [sflag:$0x1] =	stream.indirect.gather [hbm4b:s1+s0], $0x20, s6, s0, $0xb8;
	[tilespmem:$0x1D810] =	vst v63  }
0x1b4: {  	s15 =	simm.s32 $0x9800  }
0x1b5: {  	[tilespmem:s15], [sflag:$0x1] =	stream.indirect.gather [hbm4b:s1+s0], $0x20, s7, s0, $0xb8;
	[tilespmem:$0x1D810] =	vst v63  }
0x1b6: {  	s16 =	simm.s32 $0xA800  }
0x1b7: {  	[tilespmem:s16], [sflag:$0x1] =	stream.indirect.gather [hbm4b:s1+s0], $0x20, s8, s0, $0xb8;
	[tilespmem:$0x1D810] =	vst v63  }
0x1b8: {  	_ = 	snop  }
0x1b9: {  	[tilespmem:s17], [sflag:$0x1] =	stream.indirect.gather [hbm4b:s1+s0], $0x20, s9, s0, $0xb8;
	[tilespmem:$0x1D810] =	vst v63  }
0x1ba: {  	_ =	swait.ge [sflag:s18], $0x1000  }
0x1bb: {  	[sflag:s18] =	ssyncset.done $0x0  }
0x1bc: {  	[sflag:s18] =	ssyncadd.s32 $0xFFFFF000  }
0x1bd: {  	_ =	swait.ge [sflag:s18], $0x1000  }
0x1be: {  	[sflag:s18] =	ssyncset.done $0x0  }
0x1bf: {  	[sflag:s18] =	ssyncadd.s32 $0xFFFFF000  }
0x1c0: {  	_ =	swait.ge [sflag:s18], $0x1000  }
0x1c1: {  	[sflag:s18] =	ssyncset.done $0x0  }
0x1c2: {  	[sflag:s18] =	ssyncadd.s32 $0xFFFFF000  }
0x1c3: {  	_ =	swait.ge [sflag:s18], $0x1000  }
0x1c4: {  	[sflag:s18] =	ssyncset.done $0x0  }
0x1c5: {  	[sflag:s18] =	ssyncadd.s32 $0xFFFFF000  }
0x1c6: {  	_ =	swait.ge [sflag:s18], $0x1000  }
0x1c7: {  	[sflag:s18] =	ssyncset.done $0x0  }
0x1c8: {  	[sflag:s18] =	ssyncadd.s32 $0xFFFFF000  }
0x1c9: {  	_ =	swait.ge [sflag:s18], $0x1000  }
0x1ca: {  	[sflag:s18] =	ssyncset.done $0x0  }
0x1cb: {  	v15 =	vmov s4;
	[sflag:s18] =	ssyncadd.s32 $0xFFFFF000  }
0x1cc: {  	v14 =	vshll.u32 v15, $0x4;
	_ =	swait.ge [sflag:s18], $0x1000  }
0x1cd: {  	v16 =	vor.u32 v0, v14;
	[sflag:s18] =	ssyncset.done $0x0  }
0x1ce: {  	[sflag:s18] =	ssyncadd.s32 $0xFFFFF000  }
0x1cf: {  	_ =	swait.ge [sflag:s18], $0x1000  }
0x1d0: {  	[sflag:s18] =	ssyncset.done $0x0  }
0x1d1: {  	[sflag:s18] =	ssyncadd.s32 $0xFFFFF000  }
0x1d2: {  	v14 =	vld.idx.msk [tilespmem:v16+s29+$0x0], $0xffff;
	_ =	sdelay $0x4  }
0x1d3: {  	v17 =	vmul.f32 v14, v14;
	_ =	sdelay $0x1  }
0x1d4: {  	(xrf2) =	vadd.scan.msk.f32 $0xffff, v17;
	_ =	sdelay $0x9  }
0x1d5: {  	v17, _, _ =	vpop (xrf2)  }
0x1d6: {  	v19 =	vbroadcast v17, $0xF;
	_ =	sdelay $0x1  }
0x1d7: {  	v17 =	vshra.s32 v19, $0x1;
	v18 =	vmul.f32 $5.000000000e-01, v19  }
0x1d8: {  	v17 =	vsub.s32 $0x5F3759DF, v17  }
0x1d9: {  	v20 =	vmul.f32 v17, v18;
	_ =	sdelay $0x1  }
0x1da: {  	v20 =	vmul.f32 v17, v20;
	_ =	sdelay $0x1  }
0x1db: {  	v20 =	vsub.f32 $1.500000000e+00, v20;
	_ =	sdelay $0x1  }
0x1dc: {  	v21 =	vmul.f32 v17, v20;
	_ =	sdelay $0x1  }
0x1dd: {  	v17 =	vmul.f32 v21, v18;
	_ =	sdelay $0x1  }
0x1de: {  	v22 =	vmul.f32 v17, v21;
	v17 =	vmul.u32 $0x2, v0;
	_ =	sdelay $0x1  }
0x1df: {  	v20 =	vshll.u32 v15, $0x5;
	v17 =	vor.u32 $0x1, v17;
	v15 =	vsub.f32 $1.500000000e+00, v22  }
0x1e0: {  	v22 =	vor.u32 v17, v20  }
0x1e1: {  	v21 =	vmul.f32 v15, v21;
	_ =	sdelay $0x1  }
0x1e2: {  	v15 =	vmul.f32 v21, v18;
	_ =	sdelay $0x1  }
0x1e3: {  	s14 =	simm.s32 $0x1;
	s15 =	simm.s32 $0x2;
	v18 =	vld.idx.msk [tilespmem:v22+s10+$0x0], $0xffff;
	v22 =	vmul.f32 v15, v21;
	v15 =	vimm.f32 $0.0e+00  }
.LBB2_2:
0x1e4: {  	p1 =	sne.s32 s15, $0x3FF  }
0x1e5: {  	v22 =	vsub.f32 $1.500000000e+00, v22  }
0x1e6: {  	v23 =	vor.u32 v0, v20  }
0x1e7: {  	v24 =	vmov s14;
	s14 =	smov.u32 s15;
	v21 =	vmul.f32 v22, v21;
	v22 =	vor.u32 v60, v20  }
0x1e8: {  	v25 =	vshll.u32 v24, $0x4;
	v20 =	vshll.u32 v24, $0x5  }
0x1e9: {  	v24 =	vor.u32 v0, v25;
	v25 =	vmul.f32 v21, v14  }
0x1ea: {  	v26 =	vor.u32 v17, v20;
	v19 =	vmul.f32 v21, v19  }
0x1eb: {  	[tilespmem:v23+s19+$0x0] =	vst.idx.msk $0xffff, v25  }
0x1ec: {  	v19 =	vmul.f32 v19, v18;
	[tilespmem:v22+s19+$0x0] =	vst.idx.msk $0xffff, v3  }
0x1ed: {  	[tilespmem:v16+s29+$0x0] =	vst.idx.msk $0xffff, v18;
	v16 =	vmov v24  }
0x1ee: {  	v19 =	vsub.f32 v14, v19;
	v14 =	vld.idx.msk [tilespmem:v24+s29+$0x0], $0xffff  }
0x1ef: {  	v18 =	vld.idx.msk [tilespmem:v26+s10+$0x0], $0xffff  }
0x1f0: {  	v19 =	vmul.f32 v19, v19;
	_ =	sdelay $0x1  }
0x1f1: {  	v15 =	vadd.f32 v19, v15;
	_ =	sdelay $0x1  }
0x1f2: {  	v19 =	vmul.f32 v14, v14;
	_ =	sdelay $0x1  }
0x1f3: {  	(xrf2) =	vadd.scan.msk.f32 $0xffff, v19;
	_ =	sdelay $0x9  }
0x1f4: {  	v19, _, _ =	vpop (xrf2)  }
0x1f5: {  	v19 =	vbroadcast v19, $0xF;
	_ =	sdelay $0x1  }
0x1f6: {  	v21 =	vshra.s32 v19, $0x1;
	v22 =	vmul.f32 $5.000000000e-01, v19  }
0x1f7: {  	v21 =	vsub.s32 $0x5F3759DF, v21  }
0x1f8: {  	v23 =	vmul.f32 v21, v22;
	_ =	sdelay $0x1  }
0x1f9: {  	v23 =	vmul.f32 v21, v23;
	_ =	sdelay $0x1  }
0x1fa: {  	v23 =	vsub.f32 $1.500000000e+00, v23;
	_ =	sdelay $0x1  }
0x1fb: {  	v21 =	vmul.f32 v21, v23;
	_ =	sdelay $0x1  }
0x1fc: {  	v23 =	vmul.f32 v21, v22;
	_ =	sdelay $0x1  }
0x1fd: {  	v23 =	vmul.f32 v23, v21;
	_ =	sdelay $0x1  }
0x1fe: {  	v23 =	vsub.f32 $1.500000000e+00, v23;
	_ =	sdelay $0x1  }
.Ltmp0:
0x1ff: {  	v21 =	vmul.f32 v23, v21;
	(pc) =	sbr.rel @p1 .LBB2_2-.Ltmp0, $3  }
0x200: {  	_ = 	snop  }
0x201: {  	v22 =	vmul.f32 v21, v22;
	_ =	sdelay $0x1  }
0x202: {  	s15 =	sadd.s32 $0x1, s15;
	v22 =	vmul.f32 v22, v21  }
0x203: {  	_ = 	snop  }
0x204: {  	v22 =	vsub.f32 $1.500000000e+00, v22  }
0x205: {  	v23 =	vor.u32 v0, v20  }
0x206: {  	v20 =	vor.u32 v60, v20;
	v21 =	vmul.f32 v22, v21;
	v22 =	vmov s14  }
0x207: {  	v24 =	vshll.u32 v22, $0x4  }
0x208: {  	v24 =	vor.u32 v0, v24;
	v25 =	vmul.f32 v21, v14;
	_ =	sdelay $0x1  }
0x209: {  	[tilespmem:v23+s19+$0x0] =	vst.idx.msk $0xffff, v25  }
0x20a: {  	[tilespmem:v20+s19+$0x0] =	vst.idx.msk $0xffff, v3  }
0x20b: {  	[tilespmem:v16+s29+$0x0] =	vst.idx.msk $0xffff, v18  }
0x20c: {  	v16 =	vld.idx.msk [tilespmem:v24+s29+$0x0], $0xffff;
	_ =	sdelay $0x4  }
0x20d: {  	v25 =	vmul.f32 v16, v16;
	_ =	sdelay $0x1  }
0x20e: {  	(xrf2) =	vadd.scan.msk.f32 $0xffff, v25;
	_ =	sdelay $0x9  }
0x20f: {  	v20, _, _ =	vpop (xrf2)  }
0x210: {  	v20 =	vbroadcast v20, $0xF;
	_ =	sdelay $0x1  }
0x211: {  	v23 =	vshra.s32 v20, $0x1;
	v25 =	vmul.f32 $5.000000000e-01, v20  }
0x212: {  	v23 =	vsub.s32 $0x5F3759DF, v23  }
0x213: {  	v26 =	vmul.f32 v23, v25;
	_ =	sdelay $0x1  }
0x214: {  	v26 =	vmul.f32 v23, v26;
	_ =	sdelay $0x1  }
0x215: {  	v26 =	vsub.f32 $1.500000000e+00, v26;
	_ =	sdelay $0x1  }
0x216: {  	v23 =	vmul.f32 v23, v26;
	_ =	sdelay $0x1  }
0x217: {  	v26 =	vmul.f32 v23, v25;
	_ =	sdelay $0x1  }
0x218: {  	v26 =	vmul.f32 v26, v23;
	_ =	sdelay $0x1  }
0x219: {  	v26 =	vsub.f32 $1.500000000e+00, v26;
	_ =	sdelay $0x1  }
0x21a: {  	v23 =	vmul.f32 v26, v23  }
0x21b: {  	v22 =	vshll.u32 v22, $0x5  }
0x21c: {  	v17 =	vor.u32 v17, v22;
	v25 =	vmul.f32 v23, v25;
	_ =	sdelay $0x1  }
0x21d: {  	v25 =	vmul.f32 v25, v23;
	_ =	sdelay $0x1  }
0x21e: {  	v25 =	vsub.f32 $1.500000000e+00, v25  }
0x21f: {  	v17 =	vld.idx.msk [tilespmem:v17+s10+$0x0], $0xffff  }
0x220: {  	v19 =	vmul.f32 v21, v19;
	v21 =	vmul.f32 v25, v23;
	_ =	sdelay $0x1  }
0x221: {  	v26 =	vmul.f32 v19, v18;
	v23 =	vmul.f32 v21, v20;
	_ =	sdelay $0x1  }
0x222: {  	v19 =	vor.u32 v0, v22;
	v14 =	vsub.f32 v14, v26;
	v25 =	vmul.f32 v23, v17  }
0x223: {  	v26 =	vor.u32 v60, v22  }
0x224: {  	v14 =	vmul.f32 v14, v14;
	v18 =	vsub.f32 v16, v25  }
0x225: {  	v16 =	vmul.f32 v21, v16  }
0x226: {  	v14 =	vadd.f32 v14, v15;
	v25 =	vmul.f32 v18, v18  }
0x227: {  	[tilespmem:v19+s19+$0x0] =	vst.idx.msk $0xffff, v16  }
0x228: {  	[tilespmem:v26+s19+$0x0] =	vst.idx.msk $0xffff, v3;
	v14 =	vadd.f32 v25, v14  }
0x229: {  	[tilespmem:v24+s29+$0x0] =	vst.idx.msk $0xffff, v17  }
0x22a: {  	s15 =	simm.s32 @!p0 $0x15800;
	s16 =	rddreg [dreg:$0x15];
	s14 =	simm.s32 @!p0 $0x0;
	[tilespmem:$0x15800] =	vst v14  }
0x22b: {  	[hbm4b:s16+s14] =	stream.linear.scatter @!p0 [tilespmem:s15], [sflag:$0x2], $0x10, $0x38;
	[tilespmem:$0x1D810] =	vst v63  }
0x22c: {  	s14 =	simm.s32 @!p0 $0x2  }
0x22d: {  	_ =	swait.ge @!p0 [sflag:s14], $0x10  }
0x22e: {  	[sflag:s14] =	ssyncset.done @!p0 $0x0  }
0x22f: {  	[sflag:s14] =	ssyncadd.s32 @!p0 $0xFFFFFFF0  }
0x230: {  	s14 =	simm.s32 $0x0;
	[bflag:$0x0] =	sbarrier.arrive $0xFFFF  }
0x231: {  	[tilespmem:s31], [sflag:$0x2] =	stream.indirect.gather [hbm4b:s21+s0], $0x10, s14, s0, $0xb8;
	[tilespmem:$0x1D810] =	vst v63  }
0x232: {  	_ =	swait.ge [sflag:s28], $0x800  }
0x233: {  	[sflag:s28] =	ssyncset.done $0x0  }
0x234: {  	[sflag:s28] =	ssyncadd.s32 $0xFFFFF800  }
0x235: {  	v26 =	vld.idx.msk [tilespmem:v6+s31+$0x0], $0xffff;
	_ =	sdelay $0x4  }
0x236: {  	[tilespmem:v0+s20+$0x0] =	vst.idx.msk $0xffff, v26  }
0x237: {  	v14 =	vld.idx.msk [tilespmem:v7+s31+$0x0], $0xffff;
	_ =	sdelay $0x4  }
0x238: {  	[tilespmem:v60+s20+$0x0] =	vst.idx.msk $0xffff, v14  }
0x239: {  	v14 =	vld.idx.msk [tilespmem:v8+s31+$0x0], $0xffff;
	_ =	sdelay $0x4  }
0x23a: {  	[tilespmem:v61+s20+$0x0] =	vst.idx.msk $0xffff, v14  }
0x23b: {  	v14 =	vld.idx.msk [tilespmem:v9+s31+$0x0], $0xffff;
	_ =	sdelay $0x4  }
0x23c: {  	[tilespmem:v62+s20+$0x0] =	vst.idx.msk $0xffff, v14  }
0x23d: {  	v14 =	vld.idx.msk [tilespmem:v10+s31+$0x0], $0xffff;
	_ =	sdelay $0x4  }
0x23e: {  	[tilespmem:v1+s20+$0x0] =	vst.idx.msk $0xffff, v14  }
0x23f: {  	v1 =	vld.idx.msk [tilespmem:v11+s31+$0x0], $0xffff;
	_ =	sdelay $0x4  }
0x240: {  	[tilespmem:v2+s20+$0x0] =	vst.idx.msk $0xffff, v1  }
0x241: {  	v1 =	vld.idx.msk [tilespmem:v12+s31+$0x0], $0xffff;
	_ =	sdelay $0x4  }
0x242: {  	[tilespmem:v4+s20+$0x0] =	vst.idx.msk $0xffff, v1  }
0x243: {  	v1 =	vld.idx.msk [tilespmem:v13+s31+$0x0], $0xffff;
	_ =	sdelay $0x4  }
0x244: {  	[tilespmem:v5+s20+$0x0] =	vst.idx.msk $0xffff, v1  }
0x245: {  	[tilespmem:s31], [sflag:$0x2] =	stream.indirect.gather [hbm4b:s21+s0], $0x10, s0, s0, $0xb8;
	[tilespmem:$0x1D810] =	vst v63  }
0x246: {  	_ =	swait.ge [sflag:s28], $0x800  }
0x247: {  	[sflag:s28] =	ssyncset.done $0x0  }
0x248: {  	[sflag:s28] =	ssyncadd.s32 $0xFFFFF800  }
0x249: {  	v1 =	vld.idx.msk [tilespmem:v6+s31+$0x0], $0xffff;
	_ =	sdelay $0x4  }
0x24a: {  	[tilespmem:v52+s20+$0x0] =	vst.idx.msk $0xffff, v1  }
0x24b: {  	v1 =	vld.idx.msk [tilespmem:v7+s31+$0x0], $0xffff;
	_ =	sdelay $0x4  }
0x24c: {  	[tilespmem:v53+s20+$0x0] =	vst.idx.msk $0xffff, v1  }
0x24d: {  	v1 =	vld.idx.msk [tilespmem:v8+s31+$0x0], $0xffff;
	_ =	sdelay $0x4  }
0x24e: {  	[tilespmem:v54+s20+$0x0] =	vst.idx.msk $0xffff, v1  }
0x24f: {  	v1 =	vld.idx.msk [tilespmem:v9+s31+$0x0], $0xffff;
	_ =	sdelay $0x4  }
0x250: {  	[tilespmem:v55+s20+$0x0] =	vst.idx.msk $0xffff, v1  }
0x251: {  	v1 =	vld.idx.msk [tilespmem:v10+s31+$0x0], $0xffff;
	_ =	sdelay $0x4  }
0x252: {  	[tilespmem:v56+s20+$0x0] =	vst.idx.msk $0xffff, v1  }
0x253: {  	v1 =	vld.idx.msk [tilespmem:v11+s31+$0x0], $0xffff;
	_ =	sdelay $0x4  }
0x254: {  	[tilespmem:v57+s20+$0x0] =	vst.idx.msk $0xffff, v1  }
0x255: {  	v1 =	vld.idx.msk [tilespmem:v12+s31+$0x0], $0xffff;
	_ =	sdelay $0x4  }
0x256: {  	[tilespmem:v58+s20+$0x0] =	vst.idx.msk $0xffff, v1  }
0x257: {  	v1 =	vld.idx.msk [tilespmem:v13+s31+$0x0], $0xffff;
	_ =	sdelay $0x4  }
0x258: {  	[tilespmem:v59+s20+$0x0] =	vst.idx.msk $0xffff, v1  }
0x259: {  	[tilespmem:s31], [sflag:$0x2] =	stream.indirect.gather [hbm4b:s21+s0], $0x10, s2, s0, $0xb8;
	[tilespmem:$0x1D810] =	vst v63  }
0x25a: {  	_ =	swait.ge [sflag:s28], $0x800  }
0x25b: {  	[sflag:s28] =	ssyncset.done $0x0  }
0x25c: {  	[sflag:s28] =	ssyncadd.s32 $0xFFFFF800  }
0x25d: {  	v1 =	vld.idx.msk [tilespmem:v6+s31+$0x0], $0xffff;
	_ =	sdelay $0x4  }
0x25e: {  	[tilespmem:v44+s20+$0x0] =	vst.idx.msk $0xffff, v1  }
0x25f: {  	v1 =	vld.idx.msk [tilespmem:v7+s31+$0x0], $0xffff;
	_ =	sdelay $0x4  }
0x260: {  	[tilespmem:v45+s20+$0x0] =	vst.idx.msk $0xffff, v1  }
0x261: {  	v1 =	vld.idx.msk [tilespmem:v8+s31+$0x0], $0xffff;
	_ =	sdelay $0x4  }
0x262: {  	[tilespmem:v46+s20+$0x0] =	vst.idx.msk $0xffff, v1  }
0x263: {  	v1 =	vld.idx.msk [tilespmem:v9+s31+$0x0], $0xffff;
	_ =	sdelay $0x4  }
0x264: {  	[tilespmem:v47+s20+$0x0] =	vst.idx.msk $0xffff, v1  }
0x265: {  	v1 =	vld.idx.msk [tilespmem:v10+s31+$0x0], $0xffff;
	_ =	sdelay $0x4  }
0x266: {  	[tilespmem:v48+s20+$0x0] =	vst.idx.msk $0xffff, v1  }
0x267: {  	v1 =	vld.idx.msk [tilespmem:v11+s31+$0x0], $0xffff;
	_ =	sdelay $0x4  }
0x268: {  	[tilespmem:v49+s20+$0x0] =	vst.idx.msk $0xffff, v1  }
0x269: {  	v1 =	vld.idx.msk [tilespmem:v12+s31+$0x0], $0xffff;
	_ =	sdelay $0x4  }
0x26a: {  	[tilespmem:v50+s20+$0x0] =	vst.idx.msk $0xffff, v1  }
0x26b: {  	v1 =	vld.idx.msk [tilespmem:v13+s31+$0x0], $0xffff;
	_ =	sdelay $0x4  }
0x26c: {  	[tilespmem:v51+s20+$0x0] =	vst.idx.msk $0xffff, v1  }
0x26d: {  	[tilespmem:s31], [sflag:$0x2] =	stream.indirect.gather [hbm4b:s21+s0], $0x10, s5, s0, $0xb8;
	[tilespmem:$0x1D810] =	vst v63  }
0x26e: {  	_ =	swait.ge [sflag:s28], $0x800  }
0x26f: {  	[sflag:s28] =	ssyncset.done $0x0  }
0x270: {  	[sflag:s28] =	ssyncadd.s32 $0xFFFFF800  }
0x271: {  	v1 =	vld.idx.msk [tilespmem:v6+s31+$0x0], $0xffff;
	_ =	sdelay $0x4  }
0x272: {  	[tilespmem:v36+s20+$0x0] =	vst.idx.msk $0xffff, v1  }
0x273: {  	v1 =	vld.idx.msk [tilespmem:v7+s31+$0x0], $0xffff;
	_ =	sdelay $0x4  }
0x274: {  	[tilespmem:v37+s20+$0x0] =	vst.idx.msk $0xffff, v1  }
0x275: {  	v1 =	vld.idx.msk [tilespmem:v8+s31+$0x0], $0xffff;
	_ =	sdelay $0x4  }
0x276: {  	[tilespmem:v38+s20+$0x0] =	vst.idx.msk $0xffff, v1  }
0x277: {  	v1 =	vld.idx.msk [tilespmem:v9+s31+$0x0], $0xffff;
	_ =	sdelay $0x4  }
0x278: {  	[tilespmem:v39+s20+$0x0] =	vst.idx.msk $0xffff, v1  }
0x279: {  	v1 =	vld.idx.msk [tilespmem:v10+s31+$0x0], $0xffff;
	_ =	sdelay $0x4  }
0x27a: {  	[tilespmem:v40+s20+$0x0] =	vst.idx.msk $0xffff, v1  }
0x27b: {  	v1 =	vld.idx.msk [tilespmem:v11+s31+$0x0], $0xffff;
	_ =	sdelay $0x4  }
0x27c: {  	[tilespmem:v41+s20+$0x0] =	vst.idx.msk $0xffff, v1  }
0x27d: {  	v1 =	vld.idx.msk [tilespmem:v12+s31+$0x0], $0xffff;
	_ =	sdelay $0x4  }
0x27e: {  	[tilespmem:v42+s20+$0x0] =	vst.idx.msk $0xffff, v1  }
0x27f: {  	v1 =	vld.idx.msk [tilespmem:v13+s31+$0x0], $0xffff;
	_ =	sdelay $0x4  }
0x280: {  	[tilespmem:v43+s20+$0x0] =	vst.idx.msk $0xffff, v1  }
0x281: {  	[tilespmem:s31], [sflag:$0x2] =	stream.indirect.gather [hbm4b:s21+s0], $0x10, s6, s0, $0xb8;
	[tilespmem:$0x1D810] =	vst v63  }
0x282: {  	_ =	swait.ge [sflag:s28], $0x800  }
0x283: {  	[sflag:s28] =	ssyncset.done $0x0  }
0x284: {  	[sflag:s28] =	ssyncadd.s32 $0xFFFFF800  }
0x285: {  	v1 =	vld.idx.msk [tilespmem:v6+s31+$0x0], $0xffff;
	_ =	sdelay $0x4  }
0x286: {  	[tilespmem:v28+s20+$0x0] =	vst.idx.msk $0xffff, v1  }
0x287: {  	v1 =	vld.idx.msk [tilespmem:v7+s31+$0x0], $0xffff;
	_ =	sdelay $0x4  }
0x288: {  	[tilespmem:v29+s20+$0x0] =	vst.idx.msk $0xffff, v1  }
0x289: {  	v1 =	vld.idx.msk [tilespmem:v8+s31+$0x0], $0xffff;
	_ =	sdelay $0x4  }
0x28a: {  	[tilespmem:v30+s20+$0x0] =	vst.idx.msk $0xffff, v1  }
0x28b: {  	v1 =	vld.idx.msk [tilespmem:v9+s31+$0x0], $0xffff;
	_ =	sdelay $0x4  }
0x28c: {  	[tilespmem:v31+s20+$0x0] =	vst.idx.msk $0xffff, v1  }
0x28d: {  	v1 =	vld.idx.msk [tilespmem:v10+s31+$0x0], $0xffff;
	_ =	sdelay $0x4  }
0x28e: {  	[tilespmem:v32+s20+$0x0] =	vst.idx.msk $0xffff, v1  }
0x28f: {  	v1 =	vld.idx.msk [tilespmem:v11+s31+$0x0], $0xffff;
	_ =	sdelay $0x4  }
0x290: {  	[tilespmem:v33+s20+$0x0] =	vst.idx.msk $0xffff, v1  }
0x291: {  	v1 =	vld.idx.msk [tilespmem:v12+s31+$0x0], $0xffff;
	_ =	sdelay $0x4  }
0x292: {  	[tilespmem:v34+s20+$0x0] =	vst.idx.msk $0xffff, v1  }
0x293: {  	v1 =	vld.idx.msk [tilespmem:v13+s31+$0x0], $0xffff;
	_ =	sdelay $0x4  }
0x294: {  	[tilespmem:v35+s20+$0x0] =	vst.idx.msk $0xffff, v1  }
0x295: {  	[tilespmem:s31], [sflag:$0x2] =	stream.indirect.gather [hbm4b:s21+s0], $0x10, s7, s0, $0xb8;
	[tilespmem:$0x1D810] =	vst v63  }
0x296: {  	_ =	swait.ge [sflag:s28], $0x800  }
0x297: {  	v2 =	vld [tilespmem:$0x1FA90]  }
0x298: {  	[sflag:s28] =	ssyncset.done $0x0  }
0x299: {  	[sflag:s28] =	ssyncadd.s32 $0xFFFFF800  }
0x29a: {  	v1 =	vld.idx.msk [tilespmem:v6+s31+$0x0], $0xffff;
	_ =	sdelay $0x4  }
0x29b: {  	[tilespmem:v2+s20+$0x0] =	vst.idx.msk $0xffff, v1;
	v2 =	vld [tilespmem:$0x1FAA0];
	_ =	sdelay $0x2  }
0x29c: {  	v1 =	vld.idx.msk [tilespmem:v7+s31+$0x0], $0xffff;
	_ =	sdelay $0x4  }
0x29d: {  	[tilespmem:v2+s20+$0x0] =	vst.idx.msk $0xffff, v1;
	v2 =	vld [tilespmem:$0x1FAB0];
	_ =	sdelay $0x2  }
0x29e: {  	v1 =	vld.idx.msk [tilespmem:v8+s31+$0x0], $0xffff;
	_ =	sdelay $0x4  }
0x29f: {  	[tilespmem:v2+s20+$0x0] =	vst.idx.msk $0xffff, v1;
	v2 =	vld [tilespmem:$0x1FAC0];
	_ =	sdelay $0x2  }
0x2a0: {  	v1 =	vld.idx.msk [tilespmem:v9+s31+$0x0], $0xffff;
	_ =	sdelay $0x4  }
0x2a1: {  	[tilespmem:v2+s20+$0x0] =	vst.idx.msk $0xffff, v1;
	v2 =	vld [tilespmem:$0x1FAD0];
	_ =	sdelay $0x2  }
0x2a2: {  	v1 =	vld.idx.msk [tilespmem:v10+s31+$0x0], $0xffff;
	_ =	sdelay $0x4  }
0x2a3: {  	[tilespmem:v2+s20+$0x0] =	vst.idx.msk $0xffff, v1;
	v2 =	vld [tilespmem:$0x1FAE0];
	_ =	sdelay $0x2  }
0x2a4: {  	v1 =	vld.idx.msk [tilespmem:v11+s31+$0x0], $0xffff;
	_ =	sdelay $0x4  }
0x2a5: {  	[tilespmem:v2+s20+$0x0] =	vst.idx.msk $0xffff, v1;
	v2 =	vld [tilespmem:$0x1FAF0];
	_ =	sdelay $0x2  }
0x2a6: {  	v1 =	vld.idx.msk [tilespmem:v12+s31+$0x0], $0xffff;
	_ =	sdelay $0x4  }
0x2a7: {  	[tilespmem:v2+s20+$0x0] =	vst.idx.msk $0xffff, v1  }
0x2a8: {  	v1 =	vld.idx.msk [tilespmem:v13+s31+$0x0], $0xffff;
	_ =	sdelay $0x4  }
0x2a9: {  	[tilespmem:v27+s20+$0x0] =	vst.idx.msk $0xffff, v1  }
0x2aa: {  	[tilespmem:s31], [sflag:$0x2] =	stream.indirect.gather [hbm4b:s21+s0], $0x10, s8, s0, $0xb8;
	[tilespmem:$0x1D810] =	vst v63  }
0x2ab: {  	_ =	swait.ge [sflag:s28], $0x800  }
0x2ac: {  	v2 =	vld [tilespmem:$0x1FB00]  }
0x2ad: {  	[sflag:s28] =	ssyncset.done $0x0  }
0x2ae: {  	[sflag:s28] =	ssyncadd.s32 $0xFFFFF800  }
0x2af: {  	v1 =	vld.idx.msk [tilespmem:v6+s31+$0x0], $0xffff;
	_ =	sdelay $0x4  }
0x2b0: {  	[tilespmem:v2+s20+$0x0] =	vst.idx.msk $0xffff, v1;
	v2 =	vld [tilespmem:$0x1FB10];
	_ =	sdelay $0x2  }
0x2b1: {  	v1 =	vld.idx.msk [tilespmem:v7+s31+$0x0], $0xffff;
	_ =	sdelay $0x4  }
0x2b2: {  	[tilespmem:v2+s20+$0x0] =	vst.idx.msk $0xffff, v1;
	v2 =	vld [tilespmem:$0x1FB20];
	_ =	sdelay $0x2  }
0x2b3: {  	v1 =	vld.idx.msk [tilespmem:v8+s31+$0x0], $0xffff;
	_ =	sdelay $0x4  }
0x2b4: {  	[tilespmem:v2+s20+$0x0] =	vst.idx.msk $0xffff, v1;
	v2 =	vld [tilespmem:$0x1FB30];
	_ =	sdelay $0x2  }
0x2b5: {  	v1 =	vld.idx.msk [tilespmem:v9+s31+$0x0], $0xffff;
	_ =	sdelay $0x4  }
0x2b6: {  	[tilespmem:v2+s20+$0x0] =	vst.idx.msk $0xffff, v1;
	v2 =	vld [tilespmem:$0x1FB40];
	_ =	sdelay $0x2  }
0x2b7: {  	v1 =	vld.idx.msk [tilespmem:v10+s31+$0x0], $0xffff;
	_ =	sdelay $0x4  }
0x2b8: {  	[tilespmem:v2+s20+$0x0] =	vst.idx.msk $0xffff, v1;
	v2 =	vld [tilespmem:$0x1FB50];
	_ =	sdelay $0x2  }
0x2b9: {  	v1 =	vld.idx.msk [tilespmem:v11+s31+$0x0], $0xffff;
	_ =	sdelay $0x4  }
0x2ba: {  	[tilespmem:v2+s20+$0x0] =	vst.idx.msk $0xffff, v1;
	v2 =	vld [tilespmem:$0x1FB60];
	_ =	sdelay $0x2  }
0x2bb: {  	v1 =	vld.idx.msk [tilespmem:v12+s31+$0x0], $0xffff;
	_ =	sdelay $0x4  }
0x2bc: {  	[tilespmem:v2+s20+$0x0] =	vst.idx.msk $0xffff, v1;
	v2 =	vld [tilespmem:$0x1FB70];
	_ =	sdelay $0x2  }
0x2bd: {  	v1 =	vld.idx.msk [tilespmem:v13+s31+$0x0], $0xffff;
	_ =	sdelay $0x4  }
0x2be: {  	[tilespmem:v2+s20+$0x0] =	vst.idx.msk $0xffff, v1  }
0x2bf: {  	[tilespmem:s31], [sflag:$0x2] =	stream.indirect.gather [hbm4b:s21+s0], $0x10, s9, s0, $0xb8;
	[tilespmem:$0x1D810] =	vst v63  }
0x2c0: {  	_ =	swait.ge [sflag:s28], $0x800  }
0x2c1: {  	v2 =	vld [tilespmem:$0x1FB80]  }
0x2c2: {  	[sflag:s28] =	ssyncset.done $0x0  }
0x2c3: {  	[sflag:s28] =	ssyncadd.s32 $0xFFFFF800  }
0x2c4: {  	v1 =	vld.idx.msk [tilespmem:v6+s31+$0x0], $0xffff;
	_ =	sdelay $0x4  }
0x2c5: {  	[tilespmem:v2+s20+$0x0] =	vst.idx.msk $0xffff, v1;
	v2 =	vld [tilespmem:$0x1FB90];
	_ =	sdelay $0x2  }
0x2c6: {  	v1 =	vld.idx.msk [tilespmem:v7+s31+$0x0], $0xffff;
	_ =	sdelay $0x4  }
0x2c7: {  	[tilespmem:v2+s20+$0x0] =	vst.idx.msk $0xffff, v1;
	v2 =	vld [tilespmem:$0x1FBA0];
	_ =	sdelay $0x2  }
0x2c8: {  	v1 =	vld.idx.msk [tilespmem:v8+s31+$0x0], $0xffff;
	_ =	sdelay $0x4  }
0x2c9: {  	[tilespmem:v2+s20+$0x0] =	vst.idx.msk $0xffff, v1;
	v2 =	vld [tilespmem:$0x1FBB0];
	_ =	sdelay $0x2  }
0x2ca: {  	v1 =	vld.idx.msk [tilespmem:v9+s31+$0x0], $0xffff;
	_ =	sdelay $0x4  }
0x2cb: {  	[tilespmem:v2+s20+$0x0] =	vst.idx.msk $0xffff, v1;
	v2 =	vld [tilespmem:$0x1FBC0];
	_ =	sdelay $0x2  }
0x2cc: {  	v1 =	vld.idx.msk [tilespmem:v10+s31+$0x0], $0xffff;
	_ =	sdelay $0x4  }
0x2cd: {  	[tilespmem:v2+s20+$0x0] =	vst.idx.msk $0xffff, v1;
	v2 =	vld [tilespmem:$0x1FBD0];
	_ =	sdelay $0x2  }
0x2ce: {  	v1 =	vld.idx.msk [tilespmem:v11+s31+$0x0], $0xffff;
	_ =	sdelay $0x4  }
0x2cf: {  	[tilespmem:v2+s20+$0x0] =	vst.idx.msk $0xffff, v1;
	v2 =	vld [tilespmem:$0x1FBE0];
	_ =	sdelay $0x2  }
0x2d0: {  	v1 =	vld.idx.msk [tilespmem:v12+s31+$0x0], $0xffff;
	_ =	sdelay $0x4  }
0x2d1: {  	[tilespmem:v2+s20+$0x0] =	vst.idx.msk $0xffff, v1;
	v2 =	vld [tilespmem:$0x1FBF0];
	_ =	sdelay $0x2  }
0x2d2: {  	v1 =	vld.idx.msk [tilespmem:v13+s31+$0x0], $0xffff;
	_ =	sdelay $0x4  }
0x2d3: {  	[tilespmem:v2+s20+$0x0] =	vst.idx.msk $0xffff, v1  }
0x2d4: {  	[spmem:s3] =	stream.indirect.scatter.add.f32 [tilespmem:s19], [sflag:$0x2], $0x20, s20, s0, $0xb8;
	[tilespmem:$0x1D810] =	vst v63  }
0x2d5: {  	_ =	swait.ge [sflag:s28], $0x1000  }
0x2d6: {  	[sflag:s28] =	ssyncset.done $0x0  }
0x2d7: {  	s16 =	simm.s32 $0xD800;
	[sflag:s28] =	ssyncadd.s32 $0xFFFFF000  }
0x2d8: {  	[spmem:s3] =	stream.indirect.scatter.add.f32 [tilespmem:s16], [sflag:$0x2], $0x20, s22, s0, $0xb8;
	[tilespmem:$0x1D810] =	vst v63  }
0x2d9: {  	_ =	swait.ge [sflag:s28], $0x1000  }
0x2da: {  	[sflag:s28] =	ssyncset.done $0x0  }
0x2db: {  	s16 =	simm.s32 $0xE800;
	[sflag:s28] =	ssyncadd.s32 $0xFFFFF000  }
0x2dc: {  	[spmem:s3] =	stream.indirect.scatter.add.f32 [tilespmem:s16], [sflag:$0x2], $0x20, s23, s0, $0xb8;
	[tilespmem:$0x1D810] =	vst v63  }
0x2dd: {  	_ =	swait.ge [sflag:s28], $0x1000  }
0x2de: {  	[sflag:s28] =	ssyncset.done $0x0  }
0x2df: {  	s16 =	simm.s32 $0xF800;
	[sflag:s28] =	ssyncadd.s32 $0xFFFFF000  }
0x2e0: {  	[spmem:s3] =	stream.indirect.scatter.add.f32 [tilespmem:s16], [sflag:$0x2], $0x20, s24, s0, $0xb8;
	[tilespmem:$0x1D810] =	vst v63  }
0x2e1: {  	_ =	swait.ge [sflag:s28], $0x1000  }
0x2e2: {  	[sflag:s28] =	ssyncset.done $0x0  }
0x2e3: {  	s16 =	simm.s32 $0x10800;
	[sflag:s28] =	ssyncadd.s32 $0xFFFFF000  }
0x2e4: {  	[spmem:s3] =	stream.indirect.scatter.add.f32 [tilespmem:s16], [sflag:$0x2], $0x20, s25, s0, $0xb8;
	[tilespmem:$0x1D810] =	vst v63  }
0x2e5: {  	_ =	swait.ge [sflag:s28], $0x1000  }
0x2e6: {  	[sflag:s28] =	ssyncset.done $0x0  }
0x2e7: {  	s16 =	simm.s32 $0x11800;
	[sflag:s28] =	ssyncadd.s32 $0xFFFFF000  }
0x2e8: {  	[spmem:s3] =	stream.indirect.scatter.add.f32 [tilespmem:s16], [sflag:$0x2], $0x20, s26, s0, $0xb8;
	[tilespmem:$0x1D810] =	vst v63  }
0x2e9: {  	_ =	swait.ge [sflag:s28], $0x1000  }
0x2ea: {  	[sflag:s28] =	ssyncset.done $0x0  }
0x2eb: {  	s16 =	simm.s32 $0x12800;
	[sflag:s28] =	ssyncadd.s32 $0xFFFFF000  }
0x2ec: {  	[spmem:s3] =	stream.indirect.scatter.add.f32 [tilespmem:s16], [sflag:$0x2], $0x20, s11, s0, $0xb8;
	[tilespmem:$0x1D810] =	vst v63  }
0x2ed: {  	_ =	swait.ge [sflag:s28], $0x1000  }
0x2ee: {  	[sflag:s28] =	ssyncset.done $0x0  }
0x2ef: {  	s16 =	simm.s32 $0x13800;
	[sflag:s28] =	ssyncadd.s32 $0xFFFFF000  }
0x2f0: {  	[spmem:s3] =	stream.indirect.scatter.add.f32 [tilespmem:s16], [sflag:$0x2], $0x20, s12, s0, $0xb8;
	[tilespmem:$0x1D810] =	vst v63  }
0x2f1: {  	_ =	swait.ge [sflag:s28], $0x1000  }
0x2f2: {  	[sflag:s28] =	ssyncset.done $0x0  }
0x2f3: {  	[sflag:s28] =	ssyncadd.s32 $0xFFFFF000  }
0x2f4: {  	[bflag:$0x0] =	sbarrier.arrive $0xFFFF  }
0x2f5: {  	[tilespmem:s10], [sflag:$0x2] =	stream.indirect.gather [spmem:s3], $0x20, s20, s0, $0xb8;
	[tilespmem:$0x1D810] =	vst v63  }
0x2f6: {  	_ =	swait.ge [sflag:s28], $0x1000  }
0x2f7: {  	[sflag:s28] =	ssyncset.done $0x0  }
0x2f8: {  	s16 =	simm.s32 $0x5800;
	[sflag:s28] =	ssyncadd.s32 $0xFFFFF000  }
0x2f9: {  	[tilespmem:s16], [sflag:$0x2] =	stream.indirect.gather [spmem:s3], $0x20, s22, s0, $0xb8;
	[tilespmem:$0x1D810] =	vst v63  }
0x2fa: {  	_ =	swait.ge [sflag:s28], $0x1000  }
0x2fb: {  	[sflag:s28] =	ssyncset.done $0x0  }
0x2fc: {  	s16 =	simm.s32 $0x6800;
	[sflag:s28] =	ssyncadd.s32 $0xFFFFF000  }
0x2fd: {  	[tilespmem:s16], [sflag:$0x2] =	stream.indirect.gather [spmem:s3], $0x20, s23, s0, $0xb8;
	[tilespmem:$0x1D810] =	vst v63  }
0x2fe: {  	_ =	swait.ge [sflag:s28], $0x1000  }
0x2ff: {  	[sflag:s28] =	ssyncset.done $0x0  }
0x300: {  	s16 =	simm.s32 $0x7800;
	[sflag:s28] =	ssyncadd.s32 $0xFFFFF000  }
0x301: {  	[tilespmem:s16], [sflag:$0x2] =	stream.indirect.gather [spmem:s3], $0x20, s24, s0, $0xb8;
	[tilespmem:$0x1D810] =	vst v63  }
0x302: {  	_ =	swait.ge [sflag:s28], $0x1000  }
0x303: {  	[sflag:s28] =	ssyncset.done $0x0  }
0x304: {  	s16 =	simm.s32 $0x8800;
	[sflag:s28] =	ssyncadd.s32 $0xFFFFF000  }
0x305: {  	[tilespmem:s16], [sflag:$0x2] =	stream.indirect.gather [spmem:s3], $0x20, s25, s0, $0xb8;
	[tilespmem:$0x1D810] =	vst v63  }
0x306: {  	_ =	swait.ge [sflag:s28], $0x1000  }
0x307: {  	[sflag:s28] =	ssyncset.done $0x0  }
0x308: {  	s16 =	simm.s32 $0x9800;
	[sflag:s28] =	ssyncadd.s32 $0xFFFFF000  }
0x309: {  	[tilespmem:s16], [sflag:$0x2] =	stream.indirect.gather [spmem:s3], $0x20, s26, s0, $0xb8;
	[tilespmem:$0x1D810] =	vst v63  }
0x30a: {  	_ =	swait.ge [sflag:s28], $0x1000  }
0x30b: {  	[sflag:s28] =	ssyncset.done $0x0  }
0x30c: {  	s16 =	simm.s32 $0xA800;
	[sflag:s28] =	ssyncadd.s32 $0xFFFFF000  }
0x30d: {  	[tilespmem:s16], [sflag:$0x2] =	stream.indirect.gather [spmem:s3], $0x20, s11, s0, $0xb8;
	[tilespmem:$0x1D810] =	vst v63  }
0x30e: {  	v1 =	vmov s14;
	_ =	swait.ge [sflag:s28], $0x1000  }
0x30f: {  	v2 =	vshll.u32 v1, $0x5;
	[sflag:s28] =	ssyncset.done $0x0  }
0x310: {  	v4 =	vor.u32 $0x10, v2;
	[sflag:s28] =	ssyncadd.s32 $0xFFFFF000  }
0x311: {  	[tilespmem:s17], [sflag:$0x2] =	stream.indirect.gather [spmem:s3], $0x20, s12, s0, $0xb8;
	[tilespmem:$0x1D810] =	vst v63  }
0x312: {  	_ =	swait.ge [sflag:s28], $0x1000  }
0x313: {  	[sflag:s28] =	ssyncset.done $0x0  }
0x314: {  	[sflag:s28] =	ssyncadd.s32 $0xFFFFF000  }
0x315: {  	v4 =	vld.idx.msk [tilespmem:v4+s10+$0x0], $0xffff;
	_ =	sdelay $0x4  }
0x316: {  	v2 =	vor.u32 v0, v2;
	(erf) = vrcp.f32 v4  }
0x317: {  	v1 =	vshll.u32 v1, $0x4  }
0x318: {  	v1 =	vor.u32 v0, v1;
	_ =	sdelay $0x2  }
0x319: {  	v2 =	vld.idx.msk [tilespmem:v2+s10+$0x0], $0xffff;
	_ =	sdelay $0x1  }
0x31a: {  	v4 =	vld.idx.msk [tilespmem:v1+s29+$0x0], $0xffff;
	_ =	sdelay $0x1  }
0x31b: {  	v5 =	vpop (erf)  }
0x31c: {  	v2 =	vmul.f32 v5, v2;
	_ =	sdelay $0x1  }
0x31d: {  	v2 =	vsub.f32 v4, v2;
	_ =	sdelay $0x1  }
0x31e: {  	v2 =	vmul.f32 $5.000000000e-01, v2;
	_ =	sdelay $0x1  }
0x31f: {  	v2 =	vsub.f32 v4, v2;
	_ =	sdelay $0x1  }
0x320: {  	v4 =	vmul.f32 v2, v2;
	_ =	sdelay $0x1  }
0x321: {  	(xrf2) =	vadd.scan.msk.f32 $0xffff, v4;
	_ =	sdelay $0x9  }
0x322: {  	v4, _, _ =	vpop (xrf2)  }
0x323: {  	v4 =	vbroadcast v4, $0xF;
	_ =	sdelay $0x1  }
0x324: {  	v5 =	vshra.s32 v4, $0x1;
	v4 =	vmul.f32 $5.000000000e-01, v4  }
0x325: {  	v5 =	vsub.s32 $0x5F3759DF, v5  }
0x326: {  	v6 =	vmul.f32 v5, v4;
	_ =	sdelay $0x1  }
0x327: {  	v6 =	vmul.f32 v5, v6;
	_ =	sdelay $0x1  }
0x328: {  	v6 =	vsub.f32 $1.500000000e+00, v6;
	_ =	sdelay $0x1  }
0x329: {  	v5 =	vmul.f32 v5, v6;
	_ =	sdelay $0x1  }
0x32a: {  	v6 =	vmul.f32 v5, v4;
	_ =	sdelay $0x1  }
0x32b: {  	v6 =	vmul.f32 v6, v5;
	_ =	sdelay $0x1  }
0x32c: {  	v6 =	vsub.f32 $1.500000000e+00, v6;
	_ =	sdelay $0x1  }
0x32d: {  	v5 =	vmul.f32 v6, v5;
	_ =	sdelay $0x1  }
0x32e: {  	v4 =	vmul.f32 v5, v4;
	_ =	sdelay $0x1  }
0x32f: {  	v4 =	vmul.f32 v4, v5;
	_ =	sdelay $0x1  }
0x330: {  	s16 =	simm.s32 $0x1;
	v6 =	vsub.f32 $1.500000000e+00, v4  }
0x331: {  	s14 =	simm.s32 $0x2;
	v4 =	vmov s16  }
.LBB2_4:
0x332: {  	p1 =	sne.s32 s14, $0x3FF;
	v7 =	vshll.u32 v4, $0x5;
	v5 =	vmul.f32 v6, v5  }
0x333: {  	v6 =	vor.u32 $0x10, v7  }
0x334: {  	v5 =	vmin.f32 v5, $9.999999950e+11  }
0x335: {  	v2 =	vmul.f32 v5, v2;
	_ =	sdelay $0x1  }
0x336: {  	[tilespmem:v1+s29+$0x0] =	vst.idx.msk $0xffff, v2  }
0x337: {  	v1 =	vld.idx.msk [tilespmem:v6+s10+$0x0], $0xffff;
	_ =	sdelay $0x4  }
0x338: {  	v2 =	vor.u32 v0, v7  }
0x339: {  	v4 =	vshll.u32 v4, $0x4;
	(erf) = vrcp.f32 v1  }
0x33a: {  	v1 =	vor.u32 v0, v4;
	_ =	sdelay $0x2  }
0x33b: {  	v2 =	vld.idx.msk [tilespmem:v2+s10+$0x0], $0xffff;
	_ =	sdelay $0x1  }
0x33c: {  	v4 =	vld.idx.msk [tilespmem:v1+s29+$0x0], $0xffff;
	_ =	sdelay $0x2  }
0x33d: {  	v5 =	vpop (erf)  }
0x33e: {  	v2 =	vmul.f32 v5, v2;
	_ =	sdelay $0x1  }
0x33f: {  	v2 =	vsub.f32 v4, v2;
	_ =	sdelay $0x1  }
0x340: {  	v2 =	vmul.f32 $5.000000000e-01, v2;
	_ =	sdelay $0x1  }
0x341: {  	v2 =	vsub.f32 v4, v2;
	_ =	sdelay $0x1  }
0x342: {  	v4 =	vmul.f32 v2, v2;
	_ =	sdelay $0x1  }
0x343: {  	(xrf2) =	vadd.scan.msk.f32 $0xffff, v4;
	_ =	sdelay $0x9  }
0x344: {  	v4, _, _ =	vpop (xrf2)  }
0x345: {  	v4 =	vbroadcast v4, $0xF;
	_ =	sdelay $0x1  }
0x346: {  	v5 =	vshra.s32 v4, $0x1;
	v4 =	vmul.f32 $5.000000000e-01, v4  }
0x347: {  	v5 =	vsub.s32 $0x5F3759DF, v5  }
0x348: {  	v6 =	vmul.f32 v5, v4;
	_ =	sdelay $0x1  }
0x349: {  	v6 =	vmul.f32 v5, v6;
	_ =	sdelay $0x1  }
0x34a: {  	v6 =	vsub.f32 $1.500000000e+00, v6;
	_ =	sdelay $0x1  }
0x34b: {  	v5 =	vmul.f32 v5, v6;
	_ =	sdelay $0x1  }
0x34c: {  	v6 =	vmul.f32 v5, v4;
	_ =	sdelay $0x1  }
0x34d: {  	v6 =	vmul.f32 v6, v5;
	_ =	sdelay $0x1  }
0x34e: {  	v6 =	vsub.f32 $1.500000000e+00, v6;
	_ =	sdelay $0x1  }
0x34f: {  	v5 =	vmul.f32 v6, v5;
	_ =	sdelay $0x1  }
0x350: {  	v4 =	vmul.f32 v5, v4  }
.Ltmp1:
0x351: {  	(pc) =	sbr.rel @p1 .LBB2_4-.Ltmp1, $3  }
0x352: {  	v4 =	vmul.f32 v4, v5;
	_ =	sdelay $0x1  }
0x353: {  	v6 =	vsub.f32 $1.500000000e+00, v4  }
0x354: {  	v4 =	vmov s14;
	s14 =	sadd.s32 $0x1, s14  }
0x355: {  	v7 =	vshll.u32 v4, $0x5;
	v5 =	vmul.f32 v6, v5  }
0x356: {  	v61 =	vor.u32 $0x10, v7  }
0x357: {  	v5 =	vmin.f32 v5, $9.999999950e+11  }
0x358: {  	v2 =	vmul.f32 v5, v2;
	_ =	sdelay $0x1  }
0x359: {  	[tilespmem:v1+s29+$0x0] =	vst.idx.msk $0xffff, v2  }
0x35a: {  	v1 =	vld.idx.msk [tilespmem:v61+s10+$0x0], $0xffff;
	_ =	sdelay $0x4  }
0x35b: {  	v2 =	vor.u32 v0, v7;
	(erf) = vrcp.f32 v1  }
0x35c: {  	v1 =	vshll.u32 v4, $0x4  }
0x35d: {  	v1 =	vor.u32 v0, v1;
	_ =	sdelay $0x2  }
0x35e: {  	v2 =	vld.idx.msk [tilespmem:v2+s10+$0x0], $0xffff;
	_ =	sdelay $0x1  }
0x35f: {  	v4 =	vld.idx.msk [tilespmem:v1+s29+$0x0], $0xffff;
	_ =	sdelay $0x1  }
0x360: {  	v5 =	vpop (erf)  }
0x361: {  	v2 =	vmul.f32 v5, v2;
	_ =	sdelay $0x1  }
0x362: {  	v2 =	vsub.f32 v4, v2;
	_ =	sdelay $0x1  }
0x363: {  	v2 =	vmul.f32 $5.000000000e-01, v2;
	_ =	sdelay $0x1  }
0x364: {  	v2 =	vsub.f32 v4, v2;
	_ =	sdelay $0x1  }
0x365: {  	v4 =	vmul.f32 v2, v2;
	_ =	sdelay $0x1  }
0x366: {  	(xrf2) =	vadd.scan.msk.f32 $0xffff, v4;
	_ =	sdelay $0x9  }
0x367: {  	v4, _, _ =	vpop (xrf2)  }
0x368: {  	v4 =	vbroadcast v4, $0xF;
	_ =	sdelay $0x1  }
0x369: {  	v5 =	vshra.s32 v4, $0x1;
	v4 =	vmul.f32 $5.000000000e-01, v4  }
0x36a: {  	v5 =	vsub.s32 $0x5F3759DF, v5  }
0x36b: {  	v62 =	vmul.f32 v5, v4;
	_ =	sdelay $0x1  }
0x36c: {  	v6 =	vmul.f32 v5, v62;
	_ =	sdelay $0x1  }
0x36d: {  	v6 =	vsub.f32 $1.500000000e+00, v6;
	_ =	sdelay $0x1  }
0x36e: {  	v5 =	vmul.f32 v5, v6;
	_ =	sdelay $0x1  }
0x36f: {  	v6 =	vmul.f32 v5, v4;
	_ =	sdelay $0x1  }
0x370: {  	v6 =	vmul.f32 v6, v5;
	_ =	sdelay $0x1  }
0x371: {  	v6 =	vsub.f32 $1.500000000e+00, v6;
	_ =	sdelay $0x1  }
0x372: {  	v5 =	vmul.f32 v6, v5;
	_ =	sdelay $0x1  }
0x373: {  	v4 =	vmul.f32 v5, v4;
	_ =	sdelay $0x1  }
0x374: {  	v4 =	vmul.f32 v4, v5;
	_ =	sdelay $0x1  }
0x375: {  	v4 =	vsub.f32 $1.500000000e+00, v4;
	_ =	sdelay $0x1  }
0x376: {  	v4 =	vmul.f32 v4, v5;
	_ =	sdelay $0x1  }
0x377: {  	v4 =	vmin.f32 v4, $9.999999950e+11  }
0x378: {  	v2 =	vmul.f32 v4, v2;
	_ =	sdelay $0x1  }
0x379: {  	s14 =	simm.s32 @!p0 $0x0;
	s15 =	simm.s32 @!p0 $0x800;
	s16 =	rddreg [dreg:$0x17];
	[tilespmem:v1+s29+$0x0] =	vst.idx.msk $0xffff, v2  }
0x37a: {  	[hbm4b:s16+s14] =	stream.linear.scatter @!p0 [tilespmem:s15], [sflag:$0x2], $0x4000, $0x38;
	[tilespmem:$0x1D810] =	vst v63  }
0x37b: {  	s14 =	simm.s32 @!p0 $0x2  }
0x37c: {  	_ =	swait.ge @!p0 [sflag:s14], $0x4000  }
0x37d: {  	s13 =	sadd.s32 $0x1, s13;
	s16 =	rddreg [dreg:$0x18]  }
0x37e: {  	p1 =	sne.s32 s13, s16  }
.Ltmp2:
0x37f: {  	_ = 	snop;
	(pc) =	sbr.rel @p1 .LBB2_1-.Ltmp2, $3  }
0x380: {  	_ =	sdelay $0x1  }
0x381: {  	[sflag:s14] =	ssyncset.done @!p0 $0x0  }
0x382: {  	[sflag:s14] =	ssyncadd.s32 @!p0 $0xFFFFC000  }
0x383: {  	_ =	sfence.sel $0x180000  }
0x384: {  	[bflag:$0x0] =	sbarrier.arrive $0xFFFF  }
0x385: {  	_ =	strace $0x9000004D  }
0x386: {  	s0 =	stileid.u32;
	[bflag:$0x2] =	sbarrier.arrive $0xFFFF  }
0x387: {  	p0 =	sne.s32 s0, $0x0;
	s0 =	rddreg [dreg:$0x3]  }
0x388: {  	s0 =	sadd.s32 @!p0 $0x100000, s0  }
0x389: {  	[sflag:s0] =	ssyncadd.tile.s32 @!p0 $0x1;
	_ =	shalt  }
.Lfunc_end2:
_tile_overlayer_lowered:
.L_overlay_start_2:
0x38a: {  	(tag) =	ssettag $0x2  }
0x38b: {  	s0 =	rddreg [dreg:$0x0];
	s2 =	stileid.u32  }
0x38c: {  	s1 =	rddreg [dreg:$0x1];
	p0 =	sne.s32 s2, $0x0  }
0x38d: {  	s3 =	rddreg [dreg:$0x2];
	[bflag:$0x3] =	sbarrier.arrive $0xFFFF;
	s2 =	simm.s32 @!p0 $0x1C02  }
0x38e: {  	[timem:s3], [sflag:s2] =	dma.local @!p0 [hbm:s0], s1  }
0x38f: {  	s0 =	simm.s32 @!p0 $0x2  }
0x390: {  	_ =	swait.ge @!p0 [sflag:s0], s1  }
0x391: {  	s1 =	ssub.s32 @!p0 $0x0, s1;
	[sflag:s0] =	ssyncset.done @!p0 $0x0  }
0x392: {  	[sflag:s0] =	ssyncadd.s32 @!p0 s1  }
0x393: {  	[bflag:$0x3] =	sbarrier.arrive $0xFFFF  }
0x394: {  	_ =	shalt  }

// kernel: kernel.8.cloned.1.call-start
scs
__scs_entry_jumppad:
0x0: {  	(pc) =	sbr.rel $0x88, $3  }
0x1: {  	(tag) =	ssettag $0x0;
	lr =	simm.s32 $0x1  }
0x2: {  	[smem:$0x3F9E] =	sst lr;
	_ =	strace $0xD0000000  }
0x3: {  	_ = 	snop  }
0x4: {  	_ = 	snop  }
0x5: {  	_ = 	snop  }
0x6: {  	_ = 	snop  }
0x7: {  	_ = 	snop  }
__scs_overlays_trampoline_lowered:
0x8: {  	[smem:$0x3FAD] =	sst s0  }
0x9: {  	[smem:$0x3FAE] =	sst s1  }
0xa: {  	[smem:$0x3FAF] =	sst s2  }
0xb: {  	[smem:$0x3FB0] =	sst s3  }
0xc: {  	[smem:$0x3FB1] =	sst s4  }
0xd: {  	[smem:$0x3FB2] =	sst s5  }
0xe: {  	[smem:$0x3FB3] =	sst s6  }
0xf: {  	[smem:$0x3FB4] =	sst s7  }
0x10: {  	[smem:$0x3FB5] =	sst s8  }
0x11: {  	[smem:$0x3FB6] =	sst s9;
	s0 =	simm.s32 @!p0 $0x0  }
0x12: {  	s1 =	sld [smem:$0x3F9C];
	s0 =	simm.s32 @p0 $0x1  }
0x13: {  	[smem:$0x3FB7] =	sst s0;
	s0 =	simm.s32 @!p1 $0x0  }
0x14: {  	s2 =	sld [smem:$0x3F9B];
	s0 =	simm.s32 @p1 $0x1  }
0x15: {  	[smem:$0x3FB8] =	sst s0;
	s0 =	simm.s32 @!p2 $0x0  }
0x16: {  	s3 =	sld [smem:$0x3FDB];
	s0 =	simm.s32 @p2 $0x1  }
0x17: {  	s4 =	simm.s32 $0x1BF5;
	[smem:$0x3FBA] =	sst s0  }
0x18: {  	s0 =	sld [smem:$0x3F9D];
	_ =	swait.ge [sflag:s4], $0x0  }
0x19: {  	s7 =	sld [smem:$0x3F9E]  }
0x1a: {  	s8 =	sadd.s32 $0xFFFFE003, lr  }
0x1b: {  	s9 =	sadd.s32 $0xFFFFFEF7, lr;
	s5 =	simm.s32 $0xFFFFFFFF;
	p2 =	slt.u32 s8, $0xFFFFF086  }
0x1c: {  	p1 =	slt.u32 s9, $0xF7A;
	s5 =	simm.s32 @!p2 $0x0  }
0x1d: {  	s5 =	simm.s32 @p1 $0x1;
	p0 =	seq.s32 s7, s2  }
0x1e: {  	s7 =	smul.u32 @!p0 $0xF7A, s2;
	p2 =	seq.s32 @!p0 s5, $0x0  }
0x1f: {  	s9 =	smul.u32 $0xF7A, s1;
	s8 =	simm.s32 @!p0 $0x1BF5;
	p2 =	por !p2, p0  }
0x20: {  	[sflag:s8] =	ssyncset.s32 @!p0 $0xFFFFF086;
	s6 =	sadd.s32 @!p0 s3, s7;
	s7 =	simm.s32 @!p0 $0x108  }
0x21: {  	s3 =	sadd.s32 s3, s9;
	s6 =	sadd.s32 @!p0 $0x88, s6;
	s7 =	simm.s32 @p2 $0x1082  }
0x22: {  	[simem:s7], [sflag:s8] =	dma.local @!p0 [hbm:s6], $0xF7A  }
0x23: {  	s9 =	sor.u32 $0xD0000000, s2;
	s6 =	simm.s32 $0x108;
	_ =	swait.ge @!p0 [sflag:s8], $0x0  }
0x24: {  	s3 =	sadd.s32 $0x88, s3;
	s6 =	simm.s32 @!p1 $0x1082;
	[sflag:s4] =	ssyncset.s32 $0xFFFFF086  }
0x25: {  	[simem:s6], [sflag:s4] =	dma.local [hbm:s3], $0xF7A  }
0x26: {  	[smem:$0x3F9E] =	sst s1;
	(tag) =	ssettag s2;
	_ =	strace s9  }
0x27: {  	s1 =	sld [smem:$0x3FAE]  }
0x28: {  	s2 =	sld [smem:$0x3FAF]  }
0x29: {  	s4 =	sld [smem:$0x3FB1]  }
0x2a: {  	p0 =	seq.s32 s5, $0x0;
	s5 =	sld [smem:$0x3FB2]  }
0x2b: {  	s6 =	sld [smem:$0x3FB3]  }
0x2c: {  	s7 =	sld [smem:$0x3FB4]  }
0x2d: {  	s3 =	simm.s32 $0x108;
	s8 =	sld [smem:$0x3FB5]  }
0x2e: {  	s3 =	simm.s32 @!p0 $0x1082;
	s9 =	sld [smem:$0x3FB6]  }
0x2f: {  	lr =	sadd.s32 s0, s3;
	s0 =	sld [smem:$0x3FAD]  }
0x30: {  	s3 =	sld [smem:$0x3FB0]  }
0x31: {  	[smem:$0x3FB9] =	sst s10  }
0x32: {  	s10 =	sld [smem:$0x3FB7];
	_ =	sdelay $0x3  }
0x33: {  	p0 =	seq.s32 s10, $0x1;
	s10 =	sld [smem:$0x3FB9];
	_ =	sdelay $0x3  }
0x34: {  	[smem:$0x3FB9] =	sst s10  }
0x35: {  	s10 =	sld [smem:$0x3FB8];
	_ =	sdelay $0x3  }
0x36: {  	p1 =	seq.s32 s10, $0x1;
	s10 =	sld [smem:$0x3FB9];
	_ =	sdelay $0x3  }
0x37: {  	[smem:$0x3FB9] =	sst s10  }
0x38: {  	s10 =	sld [smem:$0x3FBA]  }
0x39: {  	_ = 	snop;
	(pc) =	sbr.ind lr, $3  }
0x3a: {  	_ = 	snop  }
0x3b: {  	_ = 	snop  }
0x3c: {  	p2 =	seq.s32 s10, $0x1;
	s10 =	sld [smem:$0x3FB9]  }
0x3d: {  	_ =	shalt  }
0x3e: {  	_ =	shalt  }
0x3f: {  	_ =	shalt  }
0x40: {  	_ =	shalt  }
0x41: {  	_ =	shalt  }
0x42: {  	_ =	shalt  }
0x43: {  	_ =	shalt  }
0x44: {  	_ =	shalt  }
0x45: {  	_ =	shalt  }
0x46: {  	_ =	shalt  }
0x47: {  	_ =	shalt  }
0x48: {  	_ =	shalt  }
0x49: {  	_ =	shalt  }
0x4a: {  	_ =	shalt  }
0x4b: {  	_ =	shalt  }
0x4c: {  	_ =	shalt  }
0x4d: {  	_ =	shalt  }
0x4e: {  	_ =	shalt  }
0x4f: {  	_ =	shalt  }
0x50: {  	_ =	shalt  }
0x51: {  	_ =	shalt  }
0x52: {  	_ =	shalt  }
0x53: {  	_ =	shalt  }
0x54: {  	_ =	shalt  }
0x55: {  	_ =	shalt  }
0x56: {  	_ =	shalt  }
0x57: {  	_ =	shalt  }
0x58: {  	_ =	shalt  }
0x59: {  	_ =	shalt  }
0x5a: {  	_ =	shalt  }
0x5b: {  	_ =	shalt  }
0x5c: {  	_ =	shalt  }
0x5d: {  	_ =	shalt  }
0x5e: {  	_ =	shalt  }
0x5f: {  	_ =	shalt  }
0x60: {  	_ =	shalt  }
0x61: {  	_ =	shalt  }
0x62: {  	_ =	shalt  }
0x63: {  	_ =	shalt  }
0x64: {  	_ =	shalt  }
0x65: {  	_ =	shalt  }
0x66: {  	_ =	shalt  }
0x67: {  	_ =	shalt  }
0x68: {  	_ =	shalt  }
0x69: {  	_ =	shalt  }
0x6a: {  	_ =	shalt  }
0x6b: {  	_ =	shalt  }
0x6c: {  	_ =	shalt  }
0x6d: {  	_ =	shalt  }
0x6e: {  	_ =	shalt  }
0x6f: {  	_ =	shalt  }
0x70: {  	_ =	shalt  }
0x71: {  	_ =	shalt  }
0x72: {  	_ =	shalt  }
0x73: {  	_ =	shalt  }
0x74: {  	_ =	shalt  }
0x75: {  	_ =	shalt  }
0x76: {  	_ =	shalt  }
0x77: {  	_ =	shalt  }
0x78: {  	_ =	shalt  }
0x79: {  	_ =	shalt  }
0x7a: {  	_ =	shalt  }
0x7b: {  	_ =	shalt  }
0x7c: {  	_ =	shalt  }
0x7d: {  	_ =	shalt  }
0x7e: {  	_ =	shalt  }
0x7f: {  	_ =	shalt  }
0x80: {  	_ =	shalt  }
0x81: {  	_ =	shalt  }
0x82: {  	_ =	shalt  }
0x83: {  	_ =	shalt  }
0x84: {  	_ =	shalt  }
0x85: {  	_ =	shalt  }
0x86: {  	_ =	shalt  }
0x87: {  	_ =	shalt  }
.Lfunc_end0:
.L_simem_size_0:
called_computation.3_lowered:
.L_overlay_start_0:
0x88: {  	s2 =	sld [smem:$0x3FD9]  }
0x89: {  	s3 =	sld [smem:$0x3FFE];
	_ =	sdelay $0x1  }
0x8a: {  	s1 =	srdreg.scid  }
0x8b: {  	s0 =	sand.u32 $0x1, s1  }
0x8c: {  	s16 =	sshll.u32 s0, $0xA;
	s2 =	sadd.s32 s3, s2  }
0x8d: {  	s2 =	sadd.s32 s2, s16  }
0x8e: {  	[smem:$0x3FC5] =	sst s2  }
0x8f: {  	_ = 	snop  }
0x90: {  	(tm) =	ssettm $0x1  }
0x91: {  	s17 =	sld [smem:$0x3FFB];
	_ =	sdelay $0x3  }
0x92: {  	_ =	strace s17  }
0x93: {  	s2 =	sld [smem:$0x3FFC];
	_ =	sdelay $0x3  }
0x94: {  	_ =	strace s2  }
0x95: {  	s2 =	sld [smem:$0x3FFD];
	_ =	sdelay $0x3  }
0x96: {  	_ =	strace s2  }
0x97: {  	_ =	strace $0x8FFFFFFF  }
0x98: {  	s18 =	sld [smem:$0x3FDB];
	_ =	sdelay $0x1  }
0x99: {  	s19 =	simm.s32 $_scs_section_size  }
0x9a: {  	s4 =	simm.s32 $_size__tile_overlayer_lowered;
	s5 =	simm.s32 $_tile_overlayer_lowered  }
0x9b: {  	s22 =	simm.s32 $0x1BFF;
	s21 =	sshll.u32 s5, $0x1;
	s2 =	sadd.s32 s19, s18  }
0x9c: {  	s6 =	simm.s32 $0x0;
	s20 =	sshll.u32 s4, $0x1;
	s4 =	sadd.s32 s21, s2  }
0x9d: {  	[timem:s6], [sflag:s22] =	dma.local [hbm:s4], s20  }
0x9e: {  	_ =	swait.ge [sflag:s22], s20  }
0x9f: {  	s3 =	ssub.s32 $0x0, s20;
	[sflag:s22] =	ssyncset.done $0x0  }
0xa0: {  	[sflag:s22] =	ssyncadd.s32 s3;
	_ =	sdelay $0x1  }
0xa1: {  	s23 =	simm.s32 $0x1B8B  }
0xa2: {  	_ =	swait.ge [sflag:s23], $0x1  }
0xa3: {  	[sflag:s23] =	ssyncset.done $0x0  }
0xa4: {  	s25 =	simm.s32 $0x1B8E;
	s24 =	sld [smem:$0x3FFE];
	[sflag:s23] =	ssyncadd.s32 $0xFFFFFFFF  }
0xa5: {  	s26 =	simm.s32 $execute0_lowered;
	[smem:$0x3FD2] =	sst s25  }
0xa6: {  	s4 =	sshll.u32 s26, $0x1;
	_ =	strace $0x8000004F;
	[dreg:$0x1] =	wrdreg $0xFFFFFFFF  }
0xa7: {  	s28 =	simm.s32 $_size_execute0_lowered;
	s2 =	sadd.s32 s2, s4;
	[dreg:$0x0] =	wrdreg $0x0  }
0xa8: {  	s4 =	sshll.u32 s28, $0x1;
	[dreg:$0x2] =	wrdreg s2  }
0xa9: {  	[dreg:$0x3] =	wrdreg s4  }
0xaa: {  	[dreg:$0x4] =	wrdreg $0xC0  }
0xab: {  	_ =	task [dreg:s6], $0x5FFFF  }
0xac: {  	[dreg:$0x1] =	wrdreg $0xFFFFFFFF  }
0xad: {  	[dreg:$0x0] =	wrdreg $0x60  }
0xae: {  	[dreg:$0x2] =	wrdreg s24  }
0xaf: {  	[dreg:$0x3] =	wrdreg $0x9  }
0xb0: {  	_ =	task.clear_ibuf [dreg:s6], $0x4FFFF;
	_ =	strace $0x9000004F  }
0xb1: {  	s29 =	simm.s32 $0x9;
	_ =	strace $0x80000051  }
0xb2: {  	_ =	swait.ge [sflag:s29], $0x1  }
0xb3: {  	[sflag:s29] =	ssyncadd.s32 $0xFFFFFFFF  }
0xb4: {  	_ =	strace $0x90000051  }
0xb5: {  	_ =	sfence  }
0xb6: {  	s30 =	sld [smem:$0x0];
	_ =	sdelay $0x2  }
0xb7: {  	s31 =	sshll.u32 s1, $0xD;
	s1 =	sshrl.u32 s1, $0x2  }
0xb8: {  	s3 =	sand.u32 $0x4000, s31;
	s1 =	sadd.s32 s1, s30  }
0xb9: {  	s0 =	sor.u32 s3, s0;
	s1 =	sshll.u32 s1, $0x11  }
0xba: {  	s0 =	sor.u32 s1, s0  }
0xbb: {  	s0 =	sadd.s32 $0x8F2B, s0  }
0xbc: {  	[sflag:s0] =	ssyncadd.remote.s32 $0x1  }
0xbd: {  	_ =	sfence.sel $0xFFFF  }
0xbe: {  	[dreg:$0x0] =	wrdreg $0xFFFFFFFF;
	(pc) =	sbr.abs _section_cstart, $3  }
0xbf: {  	[dreg:$0x1] =	wrdreg $0xFFFFFFFF  }
0xc0: {  	_ =	task.clear_ibuf [dreg:s6], $0x2FFFF;
	_ =	strace $0x9FFFFFFF  }
0xc1: {  	(tm) =	ssettm $0x7FFFFFFF  }
tec
execute0_lowered:
.L_overlay_start_1:
0x0: {  	(tag) =	ssettag $0x1  }
0x1: {  	s1 =	srdreg.scid;
	s0 =	stileid.u32  }
0x2: {  	s15 =	sand.u32 $0x1, s1;
	s31 =	sshll.u32 s0, $0x1  }
0x3: {  	s5 =	sor.u32 s15, s31  }
0x4: {  	s7 =	rddreg [dreg:$0x0];
	s2 =	simm.s32 $0x0;
	s3 =	sshll.u32 s5, $0x6  }
0x5: {  	s4 =	simm.s32 $0x2;
	[smem:$0x7FF] =	sst s2;
	s3 =	sadd.s32 s3, s7  }
0x6: {  	s1 =	rddreg [dreg:$0x1];
	_ =	strace $0x80000050;
	s3 =	sadd.s32 $0x2626E00, s3  }
0x7: {  	[tilespmem:s2], [sflag:$0x2] =	stream.linear.gather [hbm4b:s3+s2], $0x200, $0x38;
	[tilespmem:$0x2200] =	vst v63  }
0x8: {  	s5 =	sshll.u32 s5, $0xA;
	_ =	swait.ge [sflag:s4], $0x200  }
0x9: {  	s5 =	sadd.s32 s5, s7;
	[sflag:s4] =	ssyncset.done $0x0  }
0xa: {  	s6 =	simm.s32 $0x200;
	s5 =	sadd.s32 $0x3D1E00, s5;
	[sflag:s4] =	ssyncadd.s32 $0xFFFFFE00  }
0xb: {  	[tilespmem:s6], [sflag:$0x2] =	stream.linear.gather [hbm4b:s5+s2], $0x2000, $0x38;
	[tilespmem:$0x2200] =	vst v63  }
0xc: {  	_ =	swait.ge [sflag:s4], $0x2000  }
0xd: {  	[sflag:s4] =	ssyncset.done $0x0  }
0xe: {  	s8 =	simm.s32 $0x80;
	s7 =	sadd.s32 $0x131C200, s7;
	[sflag:s4] =	ssyncadd.s32 $0xFFFFE000  }
0xf: {  	[hbm4b:s7+s8] =	stream.indirect.scatter [tilespmem:s6], [sflag:$0x1], $0x10, s2, s8, $0xb8;
	[tilespmem:$0x2200] =	vst v63  }
0x10: {  	s9 =	simm.s32 $0xA00  }
0x11: {  	[hbm4b:s7+s8] =	stream.indirect.scatter [tilespmem:s9], [sflag:$0x1], $0x10, s8, s8, $0xb8;
	[tilespmem:$0x2200] =	vst v63  }
0x12: {  	s10 =	simm.s32 $0x100;
	s11 =	simm.s32 $0x1200  }
0x13: {  	[hbm4b:s7+s8] =	stream.indirect.scatter [tilespmem:s11], [sflag:$0x1], $0x10, s10, s8, $0xb8;
	[tilespmem:$0x2200] =	vst v63  }
0x14: {  	s12 =	simm.s32 $0x180;
	s14 =	simm.s32 $0x1A00;
	s13 =	simm.s32 $0x1  }
0x15: {  	[hbm4b:s7+s8] =	stream.indirect.scatter [tilespmem:s14], [sflag:$0x1], $0x10, s12, s8, $0xb8;
	[tilespmem:$0x2200] =	vst v63  }
0x16: {  	_ =	swait.ge [sflag:s13], $0x800  }
0x17: {  	s15 =	ssub.s32 $0x2, s15;
	[sflag:s13] =	ssyncset.done $0x0  }
0x18: {  	s16 =	sshrl.u32 s15, $0x1;
	[sflag:s13] =	ssyncadd.s32 $0xFFFFF800  }
0x19: {  	s15 =	ssub.s32 s15, s16;
	_ =	swait.ge [sflag:s13], $0x800  }
0x1a: {  	s15 =	smax.u32 s15, $0x1;
	[sflag:s13] =	ssyncset.done $0x0  }
0x1b: {  	p0 =	sne.s32 s15, $0x1;
	[sflag:s13] =	ssyncadd.s32 $0xFFFFF800  }
.Ltmp0:
0x1c: {  	_ =	swait.ge [sflag:s13], $0x800;
	(pc) =	sbr.rel @!p0 .LBB2_2-.Ltmp0, $4  }
0x1d: {  	[sflag:s13] =	ssyncset.done $0x0  }
0x1e: {  	[sflag:s13] =	ssyncadd.s32 $0xFFFFF800  }
0x1f: {  	_ =	swait.ge [sflag:s13], $0x800  }
0x20: {  	s15 =	sadd.s32 $0xFFFFFFFF, s15;
	[sflag:s13] =	ssyncset.done $0x0  }
.LBB2_1:
0x21: {  	p0 =	sne.s32 s15, $0x1;
	s15 =	sadd.s32 $0xFFFFFFFF, s15;
	[sflag:s13] =	ssyncadd.s32 $0xFFFFF800  }
0x22: {  	[tilespmem:s2], [sflag:$0x2] =	stream.linear.gather [hbm4b:s3+s2], $0x200, $0x38;
	[tilespmem:$0x2200] =	vst v63  }
0x23: {  	_ =	swait.ge [sflag:s4], $0x200  }
0x24: {  	[sflag:s4] =	ssyncset.done $0x0  }
0x25: {  	[sflag:s4] =	ssyncadd.s32 $0xFFFFFE00  }
0x26: {  	[tilespmem:s6], [sflag:$0x2] =	stream.linear.gather [hbm4b:s5+s2], $0x2000, $0x38;
	[tilespmem:$0x2200] =	vst v63  }
0x27: {  	_ =	swait.ge [sflag:s4], $0x2000  }
0x28: {  	[sflag:s4] =	ssyncset.done $0x0  }
0x29: {  	[sflag:s4] =	ssyncadd.s32 $0xFFFFE000  }
0x2a: {  	[hbm4b:s7+s8] =	stream.indirect.scatter [tilespmem:s6], [sflag:$0x1], $0x10, s2, s8, $0xb8;
	[tilespmem:$0x2200] =	vst v63  }
0x2b: {  	_ = 	snop  }
0x2c: {  	[hbm4b:s7+s8] =	stream.indirect.scatter [tilespmem:s9], [sflag:$0x1], $0x10, s8, s8, $0xb8;
	[tilespmem:$0x2200] =	vst v63  }
0x2d: {  	_ = 	snop  }
0x2e: {  	[hbm4b:s7+s8] =	stream.indirect.scatter [tilespmem:s11], [sflag:$0x1], $0x10, s10, s8, $0xb8;
	[tilespmem:$0x2200] =	vst v63  }
0x2f: {  	_ = 	snop  }
0x30: {  	[hbm4b:s7+s8] =	stream.indirect.scatter [tilespmem:s14], [sflag:$0x1], $0x10, s12, s8, $0xb8;
	[tilespmem:$0x2200] =	vst v63  }
0x31: {  	_ =	swait.ge [sflag:s13], $0x800  }
0x32: {  	[sflag:s13] =	ssyncset.done $0x0  }
0x33: {  	[sflag:s13] =	ssyncadd.s32 $0xFFFFF800  }
0x34: {  	_ =	swait.ge [sflag:s13], $0x800  }
0x35: {  	[sflag:s13] =	ssyncset.done $0x0  }
0x36: {  	[sflag:s13] =	ssyncadd.s32 $0xFFFFF800  }
.Ltmp1:
0x37: {  	_ =	swait.ge [sflag:s13], $0x800;
	(pc) =	sbr.rel @p0 .LBB2_1-.Ltmp1, $4  }
0x38: {  	[sflag:s13] =	ssyncset.done $0x0  }
0x39: {  	[sflag:s13] =	ssyncadd.s32 $0xFFFFF800  }
0x3a: {  	_ =	swait.ge [sflag:s13], $0x800  }
0x3b: {  	[sflag:s13] =	ssyncset.done $0x0  }
.LBB2_2:
0x3c: {  	[sflag:s13] =	ssyncadd.s32 $0xFFFFF800  }
0x3d: {  	_ =	sfence.sel $0x180000  }
0x3e: {  	[bflag:$0x0] =	sbarrier.arrive $0xFFFF  }
0x3f: {  	p0 =	sne.s32 s0, $0x0;
	_ =	strace $0x90000050  }
0x40: {  	s0 =	sadd.s32 @!p0 $0x100000, s1;
	[bflag:$0x2] =	sbarrier.arrive $0xFFFF  }
0x41: {  	[sflag:s0] =	ssyncadd.tile.s32 @!p0 $0x1;
	_ =	shalt  }
.Lfunc_end2:
_tile_overlayer_lowered:
.L_overlay_start_2:
0x42: {  	(tag) =	ssettag $0x2  }
0x43: {  	s0 =	rddreg [dreg:$0x0];
	s2 =	stileid.u32  }
0x44: {  	s1 =	rddreg [dreg:$0x1];
	p0 =	sne.s32 s2, $0x0  }
0x45: {  	s3 =	rddreg [dreg:$0x2];
	[bflag:$0x3] =	sbarrier.arrive $0xFFFF;
	s2 =	simm.s32 @!p0 $0x1C02  }
0x46: {  	[timem:s3], [sflag:s2] =	dma.local @!p0 [hbm:s0], s1  }
0x47: {  	s0 =	simm.s32 @!p0 $0x2  }
0x48: {  	_ =	swait.ge @!p0 [sflag:s0], s1  }
0x49: {  	s1 =	ssub.s32 @!p0 $0x0, s1;
	[sflag:s0] =	ssyncset.done @!p0 $0x0  }
0x4a: {  	[sflag:s0] =	ssyncadd.s32 @!p0 s1  }
0x4b: {  	[bflag:$0x3] =	sbarrier.arrive $0xFFFF  }
0x4c: {  	_ =	shalt  }

// kernel: sparse-core-data-format-call.1.cloned.1.call-start
scs
called_computation.1_lowered:
.L_overlay_start_0:
0x0: {  	s1 =	sld [smem:$0x3FD9]  }
0x1: {  	s2 =	sld [smem:$0x3FFE];
	_ =	sdelay $0x1  }
0x2: {  	s3 =	srdreg.scid  }
0x3: {  	s0 =	sand.u32 $0x1, s3  }
0x4: {  	s17 =	sshll.u32 s0, $0xA;
	s1 =	sadd.s32 s2, s1  }
0x5: {  	s1 =	sadd.s32 s1, s17  }
0x6: {  	[smem:$0x3FC5] =	sst s1  }
0x7: {  	_ = 	snop  }
0x8: {  	(tm) =	ssettm $0x1  }
0x9: {  	s18 =	sld [smem:$0x3FFB];
	_ =	sdelay $0x3  }
0xa: {  	_ =	strace s18  }
0xb: {  	s1 =	sld [smem:$0x3FFC];
	_ =	sdelay $0x3  }
0xc: {  	_ =	strace s1  }
0xd: {  	s1 =	sld [smem:$0x3FFD];
	_ =	sdelay $0x3  }
0xe: {  	_ =	strace s1  }
0xf: {  	_ =	strace $0x8FFFFFFF  }
0x10: {  	s19 =	sld [smem:$0x3FDB];
	_ =	sdelay $0x1  }
0x11: {  	s20 =	simm.s32 $_scs_section_size  }
0x12: {  	s4 =	simm.s32 $_size__tile_overlayer_lowered;
	s5 =	simm.s32 $_tile_overlayer_lowered  }
0x13: {  	s23 =	simm.s32 $0x1BFF;
	s22 =	sshll.u32 s5, $0x1;
	s1 =	sadd.s32 s20, s19  }
0x14: {  	s6 =	simm.s32 $0x0;
	s21 =	sshll.u32 s4, $0x1;
	s4 =	sadd.s32 s22, s1  }
0x15: {  	[timem:s6], [sflag:s23] =	dma.local [hbm:s4], s21  }
0x16: {  	_ =	swait.ge [sflag:s23], s21  }
0x17: {  	s2 =	ssub.s32 $0x0, s21;
	[sflag:s23] =	ssyncset.done $0x0  }
0x18: {  	[sflag:s23] =	ssyncadd.s32 s2;
	_ =	sdelay $0x1  }
0x19: {  	s24 =	simm.s32 $0x1B8B  }
0x1a: {  	_ =	swait.ge [sflag:s24], $0x1  }
0x1b: {  	[sflag:s24] =	ssyncset.done $0x0  }
0x1c: {  	s26 =	simm.s32 $0x1B8E;
	s25 =	sld [smem:$0x3FFE];
	[sflag:s24] =	ssyncadd.s32 $0xFFFFFFFF  }
0x1d: {  	s27 =	simm.s32 $execute0_lowered;
	[smem:$0x3FD2] =	sst s26  }
0x1e: {  	s4 =	sshll.u32 s27, $0x1;
	_ =	strace $0x80000046;
	[dreg:$0x1] =	wrdreg $0xFFFFFFFF  }
0x1f: {  	s28 =	simm.s32 $_size_execute0_lowered;
	s1 =	sadd.s32 s1, s4;
	[dreg:$0x0] =	wrdreg $0x0  }
0x20: {  	s4 =	sshll.u32 s28, $0x1;
	[dreg:$0x2] =	wrdreg s1  }
0x21: {  	[dreg:$0x3] =	wrdreg s4  }
0x22: {  	[dreg:$0x4] =	wrdreg $0xC0  }
0x23: {  	_ =	task [dreg:s6], $0x5FFFF  }
0x24: {  	[dreg:$0x1] =	wrdreg $0xFFFFFFFF  }
0x25: {  	[dreg:$0x0] =	wrdreg $0x60  }
0x26: {  	[dreg:$0x2] =	wrdreg s25  }
0x27: {  	[dreg:$0x3] =	wrdreg $0xA  }
0x28: {  	_ =	task.clear_ibuf [dreg:s6], $0x4FFFF;
	_ =	strace $0x90000046  }
0x29: {  	s29 =	simm.s32 $0xA;
	_ =	strace $0x80000048  }
0x2a: {  	_ =	swait.ge [sflag:s29], $0x1  }
0x2b: {  	[sflag:s29] =	ssyncadd.s32 $0xFFFFFFFF  }
0x2c: {  	_ =	strace $0x90000048  }
0x2d: {  	_ =	sfence  }
0x2e: {  	s30 =	sld [smem:$0x0];
	_ =	sdelay $0x2  }
0x2f: {  	s31 =	sshll.u32 s3, $0xD;
	s3 =	sshrl.u32 s3, $0x2  }
0x30: {  	s2 =	sand.u32 $0x4000, s31;
	s1 =	sadd.s32 s3, s30  }
0x31: {  	s0 =	sor.u32 s2, s0;
	s1 =	sshll.u32 s1, $0x11  }
0x32: {  	s0 =	sor.u32 s1, s0  }
0x33: {  	s0 =	sadd.s32 $0x8F2B, s0  }
0x34: {  	[sflag:s0] =	ssyncadd.remote.s32 $0x1  }
0x35: {  	_ =	sfence.sel $0xFFFF  }
0x36: {  	[dreg:$0x0] =	wrdreg $0xFFFFFFFF;
	(pc) =	sbr.abs _section_cstart, $3  }
0x37: {  	[dreg:$0x1] =	wrdreg $0xFFFFFFFF  }
0x38: {  	_ =	task.clear_ibuf [dreg:s6], $0x2FFFF;
	_ =	strace $0x9FFFFFFF  }
0x39: {  	(tm) =	ssettm $0x7FFFFFFF  }
tec
execute0_lowered:
.L_overlay_start_1:
0x0: {  	(tag) =	ssettag $0x1  }
0x1: {  	s0 =	srdreg.scid  }
0x2: {  	s5 =	rddreg [dreg:$0x0];
	s1 =	stileid.u32;
	s4 =	simm.s32 $0x1  }
0x3: {  	s6 =	simm.s32 $0x2;
	s15 =	simm.s32 $0x0;
	p0 =	por $0x0, $0x0  }
0x4: {  	s8 =	simm.s32 $0x80;
	s14 =	simm.s32 $0x0;
	s2 =	sshll.u32 s0, $0x4  }
0x5: {  	s9 =	simm.s32 $0x0;
	s10 =	simm.s32 $0x0;
	s2 =	sand.u32 $0x10, s2  }
.Ltmp0:
0x6: {  	s12 =	simm.s32 $0x0;
	s3 =	sor.u32 s1, s2;
	(pc) =	sbr.rel .LBB1_1-.Ltmp0, $4  }
0x7: {  	s0 =	rddreg [dreg:$0x1];
	_ =	strace $0x80000047;
	s3 =	sshll.u32 s3, $0x7  }
0x8: {  	s13 =	simm.s32 $0x0;
	[sflag:s4] =	ssyncpa.u1 $0x0;
	s7 =	ssub.s32 $0xF4200, s3  }
0x9: {  	s2 =	sadd.s32 $0x1200, s5;
	[sflag:s6] =	ssyncpa.u1 $0x0;
	s6 =	sshrl.u32 s7, $0xC  }
0xa: {  	s5 =	sadd.s32 $0x3D1C00, s5;
	s11 =	smov.u32 s3;
	s7 =	sadd.s32 $0x2, s6  }
.LBB1_5:
0xb: {  	p1 =	slt.u32 s13, $0x2  }
0xc: {  	s17 =	smov.u32 s15;
	p2 =	sgt.s32 @!p1 s15, $0xF41C0;
	s16 =	sshra.s32 @!p1 s15, $0x1F  }
0xd: {  	p3 =	sgt.s32 @!p1 s14, $0x60;
	s18 =	sshra.s32 @!p1 s14, $0x1F;
	p2 =	por !p2, p1  }
0xe: {  	s15 =	sand.u32 @!p1 s16, s15;
	p3 =	por !p3, p1;
	s16 =	smov.u32 s14  }
0xf: {  	s14 =	sand.u32 @!p1 s18, s14;
	s17 =	simm.s32 @p2 $0xF41C0;
	s16 =	simm.s32 @p3 $0x60  }
0x10: {  	s15 =	ssub.s32 @!p1 s17, s15;
	s14 =	ssub.s32 @!p1 s16, s14  }
0x11: {  	s18 =	smov.u32 s12;
	s16 =	sadd.s32 @!p1 $0xFFF0BE40, s15;
	s17 =	sadd.s32 @!p1 $0xFFFFFFA0, s14  }
0x12: {  	s15 =	ssub.s32 @!p1 $0xF4240, s15;
	p2 =	sgt.s32 @!p1 s16, $0x7F;
	p3 =	sgt.s32 @!p1 s17, $0x1F  }
0x13: {  	s14 =	ssub.s32 @!p1 $0x80, s14;
	p2 =	por !p2, p1;
	p3 =	por !p3, p1  }
0x14: {  	s16 =	sadd.s32 $0x1000, s11;
	s15 =	simm.s32 @!p2 $0x0;
	s14 =	simm.s32 @!p3 $0x0  }
0x15: {  	p2 =	sgt.s32 s16, $0xF423F;
	s14 =	smul.u32 @!p1 s14, s15;
	s15 =	sadd.s32 $0x20, s12  }
0x16: {  	s18 =	smov.u32 @p2 s15  }
0x17: {  	s16 =	smov.u32 @p2 s3;
	p2 =	sgt.s32 s18, $0x1F  }
0x18: {  	s18 =	simm.s32 @p2 $0x0;
	p2 =	sne.s32 s13, s7  }
.Ltmp1:
0x19: {  	p0 =	por !p0, !p0;
	s17 =	simm.s32 @!p1 $0x2;
	(pc) =	sbr.rel @!p2 .LBB1_6-.Ltmp1, $4  }
0x1a: {  	s15 =	smov.u32 s9;
	s9 =	smov.u32 s11;
	s14 =	sand.u32 @!p1 $0x3FFFFFFF, s14  }
0x1b: {  	s11 =	smov.u32 s16;
	_ =	swait.ge @!p1 [sflag:s17], s14;
	s19 =	ssub.s32 @!p1 $0x0, s14  }
0x1c: {  	s14 =	smov.u32 s10;
	s13 =	sadd.s32 $0x1, s13;
	[sflag:s17] =	ssyncset.done @!p1 $0x0  }
0x1d: {  	s10 =	smov.u32 s12;
	s12 =	smov.u32 s18;
	[sflag:s17] =	ssyncadd.s32 @!p1 s19  }
.LBB1_1:
0x1e: {  	p1 =	sgt.u32 s13, s6  }
0x1f: {  	s16 =	sshrl.u32 @!p1 s12, $0x3  }
0x20: {  	s17 =	sshll.u32 @!p1 s11, $0x3;
	s16 =	smul.u32 @!p1 $0x7A1400, s16  }
0x21: {  	s18 =	sshll.u32 @!p1 s12, $0x7;
	s17 =	sand.u32 @!p1 $0xFFFFFC00, s17  }
0x22: {  	s16 =	sadd.s32 @!p1 s16, s17;
	s17 =	sand.u32 @!p1 $0x380, s18  }
0x23: {  	s18 =	sand.u32 @!p1 $0x7F, s11;
	s16 =	sor.u32 @!p1 s17, s16  }
0x24: {  	s17 =	sor.u32 @!p1 s18, s16  }
0x25: {  	s18 =	smulhi.u32 @!p1 $0x218D6287, s17;
	_ =	sdelay $0x1  }
0x26: {  	s16 =	smulhi.u32 @!p1 $0x218D6287, s16;
	s18 =	sshrl.u32 @!p1 s18, $0x11  }
0x27: {  	s18 =	smul.u32 @!p1 $0xF4280, s18  }
0x28: {  	s19 =	sxor.u32 @!p1 $0xFFFFFFFF, s13;
	s16 =	sshrl.u32 @!p1 s16, $0x11  }
0x29: {  	s19 =	sshll.u32 @!p1 s19, $0xC;
	s16 =	sand.u32 @!p1 $0x1F, s16;
	s17 =	ssub.s32 @!p1 s17, s18  }
0x2a: {  	s16 =	smul.u32 @!p1 $0x1E850, s16;
	s18 =	sshrl.u32 @!p1 s17, $0x3;
	s17 =	sand.u32 @!p1 $0x7, s17  }
0x2b: {  	s19 =	sand.u32 @!p1 $0x1000, s19;
	s18 =	sadd.s32 @!p1 s2, s18;
	s17 =	sshll.u32 @!p1 s17, $0x12  }
0x2c: {  	s16 =	sadd.s32 @!p1 s16, s18;
	s17 =	sor.u32 @!p1 $0x400, s17;
	s18 =	simm.s32 @!p1 $0x7A1400  }
0x2d: {  	[tilespmem:s19], [sflag:$0x1] =	stream.strided.gather @!p1 [hbm4b:s16+s17], $0x1000, s18, s17, $0x38;
	[tilespmem:$0x4100] =	vst v63  }
0x2e: {  	p1 =	seq.s32 s13, $0x0  }
0x2f: {  	p2 =	sge.u32 @!p1 s13, s7  }
0x30: {  	p1 =	por p1, p2  }
.Ltmp2:
0x31: {  	_ = 	snop;
	(pc) =	sbr.rel @p1 .LBB1_5-.Ltmp2, $1  }
0x32: {  	_ =	sdelay $0x3  }
0x33: {  	s16 =	simm.s32 $0x1  }
0x34: {  	_ =	swait.ge [sflag:s4], $0x1000;
	s16 =	simm.s32 @!p0 $0x0  }
0x35: {  	[sflag:s4] =	ssyncset.done $0x0;
	s17 =	sshll.u32 s16, $0xC  }
0x36: {  	[sflag:s4] =	ssyncadd.s32 $0xFFFFF000;
	s17 =	sor.u32 $0x40, s17  }
0x37: {  	s16 =	smul.u32 $0x4200, s16;
	v0 =	vld [tilespmem:s17+$0x30]  }
0x38: {  	v1 =	vld [tilespmem:s17+$0xFFFFFFD0]  }
0x39: {  	s16 =	sshrl.u32 s16, $0x2;
	v5 =	vld [tilespmem:s17+$0xFFFFFFE0]  }
0x3a: {  	v6 =	vld [tilespmem:s17+$0xFFFFFFF0];
	s19 =	sor.u32 $0x2000, s16  }
0x3b: {  	s31 =	sand.u32 $0x1, s13;
	v4 =	vld [tilespmem:s17+$0x0];
	s18 =	sadd.s32 $0x0, s19  }
0x3c: {  	v3 =	vld [tilespmem:s17+$0x10];
	s16 =	smul.u32 $0x4200, s31;
	[tilespmem:s18+$0xE70 ss:$0x21] =	vst.msk $0xffff, v0  }
0x3d: {  	v2 =	vld [tilespmem:s17+$0x20];
	[tilespmem:s18+$0x210 ss:$0x21] =	vst.msk $0xffff, v1  }
0x3e: {  	s16 =	sshrl.u32 s16, $0x2;
	v1 =	vld [tilespmem:s17+$0xFFFFFFC0];
	[tilespmem:s18+$0x420 ss:$0x21] =	vst.msk $0xffff, v5;
	s17 =	sadd.s32 $0x80, s17  }
0x3f: {  	s20 =	simm.s32 $0x4;
	s21 =	simm.s32 $0x8;
	s16 =	sor.u32 $0x2000, s16;
	[tilespmem:s18+$0x630 ss:$0x21] =	vst.msk $0xffff, v6;
	v0 =	vld [tilespmem:s17+$0x30]  }
.LBB1_3:
0x40: {  	p1 =	sne.s32 s21, $0x7C;
	v5 =	vld [tilespmem:s17+$0xFFFFFFD0];
	[tilespmem:s18+$0x840 ss:$0x21] =	vst.msk $0xffff, v4  }
0x41: {  	v6 =	vld [tilespmem:s17+$0xFFFFFFE0];
	[tilespmem:s18+$0xA50 ss:$0x21] =	vst.msk $0xffff, v3  }
0x42: {  	s22 =	sshra.s32 s20, $0x2;
	s20 =	smov.u32 s21;
	v7 =	vld [tilespmem:s17+$0xFFFFFFF0];
	[tilespmem:s18+$0xC60 ss:$0x21] =	vst.msk $0xffff, v2  }
.Ltmp3:
0x43: {  	v4 =	vld [tilespmem:s17+$0x0];
	[tilespmem:s18+$0x0 ss:$0x21] =	vst.msk $0xffff, v1;
	s18 =	sadd.s32 s22, s19;
	(pc) =	sbr.rel @p1 .LBB1_3-.Ltmp3, $4  }
0x44: {  	v3 =	vld [tilespmem:s17+$0x10];
	[tilespmem:s18+$0xE70 ss:$0x21] =	vst.msk $0xffff, v0  }
0x45: {  	[tilespmem:s18+$0x210 ss:$0x21] =	vst.msk $0xffff, v5;
	v2 =	vld [tilespmem:s17+$0x20]  }
0x46: {  	v1 =	vld [tilespmem:s17+$0xFFFFFFC0];
	[tilespmem:s18+$0x420 ss:$0x21] =	vst.msk $0xffff, v6;
	s17 =	sadd.s32 $0x80, s17  }
0x47: {  	s21 =	sadd.s32 $0x4, s21;
	v0 =	vld [tilespmem:s17+$0x30];
	[tilespmem:s18+$0x630 ss:$0x21] =	vst.msk $0xffff, v7  }
0x48: {  	s21 =	sshll.u32 s9, $0x7;
	s22 =	sshll.u32 s10, $0x3;
	s20 =	sshra.s32 s20, $0x2  }
0x49: {  	p1 =	sgt.s32 s9, $0xF41C0;
	s30 =	sshra.s32 s9, $0x1F;
	s25 =	sshra.s32 s10, $0x1F  }
0x4a: {  	v5 =	vld [tilespmem:s17+$0xFFFFFFD0];
	s28 =	sshrl.u32 s10, $0x3;
	s23 =	sand.u32 $0xFFFFFC00, s21;
	s22 =	sand.u32 $0xFFFFFC00, s22  }
0x4b: {  	[tilespmem:s18+$0x840 ss:$0x21] =	vst.msk $0xffff, v4;
	v58 =	vld [tilespmem:s17+$0xFFFFFFE0];
	s21 =	sand.u32 $0x380, s21;
	s19 =	sadd.s32 s20, s19;
	s22 =	sadd.s32 s22, s23  }
0x4c: {  	v59 =	vld [tilespmem:s17+$0xFFFFFFF0];
	[tilespmem:s18+$0xA50 ss:$0x21] =	vst.msk $0xffff, v3;
	s29 =	sor.u32 s21, s22;
	s21 =	smov.u32 s9;
	s22 =	sand.u32 s30, s9  }
0x4d: {  	v60 =	vld [tilespmem:s17+$0x0];
	[tilespmem:s18+$0xC60 ss:$0x21] =	vst.msk $0xffff, v2;
	s30 =	sand.u32 $0x7, s10;
	s20 =	sshrl.u32 s29, $0x7;
	s21 =	simm.s32 @!p1 $0xF41C0  }
0x4e: {  	v61 =	vld [tilespmem:s17+$0x10];
	[tilespmem:s18+$0x0 ss:$0x21] =	vst.msk $0xffff, v1;
	p1 =	sgt.s32 s10, $0x60;
	s24 =	ssub.s32 s21, s22;
	s21 =	smov.u32 s10  }
0x4f: {  	v62 =	vld [tilespmem:s17+$0x20];
	[tilespmem:s19+$0xE70 ss:$0x21] =	vst.msk $0xffff, v0;
	s31 =	smulhi.u32 $0x218DEF5, s20;
	s22 =	sand.u32 s25, s10;
	s21 =	simm.s32 @!p1 $0x60  }
0x50: {  	v63 =	vld [tilespmem:s17+$0xFFFFFFC0];
	[tilespmem:s19+$0x210 ss:$0x21] =	vst.msk $0xffff, v5;
	s26 =	sadd.s32 $0xFFF0BE40, s24;
	s17 =	ssub.s32 $0xF4240, s24;
	s21 =	ssub.s32 s21, s22  }
0x51: {  	[tilespmem:s19+$0x420 ss:$0x21] =	vst.msk $0xffff, v58;
	s23 =	sshrl.u32 s31, $0xD;
	p1 =	sgt.s32 s26, $0x7F;
	s27 =	sadd.s32 $0xFFFFFFA0, s21  }
0x52: {  	[tilespmem:s19+$0x630 ss:$0x21] =	vst.msk $0xffff, v59;
	s23 =	smul.u32 $0xF4240, s23;
	s18 =	ssub.s32 $0x80, s21;
	p2 =	sgt.s32 s27, $0x1F  }
.Ltmp4:
0x53: {  	[tilespmem:s19+$0x840 ss:$0x21] =	vst.msk $0xffff, v60;
	s17 =	simm.s32 @p1 $0x0;
	s18 =	simm.s32 @p2 $0x0;
	(pc) =	sbr.rel .LBB1_5-.Ltmp4, $4  }
0x54: {  	s29 =	sand.u32 $0xF, s28;
	[tilespmem:s19+$0xA50 ss:$0x21] =	vst.msk $0xffff, v61;
	s20 =	ssub.s32 s20, s23;
	s17 =	smul.u32 s18, s17  }
0x55: {  	[tilespmem:s19+$0xC60 ss:$0x21] =	vst.msk $0xffff, v62;
	s21 =	sshll.u32 s30, $0x12;
	s20 =	sshll.u32 s20, $0x4;
	s18 =	sadd.s32 s5, s29  }
0x56: {  	[tilespmem:s19+$0x0 ss:$0x21] =	vst.msk $0xffff, v63;
	s31 =	sor.u32 $0x20, s21;
	s18 =	sadd.s32 s20, s18;
	s17 =	sand.u32 $0x3FFFFFFF, s17  }
0x57: {  	[hbm4b:s18+s31] =	stream.strided.scatter [tilespmem:s16], [sflag:$0x2], s17, s8, s31, $0x10;
	[tilespmem:$0x4100] =	vst v63  }
.LBB1_6:
0x58: {  	_ =	sfence.sel $0x180000  }
0x59: {  	s2 =	simm.s32 $0x1;
	[bflag:$0x0] =	sbarrier.arrive $0xFFFF  }
0x5a: {  	s31 =	simm.s32 $0x2;
	[sflag:s2] =	ssyncpa.u1 $0x1  }
0x5b: {  	[sflag:s31] =	ssyncpa.u1 $0x1  }
0x5c: {  	p0 =	sne.s32 s1, $0x0;
	_ =	strace $0x90000047  }
0x5d: {  	s0 =	sadd.s32 @!p0 $0x100000, s0;
	[bflag:$0x2] =	sbarrier.arrive $0xFFFF  }
0x5e: {  	[sflag:s0] =	ssyncadd.tile.s32 @!p0 $0x1;
	_ =	shalt  }
.Lfunc_end1:
_tile_overlayer_lowered:
.L_overlay_start_2:
0x5f: {  	(tag) =	ssettag $0x2  }
0x60: {  	s0 =	rddreg [dreg:$0x0];
	s2 =	stileid.u32  }
0x61: {  	s1 =	rddreg [dreg:$0x1];
	p0 =	sne.s32 s2, $0x0  }
0x62: {  	s3 =	rddreg [dreg:$0x2];
	[bflag:$0x3] =	sbarrier.arrive $0xFFFF;
	s2 =	simm.s32 @!p0 $0x1C01  }
0x63: {  	[timem:s3], [sflag:s2] =	dma.local @!p0 [hbm:s0], s1  }
0x64: {  	s0 =	simm.s32 @!p0 $0x1  }
0x65: {  	_ =	swait.ge @!p0 [sflag:s0], s1  }
0x66: {  	s1 =	ssub.s32 @!p0 $0x0, s1;
	[sflag:s0] =	ssyncset.done @!p0 $0x0  }
0x67: {  	[sflag:s0] =	ssyncadd.s32 @!p0 s1  }
0x68: {  	[bflag:$0x3] =	sbarrier.arrive $0xFFFF  }
0x69: {  	_ =	shalt  }

// kernel: sparse-core-data-format-call.cloned.1.call-start
scs
called_computation_lowered:
.L_overlay_start_0:
0x0: {  	s2 =	sld [smem:$0x3FD9]  }
0x1: {  	s3 =	sld [smem:$0x3FFE];
	_ =	sdelay $0x1  }
0x2: {  	s1 =	srdreg.scid  }
0x3: {  	s0 =	sand.u32 $0x1, s1  }
0x4: {  	s18 =	sshll.u32 s0, $0xA;
	s2 =	sadd.s32 s3, s2  }
0x5: {  	s2 =	sadd.s32 s2, s18  }
0x6: {  	[smem:$0x3FC5] =	sst s2  }
0x7: {  	_ = 	snop  }
0x8: {  	(tm) =	ssettm $0x1  }
0x9: {  	s19 =	sld [smem:$0x3FFB];
	_ =	sdelay $0x3  }
0xa: {  	_ =	strace s19  }
0xb: {  	s2 =	sld [smem:$0x3FFC];
	_ =	sdelay $0x3  }
0xc: {  	_ =	strace s2  }
0xd: {  	s2 =	sld [smem:$0x3FFD];
	_ =	sdelay $0x3  }
0xe: {  	_ =	strace s2  }
0xf: {  	_ =	strace $0x8FFFFFFF  }
0x10: {  	s20 =	sld [smem:$0x3FDB];
	_ =	sdelay $0x1  }
0x11: {  	s21 =	simm.s32 $_scs_section_size  }
0x12: {  	s4 =	simm.s32 $_size__tile_overlayer_lowered;
	s5 =	simm.s32 $_tile_overlayer_lowered  }
0x13: {  	s6 =	simm.s32 $0x1BFF;
	s22 =	sshll.u32 s5, $0x1;
	s3 =	sadd.s32 s21, s20  }
0x14: {  	s23 =	simm.s32 $0x0;
	s4 =	sshll.u32 s4, $0x1;
	s5 =	sadd.s32 s22, s3  }
0x15: {  	[timem:s23], [sflag:s6] =	dma.local [hbm:s5], s4  }
0x16: {  	_ =	swait.ge [sflag:s6], s4  }
0x17: {  	s4 =	ssub.s32 $0x0, s4;
	[sflag:s6] =	ssyncset.done $0x0  }
0x18: {  	[sflag:s6] =	ssyncadd.s32 s4;
	_ =	sdelay $0x1  }
0x19: {  	s24 =	simm.s32 $0x1B8B  }
0x1a: {  	_ =	swait.ge [sflag:s24], $0x1  }
0x1b: {  	[sflag:s24] =	ssyncset.done $0x0  }
0x1c: {  	[sflag:s24] =	ssyncadd.s32 $0xFFFFFFFF  }
0x1d: {  	s4 =	sld [smem:$0x0]  }
0x1e: {  	s5 =	sand.u32 $0xFFFFFFFE, s1  }
0x1f: {  	p0 =	sne.s32 s1, s5  }
0x20: {  	s5 =	sshll.u32 @p0 s5, $0xE  }
0x21: {  	s5 =	sadd.s32 @p0 $0x11B8D, s5;
	s6 =	sshll.u32 @p0 s4, $0x11  }
0x22: {  	s5 =	sor.u32 @p0 s6, s5  }
0x23: {  	[sflag:s5] =	ssyncadd.remote.s32 @p0 $0x1;
	_ =	sdelay $0x1  }
0x24: {  	s5 =	simm.s32 @p0 $0x1B8D  }
0x25: {  	_ =	swait.eq @p0 [sflag:s5], $0x1  }
0x26: {  	[sflag:s5] =	ssyncadd.s32 @p0 $0xFFFFFFFF  }
0x27: {  	s6 =	sshll.u32 @!p0 s1, $0xE  }
0x28: {  	s6 =	sor.u32 @!p0 $0x4000, s6;
	s5 =	simm.s32 @!p0 $0x1B8D  }
0x29: {  	s4 =	sshll.u32 @!p0 s4, $0x11;
	s6 =	sadd.s32 @!p0 $0x11B8D, s6;
	_ =	swait.eq @!p0 [sflag:s5], $0x1  }
0x2a: {  	s4 =	sor.u32 @!p0 s4, s6;
	[sflag:s5] =	ssyncadd.s32 @!p0 $0xFFFFFFFF  }
0x2b: {  	s26 =	simm.s32 $0x1B8E;
	s25 =	sld [smem:$0x3FFE];
	[sflag:s4] =	ssyncadd.remote.s32 @!p0 $0x1  }
0x2c: {  	s27 =	simm.s32 $execute0_lowered;
	[smem:$0x3FD2] =	sst s26  }
0x2d: {  	s5 =	sshll.u32 s27, $0x1;
	_ =	strace $0x80000049;
	[dreg:$0x1] =	wrdreg $0xFFFFFFFF  }
0x2e: {  	s28 =	simm.s32 $_size_execute0_lowered;
	s3 =	sadd.s32 s3, s5;
	[dreg:$0x0] =	wrdreg $0x0  }
0x2f: {  	s5 =	sshll.u32 s28, $0x1;
	[dreg:$0x2] =	wrdreg s3  }
0x30: {  	[dreg:$0x3] =	wrdreg s5  }
0x31: {  	[dreg:$0x4] =	wrdreg $0xC0  }
0x32: {  	_ =	task [dreg:s23], $0x5FFFF  }
0x33: {  	[dreg:$0x1] =	wrdreg $0xFFFFFFFF  }
0x34: {  	[dreg:$0x0] =	wrdreg $0x60  }
0x35: {  	[dreg:$0x2] =	wrdreg s25  }
0x36: {  	[dreg:$0x3] =	wrdreg $0x9  }
0x37: {  	_ =	task.clear_ibuf [dreg:s23], $0x4FFFF;
	_ =	strace $0x90000049  }
0x38: {  	s29 =	simm.s32 $0x9;
	_ =	strace $0x8000004B  }
0x39: {  	_ =	swait.ge [sflag:s29], $0x1  }
0x3a: {  	[sflag:s29] =	ssyncadd.s32 $0xFFFFFFFF  }
0x3b: {  	_ =	strace $0x9000004B  }
0x3c: {  	_ =	sfence  }
0x3d: {  	s30 =	sld [smem:$0x0];
	_ =	sdelay $0x2  }
0x3e: {  	s31 =	sshll.u32 s1, $0xD;
	s1 =	sshrl.u32 s1, $0x2  }
0x3f: {  	s4 =	sand.u32 $0x4000, s31;
	s1 =	sadd.s32 s1, s30  }
0x40: {  	s0 =	sor.u32 s4, s0;
	s1 =	sshll.u32 s1, $0x11  }
0x41: {  	s0 =	sor.u32 s1, s0  }
0x42: {  	s0 =	sadd.s32 $0x8F2B, s0  }
0x43: {  	[sflag:s0] =	ssyncadd.remote.s32 $0x1  }
0x44: {  	_ =	sfence.sel $0xFFFF  }
0x45: {  	[dreg:$0x0] =	wrdreg $0xFFFFFFFF;
	(pc) =	sbr.abs _section_cstart, $3  }
0x46: {  	[dreg:$0x1] =	wrdreg $0xFFFFFFFF  }
0x47: {  	_ =	task.clear_ibuf [dreg:s23], $0x2FFFF;
	_ =	strace $0x9FFFFFFF  }
0x48: {  	(tm) =	ssettm $0x7FFFFFFF  }
0x49: {  	_ =	shalt  }
tec
execute0_lowered:
.L_overlay_start_1:
0x0: {  	(tag) =	ssettag $0x1  }
0x1: {  	s0 =	srdreg.scid  }
0x2: {  	s5 =	rddreg [dreg:$0x0];
	s1 =	stileid.u32;
	s4 =	simm.s32 $0x1  }
0x3: {  	s6 =	simm.s32 $0x2;
	s15 =	simm.s32 $0x0;
	p0 =	por $0x0, $0x0  }
0x4: {  	s8 =	simm.s32 $0x80;
	s14 =	simm.s32 $0x0;
	s2 =	sshll.u32 s0, $0x4  }
0x5: {  	s9 =	simm.s32 $0x0;
	s10 =	simm.s32 $0x0;
	s2 =	sand.u32 $0x10, s2  }
.Ltmp0:
0x6: {  	s12 =	simm.s32 $0x0;
	s3 =	sor.u32 s1, s2;
	(pc) =	sbr.rel .LBB1_1-.Ltmp0, $4  }
0x7: {  	s0 =	rddreg [dreg:$0x1];
	_ =	strace $0x8000004A;
	s3 =	sshll.u32 s3, $0x7  }
0x8: {  	s13 =	simm.s32 $0x0;
	[sflag:s4] =	ssyncpa.u1 $0x0;
	s7 =	ssub.s32 $0xF4200, s3  }
0x9: {  	s2 =	sadd.s32 $0x1314000, s5;
	[sflag:s6] =	ssyncpa.u1 $0x0;
	s6 =	sshrl.u32 s7, $0xC  }
0xa: {  	s5 =	sadd.s32 $0x16E4A00, s5;
	s11 =	smov.u32 s3;
	s7 =	sadd.s32 $0x2, s6  }
.LBB1_5:
0xb: {  	p1 =	slt.u32 s13, $0x2  }
0xc: {  	s17 =	smov.u32 s15;
	p2 =	sgt.s32 @!p1 s15, $0xF41C0;
	s16 =	sshra.s32 @!p1 s15, $0x1F  }
0xd: {  	p3 =	sgt.s32 @!p1 s14, $0x60;
	s18 =	sshra.s32 @!p1 s14, $0x1F;
	p2 =	por !p2, p1  }
0xe: {  	s15 =	sand.u32 @!p1 s16, s15;
	p3 =	por !p3, p1;
	s16 =	smov.u32 s14  }
0xf: {  	s14 =	sand.u32 @!p1 s18, s14;
	s17 =	simm.s32 @p2 $0xF41C0;
	s16 =	simm.s32 @p3 $0x60  }
0x10: {  	s15 =	ssub.s32 @!p1 s17, s15;
	s14 =	ssub.s32 @!p1 s16, s14  }
0x11: {  	s18 =	smov.u32 s12;
	s16 =	sadd.s32 @!p1 $0xFFF0BE40, s15;
	s17 =	sadd.s32 @!p1 $0xFFFFFFA0, s14  }
0x12: {  	s15 =	ssub.s32 @!p1 $0xF4240, s15;
	p2 =	sgt.s32 @!p1 s16, $0x7F;
	p3 =	sgt.s32 @!p1 s17, $0x1F  }
0x13: {  	s14 =	ssub.s32 @!p1 $0x80, s14;
	p2 =	por !p2, p1;
	p3 =	por !p3, p1  }
0x14: {  	s16 =	sadd.s32 $0x1000, s11;
	s15 =	simm.s32 @!p2 $0x0;
	s14 =	simm.s32 @!p3 $0x0  }
0x15: {  	p2 =	sgt.s32 s16, $0xF423F;
	s14 =	smul.u32 @!p1 s14, s15;
	s15 =	sadd.s32 $0x20, s12  }
0x16: {  	s18 =	smov.u32 @p2 s15  }
0x17: {  	s16 =	smov.u32 @p2 s3;
	p2 =	sgt.s32 s18, $0x1F  }
0x18: {  	s18 =	simm.s32 @p2 $0x0;
	p2 =	sne.s32 s13, s7  }
.Ltmp1:
0x19: {  	p0 =	por !p0, !p0;
	s17 =	simm.s32 @!p1 $0x2;
	(pc) =	sbr.rel @!p2 .LBB1_6-.Ltmp1, $4  }
0x1a: {  	s15 =	smov.u32 s9;
	s9 =	smov.u32 s11;
	s14 =	sand.u32 @!p1 $0x3FFFFFFF, s14  }
0x1b: {  	s11 =	smov.u32 s16;
	_ =	swait.ge @!p1 [sflag:s17], s14;
	s19 =	ssub.s32 @!p1 $0x0, s14  }
0x1c: {  	s14 =	smov.u32 s10;
	s13 =	sadd.s32 $0x1, s13;
	[sflag:s17] =	ssyncset.done @!p1 $0x0  }
0x1d: {  	s10 =	smov.u32 s12;
	s12 =	smov.u32 s18;
	[sflag:s17] =	ssyncadd.s32 @!p1 s19  }
.LBB1_1:
0x1e: {  	p1 =	sgt.u32 s13, s6  }
0x1f: {  	s16 =	sshrl.u32 @!p1 s12, $0x3  }
0x20: {  	s17 =	sshll.u32 @!p1 s11, $0x3;
	s16 =	smul.u32 @!p1 $0x7A1400, s16  }
0x21: {  	s18 =	sshll.u32 @!p1 s12, $0x7;
	s17 =	sand.u32 @!p1 $0xFFFFFC00, s17  }
0x22: {  	s16 =	sadd.s32 @!p1 s16, s17;
	s17 =	sand.u32 @!p1 $0x380, s18  }
0x23: {  	s18 =	sand.u32 @!p1 $0x7F, s11;
	s16 =	sor.u32 @!p1 s17, s16  }
0x24: {  	s17 =	sor.u32 @!p1 s18, s16  }
0x25: {  	s18 =	smulhi.u32 @!p1 $0x218D6287, s17;
	_ =	sdelay $0x1  }
0x26: {  	s16 =	smulhi.u32 @!p1 $0x218D6287, s16;
	s18 =	sshrl.u32 @!p1 s18, $0x11  }
0x27: {  	s18 =	smul.u32 @!p1 $0xF4280, s18  }
0x28: {  	s19 =	sxor.u32 @!p1 $0xFFFFFFFF, s13;
	s16 =	sshrl.u32 @!p1 s16, $0x11  }
0x29: {  	s19 =	sshll.u32 @!p1 s19, $0xC;
	s16 =	sand.u32 @!p1 $0x1F, s16;
	s17 =	ssub.s32 @!p1 s17, s18  }
0x2a: {  	s16 =	smul.u32 @!p1 $0x1E850, s16;
	s18 =	sshrl.u32 @!p1 s17, $0x3;
	s17 =	sand.u32 @!p1 $0x7, s17  }
0x2b: {  	s19 =	sand.u32 @!p1 $0x1000, s19;
	s18 =	sadd.s32 @!p1 s2, s18;
	s17 =	sshll.u32 @!p1 s17, $0x12  }
0x2c: {  	s16 =	sadd.s32 @!p1 s16, s18;
	s17 =	sor.u32 @!p1 $0x400, s17;
	s18 =	simm.s32 @!p1 $0x7A1400  }
0x2d: {  	[tilespmem:s19], [sflag:$0x1] =	stream.strided.gather @!p1 [hbm4b:s16+s17], $0x1000, s18, s17, $0x38;
	[tilespmem:$0x4100] =	vst v63  }
0x2e: {  	p1 =	seq.s32 s13, $0x0  }
0x2f: {  	p2 =	sge.u32 @!p1 s13, s7  }
0x30: {  	p1 =	por p1, p2  }
.Ltmp2:
0x31: {  	_ = 	snop;
	(pc) =	sbr.rel @p1 .LBB1_5-.Ltmp2, $1  }
0x32: {  	_ =	sdelay $0x3  }
0x33: {  	s16 =	simm.s32 $0x1  }
0x34: {  	_ =	swait.ge [sflag:s4], $0x1000;
	s16 =	simm.s32 @!p0 $0x0  }
0x35: {  	[sflag:s4] =	ssyncset.done $0x0;
	s17 =	sshll.u32 s16, $0xC  }
0x36: {  	[sflag:s4] =	ssyncadd.s32 $0xFFFFF000;
	s17 =	sor.u32 $0x40, s17  }
0x37: {  	s16 =	smul.u32 $0x4200, s16;
	v0 =	vld [tilespmem:s17+$0x30]  }
0x38: {  	v1 =	vld [tilespmem:s17+$0xFFFFFFD0]  }
0x39: {  	s16 =	sshrl.u32 s16, $0x2;
	v5 =	vld [tilespmem:s17+$0xFFFFFFE0]  }
0x3a: {  	v6 =	vld [tilespmem:s17+$0xFFFFFFF0];
	s19 =	sor.u32 $0x2000, s16  }
0x3b: {  	s31 =	sand.u32 $0x1, s13;
	v4 =	vld [tilespmem:s17+$0x0];
	s18 =	sadd.s32 $0x0, s19  }
0x3c: {  	v3 =	vld [tilespmem:s17+$0x10];
	s16 =	smul.u32 $0x4200, s31;
	[tilespmem:s18+$0xE70 ss:$0x21] =	vst.msk $0xffff, v0  }
0x3d: {  	v2 =	vld [tilespmem:s17+$0x20];
	[tilespmem:s18+$0x210 ss:$0x21] =	vst.msk $0xffff, v1  }
0x3e: {  	s16 =	sshrl.u32 s16, $0x2;
	v1 =	vld [tilespmem:s17+$0xFFFFFFC0];
	[tilespmem:s18+$0x420 ss:$0x21] =	vst.msk $0xffff, v5;
	s17 =	sadd.s32 $0x80, s17  }
0x3f: {  	s20 =	simm.s32 $0x4;
	s21 =	simm.s32 $0x8;
	s16 =	sor.u32 $0x2000, s16;
	[tilespmem:s18+$0x630 ss:$0x21] =	vst.msk $0xffff, v6;
	v0 =	vld [tilespmem:s17+$0x30]  }
.LBB1_3:
0x40: {  	p1 =	sne.s32 s21, $0x7C;
	v5 =	vld [tilespmem:s17+$0xFFFFFFD0];
	[tilespmem:s18+$0x840 ss:$0x21] =	vst.msk $0xffff, v4  }
0x41: {  	v6 =	vld [tilespmem:s17+$0xFFFFFFE0];
	[tilespmem:s18+$0xA50 ss:$0x21] =	vst.msk $0xffff, v3  }
0x42: {  	s22 =	sshra.s32 s20, $0x2;
	s20 =	smov.u32 s21;
	v7 =	vld [tilespmem:s17+$0xFFFFFFF0];
	[tilespmem:s18+$0xC60 ss:$0x21] =	vst.msk $0xffff, v2  }
.Ltmp3:
0x43: {  	v4 =	vld [tilespmem:s17+$0x0];
	[tilespmem:s18+$0x0 ss:$0x21] =	vst.msk $0xffff, v1;
	s18 =	sadd.s32 s22, s19;
	(pc) =	sbr.rel @p1 .LBB1_3-.Ltmp3, $4  }
0x44: {  	v3 =	vld [tilespmem:s17+$0x10];
	[tilespmem:s18+$0xE70 ss:$0x21] =	vst.msk $0xffff, v0  }
0x45: {  	[tilespmem:s18+$0x210 ss:$0x21] =	vst.msk $0xffff, v5;
	v2 =	vld [tilespmem:s17+$0x20]  }
0x46: {  	v1 =	vld [tilespmem:s17+$0xFFFFFFC0];
	[tilespmem:s18+$0x420 ss:$0x21] =	vst.msk $0xffff, v6;
	s17 =	sadd.s32 $0x80, s17  }
0x47: {  	s21 =	sadd.s32 $0x4, s21;
	v0 =	vld [tilespmem:s17+$0x30];
	[tilespmem:s18+$0x630 ss:$0x21] =	vst.msk $0xffff, v7  }
0x48: {  	s21 =	sshll.u32 s9, $0x7;
	s22 =	sshll.u32 s10, $0x3;
	s20 =	sshra.s32 s20, $0x2  }
0x49: {  	p1 =	sgt.s32 s9, $0xF41C0;
	s30 =	sshra.s32 s9, $0x1F;
	s25 =	sshra.s32 s10, $0x1F  }
0x4a: {  	v5 =	vld [tilespmem:s17+$0xFFFFFFD0];
	s28 =	sshrl.u32 s10, $0x3;
	s23 =	sand.u32 $0xFFFFFC00, s21;
	s22 =	sand.u32 $0xFFFFFC00, s22  }
0x4b: {  	[tilespmem:s18+$0x840 ss:$0x21] =	vst.msk $0xffff, v4;
	v58 =	vld [tilespmem:s17+$0xFFFFFFE0];
	s21 =	sand.u32 $0x380, s21;
	s19 =	sadd.s32 s20, s19;
	s22 =	sadd.s32 s22, s23  }
0x4c: {  	v59 =	vld [tilespmem:s17+$0xFFFFFFF0];
	[tilespmem:s18+$0xA50 ss:$0x21] =	vst.msk $0xffff, v3;
	s29 =	sor.u32 s21, s22;
	s21 =	smov.u32 s9;
	s22 =	sand.u32 s30, s9  }
0x4d: {  	v60 =	vld [tilespmem:s17+$0x0];
	[tilespmem:s18+$0xC60 ss:$0x21] =	vst.msk $0xffff, v2;
	s30 =	sand.u32 $0x7, s10;
	s20 =	sshrl.u32 s29, $0x7;
	s21 =	simm.s32 @!p1 $0xF41C0  }
0x4e: {  	v61 =	vld [tilespmem:s17+$0x10];
	[tilespmem:s18+$0x0 ss:$0x21] =	vst.msk $0xffff, v1;
	p1 =	sgt.s32 s10, $0x60;
	s24 =	ssub.s32 s21, s22;
	s21 =	smov.u32 s10  }
0x4f: {  	v62 =	vld [tilespmem:s17+$0x20];
	[tilespmem:s19+$0xE70 ss:$0x21] =	vst.msk $0xffff, v0;
	s31 =	smulhi.u32 $0x218DEF5, s20;
	s22 =	sand.u32 s25, s10;
	s21 =	simm.s32 @!p1 $0x60  }
0x50: {  	v63 =	vld [tilespmem:s17+$0xFFFFFFC0];
	[tilespmem:s19+$0x210 ss:$0x21] =	vst.msk $0xffff, v5;
	s26 =	sadd.s32 $0xFFF0BE40, s24;
	s17 =	ssub.s32 $0xF4240, s24;
	s21 =	ssub.s32 s21, s22  }
0x51: {  	[tilespmem:s19+$0x420 ss:$0x21] =	vst.msk $0xffff, v58;
	s23 =	sshrl.u32 s31, $0xD;
	p1 =	sgt.s32 s26, $0x7F;
	s27 =	sadd.s32 $0xFFFFFFA0, s21  }
0x52: {  	[tilespmem:s19+$0x630 ss:$0x21] =	vst.msk $0xffff, v59;
	s23 =	smul.u32 $0xF4240, s23;
	s18 =	ssub.s32 $0x80, s21;
	p2 =	sgt.s32 s27, $0x1F  }
.Ltmp4:
0x53: {  	[tilespmem:s19+$0x840 ss:$0x21] =	vst.msk $0xffff, v60;
	s17 =	simm.s32 @p1 $0x0;
	s18 =	simm.s32 @p2 $0x0;
	(pc) =	sbr.rel .LBB1_5-.Ltmp4, $4  }
0x54: {  	s29 =	sand.u32 $0xF, s28;
	[tilespmem:s19+$0xA50 ss:$0x21] =	vst.msk $0xffff, v61;
	s20 =	ssub.s32 s20, s23;
	s17 =	smul.u32 s18, s17  }
0x55: {  	[tilespmem:s19+$0xC60 ss:$0x21] =	vst.msk $0xffff, v62;
	s21 =	sshll.u32 s30, $0x12;
	s20 =	sshll.u32 s20, $0x4;
	s18 =	sadd.s32 s5, s29  }
0x56: {  	[tilespmem:s19+$0x0 ss:$0x21] =	vst.msk $0xffff, v63;
	s31 =	sor.u32 $0x20, s21;
	s18 =	sadd.s32 s20, s18;
	s17 =	sand.u32 $0x3FFFFFFF, s17  }
0x57: {  	[hbm4b:s18+s31] =	stream.strided.scatter [tilespmem:s16], [sflag:$0x2], s17, s8, s31, $0x10;
	[tilespmem:$0x4100] =	vst v63  }
.LBB1_6:
0x58: {  	_ =	sfence.sel $0x180000  }
0x59: {  	s2 =	simm.s32 $0x1;
	[bflag:$0x0] =	sbarrier.arrive $0xFFFF  }
0x5a: {  	s31 =	simm.s32 $0x2;
	[sflag:s2] =	ssyncpa.u1 $0x1  }
0x5b: {  	[sflag:s31] =	ssyncpa.u1 $0x1  }
0x5c: {  	p0 =	sne.s32 s1, $0x0;
	_ =	strace $0x9000004A  }
0x5d: {  	s0 =	sadd.s32 @!p0 $0x100000, s0;
	[bflag:$0x2] =	sbarrier.arrive $0xFFFF  }
0x5e: {  	[sflag:s0] =	ssyncadd.tile.s32 @!p0 $0x1;
	_ =	shalt  }
.Lfunc_end1:
_tile_overlayer_lowered:
.L_overlay_start_2:
0x5f: {  	(tag) =	ssettag $0x2  }
0x60: {  	s0 =	rddreg [dreg:$0x0];
	s2 =	stileid.u32  }
0x61: {  	s1 =	rddreg [dreg:$0x1];
	p0 =	sne.s32 s2, $0x0  }
0x62: {  	s3 =	rddreg [dreg:$0x2];
	[bflag:$0x3] =	sbarrier.arrive $0xFFFF;
	s2 =	simm.s32 @!p0 $0x1C01  }
0x63: {  	[timem:s3], [sflag:s2] =	dma.local @!p0 [hbm:s0], s1  }
0x64: {  	s0 =	simm.s32 @!p0 $0x1  }
0x65: {  	_ =	swait.ge @!p0 [sflag:s0], s1  }
0x66: {  	s1 =	ssub.s32 @!p0 $0x0, s1;
	[sflag:s0] =	ssyncset.done @!p0 $0x0  }
0x67: {  	[sflag:s0] =	ssyncadd.s32 @!p0 s1  }
0x68: {  	[bflag:$0x3] =	sbarrier.arrive $0xFFFF  }
0x69: {  	_ =	shalt  }

</sc_bundles>
